<compile_context>
chip_gen: v7x
topology: tpu7x:2x2x1
jax: 0.10.2.dev20260603
libtpu: 0.0.44.dev20260713+nightly
codegen_flags: <defaults>
</compile_context>

<pallas_src>
import functools

import jax
import jax.numpy as jnp
from jax import lax
from jax.experimental import pallas as pl
from jax.experimental.pallas import tpu as pltpu
from jax.experimental.pallas import tpu_sc as plsc

N = 10000
M = 5000
E = 320000
D = 128

CH = 128
NCH = 2560
E_PAD = NCH * CH
N_ACC = 10240
M_ACC = 5120
WA = 128
WB = 256
WE = 384
PW = 128
CW = 16

TILE_N = 1000
TILE_M = 1000
TILE_EP = 2048

_mesh = plsc.VectorSubcoreMesh(core_axis_name="c", subcore_axis_name="s")



def _gather2_body(ta_hbm, tb_hbm, idx_hbm,
                  outa_hbm, outb_hbm,
                  idx0, idx1, bufa0, bufa1, bufb0, bufb1, sem0, sem1):
    c = lax.axis_index("c")
    s = lax.axis_index("s")
    wid = c * 16 + s

    @pl.loop(0, NCH // 64)
    def _(t):
        ch0 = wid * (NCH // 32) + 2 * t
        ch1 = ch0 + 1
        pltpu.sync_copy(idx_hbm.at[ch0], idx0)
        ha0 = pltpu.async_copy(ta_hbm.at[idx0], bufa0, sem0)
        hb0 = pltpu.async_copy(tb_hbm.at[idx0], bufb0, sem0)
        pltpu.sync_copy(idx_hbm.at[ch1], idx1)
        ha1 = pltpu.async_copy(ta_hbm.at[idx1], bufa1, sem1)
        hb1 = pltpu.async_copy(tb_hbm.at[idx1], bufb1, sem1)
        ha0.wait()
        hb0.wait()
        pltpu.sync_copy(bufa0, outa_hbm.at[pl.ds(ch0 * CH, CH)])
        pltpu.sync_copy(bufb0, outb_hbm.at[pl.ds(ch0 * CH, CH)])
        ha1.wait()
        hb1.wait()
        pltpu.sync_copy(bufa1, outa_hbm.at[pl.ds(ch1 * CH, CH)])
        pltpu.sync_copy(bufb1, outb_hbm.at[pl.ds(ch1 * CH, CH)])


def _gather2(ta, tb, idx2d):
    k = functools.partial(
        pl.kernel,
        out_type=[
            jax.ShapeDtypeStruct((E_PAD, WA), jnp.float32),
            jax.ShapeDtypeStruct((E_PAD, WB), jnp.float32),
        ],
        mesh=_mesh,
        scratch_types=[
            pltpu.VMEM((CH,), jnp.int32),
            pltpu.VMEM((CH,), jnp.int32),
            pltpu.VMEM((CH, WA), jnp.float32),
            pltpu.VMEM((CH, WA), jnp.float32),
            pltpu.VMEM((CH, WB), jnp.float32),
            pltpu.VMEM((CH, WB), jnp.float32),
            pltpu.SemaphoreType.DMA,
            pltpu.SemaphoreType.DMA,
        ],
    )(_gather2_body)
    return k(ta, tb, idx2d)


def _gather_e_body(te_hbm, idx_hbm, out_hbm,
                   idx0, idx1, buf0, buf1, sem0, sem1):
    c = lax.axis_index("c")
    s = lax.axis_index("s")
    wid = c * 16 + s

    @pl.loop(0, NCH // 64)
    def _(t):
        ch0 = wid * (NCH // 32) + 2 * t
        ch1 = ch0 + 1
        pltpu.sync_copy(idx_hbm.at[ch0], idx0)
        h0 = pltpu.async_copy(te_hbm.at[idx0], buf0, sem0)
        pltpu.sync_copy(idx_hbm.at[ch1], idx1)
        h1 = pltpu.async_copy(te_hbm.at[idx1], buf1, sem1)
        h0.wait()
        pltpu.sync_copy(buf0, out_hbm.at[pl.ds(ch0 * CH, CH)])
        h1.wait()
        pltpu.sync_copy(buf1, out_hbm.at[pl.ds(ch1 * CH, CH)])


def _gather_e(te, idx2d):
    k = functools.partial(
        pl.kernel,
        out_type=jax.ShapeDtypeStruct((E_PAD, WE), jnp.float32),
        mesh=_mesh,
        scratch_types=[
            pltpu.VMEM((CH,), jnp.int32),
            pltpu.VMEM((CH,), jnp.int32),
            pltpu.VMEM((CH, WE), jnp.float32),
            pltpu.VMEM((CH, WE), jnp.float32),
            pltpu.SemaphoreType.DMA,
            pltpu.SemaphoreType.DMA,
        ],
    )(_gather_e_body)
    return k(te, idx2d)


def _scat_e_body(pay_hbm, idx_hbm, zrs_hbm, ones_hbm,
                 outv_hbm, outc_hbm,
                 idxbuf, paybuf, onesbuf, accv, accc):
    c = lax.axis_index("c")
    s = lax.axis_index("s")
    stripe = M_ACC // 16
    pltpu.sync_copy(zrs_hbm, paybuf)
    for off, sz in ((0, 128), (128, 128), (256, 64)):
        pltpu.sync_copy(paybuf.at[pl.ds(0, sz)],
                        accv.at[pl.ds(s * stripe + off, sz)])
        pltpu.sync_copy(paybuf.at[pl.ds(0, sz)],
                        accc.at[pl.ds(s * stripe + off, sz)])
    pltpu.sync_copy(ones_hbm, onesbuf)
    plsc.subcore_barrier()

    @pl.loop(0, NCH // 32)
    def _(t):
        ch = c * (NCH // 2) + s * (NCH // 32) + t
        pltpu.sync_copy(idx_hbm.at[ch], idxbuf)
        pltpu.sync_copy(pay_hbm.at[pl.ds(ch * CH, CH)], paybuf)
        pltpu.sync_copy(paybuf, accv.at[idxbuf], add=True)
        pltpu.sync_copy(onesbuf, accc.at[idxbuf], add=True)

    plsc.subcore_barrier()
    for off, sz in ((0, 128), (128, 128), (256, 64)):
        pltpu.sync_copy(accv.at[pl.ds(s * stripe + off, sz)],
                        paybuf.at[pl.ds(0, sz)])
        pltpu.sync_copy(paybuf.at[pl.ds(0, sz)],
                        outv_hbm.at[c, pl.ds(s * stripe + off, sz)])
        pltpu.sync_copy(accc.at[pl.ds(s * stripe + off, sz)],
                        onesbuf.at[pl.ds(0, sz)])
        pltpu.sync_copy(onesbuf.at[pl.ds(0, sz)],
                        outc_hbm.at[c, pl.ds(s * stripe + off, sz)])


def _scat_e(pay, idx2d, zrs, ones):
    k = functools.partial(
        pl.kernel,
        out_type=[
            jax.ShapeDtypeStruct((2, M_ACC, PW), jnp.float32),
            jax.ShapeDtypeStruct((2, M_ACC, PW), jnp.float32),
        ],
        mesh=_mesh,
        scratch_types=[
            pltpu.VMEM((CH,), jnp.int32),
            pltpu.VMEM((CH, PW), jnp.float32),
            pltpu.VMEM((CH, PW), jnp.float32),
            pltpu.VMEM_SHARED((M_ACC, PW), jnp.float32),
            pltpu.VMEM_SHARED((M_ACC, PW), jnp.float32),
        ],
    )(_scat_e_body)
    return k(pay, idx2d, zrs, ones)


def _cnt_n_body(idx_hbm, zrs_hbm, ones_hbm, out_hbm, idxbuf, onesbuf, acc):
    c = lax.axis_index("c")
    s = lax.axis_index("s")
    stripe = N_ACC // 16
    pltpu.sync_copy(zrs_hbm, onesbuf)
    for off in range(0, stripe, 128):
        pltpu.sync_copy(onesbuf,
                        acc.at[pl.ds(s * stripe + off, 128)])
    pltpu.sync_copy(ones_hbm, onesbuf)
    plsc.subcore_barrier()

    @pl.loop(0, NCH // 32)
    def _(t):
        ch = c * (NCH // 2) + s * (NCH // 32) + t
        pltpu.sync_copy(idx_hbm.at[ch], idxbuf)
        pltpu.sync_copy(onesbuf, acc.at[idxbuf], add=True)

    plsc.subcore_barrier()
    for off in range(0, stripe, 128):
        pltpu.sync_copy(acc.at[pl.ds(s * stripe + off, 128)], onesbuf)
        pltpu.sync_copy(onesbuf,
                        out_hbm.at[c, pl.ds(s * stripe + off, 128)])


def _cnt_n(idx2d, zrs, ones):
    k = functools.partial(
        pl.kernel,
        out_type=jax.ShapeDtypeStruct((2, N_ACC, PW), jnp.float32),
        mesh=_mesh,
        scratch_types=[
            pltpu.VMEM((CH,), jnp.int32),
            pltpu.VMEM((CH, PW), jnp.float32),
            pltpu.VMEM_SHARED((N_ACC, PW), jnp.float32),
        ],
    )(_cnt_n_body)
    return k(idx2d, zrs, ones)


def _scat_n_body(pay_hbm, idx_hbm, zrs_hbm, out_hbm,
                 idx0, idx1, pay0, pay1, acc, sem0, sem1):
    c = lax.axis_index("c")
    s = lax.axis_index("s")
    stripe = N_ACC // 16
    pltpu.sync_copy(zrs_hbm, pay0)
    for off in range(0, stripe, 128):
        pltpu.sync_copy(pay0,
                        acc.at[pl.ds(s * stripe + off, 128)])
    plsc.subcore_barrier()

    @pl.loop(0, NCH // 64)
    def _(t):
        ch0 = c * (NCH // 2) + s * (NCH // 32) + 2 * t
        ch1 = ch0 + 1
        pltpu.sync_copy(idx_hbm.at[ch0], idx0)
        h0 = pltpu.async_copy(pay_hbm.at[pl.ds(ch0 * CH, CH)], pay0, sem0)
        pltpu.sync_copy(idx_hbm.at[ch1], idx1)
        h1 = pltpu.async_copy(pay_hbm.at[pl.ds(ch1 * CH, CH)], pay1, sem1)
        h0.wait()
        pltpu.sync_copy(pay0, acc.at[idx0], add=True)
        h1.wait()
        pltpu.sync_copy(pay1, acc.at[idx1], add=True)

    plsc.subcore_barrier()
    for off in range(0, stripe, 128):
        pltpu.sync_copy(acc.at[pl.ds(s * stripe + off, 128)], pay0)
        pltpu.sync_copy(pay0,
                        out_hbm.at[c, pl.ds(s * stripe + off, 128)])


def _scat_n(pay, idx2d, zrs):
    k = functools.partial(
        pl.kernel,
        out_type=jax.ShapeDtypeStruct((2, N_ACC, PW), jnp.float32),
        mesh=_mesh,
        scratch_types=[
            pltpu.VMEM((CH,), jnp.int32),
            pltpu.VMEM((CH,), jnp.int32),
            pltpu.VMEM((CH, PW), jnp.float32),
            pltpu.VMEM((CH, PW), jnp.float32),
            pltpu.VMEM_SHARED((N_ACC, PW), jnp.float32),
            pltpu.SemaphoreType.DMA,
            pltpu.SemaphoreType.DMA,
        ],
    )(_scat_n_body)
    return k(pay, idx2d, zrs)



def _ln(x, eps=1e-5):
    mu = jnp.mean(x, axis=-1, keepdims=True)
    var = jnp.var(x, axis=-1, keepdims=True)
    return (x - mu) / jnp.sqrt(var + eps)


def _mlp_body(x, W1, b1, W2, b2):
    h = jax.nn.relu(_ln(x @ W1 + b1))
    return h @ W2 + b2


def _stage_a_kernel(v_ref, W1n_ref, b1n_ref, W2n_ref, b2n_ref, W1et_ref,
                    ta_ref, tb_ref):
    x = v_ref[...]
    nm = _mlp_body(_ln(x), W1n_ref[...], b1n_ref[...], W2n_ref[...],
                   b2n_ref[...])
    ta_ref[...] = nm
    P = x @ W1et_ref[...]
    sv = jnp.sum(x, axis=-1, keepdims=True)
    sqv = jnp.sum(x * x, axis=-1, keepdims=True)
    pad = jnp.zeros((x.shape[0], WB - D - 2), jnp.float32)
    tb_ref[...] = jnp.concatenate((P, sv, sqv, pad), axis=-1)


def _stage_a(v, W1n, b1n, W2n, b2n, W1e):
    return pl.pallas_call(
        _stage_a_kernel,
        grid=(N // TILE_N,),
        in_specs=[
            pl.BlockSpec((TILE_N, D), lambda i: (i, 0)),
            pl.BlockSpec((D, D), lambda i: (0, 0)),
            pl.BlockSpec((D,), lambda i: (0,)),
            pl.BlockSpec((D, D), lambda i: (0, 0)),
            pl.BlockSpec((D,), lambda i: (0,)),
            pl.BlockSpec((D, D), lambda i: (0, 0)),
        ],
        out_specs=[
            pl.BlockSpec((TILE_N, WA), lambda i: (i, 0)),
            pl.BlockSpec((TILE_N, WB), lambda i: (i, 0)),
        ],
        out_shape=[
            jax.ShapeDtypeStruct((N, WA), jnp.float32),
            jax.ShapeDtypeStruct((N, WB), jnp.float32),
        ],
    )(v, W1n, b1n, W2n, b2n, W1e[:D])


def _pay1_kernel(ga_ref, nrw_ref, out_ref):
    out_ref[...] = ga_ref[...] * nrw_ref[...]


def _pay1(ga, nrw_p):
    return pl.pallas_call(
        _pay1_kernel,
        grid=(E_PAD // TILE_EP,),
        in_specs=[
            pl.BlockSpec((TILE_EP, WA), lambda i: (i, 0)),
            pl.BlockSpec((TILE_EP, 1), lambda i: (i, 0)),
        ],
        out_specs=pl.BlockSpec((TILE_EP, PW), lambda i: (i, 0)),
        out_shape=jax.ShapeDtypeStruct((E_PAD, PW), jnp.float32),
    )(ga, nrw_p)


def _stage_c_kernel(s0_ref, s1_ref, c0_ref, c1_ref, e0_ref, ers_ref, e_ref,
                    W1eb_ref, ab_ref, edge_ref, te_ref):
    alpha = ab_ref[0]
    s = s0_ref[...] + s1_ref[...]
    cnt = c0_ref[...] + c1_ref[...]
    mean = s / jnp.maximum(cnt, 1.0)
    edge = ((1.0 - alpha) * mean + alpha * e0_ref[...]) / ers_ref[...]
    edge_ref[...] = edge
    Q = edge @ W1eb_ref[...]
    se = jnp.sum(edge, axis=-1, keepdims=True)
    sqe = jnp.sum(edge * edge, axis=-1, keepdims=True)
    pad = jnp.zeros((edge.shape[0], WE - 2 * D - 2), jnp.float32)
    te_ref[...] = jnp.concatenate((Q, e_ref[...], se, sqe, pad), axis=-1)


def _stage_c(s0, s1, c0, c1, e0, e_reg_sum, e, W1e, alpha):
    return pl.pallas_call(
        _stage_c_kernel,
        grid=(M // TILE_M,),
        in_specs=[
            pl.BlockSpec((TILE_M, PW), lambda i: (i, 0)),
            pl.BlockSpec((TILE_M, PW), lambda i: (i, 0)),
            pl.BlockSpec((TILE_M, 1), lambda i: (i, 0)),
            pl.BlockSpec((TILE_M, 1), lambda i: (i, 0)),
            pl.BlockSpec((TILE_M, D), lambda i: (i, 0)),
            pl.BlockSpec((TILE_M, 1), lambda i: (i, 0)),
            pl.BlockSpec((TILE_M, D), lambda i: (i, 0)),
            pl.BlockSpec((D, D), lambda i: (0, 0)),
            pl.BlockSpec((1,), lambda i: (0,)),
        ],
        out_specs=[
            pl.BlockSpec((TILE_M, D), lambda i: (i, 0)),
            pl.BlockSpec((TILE_M, WE), lambda i: (i, 0)),
        ],
        out_shape=[
            jax.ShapeDtypeStruct((M, D), jnp.float32),
            jax.ShapeDtypeStruct((M, WE), jnp.float32),
        ],
    )(s0, s1, c0, c1, e0, e_reg_sum, e, W1e[D:],
      jnp.full((1,), alpha, jnp.float32))


def _stage_e_kernel(gb_ref, ge_ref, erw_ref, csum_ref, b1e_ref, W2e_ref,
                    b2e_ref, ab_ref, out_ref):
    beta = ab_ref[1]
    gb = gb_ref[...]
    ge = ge_ref[...]
    P = gb[:, :D]
    sv = gb[:, D:D + 1]
    sqv = gb[:, D + 1:D + 2]
    Q = ge[:, :D]
    eg = ge[:, D:2 * D]
    se = ge[:, 2 * D:2 * D + 1]
    sqe = ge[:, 2 * D + 1:2 * D + 2]
    mu = (sv + se) * (1.0 / 256.0)
    var = (sqv + sqe) * (1.0 / 256.0) - mu * mu
    inv = lax.rsqrt(var + 1e-5)
    g = (P + Q - mu * csum_ref[...]) * inv + b1e_ref[...]
    m2 = jnp.mean(g, axis=-1, keepdims=True)
    v2 = jnp.mean(g * g, axis=-1, keepdims=True) - m2 * m2
    h = jax.nn.relu((g - m2) * lax.rsqrt(v2 + 1e-5))
    msg = beta * (h @ W2e_ref[...] + b2e_ref[...]) + (1.0 - beta) * eg
    out_ref[...] = erw_ref[...] * msg


def _stage_e(gb, ge, erw_p, csum, b1e, W2e, b2e, alpha, beta):
    ab = jnp.stack([jnp.float32(alpha), jnp.float32(beta)])
    return pl.pallas_call(
        _stage_e_kernel,
        grid=(E_PAD // TILE_EP,),
        in_specs=[
            pl.BlockSpec((TILE_EP, WB), lambda i: (i, 0)),
            pl.BlockSpec((TILE_EP, WE), lambda i: (i, 0)),
            pl.BlockSpec((TILE_EP, 1), lambda i: (i, 0)),
            pl.BlockSpec((D,), lambda i: (0,)),
            pl.BlockSpec((D,), lambda i: (0,)),
            pl.BlockSpec((D, D), lambda i: (0, 0)),
            pl.BlockSpec((D,), lambda i: (0,)),
            pl.BlockSpec((2,), lambda i: (0,)),
        ],
        out_specs=pl.BlockSpec((TILE_EP, PW), lambda i: (i, 0)),
        out_shape=jax.ShapeDtypeStruct((E_PAD, PW), jnp.float32),
    )(gb, ge, erw_p, csum, b1e, W2e, b2e, ab)


def _stage_d_kernel(u0_ref, u1_ref, c0_ref, c1_ref, nrs_ref, v0_ref,
                    W1a_ref, b1a_ref, W2a_ref, b2a_ref, ab_ref, out_ref):
    alpha = ab_ref[0]
    beta = ab_ref[1]
    U = u0_ref[...] + u1_ref[...]
    C = c0_ref[...] + c1_ref[...]
    node = U / jnp.maximum(C, 1.0)
    node = node / nrs_ref[...]
    node = (1.0 - alpha) * node + alpha * v0_ref[...]
    out = _mlp_body(_ln(node), W1a_ref[...], b1a_ref[...], W2a_ref[...],
                    b2a_ref[...])
    out_ref[...] = beta * out + (1.0 - beta) * node


def _stage_d(u0, u1, c0, c1, n_reg_sum, v0, W1a, b1a, W2a, b2a, alpha, beta):
    ab = jnp.stack([jnp.float32(alpha), jnp.float32(beta)])
    return pl.pallas_call(
        _stage_d_kernel,
        grid=(N // TILE_N,),
        in_specs=[
            pl.BlockSpec((TILE_N, PW), lambda i: (i, 0)),
            pl.BlockSpec((TILE_N, PW), lambda i: (i, 0)),
            pl.BlockSpec((TILE_N, 1), lambda i: (i, 0)),
            pl.BlockSpec((TILE_N, 1), lambda i: (i, 0)),
            pl.BlockSpec((TILE_N, 1), lambda i: (i, 0)),
            pl.BlockSpec((TILE_N, D), lambda i: (i, 0)),
            pl.BlockSpec((D, D), lambda i: (0, 0)),
            pl.BlockSpec((D,), lambda i: (0,)),
            pl.BlockSpec((D, D), lambda i: (0, 0)),
            pl.BlockSpec((D,), lambda i: (0,)),
            pl.BlockSpec((2,), lambda i: (0,)),
        ],
        out_specs=pl.BlockSpec((TILE_N, D), lambda i: (i, 0)),
        out_shape=jax.ShapeDtypeStruct((N, D), jnp.float32),
    )(u0, u1, c0, c1, n_reg_sum, v0, W1a, b1a, W2a, b2a, ab)



def kernel(v, e, v0, e0, n_reg_weight, e_reg_weight, n_reg_sum, e_reg_sum,
           W1n, b1n, W2n, b2n, W1e, b1e, W2e, b2e, W1a, b1a, W2a, b2a,
           vidx, eidx, alpha, beta):
    npad = E_PAD - E
    vidx2d = jnp.concatenate(
        (vidx.astype(jnp.int32), jnp.full((npad,), N, jnp.int32))
    ).reshape(NCH, CH)
    eidx2d = jnp.concatenate(
        (eidx.astype(jnp.int32), jnp.full((npad,), M, jnp.int32))
    ).reshape(NCH, CH)
    nrw_p = jnp.concatenate((n_reg_weight, jnp.zeros((npad, 1), jnp.float32)))
    erw_p = jnp.concatenate((e_reg_weight, jnp.zeros((npad, 1), jnp.float32)))
    zrs = jnp.zeros((128, PW), jnp.float32)
    ones128 = jnp.ones((CH, PW), jnp.float32)

    ta, tb = _stage_a(v, W1n, b1n, W2n, b2n, W1e)
    ta_p = jnp.pad(ta, ((0, 16), (0, 0)))
    tb_p = jnp.pad(tb, ((0, 16), (0, 0)))

    ga, gb = _gather2(ta_p, tb_p, vidx2d)
    cn = _cnt_n(vidx2d, zrs, ones128)
    p1 = _pay1(ga, nrw_p)
    es, ec = _scat_e(p1, eidx2d, zrs, ones128)

    csum = jnp.sum(W1e, axis=0)
    edge, te = _stage_c(es[0, :M], es[1, :M], ec[0, :M, :1], ec[1, :M, :1],
                        e0, e_reg_sum, e, W1e, alpha)
    te_p = jnp.pad(te, ((0, 8), (0, 0)))

    ge = _gather_e(te_p, eidx2d)
    u = _stage_e(gb, ge, erw_p, csum, b1e, W2e, b2e, alpha, beta)
    un = _scat_n(u, vidx2d, zrs)

    node = _stage_d(un[0, :N], un[1, :N], cn[0, :N, :1], cn[1, :N, :1],
                    n_reg_sum, v0, W1a, b1a, W2a, b2a, alpha, beta)
    return (node, edge)

# --- scband reference (transcript-rebuilt; emitter-appended) ---
"""Pipeline reference for scband-hnhniiconv-88630945120540 (READ-ONLY COPY).

The authoritative reference and input builder live on the scoring server;
editing this copy changes nothing except your own understanding.
"""

import jax, jax.numpy as jnp
import numpy as np

N = 10000
M = 5000
E = 320000
DIN = 128
DOUT = 128
HID = 128
N_WEIGHT = 1.0
E_WEIGHT = 1.0


def _ln(x, eps=1e-5):
    mu = jnp.mean(x, axis=-1, keepdims=True)
    var = jnp.var(x, axis=-1, keepdims=True)
    return (x - mu) / jnp.sqrt(var + eps)


def _mlp(x, W1, b1, W2, b2):
    # MLP with InputNorm (LayerNorm on input), hidden LayerNorm + ReLU, dropout inactive (eval)
    x = _ln(x)
    h = jax.nn.relu(_ln(x @ W1 + b1))
    return h @ W2 + b2


def _scatter_mean(vals, idx, num):
    s = jax.ops.segment_sum(vals, idx, num_segments=num)
    c = jax.ops.segment_sum(jnp.ones((vals.shape[0], 1), vals.dtype), idx, num_segments=num)
    return s / jnp.maximum(c, 1.0)


def setup_inputs(seed: int = 0):
    key = jax.random.key(seed)
    ks = jax.random.split(key, 24)

    def lin(k, fi, fo):
        s = 1.0 / np.sqrt(fi)
        return jax.random.uniform(k, (fi, fo), jnp.float32, -s, s)

    inp = {}
    inp["v"] = jax.random.normal(ks[0], (N, DIN), jnp.float32)
    inp["e"] = jax.random.normal(ks[1], (M, DOUT), jnp.float32)
    inp["v0"] = jax.random.normal(ks[2], (N, DOUT), jnp.float32)
    inp["e0"] = jax.random.normal(ks[3], (M, DOUT), jnp.float32)
    inp["n_reg_weight"] = jax.random.uniform(ks[4], (E, 1), jnp.float32, 0.5, 1.5)
    inp["e_reg_weight"] = jax.random.uniform(ks[5], (E, 1), jnp.float32, 0.5, 1.5)
    inp["n_reg_sum"] = jax.random.uniform(ks[6], (N, 1), jnp.float32, 0.5, 1.5)
    inp["e_reg_sum"] = jax.random.uniform(ks[7], (M, 1), jnp.float32, 0.5, 1.5)
    inp["W1n"] = lin(ks[8], DIN, HID)
    inp["b1n"] = jnp.zeros((HID,), jnp.float32)
    inp["W2n"] = lin(ks[9], HID, DOUT)
    inp["b2n"] = jnp.zeros((DOUT,), jnp.float32)
    inp["W1e"] = lin(ks[10], DIN + DOUT, HID)
    inp["b1e"] = jnp.zeros((HID,), jnp.float32)
    inp["W2e"] = lin(ks[11], HID, DOUT)
    inp["b2e"] = jnp.zeros((DOUT,), jnp.float32)
    inp["W1a"] = lin(ks[12], DOUT, HID)
    inp["b1a"] = jnp.zeros((HID,), jnp.float32)
    inp["W2a"] = lin(ks[13], HID, DOUT)
    inp["b2a"] = jnp.zeros((DOUT,), jnp.float32)
    inp["vidx"] = jax.random.randint(ks[14], (E,), 0, N, jnp.int32)
    inp["eidx"] = jax.random.randint(ks[15], (E,), 0, M, jnp.int32)
    inp["alpha"] = 0.1
    inp["beta"] = 0.5
    return inp


def reference(v, e, v0, e0, n_reg_weight, e_reg_weight, n_reg_sum, e_reg_sum,
              W1n, b1n, W2n, b2n, W1e, b1e, W2e, b2e, W1a, b1a, W2a, b2a,
              vidx, eidx, alpha, beta):
    node_msg = _mlp(v * N_WEIGHT, W1n, b1n, W2n, b2n)
    node_msg = node_msg[vidx] * n_reg_weight
    edge = _scatter_mean(node_msg, eidx, M)
    edge = (1.0 - alpha) * edge + alpha * e0
    edge = edge / e_reg_sum
    edge_msg = (edge * E_WEIGHT)[eidx]
    edge_msg = beta * _mlp(jnp.concatenate((v[vidx], edge_msg), axis=-1), W1e, b1e, W2e, b2e) + (1.0 - beta) * e[eidx]
    edge_msg = edge_msg * e_reg_weight
    node = _scatter_mean(edge_msg, vidx, N)
    node = node / n_reg_sum
    node = (1.0 - alpha) * node + alpha * v0
    node = beta * _mlp(node, W1a, b1a, W2a, b2a) + (1.0 - beta) * node
    return (node, edge)

if __name__ == "__main__":
    import jax
    _d = setup_inputs()
    print(jax.jit(kernel)(*tuple(_d.values())))

</pallas_src>

<mosaic_0001>
#map = affine_map<(d0, d1) -> (0, 0)>
module attributes {stable_mosaic.version = 14 : i64} {
  func.func @_gather_e_body(%arg0: i32, %arg1: i32, %arg2: memref<5008x384xf32, #tpu.memory_space<hbm>>, %arg3: memref<2560x128xi32, #tpu.memory_space<hbm>>, %arg4: memref<327680x384xf32, #tpu.memory_space<hbm>>, %arg5: memref<128xi32, #tpu.memory_space<vmem>>, %arg6: memref<128xi32, #tpu.memory_space<vmem>>, %arg7: memref<128x384xf32, #tpu.memory_space<vmem>>, %arg8: memref<128x384xf32, #tpu.memory_space<vmem>>, %arg9: memref<!tpu.dma_semaphore, #tpu.memory_space<semaphore_mem>>, %arg10: memref<!tpu.dma_semaphore, #tpu.memory_space<semaphore_mem>>) attributes {dimension_semantics = [#tpu.dimension_semantics<core_parallel>, #tpu.dimension_semantics<subcore_parallel>], iteration_bounds = array<i64: 2, 16>, scalar_prefetch = 0 : i64, scratch_operands = 6 : i64, tpu.core_type = #tpu.core_type<sc_vector_subcore>, window_params = [{transform_indices = #map}, {transform_indices = #map}, {transform_indices = #map}]} {
    %mul3A = arith.constant 16 : i32
    %mul3A_0 = arith.muli %arg0, %mul3A : i32
    %add3A = arith.addi %mul3A_0, %arg1 : i32
    %scan3A = arith.constant 0 : i32
    %scan3A_1 = arith.constant 40 : i32
    %scan3A_2 = arith.addi %scan3A, %scan3A_1 : i32
    %scan3A_3 = arith.constant 1 : i32
    scf.for %scan3A_5 = %scan3A to %scan3A_2 step %scan3A_3  : i32 {
      %mul3A_6 = arith.constant 1 : i32
      %mul3A_7 = arith.muli %scan3A_5, %mul3A_6 : i32
      %add3A_8 = arith.constant 0 : i32
      %add3A_9 = arith.addi %add3A_8, %mul3A_7 : i32
      %mul3A_10 = arith.constant 80 : i32
      %mul3A_11 = arith.muli %add3A, %mul3A_10 : i32
      %mul3A_12 = arith.constant 2 : i32
      %mul3A_13 = arith.muli %mul3A_12, %add3A_9 : i32
      %add3A_14 = arith.addi %mul3A_11, %mul3A_13 : i32
      %add3A_15 = arith.constant 1 : i32
      %add3A_16 = arith.addi %add3A_14, %add3A_15 : i32
      "tpu.region"() ({
        %run_scoped3A = tpu.sem_alloc : memref<!tpu.dma_semaphore, #tpu.memory_space<semaphore_mem>>
        %dma_start3A_31 = arith.constant 0 : i32
        %dma_start3A_32 = tpu.memref_slice %arg3[%add3A_14, %dma_start3A_31] : memref<2560x128xi32, #tpu.memory_space<hbm>> -> memref<1x128xi32, #tpu.memory_space<hbm>>
        %dma_start3A_33 = tpu.memref_squeeze %dma_start3A_32 : memref<1x128xi32, #tpu.memory_space<hbm>> -> memref<128xi32, #tpu.memory_space<hbm>>
        %dma_start3A_34 = arith.constant 0 : i32
        %dma_start3A_35 = tpu.memref_slice %arg3[%add3A_14, %dma_start3A_34] : memref<2560x128xi32, #tpu.memory_space<hbm>> -> memref<1x128xi32, #tpu.memory_space<hbm>>
        %dma_start3A_36 = tpu.memref_squeeze %dma_start3A_35 : memref<1x128xi32, #tpu.memory_space<hbm>> -> memref<128xi32, #tpu.memory_space<hbm>>
        tpu.enqueue_dma source(%dma_start3A_36 : memref<128xi32, #tpu.memory_space<hbm>>) target(%arg5 : memref<128xi32, #tpu.memory_space<vmem>>) target_semaphore(%run_scoped3A : memref<!tpu.dma_semaphore, #tpu.memory_space<semaphore_mem>>)
        %dma_wait3A_37 = arith.constant 0 : i32
        %dma_wait3A_38 = tpu.memref_slice %arg3[%add3A_14, %dma_wait3A_37] : memref<2560x128xi32, #tpu.memory_space<hbm>> -> memref<1x128xi32, #tpu.memory_space<hbm>>
        %dma_wait3A_39 = tpu.memref_squeeze %dma_wait3A_38 : memref<1x128xi32, #tpu.memory_space<hbm>> -> memref<128xi32, #tpu.memory_space<hbm>>
        %dma_wait3A_40 = arith.constant 0 : i32
        %dma_wait3A_41 = tpu.memref_slice %arg3[%add3A_14, %dma_wait3A_40] : memref<2560x128xi32, #tpu.memory_space<hbm>> -> memref<1x128xi32, #tpu.memory_space<hbm>>
        %dma_wait3A_42 = tpu.memref_squeeze %dma_wait3A_41 : memref<1x128xi32, #tpu.memory_space<hbm>> -> memref<128xi32, #tpu.memory_space<hbm>>
        tpu.wait_dma2 semaphore(%run_scoped3A : memref<!tpu.dma_semaphore, #tpu.memory_space<semaphore_mem>>) src(%dma_wait3A_42 : memref<128xi32, #tpu.memory_space<hbm>>) dst(%arg5 : memref<128xi32, #tpu.memory_space<vmem>>)
        tpu.yield
      }) : () -> ()
      %dma_start3A = arith.constant 0 : i32
      %dma_start3A_17 = arith.constant 0 : i32
      %dma_start3A_18 = tpu.memref_slice %arg2[%dma_start3A, %dma_start3A_17] : memref<5008x384xf32, #tpu.memory_space<hbm>> -> memref<5008x384xf32, #tpu.memory_space<hbm>>
      tpu.enqueue_indirect_dma source(%dma_start3A_18 : memref<5008x384xf32, #tpu.memory_space<hbm>>) target(%arg7 : memref<128x384xf32, #tpu.memory_space<vmem>>) offsets(%arg5 : memref<128xi32, #tpu.memory_space<vmem>>) semaphore(%arg9 : memref<!tpu.dma_semaphore, #tpu.memory_space<semaphore_mem>>)
      "tpu.region"() ({
        %run_scoped3A = tpu.sem_alloc : memref<!tpu.dma_semaphore, #tpu.memory_space<semaphore_mem>>
        %dma_start3A_31 = arith.constant 0 : i32
        %dma_start3A_32 = tpu.memref_slice %arg3[%add3A_16, %dma_start3A_31] : memref<2560x128xi32, #tpu.memory_space<hbm>> -> memref<1x128xi32, #tpu.memory_space<hbm>>
        %dma_start3A_33 = tpu.memref_squeeze %dma_start3A_32 : memref<1x128xi32, #tpu.memory_space<hbm>> -> memref<128xi32, #tpu.memory_space<hbm>>
        %dma_start3A_34 = arith.constant 0 : i32
        %dma_start3A_35 = tpu.memref_slice %arg3[%add3A_16, %dma_start3A_34] : memref<2560x128xi32, #tpu.memory_space<hbm>> -> memref<1x128xi32, #tpu.memory_space<hbm>>
        %dma_start3A_36 = tpu.memref_squeeze %dma_start3A_35 : memref<1x128xi32, #tpu.memory_space<hbm>> -> memref<128xi32, #tpu.memory_space<hbm>>
        tpu.enqueue_dma source(%dma_start3A_36 : memref<128xi32, #tpu.memory_space<hbm>>) target(%arg6 : memref<128xi32, #tpu.memory_space<vmem>>) target_semaphore(%run_scoped3A : memref<!tpu.dma_semaphore, #tpu.memory_space<semaphore_mem>>)
        %dma_wait3A_37 = arith.constant 0 : i32
        %dma_wait3A_38 = tpu.memref_slice %arg3[%add3A_16, %dma_wait3A_37] : memref<2560x128xi32, #tpu.memory_space<hbm>> -> memref<1x128xi32, #tpu.memory_space<hbm>>
        %dma_wait3A_39 = tpu.memref_squeeze %dma_wait3A_38 : memref<1x128xi32, #tpu.memory_space<hbm>> -> memref<128xi32, #tpu.memory_space<hbm>>
        %dma_wait3A_40 = arith.constant 0 : i32
        %dma_wait3A_41 = tpu.memref_slice %arg3[%add3A_16, %dma_wait3A_40] : memref<2560x128xi32, #tpu.memory_space<hbm>> -> memref<1x128xi32, #tpu.memory_space<hbm>>
        %dma_wait3A_42 = tpu.memref_squeeze %dma_wait3A_41 : memref<1x128xi32, #tpu.memory_space<hbm>> -> memref<128xi32, #tpu.memory_space<hbm>>
        tpu.wait_dma2 semaphore(%run_scoped3A : memref<!tpu.dma_semaphore, #tpu.memory_space<semaphore_mem>>) src(%dma_wait3A_42 : memref<128xi32, #tpu.memory_space<hbm>>) dst(%arg6 : memref<128xi32, #tpu.memory_space<vmem>>)
        tpu.yield
      }) : () -> ()
      %dma_start3A_19 = arith.constant 0 : i32
      %dma_start3A_20 = arith.constant 0 : i32
      %dma_start3A_21 = tpu.memref_slice %arg2[%dma_start3A_19, %dma_start3A_20] : memref<5008x384xf32, #tpu.memory_space<hbm>> -> memref<5008x384xf32, #tpu.memory_space<hbm>>
      tpu.enqueue_indirect_dma source(%dma_start3A_21 : memref<5008x384xf32, #tpu.memory_space<hbm>>) target(%arg8 : memref<128x384xf32, #tpu.memory_space<vmem>>) offsets(%arg6 : memref<128xi32, #tpu.memory_space<vmem>>) semaphore(%arg10 : memref<!tpu.dma_semaphore, #tpu.memory_space<semaphore_mem>>)
      %dma_wait3A = arith.constant 0 : i32
      %dma_wait3A_22 = arith.constant 0 : i32
      %dma_wait3A_23 = tpu.memref_slice %arg2[%dma_wait3A, %dma_wait3A_22] : memref<5008x384xf32, #tpu.memory_space<hbm>> -> memref<5008x384xf32, #tpu.memory_space<hbm>>
      tpu.wait_indirect_dma semaphore(%arg9 : memref<!tpu.dma_semaphore, #tpu.memory_space<semaphore_mem>>) src(%dma_wait3A_23 : memref<5008x384xf32, #tpu.memory_space<hbm>>) dst(%arg7 : memref<128x384xf32, #tpu.memory_space<vmem>>)
      %mul3A_24 = arith.constant 128 : i32
      %mul3A_25 = arith.muli %add3A_14, %mul3A_24 : i32
      "tpu.region"() ({
        %run_scoped3A = tpu.sem_alloc : memref<!tpu.dma_semaphore, #tpu.memory_space<semaphore_mem>>
        %dma_start3A_31 = arith.constant 0 : i32
        %dma_start3A_32 = tpu.memref_slice %arg4[%mul3A_25, %dma_start3A_31] : memref<327680x384xf32, #tpu.memory_space<hbm>> -> memref<128x384xf32, #tpu.memory_space<hbm>>
        %dma_start3A_33 = arith.constant 0 : i32
        %dma_start3A_34 = tpu.memref_slice %arg4[%mul3A_25, %dma_start3A_33] : memref<327680x384xf32, #tpu.memory_space<hbm>> -> memref<128x384xf32, #tpu.memory_space<hbm>>
        tpu.enqueue_dma source(%arg7 : memref<128x384xf32, #tpu.memory_space<vmem>>) target(%dma_start3A_34 : memref<128x384xf32, #tpu.memory_space<hbm>>) target_semaphore(%run_scoped3A : memref<!tpu.dma_semaphore, #tpu.memory_space<semaphore_mem>>)
        %dma_wait3A_35 = arith.constant 0 : i32
        %dma_wait3A_36 = tpu.memref_slice %arg4[%mul3A_25, %dma_wait3A_35] : memref<327680x384xf32, #tpu.memory_space<hbm>> -> memref<128x384xf32, #tpu.memory_space<hbm>>
        %dma_wait3A_37 = arith.constant 0 : i32
        %dma_wait3A_38 = tpu.memref_slice %arg4[%mul3A_25, %dma_wait3A_37] : memref<327680x384xf32, #tpu.memory_space<hbm>> -> memref<128x384xf32, #tpu.memory_space<hbm>>
        tpu.wait_dma2 semaphore(%run_scoped3A : memref<!tpu.dma_semaphore, #tpu.memory_space<semaphore_mem>>) src(%arg7 : memref<128x384xf32, #tpu.memory_space<vmem>>) dst(%dma_wait3A_38 : memref<128x384xf32, #tpu.memory_space<hbm>>)
        tpu.yield
      }) : () -> ()
      %dma_wait3A_26 = arith.constant 0 : i32
      %dma_wait3A_27 = arith.constant 0 : i32
      %dma_wait3A_28 = tpu.memref_slice %arg2[%dma_wait3A_26, %dma_wait3A_27] : memref<5008x384xf32, #tpu.memory_space<hbm>> -> memref<5008x384xf32, #tpu.memory_space<hbm>>
      tpu.wait_indirect_dma semaphore(%arg10 : memref<!tpu.dma_semaphore, #tpu.memory_space<semaphore_mem>>) src(%dma_wait3A_28 : memref<5008x384xf32, #tpu.memory_space<hbm>>) dst(%arg8 : memref<128x384xf32, #tpu.memory_space<vmem>>)
      %mul3A_29 = arith.constant 128 : i32
      %mul3A_30 = arith.muli %add3A_16, %mul3A_29 : i32
      "tpu.region"() ({
        %run_scoped3A = tpu.sem_alloc : memref<!tpu.dma_semaphore, #tpu.memory_space<semaphore_mem>>
        %dma_start3A_31 = arith.constant 0 : i32
        %dma_start3A_32 = tpu.memref_slice %arg4[%mul3A_30, %dma_start3A_31] : memref<327680x384xf32, #tpu.memory_space<hbm>> -> memref<128x384xf32, #tpu.memory_space<hbm>>
        %dma_start3A_33 = arith.constant 0 : i32
        %dma_start3A_34 = tpu.memref_slice %arg4[%mul3A_30, %dma_start3A_33] : memref<327680x384xf32, #tpu.memory_space<hbm>> -> memref<128x384xf32, #tpu.memory_space<hbm>>
        tpu.enqueue_dma source(%arg8 : memref<128x384xf32, #tpu.memory_space<vmem>>) target(%dma_start3A_34 : memref<128x384xf32, #tpu.memory_space<hbm>>) target_semaphore(%run_scoped3A : memref<!tpu.dma_semaphore, #tpu.memory_space<semaphore_mem>>)
        %dma_wait3A_35 = arith.constant 0 : i32
        %dma_wait3A_36 = tpu.memref_slice %arg4[%mul3A_30, %dma_wait3A_35] : memref<327680x384xf32, #tpu.memory_space<hbm>> -> memref<128x384xf32, #tpu.memory_space<hbm>>
        %dma_wait3A_37 = arith.constant 0 : i32
        %dma_wait3A_38 = tpu.memref_slice %arg4[%mul3A_30, %dma_wait3A_37] : memref<327680x384xf32, #tpu.memory_space<hbm>> -> memref<128x384xf32, #tpu.memory_space<hbm>>
        tpu.wait_dma2 semaphore(%run_scoped3A : memref<!tpu.dma_semaphore, #tpu.memory_space<semaphore_mem>>) src(%arg8 : memref<128x384xf32, #tpu.memory_space<vmem>>) dst(%dma_wait3A_38 : memref<128x384xf32, #tpu.memory_space<hbm>>)
        tpu.yield
      }) : () -> ()
    }
    %scan3A_4 = arith.constant 40 : i32
    return
  }
}

#map = affine_map<(d0, d1) -> (0, 0)>
module attributes {stable_mosaic.version = 14 : i64} {
  func.func @_gather2_body(%arg0: i32, %arg1: i32, %arg2: memref<10016x128xf32, #tpu.memory_space<hbm>>, %arg3: memref<10016x256xf32, #tpu.memory_space<hbm>>, %arg4: memref<2560x128xi32, #tpu.memory_space<hbm>>, %arg5: memref<327680x128xf32, #tpu.memory_space<hbm>>, %arg6: memref<327680x256xf32, #tpu.memory_space<hbm>>, %arg7: memref<128xi32, #tpu.memory_space<vmem>>, %arg8: memref<128xi32, #tpu.memory_space<vmem>>, %arg9: memref<128x128xf32, #tpu.memory_space<vmem>>, %arg10: memref<128x128xf32, #tpu.memory_space<vmem>>, %arg11: memref<128x256xf32, #tpu.memory_space<vmem>>, %arg12: memref<128x256xf32, #tpu.memory_space<vmem>>, %arg13: memref<!tpu.dma_semaphore, #tpu.memory_space<semaphore_mem>>, %arg14: memref<!tpu.dma_semaphore, #tpu.memory_space<semaphore_mem>>) attributes {dimension_semantics = [#tpu.dimension_semantics<core_parallel>, #tpu.dimension_semantics<subcore_parallel>], iteration_bounds = array<i64: 2, 16>, scalar_prefetch = 0 : i64, scratch_operands = 8 : i64, tpu.core_type = #tpu.core_type<sc_vector_subcore>, window_params = [{transform_indices = #map}, {transform_indices = #map}, {transform_indices = #map}, {transform_indices = #map}, {transform_indices = #map}]} {
    %mul3A = arith.constant 16 : i32
    %mul3A_0 = arith.muli %arg0, %mul3A : i32
    %add3A = arith.addi %mul3A_0, %arg1 : i32
    %scan3A = arith.constant 0 : i32
    %scan3A_1 = arith.constant 40 : i32
    %scan3A_2 = arith.addi %scan3A, %scan3A_1 : i32
    %scan3A_3 = arith.constant 1 : i32
    scf.for %scan3A_5 = %scan3A to %scan3A_2 step %scan3A_3  : i32 {
      %mul3A_6 = arith.constant 1 : i32
      %mul3A_7 = arith.muli %scan3A_5, %mul3A_6 : i32
      %add3A_8 = arith.constant 0 : i32
      %add3A_9 = arith.addi %add3A_8, %mul3A_7 : i32
      %mul3A_10 = arith.constant 80 : i32
      %mul3A_11 = arith.muli %add3A, %mul3A_10 : i32
      %mul3A_12 = arith.constant 2 : i32
      %mul3A_13 = arith.muli %mul3A_12, %add3A_9 : i32
      %add3A_14 = arith.addi %mul3A_11, %mul3A_13 : i32
      %add3A_15 = arith.constant 1 : i32
      %add3A_16 = arith.addi %add3A_14, %add3A_15 : i32
      "tpu.region"() ({
        %run_scoped3A = tpu.sem_alloc : memref<!tpu.dma_semaphore, #tpu.memory_space<semaphore_mem>>
        %dma_start3A_47 = arith.constant 0 : i32
        %dma_start3A_48 = tpu.memref_slice %arg4[%add3A_14, %dma_start3A_47] : memref<2560x128xi32, #tpu.memory_space<hbm>> -> memref<1x128xi32, #tpu.memory_space<hbm>>
        %dma_start3A_49 = tpu.memref_squeeze %dma_start3A_48 : memref<1x128xi32, #tpu.memory_space<hbm>> -> memref<128xi32, #tpu.memory_space<hbm>>
        %dma_start3A_50 = arith.constant 0 : i32
        %dma_start3A_51 = tpu.memref_slice %arg4[%add3A_14, %dma_start3A_50] : memref<2560x128xi32, #tpu.memory_space<hbm>> -> memref<1x128xi32, #tpu.memory_space<hbm>>
        %dma_start3A_52 = tpu.memref_squeeze %dma_start3A_51 : memref<1x128xi32, #tpu.memory_space<hbm>> -> memref<128xi32, #tpu.memory_space<hbm>>
        tpu.enqueue_dma source(%dma_start3A_52 : memref<128xi32, #tpu.memory_space<hbm>>) target(%arg7 : memref<128xi32, #tpu.memory_space<vmem>>) target_semaphore(%run_scoped3A : memref<!tpu.dma_semaphore, #tpu.memory_space<semaphore_mem>>)
        %dma_wait3A_53 = arith.constant 0 : i32
        %dma_wait3A_54 = tpu.memref_slice %arg4[%add3A_14, %dma_wait3A_53] : memref<2560x128xi32, #tpu.memory_space<hbm>> -> memref<1x128xi32, #tpu.memory_space<hbm>>
        %dma_wait3A_55 = tpu.memref_squeeze %dma_wait3A_54 : memref<1x128xi32, #tpu.memory_space<hbm>> -> memref<128xi32, #tpu.memory_space<hbm>>
        %dma_wait3A_56 = arith.constant 0 : i32
        %dma_wait3A_57 = tpu.memref_slice %arg4[%add3A_14, %dma_wait3A_56] : memref<2560x128xi32, #tpu.memory_space<hbm>> -> memref<1x128xi32, #tpu.memory_space<hbm>>
        %dma_wait3A_58 = tpu.memref_squeeze %dma_wait3A_57 : memref<1x128xi32, #tpu.memory_space<hbm>> -> memref<128xi32, #tpu.memory_space<hbm>>
        tpu.wait_dma2 semaphore(%run_scoped3A : memref<!tpu.dma_semaphore, #tpu.memory_space<semaphore_mem>>) src(%dma_wait3A_58 : memref<128xi32, #tpu.memory_space<hbm>>) dst(%arg7 : memref<128xi32, #tpu.memory_space<vmem>>)
        tpu.yield
      }) : () -> ()
      %dma_start3A = arith.constant 0 : i32
      %dma_start3A_17 = arith.constant 0 : i32
      %dma_start3A_18 = tpu.memref_slice %arg2[%dma_start3A, %dma_start3A_17] : memref<10016x128xf32, #tpu.memory_space<hbm>> -> memref<10016x128xf32, #tpu.memory_space<hbm>>
      tpu.enqueue_indirect_dma source(%dma_start3A_18 : memref<10016x128xf32, #tpu.memory_space<hbm>>) target(%arg9 : memref<128x128xf32, #tpu.memory_space<vmem>>) offsets(%arg7 : memref<128xi32, #tpu.memory_space<vmem>>) semaphore(%arg13 : memref<!tpu.dma_semaphore, #tpu.memory_space<semaphore_mem>>)
      %dma_start3A_19 = arith.constant 0 : i32
      %dma_start3A_20 = arith.constant 0 : i32
      %dma_start3A_21 = tpu.memref_slice %arg3[%dma_start3A_19, %dma_start3A_20] : memref<10016x256xf32, #tpu.memory_space<hbm>> -> memref<10016x256xf32, #tpu.memory_space<hbm>>
      tpu.enqueue_indirect_dma source(%dma_start3A_21 : memref<10016x256xf32, #tpu.memory_space<hbm>>) target(%arg11 : memref<128x256xf32, #tpu.memory_space<vmem>>) offsets(%arg7 : memref<128xi32, #tpu.memory_space<vmem>>) semaphore(%arg13 : memref<!tpu.dma_semaphore, #tpu.memory_space<semaphore_mem>>)
      "tpu.region"() ({
        %run_scoped3A = tpu.sem_alloc : memref<!tpu.dma_semaphore, #tpu.memory_space<semaphore_mem>>
        %dma_start3A_47 = arith.constant 0 : i32
        %dma_start3A_48 = tpu.memref_slice %arg4[%add3A_16, %dma_start3A_47] : memref<2560x128xi32, #tpu.memory_space<hbm>> -> memref<1x128xi32, #tpu.memory_space<hbm>>
        %dma_start3A_49 = tpu.memref_squeeze %dma_start3A_48 : memref<1x128xi32, #tpu.memory_space<hbm>> -> memref<128xi32, #tpu.memory_space<hbm>>
        %dma_start3A_50 = arith.constant 0 : i32
        %dma_start3A_51 = tpu.memref_slice %arg4[%add3A_16, %dma_start3A_50] : memref<2560x128xi32, #tpu.memory_space<hbm>> -> memref<1x128xi32, #tpu.memory_space<hbm>>
        %dma_start3A_52 = tpu.memref_squeeze %dma_start3A_51 : memref<1x128xi32, #tpu.memory_space<hbm>> -> memref<128xi32, #tpu.memory_space<hbm>>
        tpu.enqueue_dma source(%dma_start3A_52 : memref<128xi32, #tpu.memory_space<hbm>>) target(%arg8 : memref<128xi32, #tpu.memory_space<vmem>>) target_semaphore(%run_scoped3A : memref<!tpu.dma_semaphore, #tpu.memory_space<semaphore_mem>>)
        %dma_wait3A_53 = arith.constant 0 : i32
        %dma_wait3A_54 = tpu.memref_slice %arg4[%add3A_16, %dma_wait3A_53] : memref<2560x128xi32, #tpu.memory_space<hbm>> -> memref<1x128xi32, #tpu.memory_space<hbm>>
        %dma_wait3A_55 = tpu.memref_squeeze %dma_wait3A_54 : memref<1x128xi32, #tpu.memory_space<hbm>> -> memref<128xi32, #tpu.memory_space<hbm>>
        %dma_wait3A_56 = arith.constant 0 : i32
        %dma_wait3A_57 = tpu.memref_slice %arg4[%add3A_16, %dma_wait3A_56] : memref<2560x128xi32, #tpu.memory_space<hbm>> -> memref<1x128xi32, #tpu.memory_space<hbm>>
        %dma_wait3A_58 = tpu.memref_squeeze %dma_wait3A_57 : memref<1x128xi32, #tpu.memory_space<hbm>> -> memref<128xi32, #tpu.memory_space<hbm>>
        tpu.wait_dma2 semaphore(%run_scoped3A : memref<!tpu.dma_semaphore, #tpu.memory_space<semaphore_mem>>) src(%dma_wait3A_58 : memref<128xi32, #tpu.memory_space<hbm>>) dst(%arg8 : memref<128xi32, #tpu.memory_space<vmem>>)
        tpu.yield
      }) : () -> ()
      %dma_start3A_22 = arith.constant 0 : i32
      %dma_start3A_23 = arith.constant 0 : i32
      %dma_start3A_24 = tpu.memref_slice %arg2[%dma_start3A_22, %dma_start3A_23] : memref<10016x128xf32, #tpu.memory_space<hbm>> -> memref<10016x128xf32, #tpu.memory_space<hbm>>
      tpu.enqueue_indirect_dma source(%dma_start3A_24 : memref<10016x128xf32, #tpu.memory_space<hbm>>) target(%arg10 : memref<128x128xf32, #tpu.memory_space<vmem>>) offsets(%arg8 : memref<128xi32, #tpu.memory_space<vmem>>) semaphore(%arg14 : memref<!tpu.dma_semaphore, #tpu.memory_space<semaphore_mem>>)
      %dma_start3A_25 = arith.constant 0 : i32
      %dma_start3A_26 = arith.constant 0 : i32
      %dma_start3A_27 = tpu.memref_slice %arg3[%dma_start3A_25, %dma_start3A_26] : memref<10016x256xf32, #tpu.memory_space<hbm>> -> memref<10016x256xf32, #tpu.memory_space<hbm>>
      tpu.enqueue_indirect_dma source(%dma_start3A_27 : memref<10016x256xf32, #tpu.memory_space<hbm>>) target(%arg12 : memref<128x256xf32, #tpu.memory_space<vmem>>) offsets(%arg8 : memref<128xi32, #tpu.memory_space<vmem>>) semaphore(%arg14 : memref<!tpu.dma_semaphore, #tpu.memory_space<semaphore_mem>>)
      %dma_wait3A = arith.constant 0 : i32
      %dma_wait3A_28 = arith.constant 0 : i32
      %dma_wait3A_29 = tpu.memref_slice %arg2[%dma_wait3A, %dma_wait3A_28] : memref<10016x128xf32, #tpu.memory_space<hbm>> -> memref<10016x128xf32, #tpu.memory_space<hbm>>
      tpu.wait_indirect_dma semaphore(%arg13 : memref<!tpu.dma_semaphore, #tpu.memory_space<semaphore_mem>>) src(%dma_wait3A_29 : memref<10016x128xf32, #tpu.memory_space<hbm>>) dst(%arg9 : memref<128x128xf32, #tpu.memory_space<vmem>>)
      %dma_wait3A_30 = arith.constant 0 : i32
      %dma_wait3A_31 = arith.constant 0 : i32
      %dma_wait3A_32 = tpu.memref_slice %arg3[%dma_wait3A_30, %dma_wait3A_31] : memref<10016x256xf32, #tpu.memory_space<hbm>> -> memref<10016x256xf32, #tpu.memory_space<hbm>>
      tpu.wait_indirect_dma semaphore(%arg13 : memref<!tpu.dma_semaphore, #tpu.memory_space<semaphore_mem>>) src(%dma_wait3A_32 : memref<10016x256xf32, #tpu.memory_space<hbm>>) dst(%arg11 : memref<128x256xf32, #tpu.memory_space<vmem>>)
      %mul3A_33 = arith.constant 128 : i32
      %mul3A_34 = arith.muli %add3A_14, %mul3A_33 : i32
      "tpu.region"() ({
        %run_scoped3A = tpu.sem_alloc : memref<!tpu.dma_semaphore, #tpu.memory_space<semaphore_mem>>
        %dma_start3A_47 = arith.constant 0 : i32
        %dma_start3A_48 = tpu.memref_slice %arg5[%mul3A_34, %dma_start3A_47] : memref<327680x128xf32, #tpu.memory_space<hbm>> -> memref<128x128xf32, #tpu.memory_space<hbm>>
        %dma_start3A_49 = arith.constant 0 : i32
        %dma_start3A_50 = tpu.memref_slice %arg5[%mul3A_34, %dma_start3A_49] : memref<327680x128xf32, #tpu.memory_space<hbm>> -> memref<128x128xf32, #tpu.memory_space<hbm>>
        tpu.enqueue_dma source(%arg9 : memref<128x128xf32, #tpu.memory_space<vmem>>) target(%dma_start3A_50 : memref<128x128xf32, #tpu.memory_space<hbm>>) target_semaphore(%run_scoped3A : memref<!tpu.dma_semaphore, #tpu.memory_space<semaphore_mem>>)
        %dma_wait3A_51 = arith.constant 0 : i32
        %dma_wait3A_52 = tpu.memref_slice %arg5[%mul3A_34, %dma_wait3A_51] : memref<327680x128xf32, #tpu.memory_space<hbm>> -> memref<128x128xf32, #tpu.memory_space<hbm>>
        %dma_wait3A_53 = arith.constant 0 : i32
        %dma_wait3A_54 = tpu.memref_slice %arg5[%mul3A_34, %dma_wait3A_53] : memref<327680x128xf32, #tpu.memory_space<hbm>> -> memref<128x128xf32, #tpu.memory_space<hbm>>
        tpu.wait_dma2 semaphore(%run_scoped3A : memref<!tpu.dma_semaphore, #tpu.memory_space<semaphore_mem>>) src(%arg9 : memref<128x128xf32, #tpu.memory_space<vmem>>) dst(%dma_wait3A_54 : memref<128x128xf32, #tpu.memory_space<hbm>>)
        tpu.yield
      }) : () -> ()
      %mul3A_35 = arith.constant 128 : i32
      %mul3A_36 = arith.muli %add3A_14, %mul3A_35 : i32
      "tpu.region"() ({
        %run_scoped3A = tpu.sem_alloc : memref<!tpu.dma_semaphore, #tpu.memory_space<semaphore_mem>>
        %dma_start3A_47 = arith.constant 0 : i32
        %dma_start3A_48 = tpu.memref_slice %arg6[%mul3A_36, %dma_start3A_47] : memref<327680x256xf32, #tpu.memory_space<hbm>> -> memref<128x256xf32, #tpu.memory_space<hbm>>
        %dma_start3A_49 = arith.constant 0 : i32
        %dma_start3A_50 = tpu.memref_slice %arg6[%mul3A_36, %dma_start3A_49] : memref<327680x256xf32, #tpu.memory_space<hbm>> -> memref<128x256xf32, #tpu.memory_space<hbm>>
        tpu.enqueue_dma source(%arg11 : memref<128x256xf32, #tpu.memory_space<vmem>>) target(%dma_start3A_50 : memref<128x256xf32, #tpu.memory_space<hbm>>) target_semaphore(%run_scoped3A : memref<!tpu.dma_semaphore, #tpu.memory_space<semaphore_mem>>)
        %dma_wait3A_51 = arith.constant 0 : i32
        %dma_wait3A_52 = tpu.memref_slice %arg6[%mul3A_36, %dma_wait3A_51] : memref<327680x256xf32, #tpu.memory_space<hbm>> -> memref<128x256xf32, #tpu.memory_space<hbm>>
        %dma_wait3A_53 = arith.constant 0 : i32
        %dma_wait3A_54 = tpu.memref_slice %arg6[%mul3A_36, %dma_wait3A_53] : memref<327680x256xf32, #tpu.memory_space<hbm>> -> memref<128x256xf32, #tpu.memory_space<hbm>>
        tpu.wait_dma2 semaphore(%run_scoped3A : memref<!tpu.dma_semaphore, #tpu.memory_space<semaphore_mem>>) src(%arg11 : memref<128x256xf32, #tpu.memory_space<vmem>>) dst(%dma_wait3A_54 : memref<128x256xf32, #tpu.memory_space<hbm>>)
        tpu.yield
      }) : () -> ()
      %dma_wait3A_37 = arith.constant 0 : i32
      %dma_wait3A_38 = arith.constant 0 : i32
      %dma_wait3A_39 = tpu.memref_slice %arg2[%dma_wait3A_37, %dma_wait3A_38] : memref<10016x128xf32, #tpu.memory_space<hbm>> -> memref<10016x128xf32, #tpu.memory_space<hbm>>
      tpu.wait_indirect_dma semaphore(%arg14 : memref<!tpu.dma_semaphore, #tpu.memory_space<semaphore_mem>>) src(%dma_wait3A_39 : memref<10016x128xf32, #tpu.memory_space<hbm>>) dst(%arg10 : memref<128x128xf32, #tpu.memory_space<vmem>>)
      %dma_wait3A_40 = arith.constant 0 : i32
      %dma_wait3A_41 = arith.constant 0 : i32
      %dma_wait3A_42 = tpu.memref_slice %arg3[%dma_wait3A_40, %dma_wait3A_41] : memref<10016x256xf32, #tpu.memory_space<hbm>> -> memref<10016x256xf32, #tpu.memory_space<hbm>>
      tpu.wait_indirect_dma semaphore(%arg14 : memref<!tpu.dma_semaphore, #tpu.memory_space<semaphore_mem>>) src(%dma_wait3A_42 : memref<10016x256xf32, #tpu.memory_space<hbm>>) dst(%arg12 : memref<128x256xf32, #tpu.memory_space<vmem>>)
      %mul3A_43 = arith.constant 128 : i32
      %mul3A_44 = arith.muli %add3A_16, %mul3A_43 : i32
      "tpu.region"() ({
        %run_scoped3A = tpu.sem_alloc : memref<!tpu.dma_semaphore, #tpu.memory_space<semaphore_mem>>
        %dma_start3A_47 = arith.constant 0 : i32
        %dma_start3A_48 = tpu.memref_slice %arg5[%mul3A_44, %dma_start3A_47] : memref<327680x128xf32, #tpu.memory_space<hbm>> -> memref<128x128xf32, #tpu.memory_space<hbm>>
        %dma_start3A_49 = arith.constant 0 : i32
        %dma_start3A_50 = tpu.memref_slice %arg5[%mul3A_44, %dma_start3A_49] : memref<327680x128xf32, #tpu.memory_space<hbm>> -> memref<128x128xf32, #tpu.memory_space<hbm>>
        tpu.enqueue_dma source(%arg10 : memref<128x128xf32, #tpu.memory_space<vmem>>) target(%dma_start3A_50 : memref<128x128xf32, #tpu.memory_space<hbm>>) target_semaphore(%run_scoped3A : memref<!tpu.dma_semaphore, #tpu.memory_space<semaphore_mem>>)
        %dma_wait3A_51 = arith.constant 0 : i32
        %dma_wait3A_52 = tpu.memref_slice %arg5[%mul3A_44, %dma_wait3A_51] : memref<327680x128xf32, #tpu.memory_space<hbm>> -> memref<128x128xf32, #tpu.memory_space<hbm>>
        %dma_wait3A_53 = arith.constant 0 : i32
        %dma_wait3A_54 = tpu.memref_slice %arg5[%mul3A_44, %dma_wait3A_53] : memref<327680x128xf32, #tpu.memory_space<hbm>> -> memref<128x128xf32, #tpu.memory_space<hbm>>
        tpu.wait_dma2 semaphore(%run_scoped3A : memref<!tpu.dma_semaphore, #tpu.memory_space<semaphore_mem>>) src(%arg10 : memref<128x128xf32, #tpu.memory_space<vmem>>) dst(%dma_wait3A_54 : memref<128x128xf32, #tpu.memory_space<hbm>>)
        tpu.yield
      }) : () -> ()
      %mul3A_45 = arith.constant 128 : i32
      %mul3A_46 = arith.muli %add3A_16, %mul3A_45 : i32
      "tpu.region"() ({
        %run_scoped3A = tpu.sem_alloc : memref<!tpu.dma_semaphore, #tpu.memory_space<semaphore_mem>>
        %dma_start3A_47 = arith.constant 0 : i32
        %dma_start3A_48 = tpu.memref_slice %arg6[%mul3A_46, %dma_start3A_47] : memref<327680x256xf32, #tpu.memory_space<hbm>> -> memref<128x256xf32, #tpu.memory_space<hbm>>
        %dma_start3A_49 = arith.constant 0 : i32
        %dma_start3A_50 = tpu.memref_slice %arg6[%mul3A_46, %dma_start3A_49] : memref<327680x256xf32, #tpu.memory_space<hbm>> -> memref<128x256xf32, #tpu.memory_space<hbm>>
        tpu.enqueue_dma source(%arg12 : memref<128x256xf32, #tpu.memory_space<vmem>>) target(%dma_start3A_50 : memref<128x256xf32, #tpu.memory_space<hbm>>) target_semaphore(%run_scoped3A : memref<!tpu.dma_semaphore, #tpu.memory_space<semaphore_mem>>)
        %dma_wait3A_51 = arith.constant 0 : i32
        %dma_wait3A_52 = tpu.memref_slice %arg6[%mul3A_46, %dma_wait3A_51] : memref<327680x256xf32, #tpu.memory_space<hbm>> -> memref<128x256xf32, #tpu.memory_space<hbm>>
        %dma_wait3A_53 = arith.constant 0 : i32
        %dma_wait3A_54 = tpu.memref_slice %arg6[%mul3A_46, %dma_wait3A_53] : memref<327680x256xf32, #tpu.memory_space<hbm>> -> memref<128x256xf32, #tpu.memory_space<hbm>>
        tpu.wait_dma2 semaphore(%run_scoped3A : memref<!tpu.dma_semaphore, #tpu.memory_space<semaphore_mem>>) src(%arg12 : memref<128x256xf32, #tpu.memory_space<vmem>>) dst(%dma_wait3A_54 : memref<128x256xf32, #tpu.memory_space<hbm>>)
        tpu.yield
      }) : () -> ()
    }
    %scan3A_4 = arith.constant 40 : i32
    return
  }
}

#map = affine_map<(d0, d1) -> (0, 0)>
#map1 = affine_map<(d0, d1) -> (0, 0, 0)>
module attributes {stable_mosaic.version = 14 : i64} {
  func.func @_scat_e_body(%arg0: i32, %arg1: i32, %arg2: memref<327680x128xf32, #tpu.memory_space<hbm>>, %arg3: memref<2560x128xi32, #tpu.memory_space<hbm>>, %arg4: memref<128x128xf32, #tpu.memory_space<hbm>>, %arg5: memref<128x128xf32, #tpu.memory_space<hbm>>, %arg6: memref<2x5120x128xf32, #tpu.memory_space<hbm>>, %arg7: memref<2x5120x128xf32, #tpu.memory_space<hbm>>, %arg8: memref<128xi32, #tpu.memory_space<vmem>>, %arg9: memref<128x128xf32, #tpu.memory_space<vmem>>, %arg10: memref<128x128xf32, #tpu.memory_space<vmem>>, %arg11: memref<5120x128xf32, #tpu.memory_space<vmem_shared>>, %arg12: memref<5120x128xf32, #tpu.memory_space<vmem_shared>>) attributes {dimension_semantics = [#tpu.dimension_semantics<core_parallel>, #tpu.dimension_semantics<subcore_parallel>], iteration_bounds = array<i64: 2, 16>, scalar_prefetch = 0 : i64, scratch_operands = 5 : i64, tpu.core_type = #tpu.core_type<sc_vector_subcore>, window_params = [{transform_indices = #map}, {transform_indices = #map}, {transform_indices = #map}, {transform_indices = #map}, {transform_indices = #map1}, {transform_indices = #map1}]} {
    "tpu.region"() ({
      %run_scoped3A = tpu.sem_alloc : memref<!tpu.dma_semaphore, #tpu.memory_space<semaphore_mem>>
      tpu.enqueue_dma source(%arg4 : memref<128x128xf32, #tpu.memory_space<hbm>>) target(%arg9 : memref<128x128xf32, #tpu.memory_space<vmem>>) target_semaphore(%run_scoped3A : memref<!tpu.dma_semaphore, #tpu.memory_space<semaphore_mem>>)
      tpu.wait_dma2 semaphore(%run_scoped3A : memref<!tpu.dma_semaphore, #tpu.memory_space<semaphore_mem>>) src(%arg4 : memref<128x128xf32, #tpu.memory_space<hbm>>) dst(%arg9 : memref<128x128xf32, #tpu.memory_space<vmem>>)
      tpu.yield
    }) : () -> ()
    %mul3A = arith.constant 320 : i32
    %mul3A_0 = arith.muli %arg1, %mul3A : i32
    %add3A = arith.constant 0 : i32
    %add3A_1 = arith.addi %mul3A_0, %add3A : i32
    "tpu.region"() ({
      %run_scoped3A = tpu.sem_alloc : memref<!tpu.dma_semaphore, #tpu.memory_space<semaphore_mem>>
      %dma_start3A = arith.constant 0 : i32
      %dma_start3A_75 = arith.constant 0 : i32
      %dma_start3A_76 = tpu.memref_slice %arg9[%dma_start3A, %dma_start3A_75] : memref<128x128xf32, #tpu.memory_space<vmem>> -> memref<128x128xf32, #tpu.memory_space<vmem>>
      %dma_start3A_77 = arith.constant 0 : i32
      %dma_start3A_78 = tpu.memref_slice %arg11[%add3A_1, %dma_start3A_77] : memref<5120x128xf32, #tpu.memory_space<vmem_shared>> -> memref<128x128xf32, #tpu.memory_space<vmem_shared>>
      %dma_start3A_79 = arith.constant 0 : i32
      %dma_start3A_80 = tpu.memref_slice %arg11[%add3A_1, %dma_start3A_79] : memref<5120x128xf32, #tpu.memory_space<vmem_shared>> -> memref<128x128xf32, #tpu.memory_space<vmem_shared>>
      %dma_start3A_81 = arith.constant 0 : i32
      %dma_start3A_82 = arith.constant 0 : i32
      %dma_start3A_83 = tpu.memref_slice %arg9[%dma_start3A_81, %dma_start3A_82] : memref<128x128xf32, #tpu.memory_space<vmem>> -> memref<128x128xf32, #tpu.memory_space<vmem>>
      tpu.enqueue_dma source(%dma_start3A_83 : memref<128x128xf32, #tpu.memory_space<vmem>>) target(%dma_start3A_80 : memref<128x128xf32, #tpu.memory_space<vmem_shared>>) target_semaphore(%run_scoped3A : memref<!tpu.dma_semaphore, #tpu.memory_space<semaphore_mem>>)
      %dma_wait3A = arith.constant 0 : i32
      %dma_wait3A_84 = arith.constant 0 : i32
      %dma_wait3A_85 = tpu.memref_slice %arg9[%dma_wait3A, %dma_wait3A_84] : memref<128x128xf32, #tpu.memory_space<vmem>> -> memref<128x128xf32, #tpu.memory_space<vmem>>
      %dma_wait3A_86 = arith.constant 0 : i32
      %dma_wait3A_87 = tpu.memref_slice %arg11[%add3A_1, %dma_wait3A_86] : memref<5120x128xf32, #tpu.memory_space<vmem_shared>> -> memref<128x128xf32, #tpu.memory_space<vmem_shared>>
      %dma_wait3A_88 = arith.constant 0 : i32
      %dma_wait3A_89 = tpu.memref_slice %arg11[%add3A_1, %dma_wait3A_88] : memref<5120x128xf32, #tpu.memory_space<vmem_shared>> -> memref<128x128xf32, #tpu.memory_space<vmem_shared>>
      %dma_wait3A_90 = arith.constant 0 : i32
      %dma_wait3A_91 = arith.constant 0 : i32
      %dma_wait3A_92 = tpu.memref_slice %arg9[%dma_wait3A_90, %dma_wait3A_91] : memref<128x128xf32, #tpu.memory_space<vmem>> -> memref<128x128xf32, #tpu.memory_space<vmem>>
      tpu.wait_dma2 semaphore(%run_scoped3A : memref<!tpu.dma_semaphore, #tpu.memory_space<semaphore_mem>>) src(%dma_wait3A_92 : memref<128x128xf32, #tpu.memory_space<vmem>>) dst(%dma_wait3A_89 : memref<128x128xf32, #tpu.memory_space<vmem_shared>>)
      tpu.yield
    }) : () -> ()
    %mul3A_2 = arith.constant 320 : i32
    %mul3A_3 = arith.muli %arg1, %mul3A_2 : i32
    %add3A_4 = arith.constant 0 : i32
    %add3A_5 = arith.addi %mul3A_3, %add3A_4 : i32
    "tpu.region"() ({
      %run_scoped3A = tpu.sem_alloc : memref<!tpu.dma_semaphore, #tpu.memory_space<semaphore_mem>>
      %dma_start3A = arith.constant 0 : i32
      %dma_start3A_75 = arith.constant 0 : i32
      %dma_start3A_76 = tpu.memref_slice %arg9[%dma_start3A, %dma_start3A_75] : memref<128x128xf32, #tpu.memory_space<vmem>> -> memref<128x128xf32, #tpu.memory_space<vmem>>
      %dma_start3A_77 = arith.constant 0 : i32
      %dma_start3A_78 = tpu.memref_slice %arg12[%add3A_5, %dma_start3A_77] : memref<5120x128xf32, #tpu.memory_space<vmem_shared>> -> memref<128x128xf32, #tpu.memory_space<vmem_shared>>
      %dma_start3A_79 = arith.constant 0 : i32
      %dma_start3A_80 = tpu.memref_slice %arg12[%add3A_5, %dma_start3A_79] : memref<5120x128xf32, #tpu.memory_space<vmem_shared>> -> memref<128x128xf32, #tpu.memory_space<vmem_shared>>
      %dma_start3A_81 = arith.constant 0 : i32
      %dma_start3A_82 = arith.constant 0 : i32
      %dma_start3A_83 = tpu.memref_slice %arg9[%dma_start3A_81, %dma_start3A_82] : memref<128x128xf32, #tpu.memory_space<vmem>> -> memref<128x128xf32, #tpu.memory_space<vmem>>
      tpu.enqueue_dma source(%dma_start3A_83 : memref<128x128xf32, #tpu.memory_space<vmem>>) target(%dma_start3A_80 : memref<128x128xf32, #tpu.memory_space<vmem_shared>>) target_semaphore(%run_scoped3A : memref<!tpu.dma_semaphore, #tpu.memory_space<semaphore_mem>>)
      %dma_wait3A = arith.constant 0 : i32
      %dma_wait3A_84 = arith.constant 0 : i32
      %dma_wait3A_85 = tpu.memref_slice %arg9[%dma_wait3A, %dma_wait3A_84] : memref<128x128xf32, #tpu.memory_space<vmem>> -> memref<128x128xf32, #tpu.memory_space<vmem>>
      %dma_wait3A_86 = arith.constant 0 : i32
      %dma_wait3A_87 = tpu.memref_slice %arg12[%add3A_5, %dma_wait3A_86] : memref<5120x128xf32, #tpu.memory_space<vmem_shared>> -> memref<128x128xf32, #tpu.memory_space<vmem_shared>>
      %dma_wait3A_88 = arith.constant 0 : i32
      %dma_wait3A_89 = tpu.memref_slice %arg12[%add3A_5, %dma_wait3A_88] : memref<5120x128xf32, #tpu.memory_space<vmem_shared>> -> memref<128x128xf32, #tpu.memory_space<vmem_shared>>
      %dma_wait3A_90 = arith.constant 0 : i32
      %dma_wait3A_91 = arith.constant 0 : i32
      %dma_wait3A_92 = tpu.memref_slice %arg9[%dma_wait3A_90, %dma_wait3A_91] : memref<128x128xf32, #tpu.memory_space<vmem>> -> memref<128x128xf32, #tpu.memory_space<vmem>>
      tpu.wait_dma2 semaphore(%run_scoped3A : memref<!tpu.dma_semaphore, #tpu.memory_space<semaphore_mem>>) src(%dma_wait3A_92 : memref<128x128xf32, #tpu.memory_space<vmem>>) dst(%dma_wait3A_89 : memref<128x128xf32, #tpu.memory_space<vmem_shared>>)
      tpu.yield
    }) : () -> ()
    %mul3A_6 = arith.constant 320 : i32
    %mul3A_7 = arith.muli %arg1, %mul3A_6 : i32
    %add3A_8 = arith.constant 128 : i32
    %add3A_9 = arith.addi %mul3A_7, %add3A_8 : i32
    "tpu.region"() ({
      %run_scoped3A = tpu.sem_alloc : memref<!tpu.dma_semaphore, #tpu.memory_space<semaphore_mem>>
      %dma_start3A = arith.constant 0 : i32
      %dma_start3A_75 = arith.constant 0 : i32
      %dma_start3A_76 = tpu.memref_slice %arg9[%dma_start3A, %dma_start3A_75] : memref<128x128xf32, #tpu.memory_space<vmem>> -> memref<128x128xf32, #tpu.memory_space<vmem>>
      %dma_start3A_77 = arith.constant 0 : i32
      %dma_start3A_78 = tpu.memref_slice %arg11[%add3A_9, %dma_start3A_77] : memref<5120x128xf32, #tpu.memory_space<vmem_shared>> -> memref<128x128xf32, #tpu.memory_space<vmem_shared>>
      %dma_start3A_79 = arith.constant 0 : i32
      %dma_start3A_80 = tpu.memref_slice %arg11[%add3A_9, %dma_start3A_79] : memref<5120x128xf32, #tpu.memory_space<vmem_shared>> -> memref<128x128xf32, #tpu.memory_space<vmem_shared>>
      %dma_start3A_81 = arith.constant 0 : i32
      %dma_start3A_82 = arith.constant 0 : i32
      %dma_start3A_83 = tpu.memref_slice %arg9[%dma_start3A_81, %dma_start3A_82] : memref<128x128xf32, #tpu.memory_space<vmem>> -> memref<128x128xf32, #tpu.memory_space<vmem>>
      tpu.enqueue_dma source(%dma_start3A_83 : memref<128x128xf32, #tpu.memory_space<vmem>>) target(%dma_start3A_80 : memref<128x128xf32, #tpu.memory_space<vmem_shared>>) target_semaphore(%run_scoped3A : memref<!tpu.dma_semaphore, #tpu.memory_space<semaphore_mem>>)
      %dma_wait3A = arith.constant 0 : i32
      %dma_wait3A_84 = arith.constant 0 : i32
      %dma_wait3A_85 = tpu.memref_slice %arg9[%dma_wait3A, %dma_wait3A_84] : memref<128x128xf32, #tpu.memory_space<vmem>> -> memref<128x128xf32, #tpu.memory_space<vmem>>
      %dma_wait3A_86 = arith.constant 0 : i32
      %dma_wait3A_87 = tpu.memref_slice %arg11[%add3A_9, %dma_wait3A_86] : memref<5120x128xf32, #tpu.memory_space<vmem_shared>> -> memref<128x128xf32, #tpu.memory_space<vmem_shared>>
      %dma_wait3A_88 = arith.constant 0 : i32
      %dma_wait3A_89 = tpu.memref_slice %arg11[%add3A_9, %dma_wait3A_88] : memref<5120x128xf32, #tpu.memory_space<vmem_shared>> -> memref<128x128xf32, #tpu.memory_space<vmem_shared>>
      %dma_wait3A_90 = arith.constant 0 : i32
      %dma_wait3A_91 = arith.constant 0 : i32
      %dma_wait3A_92 = tpu.memref_slice %arg9[%dma_wait3A_90, %dma_wait3A_91] : memref<128x128xf32, #tpu.memory_space<vmem>> -> memref<128x128xf32, #tpu.memory_space<vmem>>
      tpu.wait_dma2 semaphore(%run_scoped3A : memref<!tpu.dma_semaphore, #tpu.memory_space<semaphore_mem>>) src(%dma_wait3A_92 : memref<128x128xf32, #tpu.memory_space<vmem>>) dst(%dma_wait3A_89 : memref<128x128xf32, #tpu.memory_space<vmem_shared>>)
      tpu.yield
    }) : () -> ()
    %mul3A_10 = arith.constant 320 : i32
    %mul3A_11 = arith.muli %arg1, %mul3A_10 : i32
    %add3A_12 = arith.constant 128 : i32
    %add3A_13 = arith.addi %mul3A_11, %add3A_12 : i32
    "tpu.region"() ({
      %run_scoped3A = tpu.sem_alloc : memref<!tpu.dma_semaphore, #tpu.memory_space<semaphore_mem>>
      %dma_start3A = arith.constant 0 : i32
      %dma_start3A_75 = arith.constant 0 : i32
      %dma_start3A_76 = tpu.memref_slice %arg9[%dma_start3A, %dma_start3A_75] : memref<128x128xf32, #tpu.memory_space<vmem>> -> memref<128x128xf32, #tpu.memory_space<vmem>>
      %dma_start3A_77 = arith.constant 0 : i32
      %dma_start3A_78 = tpu.memref_slice %arg12[%add3A_13, %dma_start3A_77] : memref<5120x128xf32, #tpu.memory_space<vmem_shared>> -> memref<128x128xf32, #tpu.memory_space<vmem_shared>>
      %dma_start3A_79 = arith.constant 0 : i32
      %dma_start3A_80 = tpu.memref_slice %arg12[%add3A_13, %dma_start3A_79] : memref<5120x128xf32, #tpu.memory_space<vmem_shared>> -> memref<128x128xf32, #tpu.memory_space<vmem_shared>>
      %dma_start3A_81 = arith.constant 0 : i32
      %dma_start3A_82 = arith.constant 0 : i32
      %dma_start3A_83 = tpu.memref_slice %arg9[%dma_start3A_81, %dma_start3A_82] : memref<128x128xf32, #tpu.memory_space<vmem>> -> memref<128x128xf32, #tpu.memory_space<vmem>>
      tpu.enqueue_dma source(%dma_start3A_83 : memref<128x128xf32, #tpu.memory_space<vmem>>) target(%dma_start3A_80 : memref<128x128xf32, #tpu.memory_space<vmem_shared>>) target_semaphore(%run_scoped3A : memref<!tpu.dma_semaphore, #tpu.memory_space<semaphore_mem>>)
      %dma_wait3A = arith.constant 0 : i32
      %dma_wait3A_84 = arith.constant 0 : i32
      %dma_wait3A_85 = tpu.memref_slice %arg9[%dma_wait3A, %dma_wait3A_84] : memref<128x128xf32, #tpu.memory_space<vmem>> -> memref<128x128xf32, #tpu.memory_space<vmem>>
      %dma_wait3A_86 = arith.constant 0 : i32
      %dma_wait3A_87 = tpu.memref_slice %arg12[%add3A_13, %dma_wait3A_86] : memref<5120x128xf32, #tpu.memory_space<vmem_shared>> -> memref<128x128xf32, #tpu.memory_space<vmem_shared>>
      %dma_wait3A_88 = arith.constant 0 : i32
      %dma_wait3A_89 = tpu.memref_slice %arg12[%add3A_13, %dma_wait3A_88] : memref<5120x128xf32, #tpu.memory_space<vmem_shared>> -> memref<128x128xf32, #tpu.memory_space<vmem_shared>>
      %dma_wait3A_90 = arith.constant 0 : i32
      %dma_wait3A_91 = arith.constant 0 : i32
      %dma_wait3A_92 = tpu.memref_slice %arg9[%dma_wait3A_90, %dma_wait3A_91] : memref<128x128xf32, #tpu.memory_space<vmem>> -> memref<128x128xf32, #tpu.memory_space<vmem>>
      tpu.wait_dma2 semaphore(%run_scoped3A : memref<!tpu.dma_semaphore, #tpu.memory_space<semaphore_mem>>) src(%dma_wait3A_92 : memref<128x128xf32, #tpu.memory_space<vmem>>) dst(%dma_wait3A_89 : memref<128x128xf32, #tpu.memory_space<vmem_shared>>)
      tpu.yield
    }) : () -> ()
    %mul3A_14 = arith.constant 320 : i32
    %mul3A_15 = arith.muli %arg1, %mul3A_14 : i32
    %add3A_16 = arith.constant 256 : i32
    %add3A_17 = arith.addi %mul3A_15, %add3A_16 : i32
    "tpu.region"() ({
      %run_scoped3A = tpu.sem_alloc : memref<!tpu.dma_semaphore, #tpu.memory_space<semaphore_mem>>
      %dma_start3A = arith.constant 0 : i32
      %dma_start3A_75 = arith.constant 0 : i32
      %dma_start3A_76 = tpu.memref_slice %arg9[%dma_start3A, %dma_start3A_75] : memref<128x128xf32, #tpu.memory_space<vmem>> -> memref<64x128xf32, #tpu.memory_space<vmem>>
      %dma_start3A_77 = arith.constant 0 : i32
      %dma_start3A_78 = tpu.memref_slice %arg11[%add3A_17, %dma_start3A_77] : memref<5120x128xf32, #tpu.memory_space<vmem_shared>> -> memref<64x128xf32, #tpu.memory_space<vmem_shared>>
      %dma_start3A_79 = arith.constant 0 : i32
      %dma_start3A_80 = tpu.memref_slice %arg11[%add3A_17, %dma_start3A_79] : memref<5120x128xf32, #tpu.memory_space<vmem_shared>> -> memref<64x128xf32, #tpu.memory_space<vmem_shared>>
      %dma_start3A_81 = arith.constant 0 : i32
      %dma_start3A_82 = arith.constant 0 : i32
      %dma_start3A_83 = tpu.memref_slice %arg9[%dma_start3A_81, %dma_start3A_82] : memref<128x128xf32, #tpu.memory_space<vmem>> -> memref<64x128xf32, #tpu.memory_space<vmem>>
      tpu.enqueue_dma source(%dma_start3A_83 : memref<64x128xf32, #tpu.memory_space<vmem>>) target(%dma_start3A_80 : memref<64x128xf32, #tpu.memory_space<vmem_shared>>) target_semaphore(%run_scoped3A : memref<!tpu.dma_semaphore, #tpu.memory_space<semaphore_mem>>)
      %dma_wait3A = arith.constant 0 : i32
      %dma_wait3A_84 = arith.constant 0 : i32
      %dma_wait3A_85 = tpu.memref_slice %arg9[%dma_wait3A, %dma_wait3A_84] : memref<128x128xf32, #tpu.memory_space<vmem>> -> memref<64x128xf32, #tpu.memory_space<vmem>>
      %dma_wait3A_86 = arith.constant 0 : i32
      %dma_wait3A_87 = tpu.memref_slice %arg11[%add3A_17, %dma_wait3A_86] : memref<5120x128xf32, #tpu.memory_space<vmem_shared>> -> memref<64x128xf32, #tpu.memory_space<vmem_shared>>
      %dma_wait3A_88 = arith.constant 0 : i32
      %dma_wait3A_89 = tpu.memref_slice %arg11[%add3A_17, %dma_wait3A_88] : memref<5120x128xf32, #tpu.memory_space<vmem_shared>> -> memref<64x128xf32, #tpu.memory_space<vmem_shared>>
      %dma_wait3A_90 = arith.constant 0 : i32
      %dma_wait3A_91 = arith.constant 0 : i32
      %dma_wait3A_92 = tpu.memref_slice %arg9[%dma_wait3A_90, %dma_wait3A_91] : memref<128x128xf32, #tpu.memory_space<vmem>> -> memref<64x128xf32, #tpu.memory_space<vmem>>
      tpu.wait_dma2 semaphore(%run_scoped3A : memref<!tpu.dma_semaphore, #tpu.memory_space<semaphore_mem>>) src(%dma_wait3A_92 : memref<64x128xf32, #tpu.memory_space<vmem>>) dst(%dma_wait3A_89 : memref<64x128xf32, #tpu.memory_space<vmem_shared>>)
      tpu.yield
    }) : () -> ()
    %mul3A_18 = arith.constant 320 : i32
    %mul3A_19 = arith.muli %arg1, %mul3A_18 : i32
    %add3A_20 = arith.constant 256 : i32
    %add3A_21 = arith.addi %mul3A_19, %add3A_20 : i32
    "tpu.region"() ({
      %run_scoped3A = tpu.sem_alloc : memref<!tpu.dma_semaphore, #tpu.memory_space<semaphore_mem>>
      %dma_start3A = arith.constant 0 : i32
      %dma_start3A_75 = arith.constant 0 : i32
      %dma_start3A_76 = tpu.memref_slice %arg9[%dma_start3A, %dma_start3A_75] : memref<128x128xf32, #tpu.memory_space<vmem>> -> memref<64x128xf32, #tpu.memory_space<vmem>>
      %dma_start3A_77 = arith.constant 0 : i32
      %dma_start3A_78 = tpu.memref_slice %arg12[%add3A_21, %dma_start3A_77] : memref<5120x128xf32, #tpu.memory_space<vmem_shared>> -> memref<64x128xf32, #tpu.memory_space<vmem_shared>>
      %dma_start3A_79 = arith.constant 0 : i32
      %dma_start3A_80 = tpu.memref_slice %arg12[%add3A_21, %dma_start3A_79] : memref<5120x128xf32, #tpu.memory_space<vmem_shared>> -> memref<64x128xf32, #tpu.memory_space<vmem_shared>>
      %dma_start3A_81 = arith.constant 0 : i32
      %dma_start3A_82 = arith.constant 0 : i32
      %dma_start3A_83 = tpu.memref_slice %arg9[%dma_start3A_81, %dma_start3A_82] : memref<128x128xf32, #tpu.memory_space<vmem>> -> memref<64x128xf32, #tpu.memory_space<vmem>>
      tpu.enqueue_dma source(%dma_start3A_83 : memref<64x128xf32, #tpu.memory_space<vmem>>) target(%dma_start3A_80 : memref<64x128xf32, #tpu.memory_space<vmem_shared>>) target_semaphore(%run_scoped3A : memref<!tpu.dma_semaphore, #tpu.memory_space<semaphore_mem>>)
      %dma_wait3A = arith.constant 0 : i32
      %dma_wait3A_84 = arith.constant 0 : i32
      %dma_wait3A_85 = tpu.memref_slice %arg9[%dma_wait3A, %dma_wait3A_84] : memref<128x128xf32, #tpu.memory_space<vmem>> -> memref<64x128xf32, #tpu.memory_space<vmem>>
      %dma_wait3A_86 = arith.constant 0 : i32
      %dma_wait3A_87 = tpu.memref_slice %arg12[%add3A_21, %dma_wait3A_86] : memref<5120x128xf32, #tpu.memory_space<vmem_shared>> -> memref<64x128xf32, #tpu.memory_space<vmem_shared>>
      %dma_wait3A_88 = arith.constant 0 : i32
      %dma_wait3A_89 = tpu.memref_slice %arg12[%add3A_21, %dma_wait3A_88] : memref<5120x128xf32, #tpu.memory_space<vmem_shared>> -> memref<64x128xf32, #tpu.memory_space<vmem_shared>>
      %dma_wait3A_90 = arith.constant 0 : i32
      %dma_wait3A_91 = arith.constant 0 : i32
      %dma_wait3A_92 = tpu.memref_slice %arg9[%dma_wait3A_90, %dma_wait3A_91] : memref<128x128xf32, #tpu.memory_space<vmem>> -> memref<64x128xf32, #tpu.memory_space<vmem>>
      tpu.wait_dma2 semaphore(%run_scoped3A : memref<!tpu.dma_semaphore, #tpu.memory_space<semaphore_mem>>) src(%dma_wait3A_92 : memref<64x128xf32, #tpu.memory_space<vmem>>) dst(%dma_wait3A_89 : memref<64x128xf32, #tpu.memory_space<vmem_shared>>)
      tpu.yield
    }) : () -> ()
    "tpu.region"() ({
      %run_scoped3A = tpu.sem_alloc : memref<!tpu.dma_semaphore, #tpu.memory_space<semaphore_mem>>
      tpu.enqueue_dma source(%arg5 : memref<128x128xf32, #tpu.memory_space<hbm>>) target(%arg10 : memref<128x128xf32, #tpu.memory_space<vmem>>) target_semaphore(%run_scoped3A : memref<!tpu.dma_semaphore, #tpu.memory_space<semaphore_mem>>)
      tpu.wait_dma2 semaphore(%run_scoped3A : memref<!tpu.dma_semaphore, #tpu.memory_space<semaphore_mem>>) src(%arg5 : memref<128x128xf32, #tpu.memory_space<hbm>>) dst(%arg10 : memref<128x128xf32, #tpu.memory_space<vmem>>)
      tpu.yield
    }) : () -> ()
    %barrier3A = arith.constant 0 : index
    tpu.barrier barrier_id(%barrier3A)
    %scan3A = arith.constant 0 : i32
    %scan3A_22 = arith.constant 80 : i32
    %scan3A_23 = arith.addi %scan3A, %scan3A_22 : i32
    %scan3A_24 = arith.constant 1 : i32
    scf.for %scan3A_75 = %scan3A to %scan3A_23 step %scan3A_24  : i32 {
      %mul3A_76 = arith.constant 1 : i32
      %mul3A_77 = arith.muli %scan3A_75, %mul3A_76 : i32
      %add3A_78 = arith.constant 0 : i32
      %add3A_79 = arith.addi %add3A_78, %mul3A_77 : i32
      %mul3A_80 = arith.constant 1280 : i32
      %mul3A_81 = arith.muli %arg0, %mul3A_80 : i32
      %mul3A_82 = arith.constant 80 : i32
      %mul3A_83 = arith.muli %arg1, %mul3A_82 : i32
      %add3A_84 = arith.addi %mul3A_81, %mul3A_83 : i32
      %add3A_85 = arith.addi %add3A_84, %add3A_79 : i32
      "tpu.region"() ({
        %run_scoped3A = tpu.sem_alloc : memref<!tpu.dma_semaphore, #tpu.memory_space<semaphore_mem>>
        %dma_start3A = arith.constant 0 : i32
        %dma_start3A_88 = tpu.memref_slice %arg3[%add3A_85, %dma_start3A] : memref<2560x128xi32, #tpu.memory_space<hbm>> -> memref<1x128xi32, #tpu.memory_space<hbm>>
        %dma_start3A_89 = tpu.memref_squeeze %dma_start3A_88 : memref<1x128xi32, #tpu.memory_space<hbm>> -> memref<128xi32, #tpu.memory_space<hbm>>
        %dma_start3A_90 = arith.constant 0 : i32
        %dma_start3A_91 = tpu.memref_slice %arg3[%add3A_85, %dma_start3A_90] : memref<2560x128xi32, #tpu.memory_space<hbm>> -> memref<1x128xi32, #tpu.memory_space<hbm>>
        %dma_start3A_92 = tpu.memref_squeeze %dma_start3A_91 : memref<1x128xi32, #tpu.memory_space<hbm>> -> memref<128xi32, #tpu.memory_space<hbm>>
        tpu.enqueue_dma source(%dma_start3A_92 : memref<128xi32, #tpu.memory_space<hbm>>) target(%arg8 : memref<128xi32, #tpu.memory_space<vmem>>) target_semaphore(%run_scoped3A : memref<!tpu.dma_semaphore, #tpu.memory_space<semaphore_mem>>)
        %dma_wait3A = arith.constant 0 : i32
        %dma_wait3A_93 = tpu.memref_slice %arg3[%add3A_85, %dma_wait3A] : memref<2560x128xi32, #tpu.memory_space<hbm>> -> memref<1x128xi32, #tpu.memory_space<hbm>>
        %dma_wait3A_94 = tpu.memref_squeeze %dma_wait3A_93 : memref<1x128xi32, #tpu.memory_space<hbm>> -> memref<128xi32, #tpu.memory_space<hbm>>
        %dma_wait3A_95 = arith.constant 0 : i32
        %dma_wait3A_96 = tpu.memref_slice %arg3[%add3A_85, %dma_wait3A_95] : memref<2560x128xi32, #tpu.memory_space<hbm>> -> memref<1x128xi32, #tpu.memory_space<hbm>>
        %dma_wait3A_97 = tpu.memref_squeeze %dma_wait3A_96 : memref<1x128xi32, #tpu.memory_space<hbm>> -> memref<128xi32, #tpu.memory_space<hbm>>
        tpu.wait_dma2 semaphore(%run_scoped3A : memref<!tpu.dma_semaphore, #tpu.memory_space<semaphore_mem>>) src(%dma_wait3A_97 : memref<128xi32, #tpu.memory_space<hbm>>) dst(%arg8 : memref<128xi32, #tpu.memory_space<vmem>>)
        tpu.yield
      }) : () -> ()
      %mul3A_86 = arith.constant 128 : i32
      %mul3A_87 = arith.muli %add3A_85, %mul3A_86 : i32
      "tpu.region"() ({
        %run_scoped3A = tpu.sem_alloc : memref<!tpu.dma_semaphore, #tpu.memory_space<semaphore_mem>>
        %dma_start3A = arith.constant 0 : i32
        %dma_start3A_88 = tpu.memref_slice %arg2[%mul3A_87, %dma_start3A] : memref<327680x128xf32, #tpu.memory_space<hbm>> -> memref<128x128xf32, #tpu.memory_space<hbm>>
        %dma_start3A_89 = arith.constant 0 : i32
        %dma_start3A_90 = tpu.memref_slice %arg2[%mul3A_87, %dma_start3A_89] : memref<327680x128xf32, #tpu.memory_space<hbm>> -> memref<128x128xf32, #tpu.memory_space<hbm>>
        tpu.enqueue_dma source(%dma_start3A_90 : memref<128x128xf32, #tpu.memory_space<hbm>>) target(%arg9 : memref<128x128xf32, #tpu.memory_space<vmem>>) target_semaphore(%run_scoped3A : memref<!tpu.dma_semaphore, #tpu.memory_space<semaphore_mem>>)
        %dma_wait3A = arith.constant 0 : i32
        %dma_wait3A_91 = tpu.memref_slice %arg2[%mul3A_87, %dma_wait3A] : memref<327680x128xf32, #tpu.memory_space<hbm>> -> memref<128x128xf32, #tpu.memory_space<hbm>>
        %dma_wait3A_92 = arith.constant 0 : i32
        %dma_wait3A_93 = tpu.memref_slice %arg2[%mul3A_87, %dma_wait3A_92] : memref<327680x128xf32, #tpu.memory_space<hbm>> -> memref<128x128xf32, #tpu.memory_space<hbm>>
        tpu.wait_dma2 semaphore(%run_scoped3A : memref<!tpu.dma_semaphore, #tpu.memory_space<semaphore_mem>>) src(%dma_wait3A_93 : memref<128x128xf32, #tpu.memory_space<hbm>>) dst(%arg9 : memref<128x128xf32, #tpu.memory_space<vmem>>)
        tpu.yield
      }) : () -> ()
      "tpu.region"() ({
        %run_scoped3A = tpu.sem_alloc : memref<!tpu.dma_semaphore, #tpu.memory_space<semaphore_mem>>
        %dma_start3A = arith.constant 0 : i32
        %dma_start3A_88 = arith.constant 0 : i32
        %dma_start3A_89 = tpu.memref_slice %arg11[%dma_start3A, %dma_start3A_88] : memref<5120x128xf32, #tpu.memory_space<vmem_shared>> -> memref<5120x128xf32, #tpu.memory_space<vmem_shared>>
        tpu.enqueue_indirect_dma source(%arg9 : memref<128x128xf32, #tpu.memory_space<vmem>>) target(%dma_start3A_89 : memref<5120x128xf32, #tpu.memory_space<vmem_shared>>) offsets(%arg8 : memref<128xi32, #tpu.memory_space<vmem>>) semaphore(%run_scoped3A : memref<!tpu.dma_semaphore, #tpu.memory_space<semaphore_mem>>) {add = true}
        %dma_wait3A = arith.constant 0 : i32
        %dma_wait3A_90 = arith.constant 0 : i32
        %dma_wait3A_91 = tpu.memref_slice %arg11[%dma_wait3A, %dma_wait3A_90] : memref<5120x128xf32, #tpu.memory_space<vmem_shared>> -> memref<5120x128xf32, #tpu.memory_space<vmem_shared>>
        tpu.wait_indirect_dma semaphore(%run_scoped3A : memref<!tpu.dma_semaphore, #tpu.memory_space<semaphore_mem>>) src(%arg9 : memref<128x128xf32, #tpu.memory_space<vmem>>) dst(%dma_wait3A_91 : memref<5120x128xf32, #tpu.memory_space<vmem_shared>>)
        tpu.yield
      }) : () -> ()
      "tpu.region"() ({
        %run_scoped3A = tpu.sem_alloc : memref<!tpu.dma_semaphore, #tpu.memory_space<semaphore_mem>>
        %dma_start3A = arith.constant 0 : i32
        %dma_start3A_88 = arith.constant 0 : i32
        %dma_start3A_89 = tpu.memref_slice %arg12[%dma_start3A, %dma_start3A_88] : memref<5120x128xf32, #tpu.memory_space<vmem_shared>> -> memref<5120x128xf32, #tpu.memory_space<vmem_shared>>
        tpu.enqueue_indirect_dma source(%arg10 : memref<128x128xf32, #tpu.memory_space<vmem>>) target(%dma_start3A_89 : memref<5120x128xf32, #tpu.memory_space<vmem_shared>>) offsets(%arg8 : memref<128xi32, #tpu.memory_space<vmem>>) semaphore(%run_scoped3A : memref<!tpu.dma_semaphore, #tpu.memory_space<semaphore_mem>>) {add = true}
        %dma_wait3A = arith.constant 0 : i32
        %dma_wait3A_90 = arith.constant 0 : i32
        %dma_wait3A_91 = tpu.memref_slice %arg12[%dma_wait3A, %dma_wait3A_90] : memref<5120x128xf32, #tpu.memory_space<vmem_shared>> -> memref<5120x128xf32, #tpu.memory_space<vmem_shared>>
        tpu.wait_indirect_dma semaphore(%run_scoped3A : memref<!tpu.dma_semaphore, #tpu.memory_space<semaphore_mem>>) src(%arg10 : memref<128x128xf32, #tpu.memory_space<vmem>>) dst(%dma_wait3A_91 : memref<5120x128xf32, #tpu.memory_space<vmem_shared>>)
        tpu.yield
      }) : () -> ()
    }
    %scan3A_25 = arith.constant 80 : i32
    %barrier3A_26 = arith.constant 0 : index
    tpu.barrier barrier_id(%barrier3A_26)
    %mul3A_27 = arith.constant 320 : i32
    %mul3A_28 = arith.muli %arg1, %mul3A_27 : i32
    %add3A_29 = arith.constant 0 : i32
    %add3A_30 = arith.addi %mul3A_28, %add3A_29 : i32
    "tpu.region"() ({
      %run_scoped3A = tpu.sem_alloc : memref<!tpu.dma_semaphore, #tpu.memory_space<semaphore_mem>>
      %dma_start3A = arith.constant 0 : i32
      %dma_start3A_75 = arith.constant 0 : i32
      %dma_start3A_76 = tpu.memref_slice %arg9[%dma_start3A, %dma_start3A_75] : memref<128x128xf32, #tpu.memory_space<vmem>> -> memref<128x128xf32, #tpu.memory_space<vmem>>
      %dma_start3A_77 = arith.constant 0 : i32
      %dma_start3A_78 = tpu.memref_slice %arg11[%add3A_30, %dma_start3A_77] : memref<5120x128xf32, #tpu.memory_space<vmem_shared>> -> memref<128x128xf32, #tpu.memory_space<vmem_shared>>
      %dma_start3A_79 = arith.constant 0 : i32
      %dma_start3A_80 = arith.constant 0 : i32
      %dma_start3A_81 = tpu.memref_slice %arg9[%dma_start3A_79, %dma_start3A_80] : memref<128x128xf32, #tpu.memory_space<vmem>> -> memref<128x128xf32, #tpu.memory_space<vmem>>
      %dma_start3A_82 = arith.constant 0 : i32
      %dma_start3A_83 = tpu.memref_slice %arg11[%add3A_30, %dma_start3A_82] : memref<5120x128xf32, #tpu.memory_space<vmem_shared>> -> memref<128x128xf32, #tpu.memory_space<vmem_shared>>
      tpu.enqueue_dma source(%dma_start3A_83 : memref<128x128xf32, #tpu.memory_space<vmem_shared>>) target(%dma_start3A_81 : memref<128x128xf32, #tpu.memory_space<vmem>>) target_semaphore(%run_scoped3A : memref<!tpu.dma_semaphore, #tpu.memory_space<semaphore_mem>>)
      %dma_wait3A = arith.constant 0 : i32
      %dma_wait3A_84 = arith.constant 0 : i32
      %dma_wait3A_85 = tpu.memref_slice %arg9[%dma_wait3A, %dma_wait3A_84] : memref<128x128xf32, #tpu.memory_space<vmem>> -> memref<128x128xf32, #tpu.memory_space<vmem>>
      %dma_wait3A_86 = arith.constant 0 : i32
      %dma_wait3A_87 = tpu.memref_slice %arg11[%add3A_30, %dma_wait3A_86] : memref<5120x128xf32, #tpu.memory_space<vmem_shared>> -> memref<128x128xf32, #tpu.memory_space<vmem_shared>>
      %dma_wait3A_88 = arith.constant 0 : i32
      %dma_wait3A_89 = arith.constant 0 : i32
      %dma_wait3A_90 = tpu.memref_slice %arg9[%dma_wait3A_88, %dma_wait3A_89] : memref<128x128xf32, #tpu.memory_space<vmem>> -> memref<128x128xf32, #tpu.memory_space<vmem>>
      %dma_wait3A_91 = arith.constant 0 : i32
      %dma_wait3A_92 = tpu.memref_slice %arg11[%add3A_30, %dma_wait3A_91] : memref<5120x128xf32, #tpu.memory_space<vmem_shared>> -> memref<128x128xf32, #tpu.memory_space<vmem_shared>>
      tpu.wait_dma2 semaphore(%run_scoped3A : memref<!tpu.dma_semaphore, #tpu.memory_space<semaphore_mem>>) src(%dma_wait3A_92 : memref<128x128xf32, #tpu.memory_space<vmem_shared>>) dst(%dma_wait3A_90 : memref<128x128xf32, #tpu.memory_space<vmem>>)
      tpu.yield
    }) : () -> ()
    %mul3A_31 = arith.constant 320 : i32
    %mul3A_32 = arith.muli %arg1, %mul3A_31 : i32
    %add3A_33 = arith.constant 0 : i32
    %add3A_34 = arith.addi %mul3A_32, %add3A_33 : i32
    "tpu.region"() ({
      %run_scoped3A = tpu.sem_alloc : memref<!tpu.dma_semaphore, #tpu.memory_space<semaphore_mem>>
      %dma_start3A = arith.constant 0 : i32
      %dma_start3A_75 = arith.constant 0 : i32
      %dma_start3A_76 = tpu.memref_slice %arg9[%dma_start3A, %dma_start3A_75] : memref<128x128xf32, #tpu.memory_space<vmem>> -> memref<128x128xf32, #tpu.memory_space<vmem>>
      %dma_start3A_77 = arith.constant 0 : i32
      %dma_start3A_78 = tpu.memref_slice %arg6[%arg0, %add3A_34, %dma_start3A_77] : memref<2x5120x128xf32, #tpu.memory_space<hbm>> -> memref<1x128x128xf32, #tpu.memory_space<hbm>>
      %dma_start3A_79 = tpu.memref_squeeze %dma_start3A_78 : memref<1x128x128xf32, #tpu.memory_space<hbm>> -> memref<128x128xf32, #tpu.memory_space<hbm>>
      %dma_start3A_80 = arith.constant 0 : i32
      %dma_start3A_81 = tpu.memref_slice %arg6[%arg0, %add3A_34, %dma_start3A_80] : memref<2x5120x128xf32, #tpu.memory_space<hbm>> -> memref<1x128x128xf32, #tpu.memory_space<hbm>>
      %dma_start3A_82 = tpu.memref_squeeze %dma_start3A_81 : memref<1x128x128xf32, #tpu.memory_space<hbm>> -> memref<128x128xf32, #tpu.memory_space<hbm>>
      %dma_start3A_83 = arith.constant 0 : i32
      %dma_start3A_84 = arith.constant 0 : i32
      %dma_start3A_85 = tpu.memref_slice %arg9[%dma_start3A_83, %dma_start3A_84] : memref<128x128xf32, #tpu.memory_space<vmem>> -> memref<128x128xf32, #tpu.memory_space<vmem>>
      tpu.enqueue_dma source(%dma_start3A_85 : memref<128x128xf32, #tpu.memory_space<vmem>>) target(%dma_start3A_82 : memref<128x128xf32, #tpu.memory_space<hbm>>) target_semaphore(%run_scoped3A : memref<!tpu.dma_semaphore, #tpu.memory_space<semaphore_mem>>)
      %dma_wait3A = arith.constant 0 : i32
      %dma_wait3A_86 = arith.constant 0 : i32
      %dma_wait3A_87 = tpu.memref_slice %arg9[%dma_wait3A, %dma_wait3A_86] : memref<128x128xf32, #tpu.memory_space<vmem>> -> memref<128x128xf32, #tpu.memory_space<vmem>>
      %dma_wait3A_88 = arith.constant 0 : i32
      %dma_wait3A_89 = tpu.memref_slice %arg6[%arg0, %add3A_34, %dma_wait3A_88] : memref<2x5120x128xf32, #tpu.memory_space<hbm>> -> memref<1x128x128xf32, #tpu.memory_space<hbm>>
      %dma_wait3A_90 = tpu.memref_squeeze %dma_wait3A_89 : memref<1x128x128xf32, #tpu.memory_space<hbm>> -> memref<128x128xf32, #tpu.memory_space<hbm>>
      %dma_wait3A_91 = arith.constant 0 : i32
      %dma_wait3A_92 = tpu.memref_slice %arg6[%arg0, %add3A_34, %dma_wait3A_91] : memref<2x5120x128xf32, #tpu.memory_space<hbm>> -> memref<1x128x128xf32, #tpu.memory_space<hbm>>
      %dma_wait3A_93 = tpu.memref_squeeze %dma_wait3A_92 : memref<1x128x128xf32, #tpu.memory_space<hbm>> -> memref<128x128xf32, #tpu.memory_space<hbm>>
      %dma_wait3A_94 = arith.constant 0 : i32
      %dma_wait3A_95 = arith.constant 0 : i32
      %dma_wait3A_96 = tpu.memref_slice %arg9[%dma_wait3A_94, %dma_wait3A_95] : memref<128x128xf32, #tpu.memory_space<vmem>> -> memref<128x128xf32, #tpu.memory_space<vmem>>
      tpu.wait_dma2 semaphore(%run_scoped3A : memref<!tpu.dma_semaphore, #tpu.memory_space<semaphore_mem>>) src(%dma_wait3A_96 : memref<128x128xf32, #tpu.memory_space<vmem>>) dst(%dma_wait3A_93 : memref<128x128xf32, #tpu.memory_space<hbm>>)
      tpu.yield
    }) : () -> ()
    %mul3A_35 = arith.constant 320 : i32
    %mul3A_36 = arith.muli %arg1, %mul3A_35 : i32
    %add3A_37 = arith.constant 0 : i32
    %add3A_38 = arith.addi %mul3A_36, %add3A_37 : i32
    "tpu.region"() ({
      %run_scoped3A = tpu.sem_alloc : memref<!tpu.dma_semaphore, #tpu.memory_space<semaphore_mem>>
      %dma_start3A = arith.constant 0 : i32
      %dma_start3A_75 = arith.constant 0 : i32
      %dma_start3A_76 = tpu.memref_slice %arg10[%dma_start3A, %dma_start3A_75] : memref<128x128xf32, #tpu.memory_space<vmem>> -> memref<128x128xf32, #tpu.memory_space<vmem>>
      %dma_start3A_77 = arith.constant 0 : i32
      %dma_start3A_78 = tpu.memref_slice %arg12[%add3A_38, %dma_start3A_77] : memref<5120x128xf32, #tpu.memory_space<vmem_shared>> -> memref<128x128xf32, #tpu.memory_space<vmem_shared>>
      %dma_start3A_79 = arith.constant 0 : i32
      %dma_start3A_80 = arith.constant 0 : i32
      %dma_start3A_81 = tpu.memref_slice %arg10[%dma_start3A_79, %dma_start3A_80] : memref<128x128xf32, #tpu.memory_space<vmem>> -> memref<128x128xf32, #tpu.memory_space<vmem>>
      %dma_start3A_82 = arith.constant 0 : i32
      %dma_start3A_83 = tpu.memref_slice %arg12[%add3A_38, %dma_start3A_82] : memref<5120x128xf32, #tpu.memory_space<vmem_shared>> -> memref<128x128xf32, #tpu.memory_space<vmem_shared>>
      tpu.enqueue_dma source(%dma_start3A_83 : memref<128x128xf32, #tpu.memory_space<vmem_shared>>) target(%dma_start3A_81 : memref<128x128xf32, #tpu.memory_space<vmem>>) target_semaphore(%run_scoped3A : memref<!tpu.dma_semaphore, #tpu.memory_space<semaphore_mem>>)
      %dma_wait3A = arith.constant 0 : i32
      %dma_wait3A_84 = arith.constant 0 : i32
      %dma_wait3A_85 = tpu.memref_slice %arg10[%dma_wait3A, %dma_wait3A_84] : memref<128x128xf32, #tpu.memory_space<vmem>> -> memref<128x128xf32, #tpu.memory_space<vmem>>
      %dma_wait3A_86 = arith.constant 0 : i32
      %dma_wait3A_87 = tpu.memref_slice %arg12[%add3A_38, %dma_wait3A_86] : memref<5120x128xf32, #tpu.memory_space<vmem_shared>> -> memref<128x128xf32, #tpu.memory_space<vmem_shared>>
      %dma_wait3A_88 = arith.constant 0 : i32
      %dma_wait3A_89 = arith.constant 0 : i32
      %dma_wait3A_90 = tpu.memref_slice %arg10[%dma_wait3A_88, %dma_wait3A_89] : memref<128x128xf32, #tpu.memory_space<vmem>> -> memref<128x128xf32, #tpu.memory_space<vmem>>
      %dma_wait3A_91 = arith.constant 0 : i32
      %dma_wait3A_92 = tpu.memref_slice %arg12[%add3A_38, %dma_wait3A_91] : memref<5120x128xf32, #tpu.memory_space<vmem_shared>> -> memref<128x128xf32, #tpu.memory_space<vmem_shared>>
      tpu.wait_dma2 semaphore(%run_scoped3A : memref<!tpu.dma_semaphore, #tpu.memory_space<semaphore_mem>>) src(%dma_wait3A_92 : memref<128x128xf32, #tpu.memory_space<vmem_shared>>) dst(%dma_wait3A_90 : memref<128x128xf32, #tpu.memory_space<vmem>>)
      tpu.yield
    }) : () -> ()
    %mul3A_39 = arith.constant 320 : i32
    %mul3A_40 = arith.muli %arg1, %mul3A_39 : i32
    %add3A_41 = arith.constant 0 : i32
    %add3A_42 = arith.addi %mul3A_40, %add3A_41 : i32
    "tpu.region"() ({
      %run_scoped3A = tpu.sem_alloc : memref<!tpu.dma_semaphore, #tpu.memory_space<semaphore_mem>>
      %dma_start3A = arith.constant 0 : i32
      %dma_start3A_75 = arith.constant 0 : i32
      %dma_start3A_76 = tpu.memref_slice %arg10[%dma_start3A, %dma_start3A_75] : memref<128x128xf32, #tpu.memory_space<vmem>> -> memref<128x128xf32, #tpu.memory_space<vmem>>
      %dma_start3A_77 = arith.constant 0 : i32
      %dma_start3A_78 = tpu.memref_slice %arg7[%arg0, %add3A_42, %dma_start3A_77] : memref<2x5120x128xf32, #tpu.memory_space<hbm>> -> memref<1x128x128xf32, #tpu.memory_space<hbm>>
      %dma_start3A_79 = tpu.memref_squeeze %dma_start3A_78 : memref<1x128x128xf32, #tpu.memory_space<hbm>> -> memref<128x128xf32, #tpu.memory_space<hbm>>
      %dma_start3A_80 = arith.constant 0 : i32
      %dma_start3A_81 = tpu.memref_slice %arg7[%arg0, %add3A_42, %dma_start3A_80] : memref<2x5120x128xf32, #tpu.memory_space<hbm>> -> memref<1x128x128xf32, #tpu.memory_space<hbm>>
      %dma_start3A_82 = tpu.memref_squeeze %dma_start3A_81 : memref<1x128x128xf32, #tpu.memory_space<hbm>> -> memref<128x128xf32, #tpu.memory_space<hbm>>
      %dma_start3A_83 = arith.constant 0 : i32
      %dma_start3A_84 = arith.constant 0 : i32
      %dma_start3A_85 = tpu.memref_slice %arg10[%dma_start3A_83, %dma_start3A_84] : memref<128x128xf32, #tpu.memory_space<vmem>> -> memref<128x128xf32, #tpu.memory_space<vmem>>
      tpu.enqueue_dma source(%dma_start3A_85 : memref<128x128xf32, #tpu.memory_space<vmem>>) target(%dma_start3A_82 : memref<128x128xf32, #tpu.memory_space<hbm>>) target_semaphore(%run_scoped3A : memref<!tpu.dma_semaphore, #tpu.memory_space<semaphore_mem>>)
      %dma_wait3A = arith.constant 0 : i32
      %dma_wait3A_86 = arith.constant 0 : i32
      %dma_wait3A_87 = tpu.memref_slice %arg10[%dma_wait3A, %dma_wait3A_86] : memref<128x128xf32, #tpu.memory_space<vmem>> -> memref<128x128xf32, #tpu.memory_space<vmem>>
      %dma_wait3A_88 = arith.constant 0 : i32
      %dma_wait3A_89 = tpu.memref_slice %arg7[%arg0, %add3A_42, %dma_wait3A_88] : memref<2x5120x128xf32, #tpu.memory_space<hbm>> -> memref<1x128x128xf32, #tpu.memory_space<hbm>>
      %dma_wait3A_90 = tpu.memref_squeeze %dma_wait3A_89 : memref<1x128x128xf32, #tpu.memory_space<hbm>> -> memref<128x128xf32, #tpu.memory_space<hbm>>
      %dma_wait3A_91 = arith.constant 0 : i32
      %dma_wait3A_92 = tpu.memref_slice %arg7[%arg0, %add3A_42, %dma_wait3A_91] : memref<2x5120x128xf32, #tpu.memory_space<hbm>> -> memref<1x128x128xf32, #tpu.memory_space<hbm>>
      %dma_wait3A_93 = tpu.memref_squeeze %dma_wait3A_92 : memref<1x128x128xf32, #tpu.memory_space<hbm>> -> memref<128x128xf32, #tpu.memory_space<hbm>>
      %dma_wait3A_94 = arith.constant 0 : i32
      %dma_wait3A_95 = arith.constant 0 : i32
      %dma_wait3A_96 = tpu.memref_slice %arg10[%dma_wait3A_94, %dma_wait3A_95] : memref<128x128xf32, #tpu.memory_space<vmem>> -> memref<128x128xf32, #tpu.memory_space<vmem>>
      tpu.wait_dma2 semaphore(%run_scoped3A : memref<!tpu.dma_semaphore, #tpu.memory_space<semaphore_mem>>) src(%dma_wait3A_96 : memref<128x128xf32, #tpu.memory_space<vmem>>) dst(%dma_wait3A_93 : memref<128x128xf32, #tpu.memory_space<hbm>>)
      tpu.yield
    }) : () -> ()
    %mul3A_43 = arith.constant 320 : i32
    %mul3A_44 = arith.muli %arg1, %mul3A_43 : i32
    %add3A_45 = arith.constant 128 : i32
    %add3A_46 = arith.addi %mul3A_44, %add3A_45 : i32
    "tpu.region"() ({
      %run_scoped3A = tpu.sem_alloc : memref<!tpu.dma_semaphore, #tpu.memory_space<semaphore_mem>>
      %dma_start3A = arith.constant 0 : i32
      %dma_start3A_75 = arith.constant 0 : i32
      %dma_start3A_76 = tpu.memref_slice %arg9[%dma_start3A, %dma_start3A_75] : memref<128x128xf32, #tpu.memory_space<vmem>> -> memref<128x128xf32, #tpu.memory_space<vmem>>
      %dma_start3A_77 = arith.constant 0 : i32
      %dma_start3A_78 = tpu.memref_slice %arg11[%add3A_46, %dma_start3A_77] : memref<5120x128xf32, #tpu.memory_space<vmem_shared>> -> memref<128x128xf32, #tpu.memory_space<vmem_shared>>
      %dma_start3A_79 = arith.constant 0 : i32
      %dma_start3A_80 = arith.constant 0 : i32
      %dma_start3A_81 = tpu.memref_slice %arg9[%dma_start3A_79, %dma_start3A_80] : memref<128x128xf32, #tpu.memory_space<vmem>> -> memref<128x128xf32, #tpu.memory_space<vmem>>
      %dma_start3A_82 = arith.constant 0 : i32
      %dma_start3A_83 = tpu.memref_slice %arg11[%add3A_46, %dma_start3A_82] : memref<5120x128xf32, #tpu.memory_space<vmem_shared>> -> memref<128x128xf32, #tpu.memory_space<vmem_shared>>
      tpu.enqueue_dma source(%dma_start3A_83 : memref<128x128xf32, #tpu.memory_space<vmem_shared>>) target(%dma_start3A_81 : memref<128x128xf32, #tpu.memory_space<vmem>>) target_semaphore(%run_scoped3A : memref<!tpu.dma_semaphore, #tpu.memory_space<semaphore_mem>>)
      %dma_wait3A = arith.constant 0 : i32
      %dma_wait3A_84 = arith.constant 0 : i32
      %dma_wait3A_85 = tpu.memref_slice %arg9[%dma_wait3A, %dma_wait3A_84] : memref<128x128xf32, #tpu.memory_space<vmem>> -> memref<128x128xf32, #tpu.memory_space<vmem>>
      %dma_wait3A_86 = arith.constant 0 : i32
      %dma_wait3A_87 = tpu.memref_slice %arg11[%add3A_46, %dma_wait3A_86] : memref<5120x128xf32, #tpu.memory_space<vmem_shared>> -> memref<128x128xf32, #tpu.memory_space<vmem_shared>>
      %dma_wait3A_88 = arith.constant 0 : i32
      %dma_wait3A_89 = arith.constant 0 : i32
      %dma_wait3A_90 = tpu.memref_slice %arg9[%dma_wait3A_88, %dma_wait3A_89] : memref<128x128xf32, #tpu.memory_space<vmem>> -> memref<128x128xf32, #tpu.memory_space<vmem>>
      %dma_wait3A_91 = arith.constant 0 : i32
      %dma_wait3A_92 = tpu.memref_slice %arg11[%add3A_46, %dma_wait3A_91] : memref<5120x128xf32, #tpu.memory_space<vmem_shared>> -> memref<128x128xf32, #tpu.memory_space<vmem_shared>>
      tpu.wait_dma2 semaphore(%run_scoped3A : memref<!tpu.dma_semaphore, #tpu.memory_space<semaphore_mem>>) src(%dma_wait3A_92 : memref<128x128xf32, #tpu.memory_space<vmem_shared>>) dst(%dma_wait3A_90 : memref<128x128xf32, #tpu.memory_space<vmem>>)
      tpu.yield
    }) : () -> ()
    %mul3A_47 = arith.constant 320 : i32
    %mul3A_48 = arith.muli %arg1, %mul3A_47 : i32
    %add3A_49 = arith.constant 128 : i32
    %add3A_50 = arith.addi %mul3A_48, %add3A_49 : i32
    "tpu.region"() ({
      %run_scoped3A = tpu.sem_alloc : memref<!tpu.dma_semaphore, #tpu.memory_space<semaphore_mem>>
      %dma_start3A = arith.constant 0 : i32
      %dma_start3A_75 = arith.constant 0 : i32
      %dma_start3A_76 = tpu.memref_slice %arg9[%dma_start3A, %dma_start3A_75] : memref<128x128xf32, #tpu.memory_space<vmem>> -> memref<128x128xf32, #tpu.memory_space<vmem>>
      %dma_start3A_77 = arith.constant 0 : i32
      %dma_start3A_78 = tpu.memref_slice %arg6[%arg0, %add3A_50, %dma_start3A_77] : memref<2x5120x128xf32, #tpu.memory_space<hbm>> -> memref<1x128x128xf32, #tpu.memory_space<hbm>>
      %dma_start3A_79 = tpu.memref_squeeze %dma_start3A_78 : memref<1x128x128xf32, #tpu.memory_space<hbm>> -> memref<128x128xf32, #tpu.memory_space<hbm>>
      %dma_start3A_80 = arith.constant 0 : i32
      %dma_start3A_81 = tpu.memref_slice %arg6[%arg0, %add3A_50, %dma_start3A_80] : memref<2x5120x128xf32, #tpu.memory_space<hbm>> -> memref<1x128x128xf32, #tpu.memory_space<hbm>>
      %dma_start3A_82 = tpu.memref_squeeze %dma_start3A_81 : memref<1x128x128xf32, #tpu.memory_space<hbm>> -> memref<128x128xf32, #tpu.memory_space<hbm>>
      %dma_start3A_83 = arith.constant 0 : i32
      %dma_start3A_84 = arith.constant 0 : i32
      %dma_start3A_85 = tpu.memref_slice %arg9[%dma_start3A_83, %dma_start3A_84] : memref<128x128xf32, #tpu.memory_space<vmem>> -> memref<128x128xf32, #tpu.memory_space<vmem>>
      tpu.enqueue_dma source(%dma_start3A_85 : memref<128x128xf32, #tpu.memory_space<vmem>>) target(%dma_start3A_82 : memref<128x128xf32, #tpu.memory_space<hbm>>) target_semaphore(%run_scoped3A : memref<!tpu.dma_semaphore, #tpu.memory_space<semaphore_mem>>)
      %dma_wait3A = arith.constant 0 : i32
      %dma_wait3A_86 = arith.constant 0 : i32
      %dma_wait3A_87 = tpu.memref_slice %arg9[%dma_wait3A, %dma_wait3A_86] : memref<128x128xf32, #tpu.memory_space<vmem>> -> memref<128x128xf32, #tpu.memory_space<vmem>>
      %dma_wait3A_88 = arith.constant 0 : i32
      %dma_wait3A_89 = tpu.memref_slice %arg6[%arg0, %add3A_50, %dma_wait3A_88] : memref<2x5120x128xf32, #tpu.memory_space<hbm>> -> memref<1x128x128xf32, #tpu.memory_space<hbm>>
      %dma_wait3A_90 = tpu.memref_squeeze %dma_wait3A_89 : memref<1x128x128xf32, #tpu.memory_space<hbm>> -> memref<128x128xf32, #tpu.memory_space<hbm>>
      %dma_wait3A_91 = arith.constant 0 : i32
      %dma_wait3A_92 = tpu.memref_slice %arg6[%arg0, %add3A_50, %dma_wait3A_91] : memref<2x5120x128xf32, #tpu.memory_space<hbm>> -> memref<1x128x128xf32, #tpu.memory_space<hbm>>
      %dma_wait3A_93 = tpu.memref_squeeze %dma_wait3A_92 : memref<1x128x128xf32, #tpu.memory_space<hbm>> -> memref<128x128xf32, #tpu.memory_space<hbm>>
      %dma_wait3A_94 = arith.constant 0 : i32
      %dma_wait3A_95 = arith.constant 0 : i32
      %dma_wait3A_96 = tpu.memref_slice %arg9[%dma_wait3A_94, %dma_wait3A_95] : memref<128x128xf32, #tpu.memory_space<vmem>> -> memref<128x128xf32, #tpu.memory_space<vmem>>
      tpu.wait_dma2 semaphore(%run_scoped3A : memref<!tpu.dma_semaphore, #tpu.memory_space<semaphore_mem>>) src(%dma_wait3A_96 : memref<128x128xf32, #tpu.memory_space<vmem>>) dst(%dma_wait3A_93 : memref<128x128xf32, #tpu.memory_space<hbm>>)
      tpu.yield
    }) : () -> ()
    %mul3A_51 = arith.constant 320 : i32
    %mul3A_52 = arith.muli %arg1, %mul3A_51 : i32
    %add3A_53 = arith.constant 128 : i32
    %add3A_54 = arith.addi %mul3A_52, %add3A_53 : i32
    "tpu.region"() ({
      %run_scoped3A = tpu.sem_alloc : memref<!tpu.dma_semaphore, #tpu.memory_space<semaphore_mem>>
      %dma_start3A = arith.constant 0 : i32
      %dma_start3A_75 = arith.constant 0 : i32
      %dma_start3A_76 = tpu.memref_slice %arg10[%dma_start3A, %dma_start3A_75] : memref<128x128xf32, #tpu.memory_space<vmem>> -> memref<128x128xf32, #tpu.memory_space<vmem>>
      %dma_start3A_77 = arith.constant 0 : i32
      %dma_start3A_78 = tpu.memref_slice %arg12[%add3A_54, %dma_start3A_77] : memref<5120x128xf32, #tpu.memory_space<vmem_shared>> -> memref<128x128xf32, #tpu.memory_space<vmem_shared>>
      %dma_start3A_79 = arith.constant 0 : i32
      %dma_start3A_80 = arith.constant 0 : i32
      %dma_start3A_81 = tpu.memref_slice %arg10[%dma_start3A_79, %dma_start3A_80] : memref<128x128xf32, #tpu.memory_space<vmem>> -> memref<128x128xf32, #tpu.memory_space<vmem>>
      %dma_start3A_82 = arith.constant 0 : i32
      %dma_start3A_83 = tpu.memref_slice %arg12[%add3A_54, %dma_start3A_82] : memref<5120x128xf32, #tpu.memory_space<vmem_shared>> -> memref<128x128xf32, #tpu.memory_space<vmem_shared>>
      tpu.enqueue_dma source(%dma_start3A_83 : memref<128x128xf32, #tpu.memory_space<vmem_shared>>) target(%dma_start3A_81 : memref<128x128xf32, #tpu.memory_space<vmem>>) target_semaphore(%run_scoped3A : memref<!tpu.dma_semaphore, #tpu.memory_space<semaphore_mem>>)
      %dma_wait3A = arith.constant 0 : i32
      %dma_wait3A_84 = arith.constant 0 : i32
      %dma_wait3A_85 = tpu.memref_slice %arg10[%dma_wait3A, %dma_wait3A_84] : memref<128x128xf32, #tpu.memory_space<vmem>> -> memref<128x128xf32, #tpu.memory_space<vmem>>
      %dma_wait3A_86 = arith.constant 0 : i32
      %dma_wait3A_87 = tpu.memref_slice %arg12[%add3A_54, %dma_wait3A_86] : memref<5120x128xf32, #tpu.memory_space<vmem_shared>> -> memref<128x128xf32, #tpu.memory_space<vmem_shared>>
      %dma_wait3A_88 = arith.constant 0 : i32
      %dma_wait3A_89 = arith.constant 0 : i32
      %dma_wait3A_90 = tpu.memref_slice %arg10[%dma_wait3A_88, %dma_wait3A_89] : memref<128x128xf32, #tpu.memory_space<vmem>> -> memref<128x128xf32, #tpu.memory_space<vmem>>
      %dma_wait3A_91 = arith.constant 0 : i32
      %dma_wait3A_92 = tpu.memref_slice %arg12[%add3A_54, %dma_wait3A_91] : memref<5120x128xf32, #tpu.memory_space<vmem_shared>> -> memref<128x128xf32, #tpu.memory_space<vmem_shared>>
      tpu.wait_dma2 semaphore(%run_scoped3A : memref<!tpu.dma_semaphore, #tpu.memory_space<semaphore_mem>>) src(%dma_wait3A_92 : memref<128x128xf32, #tpu.memory_space<vmem_shared>>) dst(%dma_wait3A_90 : memref<128x128xf32, #tpu.memory_space<vmem>>)
      tpu.yield
    }) : () -> ()
    %mul3A_55 = arith.constant 320 : i32
    %mul3A_56 = arith.muli %arg1, %mul3A_55 : i32
    %add3A_57 = arith.constant 128 : i32
    %add3A_58 = arith.addi %mul3A_56, %add3A_57 : i32
    "tpu.region"() ({
      %run_scoped3A = tpu.sem_alloc : memref<!tpu.dma_semaphore, #tpu.memory_space<semaphore_mem>>
      %dma_start3A = arith.constant 0 : i32
      %dma_start3A_75 = arith.constant 0 : i32
      %dma_start3A_76 = tpu.memref_slice %arg10[%dma_start3A, %dma_start3A_75] : memref<128x128xf32, #tpu.memory_space<vmem>> -> memref<128x128xf32, #tpu.memory_space<vmem>>
      %dma_start3A_77 = arith.constant 0 : i32
      %dma_start3A_78 = tpu.memref_slice %arg7[%arg0, %add3A_58, %dma_start3A_77] : memref<2x5120x128xf32, #tpu.memory_space<hbm>> -> memref<1x128x128xf32, #tpu.memory_space<hbm>>
      %dma_start3A_79 = tpu.memref_squeeze %dma_start3A_78 : memref<1x128x128xf32, #tpu.memory_space<hbm>> -> memref<128x128xf32, #tpu.memory_space<hbm>>
      %dma_start3A_80 = arith.constant 0 : i32
      %dma_start3A_81 = tpu.memref_slice %arg7[%arg0, %add3A_58, %dma_start3A_80] : memref<2x5120x128xf32, #tpu.memory_space<hbm>> -> memref<1x128x128xf32, #tpu.memory_space<hbm>>
      %dma_start3A_82 = tpu.memref_squeeze %dma_start3A_81 : memref<1x128x128xf32, #tpu.memory_space<hbm>> -> memref<128x128xf32, #tpu.memory_space<hbm>>
      %dma_start3A_83 = arith.constant 0 : i32
      %dma_start3A_84 = arith.constant 0 : i32
      %dma_start3A_85 = tpu.memref_slice %arg10[%dma_start3A_83, %dma_start3A_84] : memref<128x128xf32, #tpu.memory_space<vmem>> -> memref<128x128xf32, #tpu.memory_space<vmem>>
      tpu.enqueue_dma source(%dma_start3A_85 : memref<128x128xf32, #tpu.memory_space<vmem>>) target(%dma_start3A_82 : memref<128x128xf32, #tpu.memory_space<hbm>>) target_semaphore(%run_scoped3A : memref<!tpu.dma_semaphore, #tpu.memory_space<semaphore_mem>>)
      %dma_wait3A = arith.constant 0 : i32
      %dma_wait3A_86 = arith.constant 0 : i32
      %dma_wait3A_87 = tpu.memref_slice %arg10[%dma_wait3A, %dma_wait3A_86] : memref<128x128xf32, #tpu.memory_space<vmem>> -> memref<128x128xf32, #tpu.memory_space<vmem>>
      %dma_wait3A_88 = arith.constant 0 : i32
      %dma_wait3A_89 = tpu.memref_slice %arg7[%arg0, %add3A_58, %dma_wait3A_88] : memref<2x5120x128xf32, #tpu.memory_space<hbm>> -> memref<1x128x128xf32, #tpu.memory_space<hbm>>
      %dma_wait3A_90 = tpu.memref_squeeze %dma_wait3A_89 : memref<1x128x128xf32, #tpu.memory_space<hbm>> -> memref<128x128xf32, #tpu.memory_space<hbm>>
      %dma_wait3A_91 = arith.constant 0 : i32
      %dma_wait3A_92 = tpu.memref_slice %arg7[%arg0, %add3A_58, %dma_wait3A_91] : memref<2x5120x128xf32, #tpu.memory_space<hbm>> -> memref<1x128x128xf32, #tpu.memory_space<hbm>>
      %dma_wait3A_93 = tpu.memref_squeeze %dma_wait3A_92 : memref<1x128x128xf32, #tpu.memory_space<hbm>> -> memref<128x128xf32, #tpu.memory_space<hbm>>
      %dma_wait3A_94 = arith.constant 0 : i32
      %dma_wait3A_95 = arith.constant 0 : i32
      %dma_wait3A_96 = tpu.memref_slice %arg10[%dma_wait3A_94, %dma_wait3A_95] : memref<128x128xf32, #tpu.memory_space<vmem>> -> memref<128x128xf32, #tpu.memory_space<vmem>>
      tpu.wait_dma2 semaphore(%run_scoped3A : memref<!tpu.dma_semaphore, #tpu.memory_space<semaphore_mem>>) src(%dma_wait3A_96 : memref<128x128xf32, #tpu.memory_space<vmem>>) dst(%dma_wait3A_93 : memref<128x128xf32, #tpu.memory_space<hbm>>)
      tpu.yield
    }) : () -> ()
    %mul3A_59 = arith.constant 320 : i32
    %mul3A_60 = arith.muli %arg1, %mul3A_59 : i32
    %add3A_61 = arith.constant 256 : i32
    %add3A_62 = arith.addi %mul3A_60, %add3A_61 : i32
    "tpu.region"() ({
      %run_scoped3A = tpu.sem_alloc : memref<!tpu.dma_semaphore, #tpu.memory_space<semaphore_mem>>
      %dma_start3A = arith.constant 0 : i32
      %dma_start3A_75 = arith.constant 0 : i32
      %dma_start3A_76 = tpu.memref_slice %arg9[%dma_start3A, %dma_start3A_75] : memref<128x128xf32, #tpu.memory_space<vmem>> -> memref<64x128xf32, #tpu.memory_space<vmem>>
      %dma_start3A_77 = arith.constant 0 : i32
      %dma_start3A_78 = tpu.memref_slice %arg11[%add3A_62, %dma_start3A_77] : memref<5120x128xf32, #tpu.memory_space<vmem_shared>> -> memref<64x128xf32, #tpu.memory_space<vmem_shared>>
      %dma_start3A_79 = arith.constant 0 : i32
      %dma_start3A_80 = arith.constant 0 : i32
      %dma_start3A_81 = tpu.memref_slice %arg9[%dma_start3A_79, %dma_start3A_80] : memref<128x128xf32, #tpu.memory_space<vmem>> -> memref<64x128xf32, #tpu.memory_space<vmem>>
      %dma_start3A_82 = arith.constant 0 : i32
      %dma_start3A_83 = tpu.memref_slice %arg11[%add3A_62, %dma_start3A_82] : memref<5120x128xf32, #tpu.memory_space<vmem_shared>> -> memref<64x128xf32, #tpu.memory_space<vmem_shared>>
      tpu.enqueue_dma source(%dma_start3A_83 : memref<64x128xf32, #tpu.memory_space<vmem_shared>>) target(%dma_start3A_81 : memref<64x128xf32, #tpu.memory_space<vmem>>) target_semaphore(%run_scoped3A : memref<!tpu.dma_semaphore, #tpu.memory_space<semaphore_mem>>)
      %dma_wait3A = arith.constant 0 : i32
      %dma_wait3A_84 = arith.constant 0 : i32
      %dma_wait3A_85 = tpu.memref_slice %arg9[%dma_wait3A, %dma_wait3A_84] : memref<128x128xf32, #tpu.memory_space<vmem>> -> memref<64x128xf32, #tpu.memory_space<vmem>>
      %dma_wait3A_86 = arith.constant 0 : i32
      %dma_wait3A_87 = tpu.memref_slice %arg11[%add3A_62, %dma_wait3A_86] : memref<5120x128xf32, #tpu.memory_space<vmem_shared>> -> memref<64x128xf32, #tpu.memory_space<vmem_shared>>
      %dma_wait3A_88 = arith.constant 0 : i32
      %dma_wait3A_89 = arith.constant 0 : i32
      %dma_wait3A_90 = tpu.memref_slice %arg9[%dma_wait3A_88, %dma_wait3A_89] : memref<128x128xf32, #tpu.memory_space<vmem>> -> memref<64x128xf32, #tpu.memory_space<vmem>>
      %dma_wait3A_91 = arith.constant 0 : i32
      %dma_wait3A_92 = tpu.memref_slice %arg11[%add3A_62, %dma_wait3A_91] : memref<5120x128xf32, #tpu.memory_space<vmem_shared>> -> memref<64x128xf32, #tpu.memory_space<vmem_shared>>
      tpu.wait_dma2 semaphore(%run_scoped3A : memref<!tpu.dma_semaphore, #tpu.memory_space<semaphore_mem>>) src(%dma_wait3A_92 : memref<64x128xf32, #tpu.memory_space<vmem_shared>>) dst(%dma_wait3A_90 : memref<64x128xf32, #tpu.memory_space<vmem>>)
      tpu.yield
    }) : () -> ()
    %mul3A_63 = arith.constant 320 : i32
    %mul3A_64 = arith.muli %arg1, %mul3A_63 : i32
    %add3A_65 = arith.constant 256 : i32
    %add3A_66 = arith.addi %mul3A_64, %add3A_65 : i32
    "tpu.region"() ({
      %run_scoped3A = tpu.sem_alloc : memref<!tpu.dma_semaphore, #tpu.memory_space<semaphore_mem>>
      %dma_start3A = arith.constant 0 : i32
      %dma_start3A_75 = arith.constant 0 : i32
      %dma_start3A_76 = tpu.memref_slice %arg9[%dma_start3A, %dma_start3A_75] : memref<128x128xf32, #tpu.memory_space<vmem>> -> memref<64x128xf32, #tpu.memory_space<vmem>>
      %dma_start3A_77 = arith.constant 0 : i32
      %dma_start3A_78 = tpu.memref_slice %arg6[%arg0, %add3A_66, %dma_start3A_77] : memref<2x5120x128xf32, #tpu.memory_space<hbm>> -> memref<1x64x128xf32, #tpu.memory_space<hbm>>
      %dma_start3A_79 = tpu.memref_squeeze %dma_start3A_78 : memref<1x64x128xf32, #tpu.memory_space<hbm>> -> memref<64x128xf32, #tpu.memory_space<hbm>>
      %dma_start3A_80 = arith.constant 0 : i32
      %dma_start3A_81 = tpu.memref_slice %arg6[%arg0, %add3A_66, %dma_start3A_80] : memref<2x5120x128xf32, #tpu.memory_space<hbm>> -> memref<1x64x128xf32, #tpu.memory_space<hbm>>
      %dma_start3A_82 = tpu.memref_squeeze %dma_start3A_81 : memref<1x64x128xf32, #tpu.memory_space<hbm>> -> memref<64x128xf32, #tpu.memory_space<hbm>>
      %dma_start3A_83 = arith.constant 0 : i32
      %dma_start3A_84 = arith.constant 0 : i32
      %dma_start3A_85 = tpu.memref_slice %arg9[%dma_start3A_83, %dma_start3A_84] : memref<128x128xf32, #tpu.memory_space<vmem>> -> memref<64x128xf32, #tpu.memory_space<vmem>>
      tpu.enqueue_dma source(%dma_start3A_85 : memref<64x128xf32, #tpu.memory_space<vmem>>) target(%dma_start3A_82 : memref<64x128xf32, #tpu.memory_space<hbm>>) target_semaphore(%run_scoped3A : memref<!tpu.dma_semaphore, #tpu.memory_space<semaphore_mem>>)
      %dma_wait3A = arith.constant 0 : i32
      %dma_wait3A_86 = arith.constant 0 : i32
      %dma_wait3A_87 = tpu.memref_slice %arg9[%dma_wait3A, %dma_wait3A_86] : memref<128x128xf32, #tpu.memory_space<vmem>> -> memref<64x128xf32, #tpu.memory_space<vmem>>
      %dma_wait3A_88 = arith.constant 0 : i32
      %dma_wait3A_89 = tpu.memref_slice %arg6[%arg0, %add3A_66, %dma_wait3A_88] : memref<2x5120x128xf32, #tpu.memory_space<hbm>> -> memref<1x64x128xf32, #tpu.memory_space<hbm>>
      %dma_wait3A_90 = tpu.memref_squeeze %dma_wait3A_89 : memref<1x64x128xf32, #tpu.memory_space<hbm>> -> memref<64x128xf32, #tpu.memory_space<hbm>>
      %dma_wait3A_91 = arith.constant 0 : i32
      %dma_wait3A_92 = tpu.memref_slice %arg6[%arg0, %add3A_66, %dma_wait3A_91] : memref<2x5120x128xf32, #tpu.memory_space<hbm>> -> memref<1x64x128xf32, #tpu.memory_space<hbm>>
      %dma_wait3A_93 = tpu.memref_squeeze %dma_wait3A_92 : memref<1x64x128xf32, #tpu.memory_space<hbm>> -> memref<64x128xf32, #tpu.memory_space<hbm>>
      %dma_wait3A_94 = arith.constant 0 : i32
      %dma_wait3A_95 = arith.constant 0 : i32
      %dma_wait3A_96 = tpu.memref_slice %arg9[%dma_wait3A_94, %dma_wait3A_95] : memref<128x128xf32, #tpu.memory_space<vmem>> -> memref<64x128xf32, #tpu.memory_space<vmem>>
      tpu.wait_dma2 semaphore(%run_scoped3A : memref<!tpu.dma_semaphore, #tpu.memory_space<semaphore_mem>>) src(%dma_wait3A_96 : memref<64x128xf32, #tpu.memory_space<vmem>>) dst(%dma_wait3A_93 : memref<64x128xf32, #tpu.memory_space<hbm>>)
      tpu.yield
    }) : () -> ()
    %mul3A_67 = arith.constant 320 : i32
    %mul3A_68 = arith.muli %arg1, %mul3A_67 : i32
    %add3A_69 = arith.constant 256 : i32
    %add3A_70 = arith.addi %mul3A_68, %add3A_69 : i32
    "tpu.region"() ({
      %run_scoped3A = tpu.sem_alloc : memref<!tpu.dma_semaphore, #tpu.memory_space<semaphore_mem>>
      %dma_start3A = arith.constant 0 : i32
      %dma_start3A_75 = arith.constant 0 : i32
      %dma_start3A_76 = tpu.memref_slice %arg10[%dma_start3A, %dma_start3A_75] : memref<128x128xf32, #tpu.memory_space<vmem>> -> memref<64x128xf32, #tpu.memory_space<vmem>>
      %dma_start3A_77 = arith.constant 0 : i32
      %dma_start3A_78 = tpu.memref_slice %arg12[%add3A_70, %dma_start3A_77] : memref<5120x128xf32, #tpu.memory_space<vmem_shared>> -> memref<64x128xf32, #tpu.memory_space<vmem_shared>>
      %dma_start3A_79 = arith.constant 0 : i32
      %dma_start3A_80 = arith.constant 0 : i32
      %dma_start3A_81 = tpu.memref_slice %arg10[%dma_start3A_79, %dma_start3A_80] : memref<128x128xf32, #tpu.memory_space<vmem>> -> memref<64x128xf32, #tpu.memory_space<vmem>>
      %dma_start3A_82 = arith.constant 0 : i32
      %dma_start3A_83 = tpu.memref_slice %arg12[%add3A_70, %dma_start3A_82] : memref<5120x128xf32, #tpu.memory_space<vmem_shared>> -> memref<64x128xf32, #tpu.memory_space<vmem_shared>>
      tpu.enqueue_dma source(%dma_start3A_83 : memref<64x128xf32, #tpu.memory_space<vmem_shared>>) target(%dma_start3A_81 : memref<64x128xf32, #tpu.memory_space<vmem>>) target_semaphore(%run_scoped3A : memref<!tpu.dma_semaphore, #tpu.memory_space<semaphore_mem>>)
      %dma_wait3A = arith.constant 0 : i32
      %dma_wait3A_84 = arith.constant 0 : i32
      %dma_wait3A_85 = tpu.memref_slice %arg10[%dma_wait3A, %dma_wait3A_84] : memref<128x128xf32, #tpu.memory_space<vmem>> -> memref<64x128xf32, #tpu.memory_space<vmem>>
      %dma_wait3A_86 = arith.constant 0 : i32
      %dma_wait3A_87 = tpu.memref_slice %arg12[%add3A_70, %dma_wait3A_86] : memref<5120x128xf32, #tpu.memory_space<vmem_shared>> -> memref<64x128xf32, #tpu.memory_space<vmem_shared>>
      %dma_wait3A_88 = arith.constant 0 : i32
      %dma_wait3A_89 = arith.constant 0 : i32
      %dma_wait3A_90 = tpu.memref_slice %arg10[%dma_wait3A_88, %dma_wait3A_89] : memref<128x128xf32, #tpu.memory_space<vmem>> -> memref<64x128xf32, #tpu.memory_space<vmem>>
      %dma_wait3A_91 = arith.constant 0 : i32
      %dma_wait3A_92 = tpu.memref_slice %arg12[%add3A_70, %dma_wait3A_91] : memref<5120x128xf32, #tpu.memory_space<vmem_shared>> -> memref<64x128xf32, #tpu.memory_space<vmem_shared>>
      tpu.wait_dma2 semaphore(%run_scoped3A : memref<!tpu.dma_semaphore, #tpu.memory_space<semaphore_mem>>) src(%dma_wait3A_92 : memref<64x128xf32, #tpu.memory_space<vmem_shared>>) dst(%dma_wait3A_90 : memref<64x128xf32, #tpu.memory_space<vmem>>)
      tpu.yield
    }) : () -> ()
    %mul3A_71 = arith.constant 320 : i32
    %mul3A_72 = arith.muli %arg1, %mul3A_71 : i32
    %add3A_73 = arith.constant 256 : i32
    %add3A_74 = arith.addi %mul3A_72, %add3A_73 : i32
    "tpu.region"() ({
      %run_scoped3A = tpu.sem_alloc : memref<!tpu.dma_semaphore, #tpu.memory_space<semaphore_mem>>
      %dma_start3A = arith.constant 0 : i32
      %dma_start3A_75 = arith.constant 0 : i32
      %dma_start3A_76 = tpu.memref_slice %arg10[%dma_start3A, %dma_start3A_75] : memref<128x128xf32, #tpu.memory_space<vmem>> -> memref<64x128xf32, #tpu.memory_space<vmem>>
      %dma_start3A_77 = arith.constant 0 : i32
      %dma_start3A_78 = tpu.memref_slice %arg7[%arg0, %add3A_74, %dma_start3A_77] : memref<2x5120x128xf32, #tpu.memory_space<hbm>> -> memref<1x64x128xf32, #tpu.memory_space<hbm>>
      %dma_start3A_79 = tpu.memref_squeeze %dma_start3A_78 : memref<1x64x128xf32, #tpu.memory_space<hbm>> -> memref<64x128xf32, #tpu.memory_space<hbm>>
      %dma_start3A_80 = arith.constant 0 : i32
      %dma_start3A_81 = tpu.memref_slice %arg7[%arg0, %add3A_74, %dma_start3A_80] : memref<2x5120x128xf32, #tpu.memory_space<hbm>> -> memref<1x64x128xf32, #tpu.memory_space<hbm>>
      %dma_start3A_82 = tpu.memref_squeeze %dma_start3A_81 : memref<1x64x128xf32, #tpu.memory_space<hbm>> -> memref<64x128xf32, #tpu.memory_space<hbm>>
      %dma_start3A_83 = arith.constant 0 : i32
      %dma_start3A_84 = arith.constant 0 : i32
      %dma_start3A_85 = tpu.memref_slice %arg10[%dma_start3A_83, %dma_start3A_84] : memref<128x128xf32, #tpu.memory_space<vmem>> -> memref<64x128xf32, #tpu.memory_space<vmem>>
      tpu.enqueue_dma source(%dma_start3A_85 : memref<64x128xf32, #tpu.memory_space<vmem>>) target(%dma_start3A_82 : memref<64x128xf32, #tpu.memory_space<hbm>>) target_semaphore(%run_scoped3A : memref<!tpu.dma_semaphore, #tpu.memory_space<semaphore_mem>>)
      %dma_wait3A = arith.constant 0 : i32
      %dma_wait3A_86 = arith.constant 0 : i32
      %dma_wait3A_87 = tpu.memref_slice %arg10[%dma_wait3A, %dma_wait3A_86] : memref<128x128xf32, #tpu.memory_space<vmem>> -> memref<64x128xf32, #tpu.memory_space<vmem>>
      %dma_wait3A_88 = arith.constant 0 : i32
      %dma_wait3A_89 = tpu.memref_slice %arg7[%arg0, %add3A_74, %dma_wait3A_88] : memref<2x5120x128xf32, #tpu.memory_space<hbm>> -> memref<1x64x128xf32, #tpu.memory_space<hbm>>
      %dma_wait3A_90 = tpu.memref_squeeze %dma_wait3A_89 : memref<1x64x128xf32, #tpu.memory_space<hbm>> -> memref<64x128xf32, #tpu.memory_space<hbm>>
      %dma_wait3A_91 = arith.constant 0 : i32
      %dma_wait3A_92 = tpu.memref_slice %arg7[%arg0, %add3A_74, %dma_wait3A_91] : memref<2x5120x128xf32, #tpu.memory_space<hbm>> -> memref<1x64x128xf32, #tpu.memory_space<hbm>>
      %dma_wait3A_93 = tpu.memref_squeeze %dma_wait3A_92 : memref<1x64x128xf32, #tpu.memory_space<hbm>> -> memref<64x128xf32, #tpu.memory_space<hbm>>
      %dma_wait3A_94 = arith.constant 0 : i32
      %dma_wait3A_95 = arith.constant 0 : i32
      %dma_wait3A_96 = tpu.memref_slice %arg10[%dma_wait3A_94, %dma_wait3A_95] : memref<128x128xf32, #tpu.memory_space<vmem>> -> memref<64x128xf32, #tpu.memory_space<vmem>>
      tpu.wait_dma2 semaphore(%run_scoped3A : memref<!tpu.dma_semaphore, #tpu.memory_space<semaphore_mem>>) src(%dma_wait3A_96 : memref<64x128xf32, #tpu.memory_space<vmem>>) dst(%dma_wait3A_93 : memref<64x128xf32, #tpu.memory_space<hbm>>)
      tpu.yield
    }) : () -> ()
    return
  }
}

#map = affine_map<(d0, d1) -> (0, 0)>
#map1 = affine_map<(d0, d1) -> (0, 0, 0)>
module attributes {stable_mosaic.version = 14 : i64} {
  func.func @_cnt_n_body(%arg0: i32, %arg1: i32, %arg2: memref<2560x128xi32, #tpu.memory_space<hbm>>, %arg3: memref<128x128xf32, #tpu.memory_space<hbm>>, %arg4: memref<128x128xf32, #tpu.memory_space<hbm>>, %arg5: memref<2x10240x128xf32, #tpu.memory_space<hbm>>, %arg6: memref<128xi32, #tpu.memory_space<vmem>>, %arg7: memref<128x128xf32, #tpu.memory_space<vmem>>, %arg8: memref<10240x128xf32, #tpu.memory_space<vmem_shared>>) attributes {dimension_semantics = [#tpu.dimension_semantics<core_parallel>, #tpu.dimension_semantics<subcore_parallel>], iteration_bounds = array<i64: 2, 16>, scalar_prefetch = 0 : i64, scratch_operands = 3 : i64, tpu.core_type = #tpu.core_type<sc_vector_subcore>, window_params = [{transform_indices = #map}, {transform_indices = #map}, {transform_indices = #map}, {transform_indices = #map1}]} {
    "tpu.region"() ({
      %run_scoped3A = tpu.sem_alloc : memref<!tpu.dma_semaphore, #tpu.memory_space<semaphore_mem>>
      tpu.enqueue_dma source(%arg3 : memref<128x128xf32, #tpu.memory_space<hbm>>) target(%arg7 : memref<128x128xf32, #tpu.memory_space<vmem>>) target_semaphore(%run_scoped3A : memref<!tpu.dma_semaphore, #tpu.memory_space<semaphore_mem>>)
      tpu.wait_dma2 semaphore(%run_scoped3A : memref<!tpu.dma_semaphore, #tpu.memory_space<semaphore_mem>>) src(%arg3 : memref<128x128xf32, #tpu.memory_space<hbm>>) dst(%arg7 : memref<128x128xf32, #tpu.memory_space<vmem>>)
      tpu.yield
    }) : () -> ()
    %mul3A = arith.constant 640 : i32
    %mul3A_0 = arith.muli %arg1, %mul3A : i32
    %add3A = arith.constant 0 : i32
    %add3A_1 = arith.addi %mul3A_0, %add3A : i32
    "tpu.region"() ({
      %run_scoped3A = tpu.sem_alloc : memref<!tpu.dma_semaphore, #tpu.memory_space<semaphore_mem>>
      %dma_start3A = arith.constant 0 : i32
      %dma_start3A_63 = tpu.memref_slice %arg8[%add3A_1, %dma_start3A] : memref<10240x128xf32, #tpu.memory_space<vmem_shared>> -> memref<128x128xf32, #tpu.memory_space<vmem_shared>>
      %dma_start3A_64 = arith.constant 0 : i32
      %dma_start3A_65 = tpu.memref_slice %arg8[%add3A_1, %dma_start3A_64] : memref<10240x128xf32, #tpu.memory_space<vmem_shared>> -> memref<128x128xf32, #tpu.memory_space<vmem_shared>>
      tpu.enqueue_dma source(%arg7 : memref<128x128xf32, #tpu.memory_space<vmem>>) target(%dma_start3A_65 : memref<128x128xf32, #tpu.memory_space<vmem_shared>>) target_semaphore(%run_scoped3A : memref<!tpu.dma_semaphore, #tpu.memory_space<semaphore_mem>>)
      %dma_wait3A = arith.constant 0 : i32
      %dma_wait3A_66 = tpu.memref_slice %arg8[%add3A_1, %dma_wait3A] : memref<10240x128xf32, #tpu.memory_space<vmem_shared>> -> memref<128x128xf32, #tpu.memory_space<vmem_shared>>
      %dma_wait3A_67 = arith.constant 0 : i32
      %dma_wait3A_68 = tpu.memref_slice %arg8[%add3A_1, %dma_wait3A_67] : memref<10240x128xf32, #tpu.memory_space<vmem_shared>> -> memref<128x128xf32, #tpu.memory_space<vmem_shared>>
      tpu.wait_dma2 semaphore(%run_scoped3A : memref<!tpu.dma_semaphore, #tpu.memory_space<semaphore_mem>>) src(%arg7 : memref<128x128xf32, #tpu.memory_space<vmem>>) dst(%dma_wait3A_68 : memref<128x128xf32, #tpu.memory_space<vmem_shared>>)
      tpu.yield
    }) : () -> ()
    %mul3A_2 = arith.constant 640 : i32
    %mul3A_3 = arith.muli %arg1, %mul3A_2 : i32
    %add3A_4 = arith.constant 128 : i32
    %add3A_5 = arith.addi %mul3A_3, %add3A_4 : i32
    "tpu.region"() ({
      %run_scoped3A = tpu.sem_alloc : memref<!tpu.dma_semaphore, #tpu.memory_space<semaphore_mem>>
      %dma_start3A = arith.constant 0 : i32
      %dma_start3A_63 = tpu.memref_slice %arg8[%add3A_5, %dma_start3A] : memref<10240x128xf32, #tpu.memory_space<vmem_shared>> -> memref<128x128xf32, #tpu.memory_space<vmem_shared>>
      %dma_start3A_64 = arith.constant 0 : i32
      %dma_start3A_65 = tpu.memref_slice %arg8[%add3A_5, %dma_start3A_64] : memref<10240x128xf32, #tpu.memory_space<vmem_shared>> -> memref<128x128xf32, #tpu.memory_space<vmem_shared>>
      tpu.enqueue_dma source(%arg7 : memref<128x128xf32, #tpu.memory_space<vmem>>) target(%dma_start3A_65 : memref<128x128xf32, #tpu.memory_space<vmem_shared>>) target_semaphore(%run_scoped3A : memref<!tpu.dma_semaphore, #tpu.memory_space<semaphore_mem>>)
      %dma_wait3A = arith.constant 0 : i32
      %dma_wait3A_66 = tpu.memref_slice %arg8[%add3A_5, %dma_wait3A] : memref<10240x128xf32, #tpu.memory_space<vmem_shared>> -> memref<128x128xf32, #tpu.memory_space<vmem_shared>>
      %dma_wait3A_67 = arith.constant 0 : i32
      %dma_wait3A_68 = tpu.memref_slice %arg8[%add3A_5, %dma_wait3A_67] : memref<10240x128xf32, #tpu.memory_space<vmem_shared>> -> memref<128x128xf32, #tpu.memory_space<vmem_shared>>
      tpu.wait_dma2 semaphore(%run_scoped3A : memref<!tpu.dma_semaphore, #tpu.memory_space<semaphore_mem>>) src(%arg7 : memref<128x128xf32, #tpu.memory_space<vmem>>) dst(%dma_wait3A_68 : memref<128x128xf32, #tpu.memory_space<vmem_shared>>)
      tpu.yield
    }) : () -> ()
    %mul3A_6 = arith.constant 640 : i32
    %mul3A_7 = arith.muli %arg1, %mul3A_6 : i32
    %add3A_8 = arith.constant 256 : i32
    %add3A_9 = arith.addi %mul3A_7, %add3A_8 : i32
    "tpu.region"() ({
      %run_scoped3A = tpu.sem_alloc : memref<!tpu.dma_semaphore, #tpu.memory_space<semaphore_mem>>
      %dma_start3A = arith.constant 0 : i32
      %dma_start3A_63 = tpu.memref_slice %arg8[%add3A_9, %dma_start3A] : memref<10240x128xf32, #tpu.memory_space<vmem_shared>> -> memref<128x128xf32, #tpu.memory_space<vmem_shared>>
      %dma_start3A_64 = arith.constant 0 : i32
      %dma_start3A_65 = tpu.memref_slice %arg8[%add3A_9, %dma_start3A_64] : memref<10240x128xf32, #tpu.memory_space<vmem_shared>> -> memref<128x128xf32, #tpu.memory_space<vmem_shared>>
      tpu.enqueue_dma source(%arg7 : memref<128x128xf32, #tpu.memory_space<vmem>>) target(%dma_start3A_65 : memref<128x128xf32, #tpu.memory_space<vmem_shared>>) target_semaphore(%run_scoped3A : memref<!tpu.dma_semaphore, #tpu.memory_space<semaphore_mem>>)
      %dma_wait3A = arith.constant 0 : i32
      %dma_wait3A_66 = tpu.memref_slice %arg8[%add3A_9, %dma_wait3A] : memref<10240x128xf32, #tpu.memory_space<vmem_shared>> -> memref<128x128xf32, #tpu.memory_space<vmem_shared>>
      %dma_wait3A_67 = arith.constant 0 : i32
      %dma_wait3A_68 = tpu.memref_slice %arg8[%add3A_9, %dma_wait3A_67] : memref<10240x128xf32, #tpu.memory_space<vmem_shared>> -> memref<128x128xf32, #tpu.memory_space<vmem_shared>>
      tpu.wait_dma2 semaphore(%run_scoped3A : memref<!tpu.dma_semaphore, #tpu.memory_space<semaphore_mem>>) src(%arg7 : memref<128x128xf32, #tpu.memory_space<vmem>>) dst(%dma_wait3A_68 : memref<128x128xf32, #tpu.memory_space<vmem_shared>>)
      tpu.yield
    }) : () -> ()
    %mul3A_10 = arith.constant 640 : i32
    %mul3A_11 = arith.muli %arg1, %mul3A_10 : i32
    %add3A_12 = arith.constant 384 : i32
    %add3A_13 = arith.addi %mul3A_11, %add3A_12 : i32
    "tpu.region"() ({
      %run_scoped3A = tpu.sem_alloc : memref<!tpu.dma_semaphore, #tpu.memory_space<semaphore_mem>>
      %dma_start3A = arith.constant 0 : i32
      %dma_start3A_63 = tpu.memref_slice %arg8[%add3A_13, %dma_start3A] : memref<10240x128xf32, #tpu.memory_space<vmem_shared>> -> memref<128x128xf32, #tpu.memory_space<vmem_shared>>
      %dma_start3A_64 = arith.constant 0 : i32
      %dma_start3A_65 = tpu.memref_slice %arg8[%add3A_13, %dma_start3A_64] : memref<10240x128xf32, #tpu.memory_space<vmem_shared>> -> memref<128x128xf32, #tpu.memory_space<vmem_shared>>
      tpu.enqueue_dma source(%arg7 : memref<128x128xf32, #tpu.memory_space<vmem>>) target(%dma_start3A_65 : memref<128x128xf32, #tpu.memory_space<vmem_shared>>) target_semaphore(%run_scoped3A : memref<!tpu.dma_semaphore, #tpu.memory_space<semaphore_mem>>)
      %dma_wait3A = arith.constant 0 : i32
      %dma_wait3A_66 = tpu.memref_slice %arg8[%add3A_13, %dma_wait3A] : memref<10240x128xf32, #tpu.memory_space<vmem_shared>> -> memref<128x128xf32, #tpu.memory_space<vmem_shared>>
      %dma_wait3A_67 = arith.constant 0 : i32
      %dma_wait3A_68 = tpu.memref_slice %arg8[%add3A_13, %dma_wait3A_67] : memref<10240x128xf32, #tpu.memory_space<vmem_shared>> -> memref<128x128xf32, #tpu.memory_space<vmem_shared>>
      tpu.wait_dma2 semaphore(%run_scoped3A : memref<!tpu.dma_semaphore, #tpu.memory_space<semaphore_mem>>) src(%arg7 : memref<128x128xf32, #tpu.memory_space<vmem>>) dst(%dma_wait3A_68 : memref<128x128xf32, #tpu.memory_space<vmem_shared>>)
      tpu.yield
    }) : () -> ()
    %mul3A_14 = arith.constant 640 : i32
    %mul3A_15 = arith.muli %arg1, %mul3A_14 : i32
    %add3A_16 = arith.constant 512 : i32
    %add3A_17 = arith.addi %mul3A_15, %add3A_16 : i32
    "tpu.region"() ({
      %run_scoped3A = tpu.sem_alloc : memref<!tpu.dma_semaphore, #tpu.memory_space<semaphore_mem>>
      %dma_start3A = arith.constant 0 : i32
      %dma_start3A_63 = tpu.memref_slice %arg8[%add3A_17, %dma_start3A] : memref<10240x128xf32, #tpu.memory_space<vmem_shared>> -> memref<128x128xf32, #tpu.memory_space<vmem_shared>>
      %dma_start3A_64 = arith.constant 0 : i32
      %dma_start3A_65 = tpu.memref_slice %arg8[%add3A_17, %dma_start3A_64] : memref<10240x128xf32, #tpu.memory_space<vmem_shared>> -> memref<128x128xf32, #tpu.memory_space<vmem_shared>>
      tpu.enqueue_dma source(%arg7 : memref<128x128xf32, #tpu.memory_space<vmem>>) target(%dma_start3A_65 : memref<128x128xf32, #tpu.memory_space<vmem_shared>>) target_semaphore(%run_scoped3A : memref<!tpu.dma_semaphore, #tpu.memory_space<semaphore_mem>>)
      %dma_wait3A = arith.constant 0 : i32
      %dma_wait3A_66 = tpu.memref_slice %arg8[%add3A_17, %dma_wait3A] : memref<10240x128xf32, #tpu.memory_space<vmem_shared>> -> memref<128x128xf32, #tpu.memory_space<vmem_shared>>
      %dma_wait3A_67 = arith.constant 0 : i32
      %dma_wait3A_68 = tpu.memref_slice %arg8[%add3A_17, %dma_wait3A_67] : memref<10240x128xf32, #tpu.memory_space<vmem_shared>> -> memref<128x128xf32, #tpu.memory_space<vmem_shared>>
      tpu.wait_dma2 semaphore(%run_scoped3A : memref<!tpu.dma_semaphore, #tpu.memory_space<semaphore_mem>>) src(%arg7 : memref<128x128xf32, #tpu.memory_space<vmem>>) dst(%dma_wait3A_68 : memref<128x128xf32, #tpu.memory_space<vmem_shared>>)
      tpu.yield
    }) : () -> ()
    "tpu.region"() ({
      %run_scoped3A = tpu.sem_alloc : memref<!tpu.dma_semaphore, #tpu.memory_space<semaphore_mem>>
      tpu.enqueue_dma source(%arg4 : memref<128x128xf32, #tpu.memory_space<hbm>>) target(%arg7 : memref<128x128xf32, #tpu.memory_space<vmem>>) target_semaphore(%run_scoped3A : memref<!tpu.dma_semaphore, #tpu.memory_space<semaphore_mem>>)
      tpu.wait_dma2 semaphore(%run_scoped3A : memref<!tpu.dma_semaphore, #tpu.memory_space<semaphore_mem>>) src(%arg4 : memref<128x128xf32, #tpu.memory_space<hbm>>) dst(%arg7 : memref<128x128xf32, #tpu.memory_space<vmem>>)
      tpu.yield
    }) : () -> ()
    %barrier3A = arith.constant 0 : index
    tpu.barrier barrier_id(%barrier3A)
    %scan3A = arith.constant 0 : i32
    %scan3A_18 = arith.constant 80 : i32
    %scan3A_19 = arith.addi %scan3A, %scan3A_18 : i32
    %scan3A_20 = arith.constant 1 : i32
    scf.for %scan3A_63 = %scan3A to %scan3A_19 step %scan3A_20  : i32 {
      %mul3A_64 = arith.constant 1 : i32
      %mul3A_65 = arith.muli %scan3A_63, %mul3A_64 : i32
      %add3A_66 = arith.constant 0 : i32
      %add3A_67 = arith.addi %add3A_66, %mul3A_65 : i32
      %mul3A_68 = arith.constant 1280 : i32
      %mul3A_69 = arith.muli %arg0, %mul3A_68 : i32
      %mul3A_70 = arith.constant 80 : i32
      %mul3A_71 = arith.muli %arg1, %mul3A_70 : i32
      %add3A_72 = arith.addi %mul3A_69, %mul3A_71 : i32
      %add3A_73 = arith.addi %add3A_72, %add3A_67 : i32
      "tpu.region"() ({
        %run_scoped3A = tpu.sem_alloc : memref<!tpu.dma_semaphore, #tpu.memory_space<semaphore_mem>>
        %dma_start3A = arith.constant 0 : i32
        %dma_start3A_74 = tpu.memref_slice %arg2[%add3A_73, %dma_start3A] : memref<2560x128xi32, #tpu.memory_space<hbm>> -> memref<1x128xi32, #tpu.memory_space<hbm>>
        %dma_start3A_75 = tpu.memref_squeeze %dma_start3A_74 : memref<1x128xi32, #tpu.memory_space<hbm>> -> memref<128xi32, #tpu.memory_space<hbm>>
        %dma_start3A_76 = arith.constant 0 : i32
        %dma_start3A_77 = tpu.memref_slice %arg2[%add3A_73, %dma_start3A_76] : memref<2560x128xi32, #tpu.memory_space<hbm>> -> memref<1x128xi32, #tpu.memory_space<hbm>>
        %dma_start3A_78 = tpu.memref_squeeze %dma_start3A_77 : memref<1x128xi32, #tpu.memory_space<hbm>> -> memref<128xi32, #tpu.memory_space<hbm>>
        tpu.enqueue_dma source(%dma_start3A_78 : memref<128xi32, #tpu.memory_space<hbm>>) target(%arg6 : memref<128xi32, #tpu.memory_space<vmem>>) target_semaphore(%run_scoped3A : memref<!tpu.dma_semaphore, #tpu.memory_space<semaphore_mem>>)
        %dma_wait3A = arith.constant 0 : i32
        %dma_wait3A_79 = tpu.memref_slice %arg2[%add3A_73, %dma_wait3A] : memref<2560x128xi32, #tpu.memory_space<hbm>> -> memref<1x128xi32, #tpu.memory_space<hbm>>
        %dma_wait3A_80 = tpu.memref_squeeze %dma_wait3A_79 : memref<1x128xi32, #tpu.memory_space<hbm>> -> memref<128xi32, #tpu.memory_space<hbm>>
        %dma_wait3A_81 = arith.constant 0 : i32
        %dma_wait3A_82 = tpu.memref_slice %arg2[%add3A_73, %dma_wait3A_81] : memref<2560x128xi32, #tpu.memory_space<hbm>> -> memref<1x128xi32, #tpu.memory_space<hbm>>
        %dma_wait3A_83 = tpu.memref_squeeze %dma_wait3A_82 : memref<1x128xi32, #tpu.memory_space<hbm>> -> memref<128xi32, #tpu.memory_space<hbm>>
        tpu.wait_dma2 semaphore(%run_scoped3A : memref<!tpu.dma_semaphore, #tpu.memory_space<semaphore_mem>>) src(%dma_wait3A_83 : memref<128xi32, #tpu.memory_space<hbm>>) dst(%arg6 : memref<128xi32, #tpu.memory_space<vmem>>)
        tpu.yield
      }) : () -> ()
      "tpu.region"() ({
        %run_scoped3A = tpu.sem_alloc : memref<!tpu.dma_semaphore, #tpu.memory_space<semaphore_mem>>
        %dma_start3A = arith.constant 0 : i32
        %dma_start3A_74 = arith.constant 0 : i32
        %dma_start3A_75 = tpu.memref_slice %arg8[%dma_start3A, %dma_start3A_74] : memref<10240x128xf32, #tpu.memory_space<vmem_shared>> -> memref<10240x128xf32, #tpu.memory_space<vmem_shared>>
        tpu.enqueue_indirect_dma source(%arg7 : memref<128x128xf32, #tpu.memory_space<vmem>>) target(%dma_start3A_75 : memref<10240x128xf32, #tpu.memory_space<vmem_shared>>) offsets(%arg6 : memref<128xi32, #tpu.memory_space<vmem>>) semaphore(%run_scoped3A : memref<!tpu.dma_semaphore, #tpu.memory_space<semaphore_mem>>) {add = true}
        %dma_wait3A = arith.constant 0 : i32
        %dma_wait3A_76 = arith.constant 0 : i32
        %dma_wait3A_77 = tpu.memref_slice %arg8[%dma_wait3A, %dma_wait3A_76] : memref<10240x128xf32, #tpu.memory_space<vmem_shared>> -> memref<10240x128xf32, #tpu.memory_space<vmem_shared>>
        tpu.wait_indirect_dma semaphore(%run_scoped3A : memref<!tpu.dma_semaphore, #tpu.memory_space<semaphore_mem>>) src(%arg7 : memref<128x128xf32, #tpu.memory_space<vmem>>) dst(%dma_wait3A_77 : memref<10240x128xf32, #tpu.memory_space<vmem_shared>>)
        tpu.yield
      }) : () -> ()
    }
    %scan3A_21 = arith.constant 80 : i32
    %barrier3A_22 = arith.constant 0 : index
    tpu.barrier barrier_id(%barrier3A_22)
    %mul3A_23 = arith.constant 640 : i32
    %mul3A_24 = arith.muli %arg1, %mul3A_23 : i32
    %add3A_25 = arith.constant 0 : i32
    %add3A_26 = arith.addi %mul3A_24, %add3A_25 : i32
    "tpu.region"() ({
      %run_scoped3A = tpu.sem_alloc : memref<!tpu.dma_semaphore, #tpu.memory_space<semaphore_mem>>
      %dma_start3A = arith.constant 0 : i32
      %dma_start3A_63 = tpu.memref_slice %arg8[%add3A_26, %dma_start3A] : memref<10240x128xf32, #tpu.memory_space<vmem_shared>> -> memref<128x128xf32, #tpu.memory_space<vmem_shared>>
      %dma_start3A_64 = arith.constant 0 : i32
      %dma_start3A_65 = tpu.memref_slice %arg8[%add3A_26, %dma_start3A_64] : memref<10240x128xf32, #tpu.memory_space<vmem_shared>> -> memref<128x128xf32, #tpu.memory_space<vmem_shared>>
      tpu.enqueue_dma source(%dma_start3A_65 : memref<128x128xf32, #tpu.memory_space<vmem_shared>>) target(%arg7 : memref<128x128xf32, #tpu.memory_space<vmem>>) target_semaphore(%run_scoped3A : memref<!tpu.dma_semaphore, #tpu.memory_space<semaphore_mem>>)
      %dma_wait3A = arith.constant 0 : i32
      %dma_wait3A_66 = tpu.memref_slice %arg8[%add3A_26, %dma_wait3A] : memref<10240x128xf32, #tpu.memory_space<vmem_shared>> -> memref<128x128xf32, #tpu.memory_space<vmem_shared>>
      %dma_wait3A_67 = arith.constant 0 : i32
      %dma_wait3A_68 = tpu.memref_slice %arg8[%add3A_26, %dma_wait3A_67] : memref<10240x128xf32, #tpu.memory_space<vmem_shared>> -> memref<128x128xf32, #tpu.memory_space<vmem_shared>>
      tpu.wait_dma2 semaphore(%run_scoped3A : memref<!tpu.dma_semaphore, #tpu.memory_space<semaphore_mem>>) src(%dma_wait3A_68 : memref<128x128xf32, #tpu.memory_space<vmem_shared>>) dst(%arg7 : memref<128x128xf32, #tpu.memory_space<vmem>>)
      tpu.yield
    }) : () -> ()
    %mul3A_27 = arith.constant 640 : i32
    %mul3A_28 = arith.muli %arg1, %mul3A_27 : i32
    %add3A_29 = arith.constant 0 : i32
    %add3A_30 = arith.addi %mul3A_28, %add3A_29 : i32
    "tpu.region"() ({
      %run_scoped3A = tpu.sem_alloc : memref<!tpu.dma_semaphore, #tpu.memory_space<semaphore_mem>>
      %dma_start3A = arith.constant 0 : i32
      %dma_start3A_63 = tpu.memref_slice %arg5[%arg0, %add3A_30, %dma_start3A] : memref<2x10240x128xf32, #tpu.memory_space<hbm>> -> memref<1x128x128xf32, #tpu.memory_space<hbm>>
      %dma_start3A_64 = tpu.memref_squeeze %dma_start3A_63 : memref<1x128x128xf32, #tpu.memory_space<hbm>> -> memref<128x128xf32, #tpu.memory_space<hbm>>
      %dma_start3A_65 = arith.constant 0 : i32
      %dma_start3A_66 = tpu.memref_slice %arg5[%arg0, %add3A_30, %dma_start3A_65] : memref<2x10240x128xf32, #tpu.memory_space<hbm>> -> memref<1x128x128xf32, #tpu.memory_space<hbm>>
      %dma_start3A_67 = tpu.memref_squeeze %dma_start3A_66 : memref<1x128x128xf32, #tpu.memory_space<hbm>> -> memref<128x128xf32, #tpu.memory_space<hbm>>
      tpu.enqueue_dma source(%arg7 : memref<128x128xf32, #tpu.memory_space<vmem>>) target(%dma_start3A_67 : memref<128x128xf32, #tpu.memory_space<hbm>>) target_semaphore(%run_scoped3A : memref<!tpu.dma_semaphore, #tpu.memory_space<semaphore_mem>>)
      %dma_wait3A = arith.constant 0 : i32
      %dma_wait3A_68 = tpu.memref_slice %arg5[%arg0, %add3A_30, %dma_wait3A] : memref<2x10240x128xf32, #tpu.memory_space<hbm>> -> memref<1x128x128xf32, #tpu.memory_space<hbm>>
      %dma_wait3A_69 = tpu.memref_squeeze %dma_wait3A_68 : memref<1x128x128xf32, #tpu.memory_space<hbm>> -> memref<128x128xf32, #tpu.memory_space<hbm>>
      %dma_wait3A_70 = arith.constant 0 : i32
      %dma_wait3A_71 = tpu.memref_slice %arg5[%arg0, %add3A_30, %dma_wait3A_70] : memref<2x10240x128xf32, #tpu.memory_space<hbm>> -> memref<1x128x128xf32, #tpu.memory_space<hbm>>
      %dma_wait3A_72 = tpu.memref_squeeze %dma_wait3A_71 : memref<1x128x128xf32, #tpu.memory_space<hbm>> -> memref<128x128xf32, #tpu.memory_space<hbm>>
      tpu.wait_dma2 semaphore(%run_scoped3A : memref<!tpu.dma_semaphore, #tpu.memory_space<semaphore_mem>>) src(%arg7 : memref<128x128xf32, #tpu.memory_space<vmem>>) dst(%dma_wait3A_72 : memref<128x128xf32, #tpu.memory_space<hbm>>)
      tpu.yield
    }) : () -> ()
    %mul3A_31 = arith.constant 640 : i32
    %mul3A_32 = arith.muli %arg1, %mul3A_31 : i32
    %add3A_33 = arith.constant 128 : i32
    %add3A_34 = arith.addi %mul3A_32, %add3A_33 : i32
    "tpu.region"() ({
      %run_scoped3A = tpu.sem_alloc : memref<!tpu.dma_semaphore, #tpu.memory_space<semaphore_mem>>
      %dma_start3A = arith.constant 0 : i32
      %dma_start3A_63 = tpu.memref_slice %arg8[%add3A_34, %dma_start3A] : memref<10240x128xf32, #tpu.memory_space<vmem_shared>> -> memref<128x128xf32, #tpu.memory_space<vmem_shared>>
      %dma_start3A_64 = arith.constant 0 : i32
      %dma_start3A_65 = tpu.memref_slice %arg8[%add3A_34, %dma_start3A_64] : memref<10240x128xf32, #tpu.memory_space<vmem_shared>> -> memref<128x128xf32, #tpu.memory_space<vmem_shared>>
      tpu.enqueue_dma source(%dma_start3A_65 : memref<128x128xf32, #tpu.memory_space<vmem_shared>>) target(%arg7 : memref<128x128xf32, #tpu.memory_space<vmem>>) target_semaphore(%run_scoped3A : memref<!tpu.dma_semaphore, #tpu.memory_space<semaphore_mem>>)
      %dma_wait3A = arith.constant 0 : i32
      %dma_wait3A_66 = tpu.memref_slice %arg8[%add3A_34, %dma_wait3A] : memref<10240x128xf32, #tpu.memory_space<vmem_shared>> -> memref<128x128xf32, #tpu.memory_space<vmem_shared>>
      %dma_wait3A_67 = arith.constant 0 : i32
      %dma_wait3A_68 = tpu.memref_slice %arg8[%add3A_34, %dma_wait3A_67] : memref<10240x128xf32, #tpu.memory_space<vmem_shared>> -> memref<128x128xf32, #tpu.memory_space<vmem_shared>>
      tpu.wait_dma2 semaphore(%run_scoped3A : memref<!tpu.dma_semaphore, #tpu.memory_space<semaphore_mem>>) src(%dma_wait3A_68 : memref<128x128xf32, #tpu.memory_space<vmem_shared>>) dst(%arg7 : memref<128x128xf32, #tpu.memory_space<vmem>>)
      tpu.yield
    }) : () -> ()
    %mul3A_35 = arith.constant 640 : i32
    %mul3A_36 = arith.muli %arg1, %mul3A_35 : i32
    %add3A_37 = arith.constant 128 : i32
    %add3A_38 = arith.addi %mul3A_36, %add3A_37 : i32
    "tpu.region"() ({
      %run_scoped3A = tpu.sem_alloc : memref<!tpu.dma_semaphore, #tpu.memory_space<semaphore_mem>>
      %dma_start3A = arith.constant 0 : i32
      %dma_start3A_63 = tpu.memref_slice %arg5[%arg0, %add3A_38, %dma_start3A] : memref<2x10240x128xf32, #tpu.memory_space<hbm>> -> memref<1x128x128xf32, #tpu.memory_space<hbm>>
      %dma_start3A_64 = tpu.memref_squeeze %dma_start3A_63 : memref<1x128x128xf32, #tpu.memory_space<hbm>> -> memref<128x128xf32, #tpu.memory_space<hbm>>
      %dma_start3A_65 = arith.constant 0 : i32
      %dma_start3A_66 = tpu.memref_slice %arg5[%arg0, %add3A_38, %dma_start3A_65] : memref<2x10240x128xf32, #tpu.memory_space<hbm>> -> memref<1x128x128xf32, #tpu.memory_space<hbm>>
      %dma_start3A_67 = tpu.memref_squeeze %dma_start3A_66 : memref<1x128x128xf32, #tpu.memory_space<hbm>> -> memref<128x128xf32, #tpu.memory_space<hbm>>
      tpu.enqueue_dma source(%arg7 : memref<128x128xf32, #tpu.memory_space<vmem>>) target(%dma_start3A_67 : memref<128x128xf32, #tpu.memory_space<hbm>>) target_semaphore(%run_scoped3A : memref<!tpu.dma_semaphore, #tpu.memory_space<semaphore_mem>>)
      %dma_wait3A = arith.constant 0 : i32
      %dma_wait3A_68 = tpu.memref_slice %arg5[%arg0, %add3A_38, %dma_wait3A] : memref<2x10240x128xf32, #tpu.memory_space<hbm>> -> memref<1x128x128xf32, #tpu.memory_space<hbm>>
      %dma_wait3A_69 = tpu.memref_squeeze %dma_wait3A_68 : memref<1x128x128xf32, #tpu.memory_space<hbm>> -> memref<128x128xf32, #tpu.memory_space<hbm>>
      %dma_wait3A_70 = arith.constant 0 : i32
      %dma_wait3A_71 = tpu.memref_slice %arg5[%arg0, %add3A_38, %dma_wait3A_70] : memref<2x10240x128xf32, #tpu.memory_space<hbm>> -> memref<1x128x128xf32, #tpu.memory_space<hbm>>
      %dma_wait3A_72 = tpu.memref_squeeze %dma_wait3A_71 : memref<1x128x128xf32, #tpu.memory_space<hbm>> -> memref<128x128xf32, #tpu.memory_space<hbm>>
      tpu.wait_dma2 semaphore(%run_scoped3A : memref<!tpu.dma_semaphore, #tpu.memory_space<semaphore_mem>>) src(%arg7 : memref<128x128xf32, #tpu.memory_space<vmem>>) dst(%dma_wait3A_72 : memref<128x128xf32, #tpu.memory_space<hbm>>)
      tpu.yield
    }) : () -> ()
    %mul3A_39 = arith.constant 640 : i32
    %mul3A_40 = arith.muli %arg1, %mul3A_39 : i32
    %add3A_41 = arith.constant 256 : i32
    %add3A_42 = arith.addi %mul3A_40, %add3A_41 : i32
    "tpu.region"() ({
      %run_scoped3A = tpu.sem_alloc : memref<!tpu.dma_semaphore, #tpu.memory_space<semaphore_mem>>
      %dma_start3A = arith.constant 0 : i32
      %dma_start3A_63 = tpu.memref_slice %arg8[%add3A_42, %dma_start3A] : memref<10240x128xf32, #tpu.memory_space<vmem_shared>> -> memref<128x128xf32, #tpu.memory_space<vmem_shared>>
      %dma_start3A_64 = arith.constant 0 : i32
      %dma_start3A_65 = tpu.memref_slice %arg8[%add3A_42, %dma_start3A_64] : memref<10240x128xf32, #tpu.memory_space<vmem_shared>> -> memref<128x128xf32, #tpu.memory_space<vmem_shared>>
      tpu.enqueue_dma source(%dma_start3A_65 : memref<128x128xf32, #tpu.memory_space<vmem_shared>>) target(%arg7 : memref<128x128xf32, #tpu.memory_space<vmem>>) target_semaphore(%run_scoped3A : memref<!tpu.dma_semaphore, #tpu.memory_space<semaphore_mem>>)
      %dma_wait3A = arith.constant 0 : i32
      %dma_wait3A_66 = tpu.memref_slice %arg8[%add3A_42, %dma_wait3A] : memref<10240x128xf32, #tpu.memory_space<vmem_shared>> -> memref<128x128xf32, #tpu.memory_space<vmem_shared>>
      %dma_wait3A_67 = arith.constant 0 : i32
      %dma_wait3A_68 = tpu.memref_slice %arg8[%add3A_42, %dma_wait3A_67] : memref<10240x128xf32, #tpu.memory_space<vmem_shared>> -> memref<128x128xf32, #tpu.memory_space<vmem_shared>>
      tpu.wait_dma2 semaphore(%run_scoped3A : memref<!tpu.dma_semaphore, #tpu.memory_space<semaphore_mem>>) src(%dma_wait3A_68 : memref<128x128xf32, #tpu.memory_space<vmem_shared>>) dst(%arg7 : memref<128x128xf32, #tpu.memory_space<vmem>>)
      tpu.yield
    }) : () -> ()
    %mul3A_43 = arith.constant 640 : i32
    %mul3A_44 = arith.muli %arg1, %mul3A_43 : i32
    %add3A_45 = arith.constant 256 : i32
    %add3A_46 = arith.addi %mul3A_44, %add3A_45 : i32
    "tpu.region"() ({
      %run_scoped3A = tpu.sem_alloc : memref<!tpu.dma_semaphore, #tpu.memory_space<semaphore_mem>>
      %dma_start3A = arith.constant 0 : i32
      %dma_start3A_63 = tpu.memref_slice %arg5[%arg0, %add3A_46, %dma_start3A] : memref<2x10240x128xf32, #tpu.memory_space<hbm>> -> memref<1x128x128xf32, #tpu.memory_space<hbm>>
      %dma_start3A_64 = tpu.memref_squeeze %dma_start3A_63 : memref<1x128x128xf32, #tpu.memory_space<hbm>> -> memref<128x128xf32, #tpu.memory_space<hbm>>
      %dma_start3A_65 = arith.constant 0 : i32
      %dma_start3A_66 = tpu.memref_slice %arg5[%arg0, %add3A_46, %dma_start3A_65] : memref<2x10240x128xf32, #tpu.memory_space<hbm>> -> memref<1x128x128xf32, #tpu.memory_space<hbm>>
      %dma_start3A_67 = tpu.memref_squeeze %dma_start3A_66 : memref<1x128x128xf32, #tpu.memory_space<hbm>> -> memref<128x128xf32, #tpu.memory_space<hbm>>
      tpu.enqueue_dma source(%arg7 : memref<128x128xf32, #tpu.memory_space<vmem>>) target(%dma_start3A_67 : memref<128x128xf32, #tpu.memory_space<hbm>>) target_semaphore(%run_scoped3A : memref<!tpu.dma_semaphore, #tpu.memory_space<semaphore_mem>>)
      %dma_wait3A = arith.constant 0 : i32
      %dma_wait3A_68 = tpu.memref_slice %arg5[%arg0, %add3A_46, %dma_wait3A] : memref<2x10240x128xf32, #tpu.memory_space<hbm>> -> memref<1x128x128xf32, #tpu.memory_space<hbm>>
      %dma_wait3A_69 = tpu.memref_squeeze %dma_wait3A_68 : memref<1x128x128xf32, #tpu.memory_space<hbm>> -> memref<128x128xf32, #tpu.memory_space<hbm>>
      %dma_wait3A_70 = arith.constant 0 : i32
      %dma_wait3A_71 = tpu.memref_slice %arg5[%arg0, %add3A_46, %dma_wait3A_70] : memref<2x10240x128xf32, #tpu.memory_space<hbm>> -> memref<1x128x128xf32, #tpu.memory_space<hbm>>
      %dma_wait3A_72 = tpu.memref_squeeze %dma_wait3A_71 : memref<1x128x128xf32, #tpu.memory_space<hbm>> -> memref<128x128xf32, #tpu.memory_space<hbm>>
      tpu.wait_dma2 semaphore(%run_scoped3A : memref<!tpu.dma_semaphore, #tpu.memory_space<semaphore_mem>>) src(%arg7 : memref<128x128xf32, #tpu.memory_space<vmem>>) dst(%dma_wait3A_72 : memref<128x128xf32, #tpu.memory_space<hbm>>)
      tpu.yield
    }) : () -> ()
    %mul3A_47 = arith.constant 640 : i32
    %mul3A_48 = arith.muli %arg1, %mul3A_47 : i32
    %add3A_49 = arith.constant 384 : i32
    %add3A_50 = arith.addi %mul3A_48, %add3A_49 : i32
    "tpu.region"() ({
      %run_scoped3A = tpu.sem_alloc : memref<!tpu.dma_semaphore, #tpu.memory_space<semaphore_mem>>
      %dma_start3A = arith.constant 0 : i32
      %dma_start3A_63 = tpu.memref_slice %arg8[%add3A_50, %dma_start3A] : memref<10240x128xf32, #tpu.memory_space<vmem_shared>> -> memref<128x128xf32, #tpu.memory_space<vmem_shared>>
      %dma_start3A_64 = arith.constant 0 : i32
      %dma_start3A_65 = tpu.memref_slice %arg8[%add3A_50, %dma_start3A_64] : memref<10240x128xf32, #tpu.memory_space<vmem_shared>> -> memref<128x128xf32, #tpu.memory_space<vmem_shared>>
      tpu.enqueue_dma source(%dma_start3A_65 : memref<128x128xf32, #tpu.memory_space<vmem_shared>>) target(%arg7 : memref<128x128xf32, #tpu.memory_space<vmem>>) target_semaphore(%run_scoped3A : memref<!tpu.dma_semaphore, #tpu.memory_space<semaphore_mem>>)
      %dma_wait3A = arith.constant 0 : i32
      %dma_wait3A_66 = tpu.memref_slice %arg8[%add3A_50, %dma_wait3A] : memref<10240x128xf32, #tpu.memory_space<vmem_shared>> -> memref<128x128xf32, #tpu.memory_space<vmem_shared>>
      %dma_wait3A_67 = arith.constant 0 : i32
      %dma_wait3A_68 = tpu.memref_slice %arg8[%add3A_50, %dma_wait3A_67] : memref<10240x128xf32, #tpu.memory_space<vmem_shared>> -> memref<128x128xf32, #tpu.memory_space<vmem_shared>>
      tpu.wait_dma2 semaphore(%run_scoped3A : memref<!tpu.dma_semaphore, #tpu.memory_space<semaphore_mem>>) src(%dma_wait3A_68 : memref<128x128xf32, #tpu.memory_space<vmem_shared>>) dst(%arg7 : memref<128x128xf32, #tpu.memory_space<vmem>>)
      tpu.yield
    }) : () -> ()
    %mul3A_51 = arith.constant 640 : i32
    %mul3A_52 = arith.muli %arg1, %mul3A_51 : i32
    %add3A_53 = arith.constant 384 : i32
    %add3A_54 = arith.addi %mul3A_52, %add3A_53 : i32
    "tpu.region"() ({
      %run_scoped3A = tpu.sem_alloc : memref<!tpu.dma_semaphore, #tpu.memory_space<semaphore_mem>>
      %dma_start3A = arith.constant 0 : i32
      %dma_start3A_63 = tpu.memref_slice %arg5[%arg0, %add3A_54, %dma_start3A] : memref<2x10240x128xf32, #tpu.memory_space<hbm>> -> memref<1x128x128xf32, #tpu.memory_space<hbm>>
      %dma_start3A_64 = tpu.memref_squeeze %dma_start3A_63 : memref<1x128x128xf32, #tpu.memory_space<hbm>> -> memref<128x128xf32, #tpu.memory_space<hbm>>
      %dma_start3A_65 = arith.constant 0 : i32
      %dma_start3A_66 = tpu.memref_slice %arg5[%arg0, %add3A_54, %dma_start3A_65] : memref<2x10240x128xf32, #tpu.memory_space<hbm>> -> memref<1x128x128xf32, #tpu.memory_space<hbm>>
      %dma_start3A_67 = tpu.memref_squeeze %dma_start3A_66 : memref<1x128x128xf32, #tpu.memory_space<hbm>> -> memref<128x128xf32, #tpu.memory_space<hbm>>
      tpu.enqueue_dma source(%arg7 : memref<128x128xf32, #tpu.memory_space<vmem>>) target(%dma_start3A_67 : memref<128x128xf32, #tpu.memory_space<hbm>>) target_semaphore(%run_scoped3A : memref<!tpu.dma_semaphore, #tpu.memory_space<semaphore_mem>>)
      %dma_wait3A = arith.constant 0 : i32
      %dma_wait3A_68 = tpu.memref_slice %arg5[%arg0, %add3A_54, %dma_wait3A] : memref<2x10240x128xf32, #tpu.memory_space<hbm>> -> memref<1x128x128xf32, #tpu.memory_space<hbm>>
      %dma_wait3A_69 = tpu.memref_squeeze %dma_wait3A_68 : memref<1x128x128xf32, #tpu.memory_space<hbm>> -> memref<128x128xf32, #tpu.memory_space<hbm>>
      %dma_wait3A_70 = arith.constant 0 : i32
      %dma_wait3A_71 = tpu.memref_slice %arg5[%arg0, %add3A_54, %dma_wait3A_70] : memref<2x10240x128xf32, #tpu.memory_space<hbm>> -> memref<1x128x128xf32, #tpu.memory_space<hbm>>
      %dma_wait3A_72 = tpu.memref_squeeze %dma_wait3A_71 : memref<1x128x128xf32, #tpu.memory_space<hbm>> -> memref<128x128xf32, #tpu.memory_space<hbm>>
      tpu.wait_dma2 semaphore(%run_scoped3A : memref<!tpu.dma_semaphore, #tpu.memory_space<semaphore_mem>>) src(%arg7 : memref<128x128xf32, #tpu.memory_space<vmem>>) dst(%dma_wait3A_72 : memref<128x128xf32, #tpu.memory_space<hbm>>)
      tpu.yield
    }) : () -> ()
    %mul3A_55 = arith.constant 640 : i32
    %mul3A_56 = arith.muli %arg1, %mul3A_55 : i32
    %add3A_57 = arith.constant 512 : i32
    %add3A_58 = arith.addi %mul3A_56, %add3A_57 : i32
    "tpu.region"() ({
      %run_scoped3A = tpu.sem_alloc : memref<!tpu.dma_semaphore, #tpu.memory_space<semaphore_mem>>
      %dma_start3A = arith.constant 0 : i32
      %dma_start3A_63 = tpu.memref_slice %arg8[%add3A_58, %dma_start3A] : memref<10240x128xf32, #tpu.memory_space<vmem_shared>> -> memref<128x128xf32, #tpu.memory_space<vmem_shared>>
      %dma_start3A_64 = arith.constant 0 : i32
      %dma_start3A_65 = tpu.memref_slice %arg8[%add3A_58, %dma_start3A_64] : memref<10240x128xf32, #tpu.memory_space<vmem_shared>> -> memref<128x128xf32, #tpu.memory_space<vmem_shared>>
      tpu.enqueue_dma source(%dma_start3A_65 : memref<128x128xf32, #tpu.memory_space<vmem_shared>>) target(%arg7 : memref<128x128xf32, #tpu.memory_space<vmem>>) target_semaphore(%run_scoped3A : memref<!tpu.dma_semaphore, #tpu.memory_space<semaphore_mem>>)
      %dma_wait3A = arith.constant 0 : i32
      %dma_wait3A_66 = tpu.memref_slice %arg8[%add3A_58, %dma_wait3A] : memref<10240x128xf32, #tpu.memory_space<vmem_shared>> -> memref<128x128xf32, #tpu.memory_space<vmem_shared>>
      %dma_wait3A_67 = arith.constant 0 : i32
      %dma_wait3A_68 = tpu.memref_slice %arg8[%add3A_58, %dma_wait3A_67] : memref<10240x128xf32, #tpu.memory_space<vmem_shared>> -> memref<128x128xf32, #tpu.memory_space<vmem_shared>>
      tpu.wait_dma2 semaphore(%run_scoped3A : memref<!tpu.dma_semaphore, #tpu.memory_space<semaphore_mem>>) src(%dma_wait3A_68 : memref<128x128xf32, #tpu.memory_space<vmem_shared>>) dst(%arg7 : memref<128x128xf32, #tpu.memory_space<vmem>>)
      tpu.yield
    }) : () -> ()
    %mul3A_59 = arith.constant 640 : i32
    %mul3A_60 = arith.muli %arg1, %mul3A_59 : i32
    %add3A_61 = arith.constant 512 : i32
    %add3A_62 = arith.addi %mul3A_60, %add3A_61 : i32
    "tpu.region"() ({
      %run_scoped3A = tpu.sem_alloc : memref<!tpu.dma_semaphore, #tpu.memory_space<semaphore_mem>>
      %dma_start3A = arith.constant 0 : i32
      %dma_start3A_63 = tpu.memref_slice %arg5[%arg0, %add3A_62, %dma_start3A] : memref<2x10240x128xf32, #tpu.memory_space<hbm>> -> memref<1x128x128xf32, #tpu.memory_space<hbm>>
      %dma_start3A_64 = tpu.memref_squeeze %dma_start3A_63 : memref<1x128x128xf32, #tpu.memory_space<hbm>> -> memref<128x128xf32, #tpu.memory_space<hbm>>
      %dma_start3A_65 = arith.constant 0 : i32
      %dma_start3A_66 = tpu.memref_slice %arg5[%arg0, %add3A_62, %dma_start3A_65] : memref<2x10240x128xf32, #tpu.memory_space<hbm>> -> memref<1x128x128xf32, #tpu.memory_space<hbm>>
      %dma_start3A_67 = tpu.memref_squeeze %dma_start3A_66 : memref<1x128x128xf32, #tpu.memory_space<hbm>> -> memref<128x128xf32, #tpu.memory_space<hbm>>
      tpu.enqueue_dma source(%arg7 : memref<128x128xf32, #tpu.memory_space<vmem>>) target(%dma_start3A_67 : memref<128x128xf32, #tpu.memory_space<hbm>>) target_semaphore(%run_scoped3A : memref<!tpu.dma_semaphore, #tpu.memory_space<semaphore_mem>>)
      %dma_wait3A = arith.constant 0 : i32
      %dma_wait3A_68 = tpu.memref_slice %arg5[%arg0, %add3A_62, %dma_wait3A] : memref<2x10240x128xf32, #tpu.memory_space<hbm>> -> memref<1x128x128xf32, #tpu.memory_space<hbm>>
      %dma_wait3A_69 = tpu.memref_squeeze %dma_wait3A_68 : memref<1x128x128xf32, #tpu.memory_space<hbm>> -> memref<128x128xf32, #tpu.memory_space<hbm>>
      %dma_wait3A_70 = arith.constant 0 : i32
      %dma_wait3A_71 = tpu.memref_slice %arg5[%arg0, %add3A_62, %dma_wait3A_70] : memref<2x10240x128xf32, #tpu.memory_space<hbm>> -> memref<1x128x128xf32, #tpu.memory_space<hbm>>
      %dma_wait3A_72 = tpu.memref_squeeze %dma_wait3A_71 : memref<1x128x128xf32, #tpu.memory_space<hbm>> -> memref<128x128xf32, #tpu.memory_space<hbm>>
      tpu.wait_dma2 semaphore(%run_scoped3A : memref<!tpu.dma_semaphore, #tpu.memory_space<semaphore_mem>>) src(%arg7 : memref<128x128xf32, #tpu.memory_space<vmem>>) dst(%dma_wait3A_72 : memref<128x128xf32, #tpu.memory_space<hbm>>)
      tpu.yield
    }) : () -> ()
    return
  }
}

#map = affine_map<(d0, d1) -> (0, 0)>
#map1 = affine_map<(d0, d1) -> (0, 0, 0)>
module attributes {stable_mosaic.version = 14 : i64} {
  func.func @_scat_n_body(%arg0: i32, %arg1: i32, %arg2: memref<327680x128xf32, #tpu.memory_space<hbm>>, %arg3: memref<2560x128xi32, #tpu.memory_space<hbm>>, %arg4: memref<128x128xf32, #tpu.memory_space<hbm>>, %arg5: memref<2x10240x128xf32, #tpu.memory_space<hbm>>, %arg6: memref<128xi32, #tpu.memory_space<vmem>>, %arg7: memref<128xi32, #tpu.memory_space<vmem>>, %arg8: memref<128x128xf32, #tpu.memory_space<vmem>>, %arg9: memref<128x128xf32, #tpu.memory_space<vmem>>, %arg10: memref<10240x128xf32, #tpu.memory_space<vmem_shared>>, %arg11: memref<!tpu.dma_semaphore, #tpu.memory_space<semaphore_mem>>, %arg12: memref<!tpu.dma_semaphore, #tpu.memory_space<semaphore_mem>>) attributes {dimension_semantics = [#tpu.dimension_semantics<core_parallel>, #tpu.dimension_semantics<subcore_parallel>], iteration_bounds = array<i64: 2, 16>, scalar_prefetch = 0 : i64, scratch_operands = 7 : i64, tpu.core_type = #tpu.core_type<sc_vector_subcore>, window_params = [{transform_indices = #map}, {transform_indices = #map}, {transform_indices = #map}, {transform_indices = #map1}]} {
    "tpu.region"() ({
      %run_scoped3A = tpu.sem_alloc : memref<!tpu.dma_semaphore, #tpu.memory_space<semaphore_mem>>
      tpu.enqueue_dma source(%arg4 : memref<128x128xf32, #tpu.memory_space<hbm>>) target(%arg8 : memref<128x128xf32, #tpu.memory_space<vmem>>) target_semaphore(%run_scoped3A : memref<!tpu.dma_semaphore, #tpu.memory_space<semaphore_mem>>)
      tpu.wait_dma2 semaphore(%run_scoped3A : memref<!tpu.dma_semaphore, #tpu.memory_space<semaphore_mem>>) src(%arg4 : memref<128x128xf32, #tpu.memory_space<hbm>>) dst(%arg8 : memref<128x128xf32, #tpu.memory_space<vmem>>)
      tpu.yield
    }) : () -> ()
    %mul3A = arith.constant 640 : i32
    %mul3A_0 = arith.muli %arg1, %mul3A : i32
    %add3A = arith.constant 0 : i32
    %add3A_1 = arith.addi %mul3A_0, %add3A : i32
    "tpu.region"() ({
      %run_scoped3A = tpu.sem_alloc : memref<!tpu.dma_semaphore, #tpu.memory_space<semaphore_mem>>
      %dma_start3A = arith.constant 0 : i32
      %dma_start3A_63 = tpu.memref_slice %arg10[%add3A_1, %dma_start3A] : memref<10240x128xf32, #tpu.memory_space<vmem_shared>> -> memref<128x128xf32, #tpu.memory_space<vmem_shared>>
      %dma_start3A_64 = arith.constant 0 : i32
      %dma_start3A_65 = tpu.memref_slice %arg10[%add3A_1, %dma_start3A_64] : memref<10240x128xf32, #tpu.memory_space<vmem_shared>> -> memref<128x128xf32, #tpu.memory_space<vmem_shared>>
      tpu.enqueue_dma source(%arg8 : memref<128x128xf32, #tpu.memory_space<vmem>>) target(%dma_start3A_65 : memref<128x128xf32, #tpu.memory_space<vmem_shared>>) target_semaphore(%run_scoped3A : memref<!tpu.dma_semaphore, #tpu.memory_space<semaphore_mem>>)
      %dma_wait3A = arith.constant 0 : i32
      %dma_wait3A_66 = tpu.memref_slice %arg10[%add3A_1, %dma_wait3A] : memref<10240x128xf32, #tpu.memory_space<vmem_shared>> -> memref<128x128xf32, #tpu.memory_space<vmem_shared>>
      %dma_wait3A_67 = arith.constant 0 : i32
      %dma_wait3A_68 = tpu.memref_slice %arg10[%add3A_1, %dma_wait3A_67] : memref<10240x128xf32, #tpu.memory_space<vmem_shared>> -> memref<128x128xf32, #tpu.memory_space<vmem_shared>>
      tpu.wait_dma2 semaphore(%run_scoped3A : memref<!tpu.dma_semaphore, #tpu.memory_space<semaphore_mem>>) src(%arg8 : memref<128x128xf32, #tpu.memory_space<vmem>>) dst(%dma_wait3A_68 : memref<128x128xf32, #tpu.memory_space<vmem_shared>>)
      tpu.yield
    }) : () -> ()
    %mul3A_2 = arith.constant 640 : i32
    %mul3A_3 = arith.muli %arg1, %mul3A_2 : i32
    %add3A_4 = arith.constant 128 : i32
    %add3A_5 = arith.addi %mul3A_3, %add3A_4 : i32
    "tpu.region"() ({
      %run_scoped3A = tpu.sem_alloc : memref<!tpu.dma_semaphore, #tpu.memory_space<semaphore_mem>>
      %dma_start3A = arith.constant 0 : i32
      %dma_start3A_63 = tpu.memref_slice %arg10[%add3A_5, %dma_start3A] : memref<10240x128xf32, #tpu.memory_space<vmem_shared>> -> memref<128x128xf32, #tpu.memory_space<vmem_shared>>
      %dma_start3A_64 = arith.constant 0 : i32
      %dma_start3A_65 = tpu.memref_slice %arg10[%add3A_5, %dma_start3A_64] : memref<10240x128xf32, #tpu.memory_space<vmem_shared>> -> memref<128x128xf32, #tpu.memory_space<vmem_shared>>
      tpu.enqueue_dma source(%arg8 : memref<128x128xf32, #tpu.memory_space<vmem>>) target(%dma_start3A_65 : memref<128x128xf32, #tpu.memory_space<vmem_shared>>) target_semaphore(%run_scoped3A : memref<!tpu.dma_semaphore, #tpu.memory_space<semaphore_mem>>)
      %dma_wait3A = arith.constant 0 : i32
      %dma_wait3A_66 = tpu.memref_slice %arg10[%add3A_5, %dma_wait3A] : memref<10240x128xf32, #tpu.memory_space<vmem_shared>> -> memref<128x128xf32, #tpu.memory_space<vmem_shared>>
      %dma_wait3A_67 = arith.constant 0 : i32
      %dma_wait3A_68 = tpu.memref_slice %arg10[%add3A_5, %dma_wait3A_67] : memref<10240x128xf32, #tpu.memory_space<vmem_shared>> -> memref<128x128xf32, #tpu.memory_space<vmem_shared>>
      tpu.wait_dma2 semaphore(%run_scoped3A : memref<!tpu.dma_semaphore, #tpu.memory_space<semaphore_mem>>) src(%arg8 : memref<128x128xf32, #tpu.memory_space<vmem>>) dst(%dma_wait3A_68 : memref<128x128xf32, #tpu.memory_space<vmem_shared>>)
      tpu.yield
    }) : () -> ()
    %mul3A_6 = arith.constant 640 : i32
    %mul3A_7 = arith.muli %arg1, %mul3A_6 : i32
    %add3A_8 = arith.constant 256 : i32
    %add3A_9 = arith.addi %mul3A_7, %add3A_8 : i32
    "tpu.region"() ({
      %run_scoped3A = tpu.sem_alloc : memref<!tpu.dma_semaphore, #tpu.memory_space<semaphore_mem>>
      %dma_start3A = arith.constant 0 : i32
      %dma_start3A_63 = tpu.memref_slice %arg10[%add3A_9, %dma_start3A] : memref<10240x128xf32, #tpu.memory_space<vmem_shared>> -> memref<128x128xf32, #tpu.memory_space<vmem_shared>>
      %dma_start3A_64 = arith.constant 0 : i32
      %dma_start3A_65 = tpu.memref_slice %arg10[%add3A_9, %dma_start3A_64] : memref<10240x128xf32, #tpu.memory_space<vmem_shared>> -> memref<128x128xf32, #tpu.memory_space<vmem_shared>>
      tpu.enqueue_dma source(%arg8 : memref<128x128xf32, #tpu.memory_space<vmem>>) target(%dma_start3A_65 : memref<128x128xf32, #tpu.memory_space<vmem_shared>>) target_semaphore(%run_scoped3A : memref<!tpu.dma_semaphore, #tpu.memory_space<semaphore_mem>>)
      %dma_wait3A = arith.constant 0 : i32
      %dma_wait3A_66 = tpu.memref_slice %arg10[%add3A_9, %dma_wait3A] : memref<10240x128xf32, #tpu.memory_space<vmem_shared>> -> memref<128x128xf32, #tpu.memory_space<vmem_shared>>
      %dma_wait3A_67 = arith.constant 0 : i32
      %dma_wait3A_68 = tpu.memref_slice %arg10[%add3A_9, %dma_wait3A_67] : memref<10240x128xf32, #tpu.memory_space<vmem_shared>> -> memref<128x128xf32, #tpu.memory_space<vmem_shared>>
      tpu.wait_dma2 semaphore(%run_scoped3A : memref<!tpu.dma_semaphore, #tpu.memory_space<semaphore_mem>>) src(%arg8 : memref<128x128xf32, #tpu.memory_space<vmem>>) dst(%dma_wait3A_68 : memref<128x128xf32, #tpu.memory_space<vmem_shared>>)
      tpu.yield
    }) : () -> ()
    %mul3A_10 = arith.constant 640 : i32
    %mul3A_11 = arith.muli %arg1, %mul3A_10 : i32
    %add3A_12 = arith.constant 384 : i32
    %add3A_13 = arith.addi %mul3A_11, %add3A_12 : i32
    "tpu.region"() ({
      %run_scoped3A = tpu.sem_alloc : memref<!tpu.dma_semaphore, #tpu.memory_space<semaphore_mem>>
      %dma_start3A = arith.constant 0 : i32
      %dma_start3A_63 = tpu.memref_slice %arg10[%add3A_13, %dma_start3A] : memref<10240x128xf32, #tpu.memory_space<vmem_shared>> -> memref<128x128xf32, #tpu.memory_space<vmem_shared>>
      %dma_start3A_64 = arith.constant 0 : i32
      %dma_start3A_65 = tpu.memref_slice %arg10[%add3A_13, %dma_start3A_64] : memref<10240x128xf32, #tpu.memory_space<vmem_shared>> -> memref<128x128xf32, #tpu.memory_space<vmem_shared>>
      tpu.enqueue_dma source(%arg8 : memref<128x128xf32, #tpu.memory_space<vmem>>) target(%dma_start3A_65 : memref<128x128xf32, #tpu.memory_space<vmem_shared>>) target_semaphore(%run_scoped3A : memref<!tpu.dma_semaphore, #tpu.memory_space<semaphore_mem>>)
      %dma_wait3A = arith.constant 0 : i32
      %dma_wait3A_66 = tpu.memref_slice %arg10[%add3A_13, %dma_wait3A] : memref<10240x128xf32, #tpu.memory_space<vmem_shared>> -> memref<128x128xf32, #tpu.memory_space<vmem_shared>>
      %dma_wait3A_67 = arith.constant 0 : i32
      %dma_wait3A_68 = tpu.memref_slice %arg10[%add3A_13, %dma_wait3A_67] : memref<10240x128xf32, #tpu.memory_space<vmem_shared>> -> memref<128x128xf32, #tpu.memory_space<vmem_shared>>
      tpu.wait_dma2 semaphore(%run_scoped3A : memref<!tpu.dma_semaphore, #tpu.memory_space<semaphore_mem>>) src(%arg8 : memref<128x128xf32, #tpu.memory_space<vmem>>) dst(%dma_wait3A_68 : memref<128x128xf32, #tpu.memory_space<vmem_shared>>)
      tpu.yield
    }) : () -> ()
    %mul3A_14 = arith.constant 640 : i32
    %mul3A_15 = arith.muli %arg1, %mul3A_14 : i32
    %add3A_16 = arith.constant 512 : i32
    %add3A_17 = arith.addi %mul3A_15, %add3A_16 : i32
    "tpu.region"() ({
      %run_scoped3A = tpu.sem_alloc : memref<!tpu.dma_semaphore, #tpu.memory_space<semaphore_mem>>
      %dma_start3A = arith.constant 0 : i32
      %dma_start3A_63 = tpu.memref_slice %arg10[%add3A_17, %dma_start3A] : memref<10240x128xf32, #tpu.memory_space<vmem_shared>> -> memref<128x128xf32, #tpu.memory_space<vmem_shared>>
      %dma_start3A_64 = arith.constant 0 : i32
      %dma_start3A_65 = tpu.memref_slice %arg10[%add3A_17, %dma_start3A_64] : memref<10240x128xf32, #tpu.memory_space<vmem_shared>> -> memref<128x128xf32, #tpu.memory_space<vmem_shared>>
      tpu.enqueue_dma source(%arg8 : memref<128x128xf32, #tpu.memory_space<vmem>>) target(%dma_start3A_65 : memref<128x128xf32, #tpu.memory_space<vmem_shared>>) target_semaphore(%run_scoped3A : memref<!tpu.dma_semaphore, #tpu.memory_space<semaphore_mem>>)
      %dma_wait3A = arith.constant 0 : i32
      %dma_wait3A_66 = tpu.memref_slice %arg10[%add3A_17, %dma_wait3A] : memref<10240x128xf32, #tpu.memory_space<vmem_shared>> -> memref<128x128xf32, #tpu.memory_space<vmem_shared>>
      %dma_wait3A_67 = arith.constant 0 : i32
      %dma_wait3A_68 = tpu.memref_slice %arg10[%add3A_17, %dma_wait3A_67] : memref<10240x128xf32, #tpu.memory_space<vmem_shared>> -> memref<128x128xf32, #tpu.memory_space<vmem_shared>>
      tpu.wait_dma2 semaphore(%run_scoped3A : memref<!tpu.dma_semaphore, #tpu.memory_space<semaphore_mem>>) src(%arg8 : memref<128x128xf32, #tpu.memory_space<vmem>>) dst(%dma_wait3A_68 : memref<128x128xf32, #tpu.memory_space<vmem_shared>>)
      tpu.yield
    }) : () -> ()
    %barrier3A = arith.constant 0 : index
    tpu.barrier barrier_id(%barrier3A)
    %scan3A = arith.constant 0 : i32
    %scan3A_18 = arith.constant 40 : i32
    %scan3A_19 = arith.addi %scan3A, %scan3A_18 : i32
    %scan3A_20 = arith.constant 1 : i32
    scf.for %scan3A_63 = %scan3A to %scan3A_19 step %scan3A_20  : i32 {
      %mul3A_64 = arith.constant 1 : i32
      %mul3A_65 = arith.muli %scan3A_63, %mul3A_64 : i32
      %add3A_66 = arith.constant 0 : i32
      %add3A_67 = arith.addi %add3A_66, %mul3A_65 : i32
      %mul3A_68 = arith.constant 1280 : i32
      %mul3A_69 = arith.muli %arg0, %mul3A_68 : i32
      %mul3A_70 = arith.constant 80 : i32
      %mul3A_71 = arith.muli %arg1, %mul3A_70 : i32
      %add3A_72 = arith.addi %mul3A_69, %mul3A_71 : i32
      %mul3A_73 = arith.constant 2 : i32
      %mul3A_74 = arith.muli %mul3A_73, %add3A_67 : i32
      %add3A_75 = arith.addi %add3A_72, %mul3A_74 : i32
      %add3A_76 = arith.constant 1 : i32
      %add3A_77 = arith.addi %add3A_75, %add3A_76 : i32
      "tpu.region"() ({
        %run_scoped3A = tpu.sem_alloc : memref<!tpu.dma_semaphore, #tpu.memory_space<semaphore_mem>>
        %dma_start3A_96 = arith.constant 0 : i32
        %dma_start3A_97 = tpu.memref_slice %arg3[%add3A_75, %dma_start3A_96] : memref<2560x128xi32, #tpu.memory_space<hbm>> -> memref<1x128xi32, #tpu.memory_space<hbm>>
        %dma_start3A_98 = tpu.memref_squeeze %dma_start3A_97 : memref<1x128xi32, #tpu.memory_space<hbm>> -> memref<128xi32, #tpu.memory_space<hbm>>
        %dma_start3A_99 = arith.constant 0 : i32
        %dma_start3A_100 = tpu.memref_slice %arg3[%add3A_75, %dma_start3A_99] : memref<2560x128xi32, #tpu.memory_space<hbm>> -> memref<1x128xi32, #tpu.memory_space<hbm>>
        %dma_start3A_101 = tpu.memref_squeeze %dma_start3A_100 : memref<1x128xi32, #tpu.memory_space<hbm>> -> memref<128xi32, #tpu.memory_space<hbm>>
        tpu.enqueue_dma source(%dma_start3A_101 : memref<128xi32, #tpu.memory_space<hbm>>) target(%arg6 : memref<128xi32, #tpu.memory_space<vmem>>) target_semaphore(%run_scoped3A : memref<!tpu.dma_semaphore, #tpu.memory_space<semaphore_mem>>)
        %dma_wait3A_102 = arith.constant 0 : i32
        %dma_wait3A_103 = tpu.memref_slice %arg3[%add3A_75, %dma_wait3A_102] : memref<2560x128xi32, #tpu.memory_space<hbm>> -> memref<1x128xi32, #tpu.memory_space<hbm>>
        %dma_wait3A_104 = tpu.memref_squeeze %dma_wait3A_103 : memref<1x128xi32, #tpu.memory_space<hbm>> -> memref<128xi32, #tpu.memory_space<hbm>>
        %dma_wait3A_105 = arith.constant 0 : i32
        %dma_wait3A_106 = tpu.memref_slice %arg3[%add3A_75, %dma_wait3A_105] : memref<2560x128xi32, #tpu.memory_space<hbm>> -> memref<1x128xi32, #tpu.memory_space<hbm>>
        %dma_wait3A_107 = tpu.memref_squeeze %dma_wait3A_106 : memref<1x128xi32, #tpu.memory_space<hbm>> -> memref<128xi32, #tpu.memory_space<hbm>>
        tpu.wait_dma2 semaphore(%run_scoped3A : memref<!tpu.dma_semaphore, #tpu.memory_space<semaphore_mem>>) src(%dma_wait3A_107 : memref<128xi32, #tpu.memory_space<hbm>>) dst(%arg6 : memref<128xi32, #tpu.memory_space<vmem>>)
        tpu.yield
      }) : () -> ()
      %mul3A_78 = arith.constant 128 : i32
      %mul3A_79 = arith.muli %add3A_75, %mul3A_78 : i32
      %dma_start3A = arith.constant 0 : i32
      %dma_start3A_80 = tpu.memref_slice %arg2[%mul3A_79, %dma_start3A] : memref<327680x128xf32, #tpu.memory_space<hbm>> -> memref<128x128xf32, #tpu.memory_space<hbm>>
      %dma_start3A_81 = arith.constant 0 : i32
      %dma_start3A_82 = tpu.memref_slice %arg2[%mul3A_79, %dma_start3A_81] : memref<327680x128xf32, #tpu.memory_space<hbm>> -> memref<128x128xf32, #tpu.memory_space<hbm>>
      tpu.enqueue_dma source(%dma_start3A_82 : memref<128x128xf32, #tpu.memory_space<hbm>>) target(%arg8 : memref<128x128xf32, #tpu.memory_space<vmem>>) target_semaphore(%arg11 : memref<!tpu.dma_semaphore, #tpu.memory_space<semaphore_mem>>)
      "tpu.region"() ({
        %run_scoped3A = tpu.sem_alloc : memref<!tpu.dma_semaphore, #tpu.memory_space<semaphore_mem>>
        %dma_start3A_96 = arith.constant 0 : i32
        %dma_start3A_97 = tpu.memref_slice %arg3[%add3A_77, %dma_start3A_96] : memref<2560x128xi32, #tpu.memory_space<hbm>> -> memref<1x128xi32, #tpu.memory_space<hbm>>
        %dma_start3A_98 = tpu.memref_squeeze %dma_start3A_97 : memref<1x128xi32, #tpu.memory_space<hbm>> -> memref<128xi32, #tpu.memory_space<hbm>>
        %dma_start3A_99 = arith.constant 0 : i32
        %dma_start3A_100 = tpu.memref_slice %arg3[%add3A_77, %dma_start3A_99] : memref<2560x128xi32, #tpu.memory_space<hbm>> -> memref<1x128xi32, #tpu.memory_space<hbm>>
        %dma_start3A_101 = tpu.memref_squeeze %dma_start3A_100 : memref<1x128xi32, #tpu.memory_space<hbm>> -> memref<128xi32, #tpu.memory_space<hbm>>
        tpu.enqueue_dma source(%dma_start3A_101 : memref<128xi32, #tpu.memory_space<hbm>>) target(%arg7 : memref<128xi32, #tpu.memory_space<vmem>>) target_semaphore(%run_scoped3A : memref<!tpu.dma_semaphore, #tpu.memory_space<semaphore_mem>>)
        %dma_wait3A_102 = arith.constant 0 : i32
        %dma_wait3A_103 = tpu.memref_slice %arg3[%add3A_77, %dma_wait3A_102] : memref<2560x128xi32, #tpu.memory_space<hbm>> -> memref<1x128xi32, #tpu.memory_space<hbm>>
        %dma_wait3A_104 = tpu.memref_squeeze %dma_wait3A_103 : memref<1x128xi32, #tpu.memory_space<hbm>> -> memref<128xi32, #tpu.memory_space<hbm>>
        %dma_wait3A_105 = arith.constant 0 : i32
        %dma_wait3A_106 = tpu.memref_slice %arg3[%add3A_77, %dma_wait3A_105] : memref<2560x128xi32, #tpu.memory_space<hbm>> -> memref<1x128xi32, #tpu.memory_space<hbm>>
        %dma_wait3A_107 = tpu.memref_squeeze %dma_wait3A_106 : memref<1x128xi32, #tpu.memory_space<hbm>> -> memref<128xi32, #tpu.memory_space<hbm>>
        tpu.wait_dma2 semaphore(%run_scoped3A : memref<!tpu.dma_semaphore, #tpu.memory_space<semaphore_mem>>) src(%dma_wait3A_107 : memref<128xi32, #tpu.memory_space<hbm>>) dst(%arg7 : memref<128xi32, #tpu.memory_space<vmem>>)
        tpu.yield
      }) : () -> ()
      %mul3A_83 = arith.constant 128 : i32
      %mul3A_84 = arith.muli %add3A_77, %mul3A_83 : i32
      %dma_start3A_85 = arith.constant 0 : i32
      %dma_start3A_86 = tpu.memref_slice %arg2[%mul3A_84, %dma_start3A_85] : memref<327680x128xf32, #tpu.memory_space<hbm>> -> memref<128x128xf32, #tpu.memory_space<hbm>>
      %dma_start3A_87 = arith.constant 0 : i32
      %dma_start3A_88 = tpu.memref_slice %arg2[%mul3A_84, %dma_start3A_87] : memref<327680x128xf32, #tpu.memory_space<hbm>> -> memref<128x128xf32, #tpu.memory_space<hbm>>
      tpu.enqueue_dma source(%dma_start3A_88 : memref<128x128xf32, #tpu.memory_space<hbm>>) target(%arg9 : memref<128x128xf32, #tpu.memory_space<vmem>>) target_semaphore(%arg12 : memref<!tpu.dma_semaphore, #tpu.memory_space<semaphore_mem>>)
      %dma_wait3A = arith.constant 0 : i32
      %dma_wait3A_89 = tpu.memref_slice %arg2[%mul3A_79, %dma_wait3A] : memref<327680x128xf32, #tpu.memory_space<hbm>> -> memref<128x128xf32, #tpu.memory_space<hbm>>
      %dma_wait3A_90 = arith.constant 0 : i32
      %dma_wait3A_91 = tpu.memref_slice %arg2[%mul3A_79, %dma_wait3A_90] : memref<327680x128xf32, #tpu.memory_space<hbm>> -> memref<128x128xf32, #tpu.memory_space<hbm>>
      tpu.wait_dma2 semaphore(%arg11 : memref<!tpu.dma_semaphore, #tpu.memory_space<semaphore_mem>>) src(%dma_wait3A_91 : memref<128x128xf32, #tpu.memory_space<hbm>>) dst(%arg8 : memref<128x128xf32, #tpu.memory_space<vmem>>)
      "tpu.region"() ({
        %run_scoped3A = tpu.sem_alloc : memref<!tpu.dma_semaphore, #tpu.memory_space<semaphore_mem>>
        %dma_start3A_96 = arith.constant 0 : i32
        %dma_start3A_97 = arith.constant 0 : i32
        %dma_start3A_98 = tpu.memref_slice %arg10[%dma_start3A_96, %dma_start3A_97] : memref<10240x128xf32, #tpu.memory_space<vmem_shared>> -> memref<10240x128xf32, #tpu.memory_space<vmem_shared>>
        tpu.enqueue_indirect_dma source(%arg8 : memref<128x128xf32, #tpu.memory_space<vmem>>) target(%dma_start3A_98 : memref<10240x128xf32, #tpu.memory_space<vmem_shared>>) offsets(%arg6 : memref<128xi32, #tpu.memory_space<vmem>>) semaphore(%run_scoped3A : memref<!tpu.dma_semaphore, #tpu.memory_space<semaphore_mem>>) {add = true}
        %dma_wait3A_99 = arith.constant 0 : i32
        %dma_wait3A_100 = arith.constant 0 : i32
        %dma_wait3A_101 = tpu.memref_slice %arg10[%dma_wait3A_99, %dma_wait3A_100] : memref<10240x128xf32, #tpu.memory_space<vmem_shared>> -> memref<10240x128xf32, #tpu.memory_space<vmem_shared>>
        tpu.wait_indirect_dma semaphore(%run_scoped3A : memref<!tpu.dma_semaphore, #tpu.memory_space<semaphore_mem>>) src(%arg8 : memref<128x128xf32, #tpu.memory_space<vmem>>) dst(%dma_wait3A_101 : memref<10240x128xf32, #tpu.memory_space<vmem_shared>>)
        tpu.yield
      }) : () -> ()
      %dma_wait3A_92 = arith.constant 0 : i32
      %dma_wait3A_93 = tpu.memref_slice %arg2[%mul3A_84, %dma_wait3A_92] : memref<327680x128xf32, #tpu.memory_space<hbm>> -> memref<128x128xf32, #tpu.memory_space<hbm>>
      %dma_wait3A_94 = arith.constant 0 : i32
      %dma_wait3A_95 = tpu.memref_slice %arg2[%mul3A_84, %dma_wait3A_94] : memref<327680x128xf32, #tpu.memory_space<hbm>> -> memref<128x128xf32, #tpu.memory_space<hbm>>
      tpu.wait_dma2 semaphore(%arg12 : memref<!tpu.dma_semaphore, #tpu.memory_space<semaphore_mem>>) src(%dma_wait3A_95 : memref<128x128xf32, #tpu.memory_space<hbm>>) dst(%arg9 : memref<128x128xf32, #tpu.memory_space<vmem>>)
      "tpu.region"() ({
        %run_scoped3A = tpu.sem_alloc : memref<!tpu.dma_semaphore, #tpu.memory_space<semaphore_mem>>
        %dma_start3A_96 = arith.constant 0 : i32
        %dma_start3A_97 = arith.constant 0 : i32
        %dma_start3A_98 = tpu.memref_slice %arg10[%dma_start3A_96, %dma_start3A_97] : memref<10240x128xf32, #tpu.memory_space<vmem_shared>> -> memref<10240x128xf32, #tpu.memory_space<vmem_shared>>
        tpu.enqueue_indirect_dma source(%arg9 : memref<128x128xf32, #tpu.memory_space<vmem>>) target(%dma_start3A_98 : memref<10240x128xf32, #tpu.memory_space<vmem_shared>>) offsets(%arg7 : memref<128xi32, #tpu.memory_space<vmem>>) semaphore(%run_scoped3A : memref<!tpu.dma_semaphore, #tpu.memory_space<semaphore_mem>>) {add = true}
        %dma_wait3A_99 = arith.constant 0 : i32
        %dma_wait3A_100 = arith.constant 0 : i32
        %dma_wait3A_101 = tpu.memref_slice %arg10[%dma_wait3A_99, %dma_wait3A_100] : memref<10240x128xf32, #tpu.memory_space<vmem_shared>> -> memref<10240x128xf32, #tpu.memory_space<vmem_shared>>
        tpu.wait_indirect_dma semaphore(%run_scoped3A : memref<!tpu.dma_semaphore, #tpu.memory_space<semaphore_mem>>) src(%arg9 : memref<128x128xf32, #tpu.memory_space<vmem>>) dst(%dma_wait3A_101 : memref<10240x128xf32, #tpu.memory_space<vmem_shared>>)
        tpu.yield
      }) : () -> ()
    }
    %scan3A_21 = arith.constant 40 : i32
    %barrier3A_22 = arith.constant 0 : index
    tpu.barrier barrier_id(%barrier3A_22)
    %mul3A_23 = arith.constant 640 : i32
    %mul3A_24 = arith.muli %arg1, %mul3A_23 : i32
    %add3A_25 = arith.constant 0 : i32
    %add3A_26 = arith.addi %mul3A_24, %add3A_25 : i32
    "tpu.region"() ({
      %run_scoped3A = tpu.sem_alloc : memref<!tpu.dma_semaphore, #tpu.memory_space<semaphore_mem>>
      %dma_start3A = arith.constant 0 : i32
      %dma_start3A_63 = tpu.memref_slice %arg10[%add3A_26, %dma_start3A] : memref<10240x128xf32, #tpu.memory_space<vmem_shared>> -> memref<128x128xf32, #tpu.memory_space<vmem_shared>>
      %dma_start3A_64 = arith.constant 0 : i32
      %dma_start3A_65 = tpu.memref_slice %arg10[%add3A_26, %dma_start3A_64] : memref<10240x128xf32, #tpu.memory_space<vmem_shared>> -> memref<128x128xf32, #tpu.memory_space<vmem_shared>>
      tpu.enqueue_dma source(%dma_start3A_65 : memref<128x128xf32, #tpu.memory_space<vmem_shared>>) target(%arg8 : memref<128x128xf32, #tpu.memory_space<vmem>>) target_semaphore(%run_scoped3A : memref<!tpu.dma_semaphore, #tpu.memory_space<semaphore_mem>>)
      %dma_wait3A = arith.constant 0 : i32
      %dma_wait3A_66 = tpu.memref_slice %arg10[%add3A_26, %dma_wait3A] : memref<10240x128xf32, #tpu.memory_space<vmem_shared>> -> memref<128x128xf32, #tpu.memory_space<vmem_shared>>
      %dma_wait3A_67 = arith.constant 0 : i32
      %dma_wait3A_68 = tpu.memref_slice %arg10[%add3A_26, %dma_wait3A_67] : memref<10240x128xf32, #tpu.memory_space<vmem_shared>> -> memref<128x128xf32, #tpu.memory_space<vmem_shared>>
      tpu.wait_dma2 semaphore(%run_scoped3A : memref<!tpu.dma_semaphore, #tpu.memory_space<semaphore_mem>>) src(%dma_wait3A_68 : memref<128x128xf32, #tpu.memory_space<vmem_shared>>) dst(%arg8 : memref<128x128xf32, #tpu.memory_space<vmem>>)
      tpu.yield
    }) : () -> ()
    %mul3A_27 = arith.constant 640 : i32
    %mul3A_28 = arith.muli %arg1, %mul3A_27 : i32
    %add3A_29 = arith.constant 0 : i32
    %add3A_30 = arith.addi %mul3A_28, %add3A_29 : i32
    "tpu.region"() ({
      %run_scoped3A = tpu.sem_alloc : memref<!tpu.dma_semaphore, #tpu.memory_space<semaphore_mem>>
      %dma_start3A = arith.constant 0 : i32
      %dma_start3A_63 = tpu.memref_slice %arg5[%arg0, %add3A_30, %dma_start3A] : memref<2x10240x128xf32, #tpu.memory_space<hbm>> -> memref<1x128x128xf32, #tpu.memory_space<hbm>>
      %dma_start3A_64 = tpu.memref_squeeze %dma_start3A_63 : memref<1x128x128xf32, #tpu.memory_space<hbm>> -> memref<128x128xf32, #tpu.memory_space<hbm>>
      %dma_start3A_65 = arith.constant 0 : i32
      %dma_start3A_66 = tpu.memref_slice %arg5[%arg0, %add3A_30, %dma_start3A_65] : memref<2x10240x128xf32, #tpu.memory_space<hbm>> -> memref<1x128x128xf32, #tpu.memory_space<hbm>>
      %dma_start3A_67 = tpu.memref_squeeze %dma_start3A_66 : memref<1x128x128xf32, #tpu.memory_space<hbm>> -> memref<128x128xf32, #tpu.memory_space<hbm>>
      tpu.enqueue_dma source(%arg8 : memref<128x128xf32, #tpu.memory_space<vmem>>) target(%dma_start3A_67 : memref<128x128xf32, #tpu.memory_space<hbm>>) target_semaphore(%run_scoped3A : memref<!tpu.dma_semaphore, #tpu.memory_space<semaphore_mem>>)
      %dma_wait3A = arith.constant 0 : i32
      %dma_wait3A_68 = tpu.memref_slice %arg5[%arg0, %add3A_30, %dma_wait3A] : memref<2x10240x128xf32, #tpu.memory_space<hbm>> -> memref<1x128x128xf32, #tpu.memory_space<hbm>>
      %dma_wait3A_69 = tpu.memref_squeeze %dma_wait3A_68 : memref<1x128x128xf32, #tpu.memory_space<hbm>> -> memref<128x128xf32, #tpu.memory_space<hbm>>
      %dma_wait3A_70 = arith.constant 0 : i32
      %dma_wait3A_71 = tpu.memref_slice %arg5[%arg0, %add3A_30, %dma_wait3A_70] : memref<2x10240x128xf32, #tpu.memory_space<hbm>> -> memref<1x128x128xf32, #tpu.memory_space<hbm>>
      %dma_wait3A_72 = tpu.memref_squeeze %dma_wait3A_71 : memref<1x128x128xf32, #tpu.memory_space<hbm>> -> memref<128x128xf32, #tpu.memory_space<hbm>>
      tpu.wait_dma2 semaphore(%run_scoped3A : memref<!tpu.dma_semaphore, #tpu.memory_space<semaphore_mem>>) src(%arg8 : memref<128x128xf32, #tpu.memory_space<vmem>>) dst(%dma_wait3A_72 : memref<128x128xf32, #tpu.memory_space<hbm>>)
      tpu.yield
    }) : () -> ()
    %mul3A_31 = arith.constant 640 : i32
    %mul3A_32 = arith.muli %arg1, %mul3A_31 : i32
    %add3A_33 = arith.constant 128 : i32
    %add3A_34 = arith.addi %mul3A_32, %add3A_33 : i32
    "tpu.region"() ({
      %run_scoped3A = tpu.sem_alloc : memref<!tpu.dma_semaphore, #tpu.memory_space<semaphore_mem>>
      %dma_start3A = arith.constant 0 : i32
      %dma_start3A_63 = tpu.memref_slice %arg10[%add3A_34, %dma_start3A] : memref<10240x128xf32, #tpu.memory_space<vmem_shared>> -> memref<128x128xf32, #tpu.memory_space<vmem_shared>>
      %dma_start3A_64 = arith.constant 0 : i32
      %dma_start3A_65 = tpu.memref_slice %arg10[%add3A_34, %dma_start3A_64] : memref<10240x128xf32, #tpu.memory_space<vmem_shared>> -> memref<128x128xf32, #tpu.memory_space<vmem_shared>>
      tpu.enqueue_dma source(%dma_start3A_65 : memref<128x128xf32, #tpu.memory_space<vmem_shared>>) target(%arg8 : memref<128x128xf32, #tpu.memory_space<vmem>>) target_semaphore(%run_scoped3A : memref<!tpu.dma_semaphore, #tpu.memory_space<semaphore_mem>>)
      %dma_wait3A = arith.constant 0 : i32
      %dma_wait3A_66 = tpu.memref_slice %arg10[%add3A_34, %dma_wait3A] : memref<10240x128xf32, #tpu.memory_space<vmem_shared>> -> memref<128x128xf32, #tpu.memory_space<vmem_shared>>
      %dma_wait3A_67 = arith.constant 0 : i32
      %dma_wait3A_68 = tpu.memref_slice %arg10[%add3A_34, %dma_wait3A_67] : memref<10240x128xf32, #tpu.memory_space<vmem_shared>> -> memref<128x128xf32, #tpu.memory_space<vmem_shared>>
      tpu.wait_dma2 semaphore(%run_scoped3A : memref<!tpu.dma_semaphore, #tpu.memory_space<semaphore_mem>>) src(%dma_wait3A_68 : memref<128x128xf32, #tpu.memory_space<vmem_shared>>) dst(%arg8 : memref<128x128xf32, #tpu.memory_space<vmem>>)
      tpu.yield
    }) : () -> ()
    %mul3A_35 = arith.constant 640 : i32
    %mul3A_36 = arith.muli %arg1, %mul3A_35 : i32
    %add3A_37 = arith.constant 128 : i32
    %add3A_38 = arith.addi %mul3A_36, %add3A_37 : i32
    "tpu.region"() ({
      %run_scoped3A = tpu.sem_alloc : memref<!tpu.dma_semaphore, #tpu.memory_space<semaphore_mem>>
      %dma_start3A = arith.constant 0 : i32
      %dma_start3A_63 = tpu.memref_slice %arg5[%arg0, %add3A_38, %dma_start3A] : memref<2x10240x128xf32, #tpu.memory_space<hbm>> -> memref<1x128x128xf32, #tpu.memory_space<hbm>>
      %dma_start3A_64 = tpu.memref_squeeze %dma_start3A_63 : memref<1x128x128xf32, #tpu.memory_space<hbm>> -> memref<128x128xf32, #tpu.memory_space<hbm>>
      %dma_start3A_65 = arith.constant 0 : i32
      %dma_start3A_66 = tpu.memref_slice %arg5[%arg0, %add3A_38, %dma_start3A_65] : memref<2x10240x128xf32, #tpu.memory_space<hbm>> -> memref<1x128x128xf32, #tpu.memory_space<hbm>>
      %dma_start3A_67 = tpu.memref_squeeze %dma_start3A_66 : memref<1x128x128xf32, #tpu.memory_space<hbm>> -> memref<128x128xf32, #tpu.memory_space<hbm>>
      tpu.enqueue_dma source(%arg8 : memref<128x128xf32, #tpu.memory_space<vmem>>) target(%dma_start3A_67 : memref<128x128xf32, #tpu.memory_space<hbm>>) target_semaphore(%run_scoped3A : memref<!tpu.dma_semaphore, #tpu.memory_space<semaphore_mem>>)
      %dma_wait3A = arith.constant 0 : i32
      %dma_wait3A_68 = tpu.memref_slice %arg5[%arg0, %add3A_38, %dma_wait3A] : memref<2x10240x128xf32, #tpu.memory_space<hbm>> -> memref<1x128x128xf32, #tpu.memory_space<hbm>>
      %dma_wait3A_69 = tpu.memref_squeeze %dma_wait3A_68 : memref<1x128x128xf32, #tpu.memory_space<hbm>> -> memref<128x128xf32, #tpu.memory_space<hbm>>
      %dma_wait3A_70 = arith.constant 0 : i32
      %dma_wait3A_71 = tpu.memref_slice %arg5[%arg0, %add3A_38, %dma_wait3A_70] : memref<2x10240x128xf32, #tpu.memory_space<hbm>> -> memref<1x128x128xf32, #tpu.memory_space<hbm>>
      %dma_wait3A_72 = tpu.memref_squeeze %dma_wait3A_71 : memref<1x128x128xf32, #tpu.memory_space<hbm>> -> memref<128x128xf32, #tpu.memory_space<hbm>>
      tpu.wait_dma2 semaphore(%run_scoped3A : memref<!tpu.dma_semaphore, #tpu.memory_space<semaphore_mem>>) src(%arg8 : memref<128x128xf32, #tpu.memory_space<vmem>>) dst(%dma_wait3A_72 : memref<128x128xf32, #tpu.memory_space<hbm>>)
      tpu.yield
    }) : () -> ()
    %mul3A_39 = arith.constant 640 : i32
    %mul3A_40 = arith.muli %arg1, %mul3A_39 : i32
    %add3A_41 = arith.constant 256 : i32
    %add3A_42 = arith.addi %mul3A_40, %add3A_41 : i32
    "tpu.region"() ({
      %run_scoped3A = tpu.sem_alloc : memref<!tpu.dma_semaphore, #tpu.memory_space<semaphore_mem>>
      %dma_start3A = arith.constant 0 : i32
      %dma_start3A_63 = tpu.memref_slice %arg10[%add3A_42, %dma_start3A] : memref<10240x128xf32, #tpu.memory_space<vmem_shared>> -> memref<128x128xf32, #tpu.memory_space<vmem_shared>>
      %dma_start3A_64 = arith.constant 0 : i32
      %dma_start3A_65 = tpu.memref_slice %arg10[%add3A_42, %dma_start3A_64] : memref<10240x128xf32, #tpu.memory_space<vmem_shared>> -> memref<128x128xf32, #tpu.memory_space<vmem_shared>>
      tpu.enqueue_dma source(%dma_start3A_65 : memref<128x128xf32, #tpu.memory_space<vmem_shared>>) target(%arg8 : memref<128x128xf32, #tpu.memory_space<vmem>>) target_semaphore(%run_scoped3A : memref<!tpu.dma_semaphore, #tpu.memory_space<semaphore_mem>>)
      %dma_wait3A = arith.constant 0 : i32
      %dma_wait3A_66 = tpu.memref_slice %arg10[%add3A_42, %dma_wait3A] : memref<10240x128xf32, #tpu.memory_space<vmem_shared>> -> memref<128x128xf32, #tpu.memory_space<vmem_shared>>
      %dma_wait3A_67 = arith.constant 0 : i32
      %dma_wait3A_68 = tpu.memref_slice %arg10[%add3A_42, %dma_wait3A_67] : memref<10240x128xf32, #tpu.memory_space<vmem_shared>> -> memref<128x128xf32, #tpu.memory_space<vmem_shared>>
      tpu.wait_dma2 semaphore(%run_scoped3A : memref<!tpu.dma_semaphore, #tpu.memory_space<semaphore_mem>>) src(%dma_wait3A_68 : memref<128x128xf32, #tpu.memory_space<vmem_shared>>) dst(%arg8 : memref<128x128xf32, #tpu.memory_space<vmem>>)
      tpu.yield
    }) : () -> ()
    %mul3A_43 = arith.constant 640 : i32
    %mul3A_44 = arith.muli %arg1, %mul3A_43 : i32
    %add3A_45 = arith.constant 256 : i32
    %add3A_46 = arith.addi %mul3A_44, %add3A_45 : i32
    "tpu.region"() ({
      %run_scoped3A = tpu.sem_alloc : memref<!tpu.dma_semaphore, #tpu.memory_space<semaphore_mem>>
      %dma_start3A = arith.constant 0 : i32
      %dma_start3A_63 = tpu.memref_slice %arg5[%arg0, %add3A_46, %dma_start3A] : memref<2x10240x128xf32, #tpu.memory_space<hbm>> -> memref<1x128x128xf32, #tpu.memory_space<hbm>>
      %dma_start3A_64 = tpu.memref_squeeze %dma_start3A_63 : memref<1x128x128xf32, #tpu.memory_space<hbm>> -> memref<128x128xf32, #tpu.memory_space<hbm>>
      %dma_start3A_65 = arith.constant 0 : i32
      %dma_start3A_66 = tpu.memref_slice %arg5[%arg0, %add3A_46, %dma_start3A_65] : memref<2x10240x128xf32, #tpu.memory_space<hbm>> -> memref<1x128x128xf32, #tpu.memory_space<hbm>>
      %dma_start3A_67 = tpu.memref_squeeze %dma_start3A_66 : memref<1x128x128xf32, #tpu.memory_space<hbm>> -> memref<128x128xf32, #tpu.memory_space<hbm>>
      tpu.enqueue_dma source(%arg8 : memref<128x128xf32, #tpu.memory_space<vmem>>) target(%dma_start3A_67 : memref<128x128xf32, #tpu.memory_space<hbm>>) target_semaphore(%run_scoped3A : memref<!tpu.dma_semaphore, #tpu.memory_space<semaphore_mem>>)
      %dma_wait3A = arith.constant 0 : i32
      %dma_wait3A_68 = tpu.memref_slice %arg5[%arg0, %add3A_46, %dma_wait3A] : memref<2x10240x128xf32, #tpu.memory_space<hbm>> -> memref<1x128x128xf32, #tpu.memory_space<hbm>>
      %dma_wait3A_69 = tpu.memref_squeeze %dma_wait3A_68 : memref<1x128x128xf32, #tpu.memory_space<hbm>> -> memref<128x128xf32, #tpu.memory_space<hbm>>
      %dma_wait3A_70 = arith.constant 0 : i32
      %dma_wait3A_71 = tpu.memref_slice %arg5[%arg0, %add3A_46, %dma_wait3A_70] : memref<2x10240x128xf32, #tpu.memory_space<hbm>> -> memref<1x128x128xf32, #tpu.memory_space<hbm>>
      %dma_wait3A_72 = tpu.memref_squeeze %dma_wait3A_71 : memref<1x128x128xf32, #tpu.memory_space<hbm>> -> memref<128x128xf32, #tpu.memory_space<hbm>>
      tpu.wait_dma2 semaphore(%run_scoped3A : memref<!tpu.dma_semaphore, #tpu.memory_space<semaphore_mem>>) src(%arg8 : memref<128x128xf32, #tpu.memory_space<vmem>>) dst(%dma_wait3A_72 : memref<128x128xf32, #tpu.memory_space<hbm>>)
      tpu.yield
    }) : () -> ()
    %mul3A_47 = arith.constant 640 : i32
    %mul3A_48 = arith.muli %arg1, %mul3A_47 : i32
    %add3A_49 = arith.constant 384 : i32
    %add3A_50 = arith.addi %mul3A_48, %add3A_49 : i32
    "tpu.region"() ({
      %run_scoped3A = tpu.sem_alloc : memref<!tpu.dma_semaphore, #tpu.memory_space<semaphore_mem>>
      %dma_start3A = arith.constant 0 : i32
      %dma_start3A_63 = tpu.memref_slice %arg10[%add3A_50, %dma_start3A] : memref<10240x128xf32, #tpu.memory_space<vmem_shared>> -> memref<128x128xf32, #tpu.memory_space<vmem_shared>>
      %dma_start3A_64 = arith.constant 0 : i32
      %dma_start3A_65 = tpu.memref_slice %arg10[%add3A_50, %dma_start3A_64] : memref<10240x128xf32, #tpu.memory_space<vmem_shared>> -> memref<128x128xf32, #tpu.memory_space<vmem_shared>>
      tpu.enqueue_dma source(%dma_start3A_65 : memref<128x128xf32, #tpu.memory_space<vmem_shared>>) target(%arg8 : memref<128x128xf32, #tpu.memory_space<vmem>>) target_semaphore(%run_scoped3A : memref<!tpu.dma_semaphore, #tpu.memory_space<semaphore_mem>>)
      %dma_wait3A = arith.constant 0 : i32
      %dma_wait3A_66 = tpu.memref_slice %arg10[%add3A_50, %dma_wait3A] : memref<10240x128xf32, #tpu.memory_space<vmem_shared>> -> memref<128x128xf32, #tpu.memory_space<vmem_shared>>
      %dma_wait3A_67 = arith.constant 0 : i32
      %dma_wait3A_68 = tpu.memref_slice %arg10[%add3A_50, %dma_wait3A_67] : memref<10240x128xf32, #tpu.memory_space<vmem_shared>> -> memref<128x128xf32, #tpu.memory_space<vmem_shared>>
      tpu.wait_dma2 semaphore(%run_scoped3A : memref<!tpu.dma_semaphore, #tpu.memory_space<semaphore_mem>>) src(%dma_wait3A_68 : memref<128x128xf32, #tpu.memory_space<vmem_shared>>) dst(%arg8 : memref<128x128xf32, #tpu.memory_space<vmem>>)
      tpu.yield
    }) : () -> ()
    %mul3A_51 = arith.constant 640 : i32
    %mul3A_52 = arith.muli %arg1, %mul3A_51 : i32
    %add3A_53 = arith.constant 384 : i32
    %add3A_54 = arith.addi %mul3A_52, %add3A_53 : i32
    "tpu.region"() ({
      %run_scoped3A = tpu.sem_alloc : memref<!tpu.dma_semaphore, #tpu.memory_space<semaphore_mem>>
      %dma_start3A = arith.constant 0 : i32
      %dma_start3A_63 = tpu.memref_slice %arg5[%arg0, %add3A_54, %dma_start3A] : memref<2x10240x128xf32, #tpu.memory_space<hbm>> -> memref<1x128x128xf32, #tpu.memory_space<hbm>>
      %dma_start3A_64 = tpu.memref_squeeze %dma_start3A_63 : memref<1x128x128xf32, #tpu.memory_space<hbm>> -> memref<128x128xf32, #tpu.memory_space<hbm>>
      %dma_start3A_65 = arith.constant 0 : i32
      %dma_start3A_66 = tpu.memref_slice %arg5[%arg0, %add3A_54, %dma_start3A_65] : memref<2x10240x128xf32, #tpu.memory_space<hbm>> -> memref<1x128x128xf32, #tpu.memory_space<hbm>>
      %dma_start3A_67 = tpu.memref_squeeze %dma_start3A_66 : memref<1x128x128xf32, #tpu.memory_space<hbm>> -> memref<128x128xf32, #tpu.memory_space<hbm>>
      tpu.enqueue_dma source(%arg8 : memref<128x128xf32, #tpu.memory_space<vmem>>) target(%dma_start3A_67 : memref<128x128xf32, #tpu.memory_space<hbm>>) target_semaphore(%run_scoped3A : memref<!tpu.dma_semaphore, #tpu.memory_space<semaphore_mem>>)
      %dma_wait3A = arith.constant 0 : i32
      %dma_wait3A_68 = tpu.memref_slice %arg5[%arg0, %add3A_54, %dma_wait3A] : memref<2x10240x128xf32, #tpu.memory_space<hbm>> -> memref<1x128x128xf32, #tpu.memory_space<hbm>>
      %dma_wait3A_69 = tpu.memref_squeeze %dma_wait3A_68 : memref<1x128x128xf32, #tpu.memory_space<hbm>> -> memref<128x128xf32, #tpu.memory_space<hbm>>
      %dma_wait3A_70 = arith.constant 0 : i32
      %dma_wait3A_71 = tpu.memref_slice %arg5[%arg0, %add3A_54, %dma_wait3A_70] : memref<2x10240x128xf32, #tpu.memory_space<hbm>> -> memref<1x128x128xf32, #tpu.memory_space<hbm>>
      %dma_wait3A_72 = tpu.memref_squeeze %dma_wait3A_71 : memref<1x128x128xf32, #tpu.memory_space<hbm>> -> memref<128x128xf32, #tpu.memory_space<hbm>>
      tpu.wait_dma2 semaphore(%run_scoped3A : memref<!tpu.dma_semaphore, #tpu.memory_space<semaphore_mem>>) src(%arg8 : memref<128x128xf32, #tpu.memory_space<vmem>>) dst(%dma_wait3A_72 : memref<128x128xf32, #tpu.memory_space<hbm>>)
      tpu.yield
    }) : () -> ()
    %mul3A_55 = arith.constant 640 : i32
    %mul3A_56 = arith.muli %arg1, %mul3A_55 : i32
    %add3A_57 = arith.constant 512 : i32
    %add3A_58 = arith.addi %mul3A_56, %add3A_57 : i32
    "tpu.region"() ({
      %run_scoped3A = tpu.sem_alloc : memref<!tpu.dma_semaphore, #tpu.memory_space<semaphore_mem>>
      %dma_start3A = arith.constant 0 : i32
      %dma_start3A_63 = tpu.memref_slice %arg10[%add3A_58, %dma_start3A] : memref<10240x128xf32, #tpu.memory_space<vmem_shared>> -> memref<128x128xf32, #tpu.memory_space<vmem_shared>>
      %dma_start3A_64 = arith.constant 0 : i32
      %dma_start3A_65 = tpu.memref_slice %arg10[%add3A_58, %dma_start3A_64] : memref<10240x128xf32, #tpu.memory_space<vmem_shared>> -> memref<128x128xf32, #tpu.memory_space<vmem_shared>>
      tpu.enqueue_dma source(%dma_start3A_65 : memref<128x128xf32, #tpu.memory_space<vmem_shared>>) target(%arg8 : memref<128x128xf32, #tpu.memory_space<vmem>>) target_semaphore(%run_scoped3A : memref<!tpu.dma_semaphore, #tpu.memory_space<semaphore_mem>>)
      %dma_wait3A = arith.constant 0 : i32
      %dma_wait3A_66 = tpu.memref_slice %arg10[%add3A_58, %dma_wait3A] : memref<10240x128xf32, #tpu.memory_space<vmem_shared>> -> memref<128x128xf32, #tpu.memory_space<vmem_shared>>
      %dma_wait3A_67 = arith.constant 0 : i32
      %dma_wait3A_68 = tpu.memref_slice %arg10[%add3A_58, %dma_wait3A_67] : memref<10240x128xf32, #tpu.memory_space<vmem_shared>> -> memref<128x128xf32, #tpu.memory_space<vmem_shared>>
      tpu.wait_dma2 semaphore(%run_scoped3A : memref<!tpu.dma_semaphore, #tpu.memory_space<semaphore_mem>>) src(%dma_wait3A_68 : memref<128x128xf32, #tpu.memory_space<vmem_shared>>) dst(%arg8 : memref<128x128xf32, #tpu.memory_space<vmem>>)
      tpu.yield
    }) : () -> ()
    %mul3A_59 = arith.constant 640 : i32
    %mul3A_60 = arith.muli %arg1, %mul3A_59 : i32
    %add3A_61 = arith.constant 512 : i32
    %add3A_62 = arith.addi %mul3A_60, %add3A_61 : i32
    "tpu.region"() ({
      %run_scoped3A = tpu.sem_alloc : memref<!tpu.dma_semaphore, #tpu.memory_space<semaphore_mem>>
      %dma_start3A = arith.constant 0 : i32
      %dma_start3A_63 = tpu.memref_slice %arg5[%arg0, %add3A_62, %dma_start3A] : memref<2x10240x128xf32, #tpu.memory_space<hbm>> -> memref<1x128x128xf32, #tpu.memory_space<hbm>>
      %dma_start3A_64 = tpu.memref_squeeze %dma_start3A_63 : memref<1x128x128xf32, #tpu.memory_space<hbm>> -> memref<128x128xf32, #tpu.memory_space<hbm>>
      %dma_start3A_65 = arith.constant 0 : i32
      %dma_start3A_66 = tpu.memref_slice %arg5[%arg0, %add3A_62, %dma_start3A_65] : memref<2x10240x128xf32, #tpu.memory_space<hbm>> -> memref<1x128x128xf32, #tpu.memory_space<hbm>>
      %dma_start3A_67 = tpu.memref_squeeze %dma_start3A_66 : memref<1x128x128xf32, #tpu.memory_space<hbm>> -> memref<128x128xf32, #tpu.memory_space<hbm>>
      tpu.enqueue_dma source(%arg8 : memref<128x128xf32, #tpu.memory_space<vmem>>) target(%dma_start3A_67 : memref<128x128xf32, #tpu.memory_space<hbm>>) target_semaphore(%run_scoped3A : memref<!tpu.dma_semaphore, #tpu.memory_space<semaphore_mem>>)
      %dma_wait3A = arith.constant 0 : i32
      %dma_wait3A_68 = tpu.memref_slice %arg5[%arg0, %add3A_62, %dma_wait3A] : memref<2x10240x128xf32, #tpu.memory_space<hbm>> -> memref<1x128x128xf32, #tpu.memory_space<hbm>>
      %dma_wait3A_69 = tpu.memref_squeeze %dma_wait3A_68 : memref<1x128x128xf32, #tpu.memory_space<hbm>> -> memref<128x128xf32, #tpu.memory_space<hbm>>
      %dma_wait3A_70 = arith.constant 0 : i32
      %dma_wait3A_71 = tpu.memref_slice %arg5[%arg0, %add3A_62, %dma_wait3A_70] : memref<2x10240x128xf32, #tpu.memory_space<hbm>> -> memref<1x128x128xf32, #tpu.memory_space<hbm>>
      %dma_wait3A_72 = tpu.memref_squeeze %dma_wait3A_71 : memref<1x128x128xf32, #tpu.memory_space<hbm>> -> memref<128x128xf32, #tpu.memory_space<hbm>>
      tpu.wait_dma2 semaphore(%run_scoped3A : memref<!tpu.dma_semaphore, #tpu.memory_space<semaphore_mem>>) src(%arg8 : memref<128x128xf32, #tpu.memory_space<vmem>>) dst(%dma_wait3A_72 : memref<128x128xf32, #tpu.memory_space<hbm>>)
      tpu.yield
    }) : () -> ()
    return
  }
}

module attributes {stable_mosaic.version = 14 : i64} {
  func.func @_stage_a_kernel(%arg0: i32, %arg1: memref<1000x128xf32, #tpu.memory_space<vmem>>, %arg2: memref<128x128xf32, #tpu.memory_space<vmem>>, %arg3: memref<128xf32, #tpu.memory_space<vmem>>, %arg4: memref<128x128xf32, #tpu.memory_space<vmem>>, %arg5: memref<128xf32, #tpu.memory_space<vmem>>, %arg6: memref<128x128xf32, #tpu.memory_space<vmem>>, %arg7: memref<1000x128xf32, #tpu.memory_space<vmem>>, %arg8: memref<1000x256xf32, #tpu.memory_space<vmem>>) attributes {dimension_semantics = [#tpu.dimension_semantics<arbitrary>], iteration_bounds = array<i64: 10>, scalar_prefetch = 0 : i64, scratch_operands = 0 : i64, tpu.core_type = #tpu.core_type<tc>, window_params = [{transform_indices = @transform_0, window_bounds = array<i64: 1000, 128>}, {pipeline_mode = #tpu.pipeline_mode<synchronous>, transform_indices = @transform_1, window_bounds = array<i64: 128, 128>}, {pipeline_mode = #tpu.pipeline_mode<synchronous>, transform_indices = @transform_2, window_bounds = array<i64: 128>}, {pipeline_mode = #tpu.pipeline_mode<synchronous>, transform_indices = @transform_3, window_bounds = array<i64: 128, 128>}, {pipeline_mode = #tpu.pipeline_mode<synchronous>, transform_indices = @transform_4, window_bounds = array<i64: 128>}, {pipeline_mode = #tpu.pipeline_mode<synchronous>, transform_indices = @transform_5, window_bounds = array<i64: 128, 128>}, {transform_indices = @transform_6, window_bounds = array<i64: 1000, 128>}, {transform_indices = @transform_7, window_bounds = array<i64: 1000, 256>}]} {
    %get3A = arith.constant 0 : index
    %get3A_0 = arith.constant 0 : index
    %get3A_1 = vector.load %arg1[%get3A, %get3A_0] : memref<1000x128xf32, #tpu.memory_space<vmem>>, vector<1000x128xf32>
    %reduce_sum3A = arith.constant dense<0.000000e+00> : vector<1000xf32>
    %reduce_sum3A_2 = vector.multi_reduction <add>, %get3A_1, %reduce_sum3A [1] : vector<1000x128xf32> to vector<1000xf32>
    %broadcast_in_dim3A = vector.shape_cast %reduce_sum3A_2 : vector<1000xf32> to vector<1000x1xf32>
    %div3A = arith.constant 1.280000e+02 : f32
    %div3A_3 = vector.broadcast %div3A : f32 to vector<1000x1xf32>
    %div3A_4 = arith.divf %broadcast_in_dim3A, %div3A_3 : vector<1000x1xf32>
    %jit3A = arith.constant 0 : i32
    %reduce_sum3A_5 = arith.constant dense<0.000000e+00> : vector<1000xf32>
    %reduce_sum3A_6 = vector.multi_reduction <add>, %get3A_1, %reduce_sum3A_5 [1] : vector<1000x128xf32> to vector<1000xf32>
    %broadcast_in_dim3A_7 = vector.shape_cast %reduce_sum3A_6 : vector<1000xf32> to vector<1000x1xf32>
    %div3A_8 = arith.constant 1.280000e+02 : f32
    %div3A_9 = vector.broadcast %div3A_8 : f32 to vector<1000x1xf32>
    %div3A_10 = arith.divf %broadcast_in_dim3A_7, %div3A_9 : vector<1000x1xf32>
    %sub3A = vector.broadcast %div3A_10 : vector<1000x1xf32> to vector<1000x128xf32>
    %sub3A_11 = arith.subf %get3A_1, %sub3A : vector<1000x128xf32>
    %square3A = arith.mulf %sub3A_11, %sub3A_11 : vector<1000x128xf32>
    %convert_element_type3A = arith.sitofp %jit3A : i32 to f32
    %sub3A_12 = arith.constant 1.280000e+02 : f32
    %sub3A_13 = arith.subf %sub3A_12, %convert_element_type3A : f32
    %reduce_sum3A_14 = arith.constant dense<0.000000e+00> : vector<1000xf32>
    %reduce_sum3A_15 = vector.multi_reduction <add>, %square3A, %reduce_sum3A_14 [1] : vector<1000x128xf32> to vector<1000xf32>
    %broadcast_in_dim3A_16 = vector.shape_cast %reduce_sum3A_15 : vector<1000xf32> to vector<1000x1xf32>
    %div3A_17 = vector.broadcast %sub3A_13 : f32 to vector<1000x1xf32>
    %div3A_18 = arith.divf %broadcast_in_dim3A_16, %div3A_17 : vector<1000x1xf32>
    %gt3A = arith.constant 0.000000e+00 : f32
    %gt3A_19 = arith.cmpf ogt, %sub3A_13, %gt3A : f32
    %jit3A_20 = arith.constant 0x7FC00000 : f32
    %broadcast_in_dim3A_21 = vector.broadcast %jit3A_20 : f32 to vector<1000x1xf32>
    %select_n3A = arith.select %gt3A_19, %div3A_18, %broadcast_in_dim3A_21 : vector<1000x1xf32>
    %sub3A_22 = vector.broadcast %div3A_4 : vector<1000x1xf32> to vector<1000x128xf32>
    %sub3A_23 = arith.subf %get3A_1, %sub3A_22 : vector<1000x128xf32>
    %add3A = arith.constant 9.99999974E-6 : f32
    %add3A_24 = vector.broadcast %add3A : f32 to vector<1000x1xf32>
    %add3A_25 = arith.addf %select_n3A, %add3A_24 : vector<1000x1xf32>
    %sqrt3A = math.sqrt %add3A_25 : vector<1000x1xf32>
    %div3A_26 = vector.broadcast %sqrt3A : vector<1000x1xf32> to vector<1000x128xf32>
    %div3A_27 = arith.divf %sub3A_23, %div3A_26 : vector<1000x128xf32>
    %get3A_28 = arith.constant 0 : index
    %get3A_29 = arith.constant 0 : index
    %get3A_30 = vector.load %arg2[%get3A_28, %get3A_29] : memref<128x128xf32, #tpu.memory_space<vmem>>, vector<128x128xf32>
    %get3A_31 = arith.constant 0 : index
    %get3A_32 = vector.load %arg3[%get3A_31] : memref<128xf32, #tpu.memory_space<vmem>>, vector<128xf32>
    %get3A_33 = arith.constant 0 : index
    %get3A_34 = arith.constant 0 : index
    %get3A_35 = vector.load %arg4[%get3A_33, %get3A_34] : memref<128x128xf32, #tpu.memory_space<vmem>>, vector<128x128xf32>
    %get3A_36 = arith.constant 0 : index
    %get3A_37 = vector.load %arg5[%get3A_36] : memref<128xf32, #tpu.memory_space<vmem>>, vector<128xf32>
    %dot_general3A = arith.constant dense<0.000000e+00> : vector<1000x128xf32>
    %dot_general3A_38 = tpu.matmul %div3A_27, %get3A_30, %dot_general3A {dimension_numbers = #tpu.dot_dimension_numbers<[1], [0], [0], [1], [0, 0, 1, 1], [], []>, transpose_lhs_hint = false} : vector<1000x128xf32>, vector<128x128xf32>, vector<1000x128xf32> -> vector<1000x128xf32>
    %broadcast_in_dim3A_39 = vector.shape_cast %get3A_32 : vector<128xf32> to vector<1x128xf32>
    %add3A_40 = vector.broadcast %broadcast_in_dim3A_39 : vector<1x128xf32> to vector<1000x128xf32>
    %add3A_41 = arith.addf %dot_general3A_38, %add3A_40 : vector<1000x128xf32>
    %reduce_sum3A_42 = arith.constant dense<0.000000e+00> : vector<1000xf32>
    %reduce_sum3A_43 = vector.multi_reduction <add>, %add3A_41, %reduce_sum3A_42 [1] : vector<1000x128xf32> to vector<1000xf32>
    %broadcast_in_dim3A_44 = vector.shape_cast %reduce_sum3A_43 : vector<1000xf32> to vector<1000x1xf32>
    %div3A_45 = arith.constant 1.280000e+02 : f32
    %div3A_46 = vector.broadcast %div3A_45 : f32 to vector<1000x1xf32>
    %div3A_47 = arith.divf %broadcast_in_dim3A_44, %div3A_46 : vector<1000x1xf32>
    %jit3A_48 = arith.constant 0 : i32
    %reduce_sum3A_49 = arith.constant dense<0.000000e+00> : vector<1000xf32>
    %reduce_sum3A_50 = vector.multi_reduction <add>, %add3A_41, %reduce_sum3A_49 [1] : vector<1000x128xf32> to vector<1000xf32>
    %broadcast_in_dim3A_51 = vector.shape_cast %reduce_sum3A_50 : vector<1000xf32> to vector<1000x1xf32>
    %div3A_52 = arith.constant 1.280000e+02 : f32
    %div3A_53 = vector.broadcast %div3A_52 : f32 to vector<1000x1xf32>
    %div3A_54 = arith.divf %broadcast_in_dim3A_51, %div3A_53 : vector<1000x1xf32>
    %sub3A_55 = vector.broadcast %div3A_54 : vector<1000x1xf32> to vector<1000x128xf32>
    %sub3A_56 = arith.subf %add3A_41, %sub3A_55 : vector<1000x128xf32>
    %square3A_57 = arith.mulf %sub3A_56, %sub3A_56 : vector<1000x128xf32>
    %convert_element_type3A_58 = arith.sitofp %jit3A_48 : i32 to f32
    %sub3A_59 = arith.constant 1.280000e+02 : f32
    %sub3A_60 = arith.subf %sub3A_59, %convert_element_type3A_58 : f32
    %reduce_sum3A_61 = arith.constant dense<0.000000e+00> : vector<1000xf32>
    %reduce_sum3A_62 = vector.multi_reduction <add>, %square3A_57, %reduce_sum3A_61 [1] : vector<1000x128xf32> to vector<1000xf32>
    %broadcast_in_dim3A_63 = vector.shape_cast %reduce_sum3A_62 : vector<1000xf32> to vector<1000x1xf32>
    %div3A_64 = vector.broadcast %sub3A_60 : f32 to vector<1000x1xf32>
    %div3A_65 = arith.divf %broadcast_in_dim3A_63, %div3A_64 : vector<1000x1xf32>
    %gt3A_66 = arith.constant 0.000000e+00 : f32
    %gt3A_67 = arith.cmpf ogt, %sub3A_60, %gt3A_66 : f32
    %jit3A_68 = arith.constant 0x7FC00000 : f32
    %broadcast_in_dim3A_69 = vector.broadcast %jit3A_68 : f32 to vector<1000x1xf32>
    %select_n3A_70 = arith.select %gt3A_67, %div3A_65, %broadcast_in_dim3A_69 : vector<1000x1xf32>
    %sub3A_71 = vector.broadcast %div3A_47 : vector<1000x1xf32> to vector<1000x128xf32>
    %sub3A_72 = arith.subf %add3A_41, %sub3A_71 : vector<1000x128xf32>
    %add3A_73 = arith.constant 9.99999974E-6 : f32
    %add3A_74 = vector.broadcast %add3A_73 : f32 to vector<1000x1xf32>
    %add3A_75 = arith.addf %select_n3A_70, %add3A_74 : vector<1000x1xf32>
    %sqrt3A_76 = math.sqrt %add3A_75 : vector<1000x1xf32>
    %div3A_77 = vector.broadcast %sqrt3A_76 : vector<1000x1xf32> to vector<1000x128xf32>
    %div3A_78 = arith.divf %sub3A_72, %div3A_77 : vector<1000x128xf32>
    %max3A = arith.constant 0.000000e+00 : f32
    %max3A_79 = vector.broadcast %max3A : f32 to vector<1000x128xf32>
    %max3A_80 = arith.maximumf %div3A_78, %max3A_79 : vector<1000x128xf32>
    %dot_general3A_81 = arith.constant dense<0.000000e+00> : vector<1000x128xf32>
    %dot_general3A_82 = tpu.matmul %max3A_80, %get3A_35, %dot_general3A_81 {dimension_numbers = #tpu.dot_dimension_numbers<[1], [0], [0], [1], [0, 0, 1, 1], [], []>, transpose_lhs_hint = false} : vector<1000x128xf32>, vector<128x128xf32>, vector<1000x128xf32> -> vector<1000x128xf32>
    %broadcast_in_dim3A_83 = vector.shape_cast %get3A_37 : vector<128xf32> to vector<1x128xf32>
    %add3A_84 = vector.broadcast %broadcast_in_dim3A_83 : vector<1x128xf32> to vector<1000x128xf32>
    %add3A_85 = arith.addf %dot_general3A_82, %add3A_84 : vector<1000x128xf32>
    %swap3A = arith.constant 0 : index
    %swap3A_86 = arith.constant 0 : index
    %swap3A_87 = vector.load %arg7[%swap3A, %swap3A_86] : memref<1000x128xf32, #tpu.memory_space<vmem>>, vector<1000x128xf32>
    tpu.vector_store %arg7[%swap3A, %swap3A_86], %add3A_85 {strides = array<i32>} : memref<1000x128xf32, #tpu.memory_space<vmem>>, vector<1000x128xf32>,
    %get3A_88 = arith.constant 0 : index
    %get3A_89 = arith.constant 0 : index
    %get3A_90 = vector.load %arg6[%get3A_88, %get3A_89] : memref<128x128xf32, #tpu.memory_space<vmem>>, vector<128x128xf32>
    %dot_general3A_91 = arith.constant dense<0.000000e+00> : vector<1000x128xf32>
    %dot_general3A_92 = tpu.matmul %get3A_1, %get3A_90, %dot_general3A_91 {dimension_numbers = #tpu.dot_dimension_numbers<[1], [0], [0], [1], [0, 0, 1, 1], [], []>, transpose_lhs_hint = false} : vector<1000x128xf32>, vector<128x128xf32>, vector<1000x128xf32> -> vector<1000x128xf32>
    %reduce_sum3A_93 = arith.constant dense<0.000000e+00> : vector<1000xf32>
    %reduce_sum3A_94 = vector.multi_reduction <add>, %get3A_1, %reduce_sum3A_93 [1] : vector<1000x128xf32> to vector<1000xf32>
    %broadcast_in_dim3A_95 = vector.shape_cast %reduce_sum3A_94 : vector<1000xf32> to vector<1000x1xf32>
    %mul3A = arith.mulf %get3A_1, %get3A_1 : vector<1000x128xf32>
    %reduce_sum3A_96 = arith.constant dense<0.000000e+00> : vector<1000xf32>
    %reduce_sum3A_97 = vector.multi_reduction <add>, %mul3A, %reduce_sum3A_96 [1] : vector<1000x128xf32> to vector<1000xf32>
    %broadcast_in_dim3A_98 = vector.shape_cast %reduce_sum3A_97 : vector<1000xf32> to vector<1000x1xf32>
    %broadcast_in_dim3A_99 = arith.constant 0.000000e+00 : f32
    %broadcast_in_dim3A_100 = vector.broadcast %broadcast_in_dim3A_99 : f32 to vector<1000x126xf32>
    %concatenate3A = tpu.concatenate %dot_general3A_92, %broadcast_in_dim3A_95, %broadcast_in_dim3A_98, %broadcast_in_dim3A_100 in 1 : vector<1000x128xf32>, vector<1000x1xf32>, vector<1000x1xf32>, vector<1000x126xf32> -> vector<1000x256xf32>
    %swap3A_101 = arith.constant 0 : index
    %swap3A_102 = arith.constant 0 : index
    %swap3A_103 = vector.load %arg8[%swap3A_101, %swap3A_102] : memref<1000x256xf32, #tpu.memory_space<vmem>>, vector<1000x256xf32>
    tpu.vector_store %arg8[%swap3A_101, %swap3A_102], %concatenate3A {strides = array<i32>} : memref<1000x256xf32, #tpu.memory_space<vmem>>, vector<1000x256xf32>,
    return
  }
  func.func @transform_0(%arg0: i32) -> (i32, i32) {
    %c0_i32 = arith.constant 0 : i32
    %c0_i32_0 = arith.constant 0 : i32
    return %arg0, %c0_i32 : i32, i32
  }
  func.func @transform_1(%arg0: i32) -> (i32, i32) {
    %c0_i32 = arith.constant 0 : i32
    %c0_i32_0 = arith.constant 0 : i32
    %c0_i32_1 = arith.constant 0 : i32
    return %c0_i32, %c0_i32_0 : i32, i32
  }
  func.func @transform_2(%arg0: i32) -> i32 {
    %c0_i32 = arith.constant 0 : i32
    %c0_i32_0 = arith.constant 0 : i32
    return %c0_i32 : i32
  }
  func.func @transform_3(%arg0: i32) -> (i32, i32) {
    %c0_i32 = arith.constant 0 : i32
    %c0_i32_0 = arith.constant 0 : i32
    %c0_i32_1 = arith.constant 0 : i32
    return %c0_i32, %c0_i32_0 : i32, i32
  }
  func.func @transform_4(%arg0: i32) -> i32 {
    %c0_i32 = arith.constant 0 : i32
    %c0_i32_0 = arith.constant 0 : i32
    return %c0_i32 : i32
  }
  func.func @transform_5(%arg0: i32) -> (i32, i32) {
    %c0_i32 = arith.constant 0 : i32
    %c0_i32_0 = arith.constant 0 : i32
    %c0_i32_1 = arith.constant 0 : i32
    return %c0_i32, %c0_i32_0 : i32, i32
  }
  func.func @transform_6(%arg0: i32) -> (i32, i32) {
    %c0_i32 = arith.constant 0 : i32
    %c0_i32_0 = arith.constant 0 : i32
    return %arg0, %c0_i32 : i32, i32
  }
  func.func @transform_7(%arg0: i32) -> (i32, i32) {
    %c0_i32 = arith.constant 0 : i32
    %c0_i32_0 = arith.constant 0 : i32
    return %arg0, %c0_i32 : i32, i32
  }
}

module attributes {stable_mosaic.version = 14 : i64} {
  func.func @_pay1_kernel(%arg0: i32, %arg1: memref<2048x128xf32, #tpu.memory_space<vmem>>, %arg2: memref<2048x1xf32, #tpu.memory_space<vmem>>, %arg3: memref<2048x128xf32, #tpu.memory_space<vmem>>) attributes {dimension_semantics = [#tpu.dimension_semantics<arbitrary>], iteration_bounds = array<i64: 160>, scalar_prefetch = 0 : i64, scratch_operands = 0 : i64, tpu.core_type = #tpu.core_type<tc>, window_params = [{transform_indices = @transform_0, window_bounds = array<i64: 2048, 128>}, {transform_indices = @transform_1, window_bounds = array<i64: 2048, 1>}, {transform_indices = @transform_2, window_bounds = array<i64: 2048, 128>}]} {
    %get3A = arith.constant 0 : index
    %get3A_0 = arith.constant 0 : index
    %get3A_1 = vector.load %arg1[%get3A, %get3A_0] : memref<2048x128xf32, #tpu.memory_space<vmem>>, vector<2048x128xf32>
    %get3A_2 = arith.constant 0 : index
    %get3A_3 = arith.constant 0 : index
    %get3A_4 = vector.load %arg2[%get3A_2, %get3A_3] : memref<2048x1xf32, #tpu.memory_space<vmem>>, vector<2048x1xf32>
    %mul3A = vector.broadcast %get3A_4 : vector<2048x1xf32> to vector<2048x128xf32>
    %mul3A_5 = arith.mulf %get3A_1, %mul3A : vector<2048x128xf32>
    %swap3A = arith.constant 0 : index
    %swap3A_6 = arith.constant 0 : index
    %swap3A_7 = vector.load %arg3[%swap3A, %swap3A_6] : memref<2048x128xf32, #tpu.memory_space<vmem>>, vector<2048x128xf32>
    tpu.vector_store %arg3[%swap3A, %swap3A_6], %mul3A_5 {strides = array<i32>} : memref<2048x128xf32, #tpu.memory_space<vmem>>, vector<2048x128xf32>,
    return
  }
  func.func @transform_0(%arg0: i32) -> (i32, i32) {
    %c0_i32 = arith.constant 0 : i32
    %c0_i32_0 = arith.constant 0 : i32
    return %arg0, %c0_i32 : i32, i32
  }
  func.func @transform_1(%arg0: i32) -> (i32, i32) {
    %c0_i32 = arith.constant 0 : i32
    %c0_i32_0 = arith.constant 0 : i32
    return %arg0, %c0_i32 : i32, i32
  }
  func.func @transform_2(%arg0: i32) -> (i32, i32) {
    %c0_i32 = arith.constant 0 : i32
    %c0_i32_0 = arith.constant 0 : i32
    return %arg0, %c0_i32 : i32, i32
  }
}

module attributes {stable_mosaic.version = 14 : i64} {
  func.func @_stage_c_kernel(%arg0: i32, %arg1: memref<1000x128xf32, #tpu.memory_space<vmem>>, %arg2: memref<1000x128xf32, #tpu.memory_space<vmem>>, %arg3: memref<1000x1xf32, #tpu.memory_space<vmem>>, %arg4: memref<1000x1xf32, #tpu.memory_space<vmem>>, %arg5: memref<1000x128xf32, #tpu.memory_space<vmem>>, %arg6: memref<1000x1xf32, #tpu.memory_space<vmem>>, %arg7: memref<1000x128xf32, #tpu.memory_space<vmem>>, %arg8: memref<128x128xf32, #tpu.memory_space<vmem>>, %arg9: memref<1xf32, #tpu.memory_space<vmem>>, %arg10: memref<1000x128xf32, #tpu.memory_space<vmem>>, %arg11: memref<1000x384xf32, #tpu.memory_space<vmem>>) attributes {dimension_semantics = [#tpu.dimension_semantics<arbitrary>], iteration_bounds = array<i64: 5>, scalar_prefetch = 0 : i64, scratch_operands = 0 : i64, tpu.core_type = #tpu.core_type<tc>, window_params = [{transform_indices = @transform_0, window_bounds = array<i64: 1000, 128>}, {transform_indices = @transform_1, window_bounds = array<i64: 1000, 128>}, {transform_indices = @transform_2, window_bounds = array<i64: 1000, 1>}, {transform_indices = @transform_3, window_bounds = array<i64: 1000, 1>}, {transform_indices = @transform_4, window_bounds = array<i64: 1000, 128>}, {transform_indices = @transform_5, window_bounds = array<i64: 1000, 1>}, {transform_indices = @transform_6, window_bounds = array<i64: 1000, 128>}, {pipeline_mode = #tpu.pipeline_mode<synchronous>, transform_indices = @transform_7, window_bounds = array<i64: 128, 128>}, {pipeline_mode = #tpu.pipeline_mode<synchronous>, transform_indices = @transform_8, window_bounds = array<i64: 1>}, {transform_indices = @transform_9, window_bounds = array<i64: 1000, 128>}, {transform_indices = @transform_10, window_bounds = array<i64: 1000, 384>}]} {
    %get3A = arith.constant 0 : index
    %get3A_0 = vector.load %arg9[%get3A] : memref<1xf32, #tpu.memory_space<vmem>>, vector<1xf32>
    %get3A_1 = vector.extract %get3A_0[0] : f32 from vector<1xf32>
    %get3A_2 = arith.constant 0 : index
    %get3A_3 = arith.constant 0 : index
    %get3A_4 = vector.load %arg1[%get3A_2, %get3A_3] : memref<1000x128xf32, #tpu.memory_space<vmem>>, vector<1000x128xf32>
    %get3A_5 = arith.constant 0 : index
    %get3A_6 = arith.constant 0 : index
    %get3A_7 = vector.load %arg2[%get3A_5, %get3A_6] : memref<1000x128xf32, #tpu.memory_space<vmem>>, vector<1000x128xf32>
    %add3A = arith.addf %get3A_4, %get3A_7 : vector<1000x128xf32>
    %get3A_8 = arith.constant 0 : index
    %get3A_9 = arith.constant 0 : index
    %get3A_10 = vector.load %arg3[%get3A_8, %get3A_9] : memref<1000x1xf32, #tpu.memory_space<vmem>>, vector<1000x1xf32>
    %get3A_11 = arith.constant 0 : index
    %get3A_12 = arith.constant 0 : index
    %get3A_13 = vector.load %arg4[%get3A_11, %get3A_12] : memref<1000x1xf32, #tpu.memory_space<vmem>>, vector<1000x1xf32>
    %add3A_14 = arith.addf %get3A_10, %get3A_13 : vector<1000x1xf32>
    %max3A = arith.constant 1.000000e+00 : f32
    %max3A_15 = vector.broadcast %max3A : f32 to vector<1000x1xf32>
    %max3A_16 = arith.maximumf %add3A_14, %max3A_15 : vector<1000x1xf32>
    %div3A = vector.broadcast %max3A_16 : vector<1000x1xf32> to vector<1000x128xf32>
    %div3A_17 = arith.divf %add3A, %div3A : vector<1000x128xf32>
    %sub3A = arith.constant 1.000000e+00 : f32
    %sub3A_18 = arith.subf %sub3A, %get3A_1 : f32
    %mul3A = vector.broadcast %sub3A_18 : f32 to vector<1000x128xf32>
    %mul3A_19 = arith.mulf %mul3A, %div3A_17 : vector<1000x128xf32>
    %get3A_20 = arith.constant 0 : index
    %get3A_21 = arith.constant 0 : index
    %get3A_22 = vector.load %arg5[%get3A_20, %get3A_21] : memref<1000x128xf32, #tpu.memory_space<vmem>>, vector<1000x128xf32>
    %mul3A_23 = vector.broadcast %get3A_1 : f32 to vector<1000x128xf32>
    %mul3A_24 = arith.mulf %mul3A_23, %get3A_22 : vector<1000x128xf32>
    %add3A_25 = arith.addf %mul3A_19, %mul3A_24 : vector<1000x128xf32>
    %get3A_26 = arith.constant 0 : index
    %get3A_27 = arith.constant 0 : index
    %get3A_28 = vector.load %arg6[%get3A_26, %get3A_27] : memref<1000x1xf32, #tpu.memory_space<vmem>>, vector<1000x1xf32>
    %div3A_29 = vector.broadcast %get3A_28 : vector<1000x1xf32> to vector<1000x128xf32>
    %div3A_30 = arith.divf %add3A_25, %div3A_29 : vector<1000x128xf32>
    %swap3A = arith.constant 0 : index
    %swap3A_31 = arith.constant 0 : index
    %swap3A_32 = vector.load %arg10[%swap3A, %swap3A_31] : memref<1000x128xf32, #tpu.memory_space<vmem>>, vector<1000x128xf32>
    tpu.vector_store %arg10[%swap3A, %swap3A_31], %div3A_30 {strides = array<i32>} : memref<1000x128xf32, #tpu.memory_space<vmem>>, vector<1000x128xf32>,
    %get3A_33 = arith.constant 0 : index
    %get3A_34 = arith.constant 0 : index
    %get3A_35 = vector.load %arg8[%get3A_33, %get3A_34] : memref<128x128xf32, #tpu.memory_space<vmem>>, vector<128x128xf32>
    %dot_general3A = arith.constant dense<0.000000e+00> : vector<1000x128xf32>
    %dot_general3A_36 = tpu.matmul %div3A_30, %get3A_35, %dot_general3A {dimension_numbers = #tpu.dot_dimension_numbers<[1], [0], [0], [1], [0, 0, 1, 1], [], []>, transpose_lhs_hint = false} : vector<1000x128xf32>, vector<128x128xf32>, vector<1000x128xf32> -> vector<1000x128xf32>
    %reduce_sum3A = arith.constant dense<0.000000e+00> : vector<1000xf32>
    %reduce_sum3A_37 = vector.multi_reduction <add>, %div3A_30, %reduce_sum3A [1] : vector<1000x128xf32> to vector<1000xf32>
    %broadcast_in_dim3A = vector.shape_cast %reduce_sum3A_37 : vector<1000xf32> to vector<1000x1xf32>
    %mul3A_38 = arith.mulf %div3A_30, %div3A_30 : vector<1000x128xf32>
    %reduce_sum3A_39 = arith.constant dense<0.000000e+00> : vector<1000xf32>
    %reduce_sum3A_40 = vector.multi_reduction <add>, %mul3A_38, %reduce_sum3A_39 [1] : vector<1000x128xf32> to vector<1000xf32>
    %broadcast_in_dim3A_41 = vector.shape_cast %reduce_sum3A_40 : vector<1000xf32> to vector<1000x1xf32>
    %broadcast_in_dim3A_42 = arith.constant 0.000000e+00 : f32
    %broadcast_in_dim3A_43 = vector.broadcast %broadcast_in_dim3A_42 : f32 to vector<1000x126xf32>
    %get3A_44 = arith.constant 0 : index
    %get3A_45 = arith.constant 0 : index
    %get3A_46 = vector.load %arg7[%get3A_44, %get3A_45] : memref<1000x128xf32, #tpu.memory_space<vmem>>, vector<1000x128xf32>
    %concatenate3A = tpu.concatenate %dot_general3A_36, %get3A_46, %broadcast_in_dim3A, %broadcast_in_dim3A_41, %broadcast_in_dim3A_43 in 1 : vector<1000x128xf32>, vector<1000x128xf32>, vector<1000x1xf32>, vector<1000x1xf32>, vector<1000x126xf32> -> vector<1000x384xf32>
    %swap3A_47 = arith.constant 0 : index
    %swap3A_48 = arith.constant 0 : index
    %swap3A_49 = vector.load %arg11[%swap3A_47, %swap3A_48] : memref<1000x384xf32, #tpu.memory_space<vmem>>, vector<1000x384xf32>
    tpu.vector_store %arg11[%swap3A_47, %swap3A_48], %concatenate3A {strides = array<i32>} : memref<1000x384xf32, #tpu.memory_space<vmem>>, vector<1000x384xf32>,
    return
  }
  func.func @transform_0(%arg0: i32) -> (i32, i32) {
    %c0_i32 = arith.constant 0 : i32
    %c0_i32_0 = arith.constant 0 : i32
    return %arg0, %c0_i32 : i32, i32
  }
  func.func @transform_1(%arg0: i32) -> (i32, i32) {
    %c0_i32 = arith.constant 0 : i32
    %c0_i32_0 = arith.constant 0 : i32
    return %arg0, %c0_i32 : i32, i32
  }
  func.func @transform_2(%arg0: i32) -> (i32, i32) {
    %c0_i32 = arith.constant 0 : i32
    %c0_i32_0 = arith.constant 0 : i32
    return %arg0, %c0_i32 : i32, i32
  }
  func.func @transform_3(%arg0: i32) -> (i32, i32) {
    %c0_i32 = arith.constant 0 : i32
    %c0_i32_0 = arith.constant 0 : i32
    return %arg0, %c0_i32 : i32, i32
  }
  func.func @transform_4(%arg0: i32) -> (i32, i32) {
    %c0_i32 = arith.constant 0 : i32
    %c0_i32_0 = arith.constant 0 : i32
    return %arg0, %c0_i32 : i32, i32
  }
  func.func @transform_5(%arg0: i32) -> (i32, i32) {
    %c0_i32 = arith.constant 0 : i32
    %c0_i32_0 = arith.constant 0 : i32
    return %arg0, %c0_i32 : i32, i32
  }
  func.func @transform_6(%arg0: i32) -> (i32, i32) {
    %c0_i32 = arith.constant 0 : i32
    %c0_i32_0 = arith.constant 0 : i32
    return %arg0, %c0_i32 : i32, i32
  }
  func.func @transform_7(%arg0: i32) -> (i32, i32) {
    %c0_i32 = arith.constant 0 : i32
    %c0_i32_0 = arith.constant 0 : i32
    %c0_i32_1 = arith.constant 0 : i32
    return %c0_i32, %c0_i32_0 : i32, i32
  }
  func.func @transform_8(%arg0: i32) -> i32 {
    %c0_i32 = arith.constant 0 : i32
    %c0_i32_0 = arith.constant 0 : i32
    return %c0_i32 : i32
  }
  func.func @transform_9(%arg0: i32) -> (i32, i32) {
    %c0_i32 = arith.constant 0 : i32
    %c0_i32_0 = arith.constant 0 : i32
    return %arg0, %c0_i32 : i32, i32
  }
  func.func @transform_10(%arg0: i32) -> (i32, i32) {
    %c0_i32 = arith.constant 0 : i32
    %c0_i32_0 = arith.constant 0 : i32
    return %arg0, %c0_i32 : i32, i32
  }
}

module attributes {stable_mosaic.version = 14 : i64} {
  func.func @_stage_e_kernel(%arg0: i32, %arg1: memref<2048x256xf32, #tpu.memory_space<vmem>>, %arg2: memref<2048x384xf32, #tpu.memory_space<vmem>>, %arg3: memref<2048x1xf32, #tpu.memory_space<vmem>>, %arg4: memref<128xf32, #tpu.memory_space<vmem>>, %arg5: memref<128xf32, #tpu.memory_space<vmem>>, %arg6: memref<128x128xf32, #tpu.memory_space<vmem>>, %arg7: memref<128xf32, #tpu.memory_space<vmem>>, %arg8: memref<2xf32, #tpu.memory_space<vmem>>, %arg9: memref<2048x128xf32, #tpu.memory_space<vmem>>) attributes {dimension_semantics = [#tpu.dimension_semantics<arbitrary>], iteration_bounds = array<i64: 160>, scalar_prefetch = 0 : i64, scratch_operands = 0 : i64, tpu.core_type = #tpu.core_type<tc>, window_params = [{transform_indices = @transform_0, window_bounds = array<i64: 2048, 256>}, {transform_indices = @transform_1, window_bounds = array<i64: 2048, 384>}, {transform_indices = @transform_2, window_bounds = array<i64: 2048, 1>}, {pipeline_mode = #tpu.pipeline_mode<synchronous>, transform_indices = @transform_3, window_bounds = array<i64: 128>}, {pipeline_mode = #tpu.pipeline_mode<synchronous>, transform_indices = @transform_4, window_bounds = array<i64: 128>}, {pipeline_mode = #tpu.pipeline_mode<synchronous>, transform_indices = @transform_5, window_bounds = array<i64: 128, 128>}, {pipeline_mode = #tpu.pipeline_mode<synchronous>, transform_indices = @transform_6, window_bounds = array<i64: 128>}, {pipeline_mode = #tpu.pipeline_mode<synchronous>, transform_indices = @transform_7, window_bounds = array<i64: 2>}, {transform_indices = @transform_8, window_bounds = array<i64: 2048, 128>}]} {
    %get3A = arith.constant 1 : index
    %get3A_0 = vector.load %arg8[%get3A] : memref<2xf32, #tpu.memory_space<vmem>>, vector<1xf32>
    %get3A_1 = vector.extract %get3A_0[0] : f32 from vector<1xf32>
    %get3A_2 = arith.constant 0 : index
    %get3A_3 = arith.constant 0 : index
    %get3A_4 = vector.load %arg1[%get3A_2, %get3A_3] : memref<2048x256xf32, #tpu.memory_space<vmem>>, vector<2048x256xf32>
    %get3A_5 = arith.constant 0 : index
    %get3A_6 = arith.constant 0 : index
    %get3A_7 = vector.load %arg2[%get3A_5, %get3A_6] : memref<2048x384xf32, #tpu.memory_space<vmem>>, vector<2048x384xf32>
    %slice3A = vector.extract_strided_slice %get3A_4 {offsets = [0, 0], sizes = [2048, 128], strides = [1, 1]} : vector<2048x256xf32> to vector<2048x128xf32>
    %slice3A_8 = vector.extract_strided_slice %get3A_4 {offsets = [0, 128], sizes = [2048, 1], strides = [1, 1]} : vector<2048x256xf32> to vector<2048x1xf32>
    %slice3A_9 = vector.extract_strided_slice %get3A_4 {offsets = [0, 129], sizes = [2048, 1], strides = [1, 1]} : vector<2048x256xf32> to vector<2048x1xf32>
    %slice3A_10 = vector.extract_strided_slice %get3A_7 {offsets = [0, 0], sizes = [2048, 128], strides = [1, 1]} : vector<2048x384xf32> to vector<2048x128xf32>
    %slice3A_11 = vector.extract_strided_slice %get3A_7 {offsets = [0, 128], sizes = [2048, 128], strides = [1, 1]} : vector<2048x384xf32> to vector<2048x128xf32>
    %slice3A_12 = vector.extract_strided_slice %get3A_7 {offsets = [0, 256], sizes = [2048, 1], strides = [1, 1]} : vector<2048x384xf32> to vector<2048x1xf32>
    %slice3A_13 = vector.extract_strided_slice %get3A_7 {offsets = [0, 257], sizes = [2048, 1], strides = [1, 1]} : vector<2048x384xf32> to vector<2048x1xf32>
    %add3A = arith.addf %slice3A_8, %slice3A_12 : vector<2048x1xf32>
    %mul3A = arith.constant 3.906250e-03 : f32
    %mul3A_14 = vector.broadcast %mul3A : f32 to vector<2048x1xf32>
    %mul3A_15 = arith.mulf %add3A, %mul3A_14 : vector<2048x1xf32>
    %add3A_16 = arith.addf %slice3A_9, %slice3A_13 : vector<2048x1xf32>
    %mul3A_17 = arith.constant 3.906250e-03 : f32
    %mul3A_18 = vector.broadcast %mul3A_17 : f32 to vector<2048x1xf32>
    %mul3A_19 = arith.mulf %add3A_16, %mul3A_18 : vector<2048x1xf32>
    %mul3A_20 = arith.mulf %mul3A_15, %mul3A_15 : vector<2048x1xf32>
    %sub3A = arith.subf %mul3A_19, %mul3A_20 : vector<2048x1xf32>
    %add3A_21 = arith.constant 9.99999974E-6 : f32
    %add3A_22 = vector.broadcast %add3A_21 : f32 to vector<2048x1xf32>
    %add3A_23 = arith.addf %sub3A, %add3A_22 : vector<2048x1xf32>
    %rsqrt3A = math.rsqrt %add3A_23 : vector<2048x1xf32>
    %add3A_24 = arith.addf %slice3A, %slice3A_10 : vector<2048x128xf32>
    %get3A_25 = arith.constant 0 : index
    %get3A_26 = vector.load %arg4[%get3A_25] : memref<128xf32, #tpu.memory_space<vmem>>, vector<128xf32>
    %broadcast_in_dim3A = vector.shape_cast %get3A_26 : vector<128xf32> to vector<1x128xf32>
    %mul3A_27 = vector.broadcast %mul3A_15 : vector<2048x1xf32> to vector<2048x128xf32>
    %mul3A_28 = vector.broadcast %broadcast_in_dim3A : vector<1x128xf32> to vector<2048x128xf32>
    %mul3A_29 = arith.mulf %mul3A_27, %mul3A_28 : vector<2048x128xf32>
    %sub3A_30 = arith.subf %add3A_24, %mul3A_29 : vector<2048x128xf32>
    %mul3A_31 = vector.broadcast %rsqrt3A : vector<2048x1xf32> to vector<2048x128xf32>
    %mul3A_32 = arith.mulf %sub3A_30, %mul3A_31 : vector<2048x128xf32>
    %get3A_33 = arith.constant 0 : index
    %get3A_34 = vector.load %arg5[%get3A_33] : memref<128xf32, #tpu.memory_space<vmem>>, vector<128xf32>
    %broadcast_in_dim3A_35 = vector.shape_cast %get3A_34 : vector<128xf32> to vector<1x128xf32>
    %add3A_36 = vector.broadcast %broadcast_in_dim3A_35 : vector<1x128xf32> to vector<2048x128xf32>
    %add3A_37 = arith.addf %mul3A_32, %add3A_36 : vector<2048x128xf32>
    %reduce_sum3A = arith.constant dense<0.000000e+00> : vector<2048xf32>
    %reduce_sum3A_38 = vector.multi_reduction <add>, %add3A_37, %reduce_sum3A [1] : vector<2048x128xf32> to vector<2048xf32>
    %broadcast_in_dim3A_39 = vector.shape_cast %reduce_sum3A_38 : vector<2048xf32> to vector<2048x1xf32>
    %div3A = arith.constant 1.280000e+02 : f32
    %div3A_40 = vector.broadcast %div3A : f32 to vector<2048x1xf32>
    %div3A_41 = arith.divf %broadcast_in_dim3A_39, %div3A_40 : vector<2048x1xf32>
    %mul3A_42 = arith.mulf %add3A_37, %add3A_37 : vector<2048x128xf32>
    %reduce_sum3A_43 = arith.constant dense<0.000000e+00> : vector<2048xf32>
    %reduce_sum3A_44 = vector.multi_reduction <add>, %mul3A_42, %reduce_sum3A_43 [1] : vector<2048x128xf32> to vector<2048xf32>
    %broadcast_in_dim3A_45 = vector.shape_cast %reduce_sum3A_44 : vector<2048xf32> to vector<2048x1xf32>
    %div3A_46 = arith.constant 1.280000e+02 : f32
    %div3A_47 = vector.broadcast %div3A_46 : f32 to vector<2048x1xf32>
    %div3A_48 = arith.divf %broadcast_in_dim3A_45, %div3A_47 : vector<2048x1xf32>
    %mul3A_49 = arith.mulf %div3A_41, %div3A_41 : vector<2048x1xf32>
    %sub3A_50 = arith.subf %div3A_48, %mul3A_49 : vector<2048x1xf32>
    %sub3A_51 = vector.broadcast %div3A_41 : vector<2048x1xf32> to vector<2048x128xf32>
    %sub3A_52 = arith.subf %add3A_37, %sub3A_51 : vector<2048x128xf32>
    %add3A_53 = arith.constant 9.99999974E-6 : f32
    %add3A_54 = vector.broadcast %add3A_53 : f32 to vector<2048x1xf32>
    %add3A_55 = arith.addf %sub3A_50, %add3A_54 : vector<2048x1xf32>
    %rsqrt3A_56 = math.rsqrt %add3A_55 : vector<2048x1xf32>
    %mul3A_57 = vector.broadcast %rsqrt3A_56 : vector<2048x1xf32> to vector<2048x128xf32>
    %mul3A_58 = arith.mulf %sub3A_52, %mul3A_57 : vector<2048x128xf32>
    %max3A = arith.constant 0.000000e+00 : f32
    %max3A_59 = vector.broadcast %max3A : f32 to vector<2048x128xf32>
    %max3A_60 = arith.maximumf %mul3A_58, %max3A_59 : vector<2048x128xf32>
    %get3A_61 = arith.constant 0 : index
    %get3A_62 = arith.constant 0 : index
    %get3A_63 = vector.load %arg6[%get3A_61, %get3A_62] : memref<128x128xf32, #tpu.memory_space<vmem>>, vector<128x128xf32>
    %dot_general3A = arith.constant dense<0.000000e+00> : vector<2048x128xf32>
    %dot_general3A_64 = tpu.matmul %max3A_60, %get3A_63, %dot_general3A {dimension_numbers = #tpu.dot_dimension_numbers<[1], [0], [0], [1], [0, 0, 1, 1], [], []>, transpose_lhs_hint = false} : vector<2048x128xf32>, vector<128x128xf32>, vector<2048x128xf32> -> vector<2048x128xf32>
    %get3A_65 = arith.constant 0 : index
    %get3A_66 = vector.load %arg7[%get3A_65] : memref<128xf32, #tpu.memory_space<vmem>>, vector<128xf32>
    %broadcast_in_dim3A_67 = vector.shape_cast %get3A_66 : vector<128xf32> to vector<1x128xf32>
    %add3A_68 = vector.broadcast %broadcast_in_dim3A_67 : vector<1x128xf32> to vector<2048x128xf32>
    %add3A_69 = arith.addf %dot_general3A_64, %add3A_68 : vector<2048x128xf32>
    %mul3A_70 = vector.broadcast %get3A_1 : f32 to vector<2048x128xf32>
    %mul3A_71 = arith.mulf %mul3A_70, %add3A_69 : vector<2048x128xf32>
    %sub3A_72 = arith.constant 1.000000e+00 : f32
    %sub3A_73 = arith.subf %sub3A_72, %get3A_1 : f32
    %mul3A_74 = vector.broadcast %sub3A_73 : f32 to vector<2048x128xf32>
    %mul3A_75 = arith.mulf %mul3A_74, %slice3A_11 : vector<2048x128xf32>
    %add3A_76 = arith.addf %mul3A_71, %mul3A_75 : vector<2048x128xf32>
    %get3A_77 = arith.constant 0 : index
    %get3A_78 = arith.constant 0 : index
    %get3A_79 = vector.load %arg3[%get3A_77, %get3A_78] : memref<2048x1xf32, #tpu.memory_space<vmem>>, vector<2048x1xf32>
    %mul3A_80 = vector.broadcast %get3A_79 : vector<2048x1xf32> to vector<2048x128xf32>
    %mul3A_81 = arith.mulf %mul3A_80, %add3A_76 : vector<2048x128xf32>
    %swap3A = arith.constant 0 : index
    %swap3A_82 = arith.constant 0 : index
    %swap3A_83 = vector.load %arg9[%swap3A, %swap3A_82] : memref<2048x128xf32, #tpu.memory_space<vmem>>, vector<2048x128xf32>
    tpu.vector_store %arg9[%swap3A, %swap3A_82], %mul3A_81 {strides = array<i32>} : memref<2048x128xf32, #tpu.memory_space<vmem>>, vector<2048x128xf32>,
    return
  }
  func.func @transform_0(%arg0: i32) -> (i32, i32) {
    %c0_i32 = arith.constant 0 : i32
    %c0_i32_0 = arith.constant 0 : i32
    return %arg0, %c0_i32 : i32, i32
  }
  func.func @transform_1(%arg0: i32) -> (i32, i32) {
    %c0_i32 = arith.constant 0 : i32
    %c0_i32_0 = arith.constant 0 : i32
    return %arg0, %c0_i32 : i32, i32
  }
  func.func @transform_2(%arg0: i32) -> (i32, i32) {
    %c0_i32 = arith.constant 0 : i32
    %c0_i32_0 = arith.constant 0 : i32
    return %arg0, %c0_i32 : i32, i32
  }
  func.func @transform_3(%arg0: i32) -> i32 {
    %c0_i32 = arith.constant 0 : i32
    %c0_i32_0 = arith.constant 0 : i32
    return %c0_i32 : i32
  }
  func.func @transform_4(%arg0: i32) -> i32 {
    %c0_i32 = arith.constant 0 : i32
    %c0_i32_0 = arith.constant 0 : i32
    return %c0_i32 : i32
  }
  func.func @transform_5(%arg0: i32) -> (i32, i32) {
    %c0_i32 = arith.constant 0 : i32
    %c0_i32_0 = arith.constant 0 : i32
    %c0_i32_1 = arith.constant 0 : i32
    return %c0_i32, %c0_i32_0 : i32, i32
  }
  func.func @transform_6(%arg0: i32) -> i32 {
    %c0_i32 = arith.constant 0 : i32
    %c0_i32_0 = arith.constant 0 : i32
    return %c0_i32 : i32
  }
  func.func @transform_7(%arg0: i32) -> i32 {
    %c0_i32 = arith.constant 0 : i32
    %c0_i32_0 = arith.constant 0 : i32
    return %c0_i32 : i32
  }
  func.func @transform_8(%arg0: i32) -> (i32, i32) {
    %c0_i32 = arith.constant 0 : i32
    %c0_i32_0 = arith.constant 0 : i32
    return %arg0, %c0_i32 : i32, i32
  }
}

module attributes {stable_mosaic.version = 14 : i64} {
  func.func @_stage_d_kernel(%arg0: i32, %arg1: memref<1000x128xf32, #tpu.memory_space<vmem>>, %arg2: memref<1000x128xf32, #tpu.memory_space<vmem>>, %arg3: memref<1000x1xf32, #tpu.memory_space<vmem>>, %arg4: memref<1000x1xf32, #tpu.memory_space<vmem>>, %arg5: memref<1000x1xf32, #tpu.memory_space<vmem>>, %arg6: memref<1000x128xf32, #tpu.memory_space<vmem>>, %arg7: memref<128x128xf32, #tpu.memory_space<vmem>>, %arg8: memref<128xf32, #tpu.memory_space<vmem>>, %arg9: memref<128x128xf32, #tpu.memory_space<vmem>>, %arg10: memref<128xf32, #tpu.memory_space<vmem>>, %arg11: memref<2xf32, #tpu.memory_space<vmem>>, %arg12: memref<1000x128xf32, #tpu.memory_space<vmem>>) attributes {dimension_semantics = [#tpu.dimension_semantics<arbitrary>], iteration_bounds = array<i64: 10>, scalar_prefetch = 0 : i64, scratch_operands = 0 : i64, tpu.core_type = #tpu.core_type<tc>, window_params = [{transform_indices = @transform_0, window_bounds = array<i64: 1000, 128>}, {transform_indices = @transform_1, window_bounds = array<i64: 1000, 128>}, {transform_indices = @transform_2, window_bounds = array<i64: 1000, 1>}, {transform_indices = @transform_3, window_bounds = array<i64: 1000, 1>}, {transform_indices = @transform_4, window_bounds = array<i64: 1000, 1>}, {transform_indices = @transform_5, window_bounds = array<i64: 1000, 128>}, {pipeline_mode = #tpu.pipeline_mode<synchronous>, transform_indices = @transform_6, window_bounds = array<i64: 128, 128>}, {pipeline_mode = #tpu.pipeline_mode<synchronous>, transform_indices = @transform_7, window_bounds = array<i64: 128>}, {pipeline_mode = #tpu.pipeline_mode<synchronous>, transform_indices = @transform_8, window_bounds = array<i64: 128, 128>}, {pipeline_mode = #tpu.pipeline_mode<synchronous>, transform_indices = @transform_9, window_bounds = array<i64: 128>}, {pipeline_mode = #tpu.pipeline_mode<synchronous>, transform_indices = @transform_10, window_bounds = array<i64: 2>}, {transform_indices = @transform_11, window_bounds = array<i64: 1000, 128>}]} {
    %get3A = arith.constant 0 : index
    %get3A_0 = vector.load %arg11[%get3A] : memref<2xf32, #tpu.memory_space<vmem>>, vector<1xf32>
    %get3A_1 = vector.extract %get3A_0[0] : f32 from vector<1xf32>
    %get3A_2 = arith.constant 1 : index
    %get3A_3 = vector.load %arg11[%get3A_2] : memref<2xf32, #tpu.memory_space<vmem>>, vector<1xf32>
    %get3A_4 = vector.extract %get3A_3[0] : f32 from vector<1xf32>
    %get3A_5 = arith.constant 0 : index
    %get3A_6 = arith.constant 0 : index
    %get3A_7 = vector.load %arg1[%get3A_5, %get3A_6] : memref<1000x128xf32, #tpu.memory_space<vmem>>, vector<1000x128xf32>
    %get3A_8 = arith.constant 0 : index
    %get3A_9 = arith.constant 0 : index
    %get3A_10 = vector.load %arg2[%get3A_8, %get3A_9] : memref<1000x128xf32, #tpu.memory_space<vmem>>, vector<1000x128xf32>
    %add3A = arith.addf %get3A_7, %get3A_10 : vector<1000x128xf32>
    %get3A_11 = arith.constant 0 : index
    %get3A_12 = arith.constant 0 : index
    %get3A_13 = vector.load %arg3[%get3A_11, %get3A_12] : memref<1000x1xf32, #tpu.memory_space<vmem>>, vector<1000x1xf32>
    %get3A_14 = arith.constant 0 : index
    %get3A_15 = arith.constant 0 : index
    %get3A_16 = vector.load %arg4[%get3A_14, %get3A_15] : memref<1000x1xf32, #tpu.memory_space<vmem>>, vector<1000x1xf32>
    %add3A_17 = arith.addf %get3A_13, %get3A_16 : vector<1000x1xf32>
    %max3A = arith.constant 1.000000e+00 : f32
    %max3A_18 = vector.broadcast %max3A : f32 to vector<1000x1xf32>
    %max3A_19 = arith.maximumf %add3A_17, %max3A_18 : vector<1000x1xf32>
    %div3A = vector.broadcast %max3A_19 : vector<1000x1xf32> to vector<1000x128xf32>
    %div3A_20 = arith.divf %add3A, %div3A : vector<1000x128xf32>
    %get3A_21 = arith.constant 0 : index
    %get3A_22 = arith.constant 0 : index
    %get3A_23 = vector.load %arg5[%get3A_21, %get3A_22] : memref<1000x1xf32, #tpu.memory_space<vmem>>, vector<1000x1xf32>
    %div3A_24 = vector.broadcast %get3A_23 : vector<1000x1xf32> to vector<1000x128xf32>
    %div3A_25 = arith.divf %div3A_20, %div3A_24 : vector<1000x128xf32>
    %sub3A = arith.constant 1.000000e+00 : f32
    %sub3A_26 = arith.subf %sub3A, %get3A_1 : f32
    %mul3A = vector.broadcast %sub3A_26 : f32 to vector<1000x128xf32>
    %mul3A_27 = arith.mulf %mul3A, %div3A_25 : vector<1000x128xf32>
    %get3A_28 = arith.constant 0 : index
    %get3A_29 = arith.constant 0 : index
    %get3A_30 = vector.load %arg6[%get3A_28, %get3A_29] : memref<1000x128xf32, #tpu.memory_space<vmem>>, vector<1000x128xf32>
    %mul3A_31 = vector.broadcast %get3A_1 : f32 to vector<1000x128xf32>
    %mul3A_32 = arith.mulf %mul3A_31, %get3A_30 : vector<1000x128xf32>
    %add3A_33 = arith.addf %mul3A_27, %mul3A_32 : vector<1000x128xf32>
    %reduce_sum3A = arith.constant dense<0.000000e+00> : vector<1000xf32>
    %reduce_sum3A_34 = vector.multi_reduction <add>, %add3A_33, %reduce_sum3A [1] : vector<1000x128xf32> to vector<1000xf32>
    %broadcast_in_dim3A = vector.shape_cast %reduce_sum3A_34 : vector<1000xf32> to vector<1000x1xf32>
    %div3A_35 = arith.constant 1.280000e+02 : f32
    %div3A_36 = vector.broadcast %div3A_35 : f32 to vector<1000x1xf32>
    %div3A_37 = arith.divf %broadcast_in_dim3A, %div3A_36 : vector<1000x1xf32>
    %jit3A = arith.constant 0 : i32
    %reduce_sum3A_38 = arith.constant dense<0.000000e+00> : vector<1000xf32>
    %reduce_sum3A_39 = vector.multi_reduction <add>, %add3A_33, %reduce_sum3A_38 [1] : vector<1000x128xf32> to vector<1000xf32>
    %broadcast_in_dim3A_40 = vector.shape_cast %reduce_sum3A_39 : vector<1000xf32> to vector<1000x1xf32>
    %div3A_41 = arith.constant 1.280000e+02 : f32
    %div3A_42 = vector.broadcast %div3A_41 : f32 to vector<1000x1xf32>
    %div3A_43 = arith.divf %broadcast_in_dim3A_40, %div3A_42 : vector<1000x1xf32>
    %sub3A_44 = vector.broadcast %div3A_43 : vector<1000x1xf32> to vector<1000x128xf32>
    %sub3A_45 = arith.subf %add3A_33, %sub3A_44 : vector<1000x128xf32>
    %square3A = arith.mulf %sub3A_45, %sub3A_45 : vector<1000x128xf32>
    %convert_element_type3A = arith.sitofp %jit3A : i32 to f32
    %sub3A_46 = arith.constant 1.280000e+02 : f32
    %sub3A_47 = arith.subf %sub3A_46, %convert_element_type3A : f32
    %reduce_sum3A_48 = arith.constant dense<0.000000e+00> : vector<1000xf32>
    %reduce_sum3A_49 = vector.multi_reduction <add>, %square3A, %reduce_sum3A_48 [1] : vector<1000x128xf32> to vector<1000xf32>
    %broadcast_in_dim3A_50 = vector.shape_cast %reduce_sum3A_49 : vector<1000xf32> to vector<1000x1xf32>
    %div3A_51 = vector.broadcast %sub3A_47 : f32 to vector<1000x1xf32>
    %div3A_52 = arith.divf %broadcast_in_dim3A_50, %div3A_51 : vector<1000x1xf32>
    %gt3A = arith.constant 0.000000e+00 : f32
    %gt3A_53 = arith.cmpf ogt, %sub3A_47, %gt3A : f32
    %jit3A_54 = arith.constant 0x7FC00000 : f32
    %broadcast_in_dim3A_55 = vector.broadcast %jit3A_54 : f32 to vector<1000x1xf32>
    %select_n3A = arith.select %gt3A_53, %div3A_52, %broadcast_in_dim3A_55 : vector<1000x1xf32>
    %sub3A_56 = vector.broadcast %div3A_37 : vector<1000x1xf32> to vector<1000x128xf32>
    %sub3A_57 = arith.subf %add3A_33, %sub3A_56 : vector<1000x128xf32>
    %add3A_58 = arith.constant 9.99999974E-6 : f32
    %add3A_59 = vector.broadcast %add3A_58 : f32 to vector<1000x1xf32>
    %add3A_60 = arith.addf %select_n3A, %add3A_59 : vector<1000x1xf32>
    %sqrt3A = math.sqrt %add3A_60 : vector<1000x1xf32>
    %div3A_61 = vector.broadcast %sqrt3A : vector<1000x1xf32> to vector<1000x128xf32>
    %div3A_62 = arith.divf %sub3A_57, %div3A_61 : vector<1000x128xf32>
    %get3A_63 = arith.constant 0 : index
    %get3A_64 = arith.constant 0 : index
    %get3A_65 = vector.load %arg7[%get3A_63, %get3A_64] : memref<128x128xf32, #tpu.memory_space<vmem>>, vector<128x128xf32>
    %get3A_66 = arith.constant 0 : index
    %get3A_67 = vector.load %arg8[%get3A_66] : memref<128xf32, #tpu.memory_space<vmem>>, vector<128xf32>
    %get3A_68 = arith.constant 0 : index
    %get3A_69 = arith.constant 0 : index
    %get3A_70 = vector.load %arg9[%get3A_68, %get3A_69] : memref<128x128xf32, #tpu.memory_space<vmem>>, vector<128x128xf32>
    %get3A_71 = arith.constant 0 : index
    %get3A_72 = vector.load %arg10[%get3A_71] : memref<128xf32, #tpu.memory_space<vmem>>, vector<128xf32>
    %dot_general3A = arith.constant dense<0.000000e+00> : vector<1000x128xf32>
    %dot_general3A_73 = tpu.matmul %div3A_62, %get3A_65, %dot_general3A {dimension_numbers = #tpu.dot_dimension_numbers<[1], [0], [0], [1], [0, 0, 1, 1], [], []>, transpose_lhs_hint = false} : vector<1000x128xf32>, vector<128x128xf32>, vector<1000x128xf32> -> vector<1000x128xf32>
    %broadcast_in_dim3A_74 = vector.shape_cast %get3A_67 : vector<128xf32> to vector<1x128xf32>
    %add3A_75 = vector.broadcast %broadcast_in_dim3A_74 : vector<1x128xf32> to vector<1000x128xf32>
    %add3A_76 = arith.addf %dot_general3A_73, %add3A_75 : vector<1000x128xf32>
    %reduce_sum3A_77 = arith.constant dense<0.000000e+00> : vector<1000xf32>
    %reduce_sum3A_78 = vector.multi_reduction <add>, %add3A_76, %reduce_sum3A_77 [1] : vector<1000x128xf32> to vector<1000xf32>
    %broadcast_in_dim3A_79 = vector.shape_cast %reduce_sum3A_78 : vector<1000xf32> to vector<1000x1xf32>
    %div3A_80 = arith.constant 1.280000e+02 : f32
    %div3A_81 = vector.broadcast %div3A_80 : f32 to vector<1000x1xf32>
    %div3A_82 = arith.divf %broadcast_in_dim3A_79, %div3A_81 : vector<1000x1xf32>
    %jit3A_83 = arith.constant 0 : i32
    %reduce_sum3A_84 = arith.constant dense<0.000000e+00> : vector<1000xf32>
    %reduce_sum3A_85 = vector.multi_reduction <add>, %add3A_76, %reduce_sum3A_84 [1] : vector<1000x128xf32> to vector<1000xf32>
    %broadcast_in_dim3A_86 = vector.shape_cast %reduce_sum3A_85 : vector<1000xf32> to vector<1000x1xf32>
    %div3A_87 = arith.constant 1.280000e+02 : f32
    %div3A_88 = vector.broadcast %div3A_87 : f32 to vector<1000x1xf32>
    %div3A_89 = arith.divf %broadcast_in_dim3A_86, %div3A_88 : vector<1000x1xf32>
    %sub3A_90 = vector.broadcast %div3A_89 : vector<1000x1xf32> to vector<1000x128xf32>
    %sub3A_91 = arith.subf %add3A_76, %sub3A_90 : vector<1000x128xf32>
    %square3A_92 = arith.mulf %sub3A_91, %sub3A_91 : vector<1000x128xf32>
    %convert_element_type3A_93 = arith.sitofp %jit3A_83 : i32 to f32
    %sub3A_94 = arith.constant 1.280000e+02 : f32
    %sub3A_95 = arith.subf %sub3A_94, %convert_element_type3A_93 : f32
    %reduce_sum3A_96 = arith.constant dense<0.000000e+00> : vector<1000xf32>
    %reduce_sum3A_97 = vector.multi_reduction <add>, %square3A_92, %reduce_sum3A_96 [1] : vector<1000x128xf32> to vector<1000xf32>
    %broadcast_in_dim3A_98 = vector.shape_cast %reduce_sum3A_97 : vector<1000xf32> to vector<1000x1xf32>
    %div3A_99 = vector.broadcast %sub3A_95 : f32 to vector<1000x1xf32>
    %div3A_100 = arith.divf %broadcast_in_dim3A_98, %div3A_99 : vector<1000x1xf32>
    %gt3A_101 = arith.constant 0.000000e+00 : f32
    %gt3A_102 = arith.cmpf ogt, %sub3A_95, %gt3A_101 : f32
    %jit3A_103 = arith.constant 0x7FC00000 : f32
    %broadcast_in_dim3A_104 = vector.broadcast %jit3A_103 : f32 to vector<1000x1xf32>
    %select_n3A_105 = arith.select %gt3A_102, %div3A_100, %broadcast_in_dim3A_104 : vector<1000x1xf32>
    %sub3A_106 = vector.broadcast %div3A_82 : vector<1000x1xf32> to vector<1000x128xf32>
    %sub3A_107 = arith.subf %add3A_76, %sub3A_106 : vector<1000x128xf32>
    %add3A_108 = arith.constant 9.99999974E-6 : f32
    %add3A_109 = vector.broadcast %add3A_108 : f32 to vector<1000x1xf32>
    %add3A_110 = arith.addf %select_n3A_105, %add3A_109 : vector<1000x1xf32>
    %sqrt3A_111 = math.sqrt %add3A_110 : vector<1000x1xf32>
    %div3A_112 = vector.broadcast %sqrt3A_111 : vector<1000x1xf32> to vector<1000x128xf32>
    %div3A_113 = arith.divf %sub3A_107, %div3A_112 : vector<1000x128xf32>
    %max3A_114 = arith.constant 0.000000e+00 : f32
    %max3A_115 = vector.broadcast %max3A_114 : f32 to vector<1000x128xf32>
    %max3A_116 = arith.maximumf %div3A_113, %max3A_115 : vector<1000x128xf32>
    %dot_general3A_117 = arith.constant dense<0.000000e+00> : vector<1000x128xf32>
    %dot_general3A_118 = tpu.matmul %max3A_116, %get3A_70, %dot_general3A_117 {dimension_numbers = #tpu.dot_dimension_numbers<[1], [0], [0], [1], [0, 0, 1, 1], [], []>, transpose_lhs_hint = false} : vector<1000x128xf32>, vector<128x128xf32>, vector<1000x128xf32> -> vector<1000x128xf32>
    %broadcast_in_dim3A_119 = vector.shape_cast %get3A_72 : vector<128xf32> to vector<1x128xf32>
    %add3A_120 = vector.broadcast %broadcast_in_dim3A_119 : vector<1x128xf32> to vector<1000x128xf32>
    %add3A_121 = arith.addf %dot_general3A_118, %add3A_120 : vector<1000x128xf32>
    %mul3A_122 = vector.broadcast %get3A_4 : f32 to vector<1000x128xf32>
    %mul3A_123 = arith.mulf %mul3A_122, %add3A_121 : vector<1000x128xf32>
    %sub3A_124 = arith.constant 1.000000e+00 : f32
    %sub3A_125 = arith.subf %sub3A_124, %get3A_4 : f32
    %mul3A_126 = vector.broadcast %sub3A_125 : f32 to vector<1000x128xf32>
    %mul3A_127 = arith.mulf %mul3A_126, %add3A_33 : vector<1000x128xf32>
    %add3A_128 = arith.addf %mul3A_123, %mul3A_127 : vector<1000x128xf32>
    %swap3A = arith.constant 0 : index
    %swap3A_129 = arith.constant 0 : index
    %swap3A_130 = vector.load %arg12[%swap3A, %swap3A_129] : memref<1000x128xf32, #tpu.memory_space<vmem>>, vector<1000x128xf32>
    tpu.vector_store %arg12[%swap3A, %swap3A_129], %add3A_128 {strides = array<i32>} : memref<1000x128xf32, #tpu.memory_space<vmem>>, vector<1000x128xf32>,
    return
  }
  func.func @transform_0(%arg0: i32) -> (i32, i32) {
    %c0_i32 = arith.constant 0 : i32
    %c0_i32_0 = arith.constant 0 : i32
    return %arg0, %c0_i32 : i32, i32
  }
  func.func @transform_1(%arg0: i32) -> (i32, i32) {
    %c0_i32 = arith.constant 0 : i32
    %c0_i32_0 = arith.constant 0 : i32
    return %arg0, %c0_i32 : i32, i32
  }
  func.func @transform_2(%arg0: i32) -> (i32, i32) {
    %c0_i32 = arith.constant 0 : i32
    %c0_i32_0 = arith.constant 0 : i32
    return %arg0, %c0_i32 : i32, i32
  }
  func.func @transform_3(%arg0: i32) -> (i32, i32) {
    %c0_i32 = arith.constant 0 : i32
    %c0_i32_0 = arith.constant 0 : i32
    return %arg0, %c0_i32 : i32, i32
  }
  func.func @transform_4(%arg0: i32) -> (i32, i32) {
    %c0_i32 = arith.constant 0 : i32
    %c0_i32_0 = arith.constant 0 : i32
    return %arg0, %c0_i32 : i32, i32
  }
  func.func @transform_5(%arg0: i32) -> (i32, i32) {
    %c0_i32 = arith.constant 0 : i32
    %c0_i32_0 = arith.constant 0 : i32
    return %arg0, %c0_i32 : i32, i32
  }
  func.func @transform_6(%arg0: i32) -> (i32, i32) {
    %c0_i32 = arith.constant 0 : i32
    %c0_i32_0 = arith.constant 0 : i32
    %c0_i32_1 = arith.constant 0 : i32
    return %c0_i32, %c0_i32_0 : i32, i32
  }
  func.func @transform_7(%arg0: i32) -> i32 {
    %c0_i32 = arith.constant 0 : i32
    %c0_i32_0 = arith.constant 0 : i32
    return %c0_i32 : i32
  }
  func.func @transform_8(%arg0: i32) -> (i32, i32) {
    %c0_i32 = arith.constant 0 : i32
    %c0_i32_0 = arith.constant 0 : i32
    %c0_i32_1 = arith.constant 0 : i32
    return %c0_i32, %c0_i32_0 : i32, i32
  }
  func.func @transform_9(%arg0: i32) -> i32 {
    %c0_i32 = arith.constant 0 : i32
    %c0_i32_0 = arith.constant 0 : i32
    return %c0_i32 : i32
  }
  func.func @transform_10(%arg0: i32) -> i32 {
    %c0_i32 = arith.constant 0 : i32
    %c0_i32_0 = arith.constant 0 : i32
    return %c0_i32 : i32
  }
  func.func @transform_11(%arg0: i32) -> (i32, i32) {
    %c0_i32 = arith.constant 0 : i32
    %c0_i32_0 = arith.constant 0 : i32
    return %arg0, %c0_i32 : i32, i32
  }
}

</mosaic_0001>

<sc_bundles>
// kernel: kernel.12.cloned.1.call-start
scs
__scs_entry_jumppad:
0x0: {  	(pc) =	sbr.rel $0x88, $3  }
0x1: {  	(tag) =	ssettag $0x0;
	lr =	simm.s32 $0x1  }
0x2: {  	[smem:$0x3F89] =	sst lr;
	_ =	strace $0xD0000000  }
0x3: {  	_ = 	snop  }
0x4: {  	_ = 	snop  }
0x5: {  	_ = 	snop  }
0x6: {  	_ = 	snop  }
0x7: {  	_ = 	snop  }
__scs_overlays_trampoline_lowered:
0x8: {  	[smem:$0x3F98] =	sst s0  }
0x9: {  	[smem:$0x3F99] =	sst s1  }
0xa: {  	[smem:$0x3F9A] =	sst s2  }
0xb: {  	[smem:$0x3F9B] =	sst s3  }
0xc: {  	[smem:$0x3F9C] =	sst s4  }
0xd: {  	[smem:$0x3F9D] =	sst s5  }
0xe: {  	[smem:$0x3F9E] =	sst s6  }
0xf: {  	[smem:$0x3F9F] =	sst s7  }
0x10: {  	[smem:$0x3FA0] =	sst s8  }
0x11: {  	[smem:$0x3FA1] =	sst s9;
	s0 =	simm.s32 @!p0 $0x0  }
0x12: {  	s1 =	sld [smem:$0x3F87];
	s0 =	simm.s32 @p0 $0x1  }
0x13: {  	[smem:$0x3FA2] =	sst s0;
	s0 =	simm.s32 @!p1 $0x0  }
0x14: {  	s2 =	sld [smem:$0x3F86];
	s0 =	simm.s32 @p1 $0x1  }
0x15: {  	[smem:$0x3FA3] =	sst s0;
	s0 =	simm.s32 @!p2 $0x0  }
0x16: {  	s3 =	sld [smem:$0x3FDB];
	s0 =	simm.s32 @p2 $0x1  }
0x17: {  	s4 =	simm.s32 $0x1BF5;
	[smem:$0x3FA5] =	sst s0  }
0x18: {  	s0 =	sld [smem:$0x3F88];
	_ =	swait.ge [sflag:s4], $0x0  }
0x19: {  	s7 =	sld [smem:$0x3F89]  }
0x1a: {  	s8 =	sadd.s32 $0xFFFFE003, lr  }
0x1b: {  	s9 =	sadd.s32 $0xFFFFFEF7, lr;
	s5 =	simm.s32 $0xFFFFFFFF;
	p2 =	slt.u32 s8, $0xFFFFF086  }
0x1c: {  	p1 =	slt.u32 s9, $0xF7A;
	s5 =	simm.s32 @!p2 $0x0  }
0x1d: {  	s5 =	simm.s32 @p1 $0x1;
	p0 =	seq.s32 s7, s2  }
0x1e: {  	s7 =	smul.u32 @!p0 $0xF7A, s2;
	p2 =	seq.s32 @!p0 s5, $0x0  }
0x1f: {  	s9 =	smul.u32 $0xF7A, s1;
	s8 =	simm.s32 @!p0 $0x1BF5;
	p2 =	por !p2, p0  }
0x20: {  	[sflag:s8] =	ssyncset.s32 @!p0 $0xFFFFF086;
	s6 =	sadd.s32 @!p0 s3, s7;
	s7 =	simm.s32 @!p0 $0x108  }
0x21: {  	s3 =	sadd.s32 s3, s9;
	s6 =	sadd.s32 @!p0 $0x88, s6;
	s7 =	simm.s32 @p2 $0x1082  }
0x22: {  	[simem:s7], [sflag:s8] =	dma.local @!p0 [hbm:s6], $0xF7A  }
0x23: {  	s9 =	sor.u32 $0xD0000000, s2;
	s6 =	simm.s32 $0x108;
	_ =	swait.ge @!p0 [sflag:s8], $0x0  }
0x24: {  	s3 =	sadd.s32 $0x88, s3;
	s6 =	simm.s32 @!p1 $0x1082;
	[sflag:s4] =	ssyncset.s32 $0xFFFFF086  }
0x25: {  	[simem:s6], [sflag:s4] =	dma.local [hbm:s3], $0xF7A  }
0x26: {  	[smem:$0x3F89] =	sst s1;
	(tag) =	ssettag s2;
	_ =	strace s9  }
0x27: {  	s1 =	sld [smem:$0x3F99]  }
0x28: {  	s2 =	sld [smem:$0x3F9A]  }
0x29: {  	s4 =	sld [smem:$0x3F9C]  }
0x2a: {  	p0 =	seq.s32 s5, $0x0;
	s5 =	sld [smem:$0x3F9D]  }
0x2b: {  	s6 =	sld [smem:$0x3F9E]  }
0x2c: {  	s7 =	sld [smem:$0x3F9F]  }
0x2d: {  	s3 =	simm.s32 $0x108;
	s8 =	sld [smem:$0x3FA0]  }
0x2e: {  	s3 =	simm.s32 @!p0 $0x1082;
	s9 =	sld [smem:$0x3FA1]  }
0x2f: {  	lr =	sadd.s32 s0, s3;
	s0 =	sld [smem:$0x3F98]  }
0x30: {  	s3 =	sld [smem:$0x3F9B]  }
0x31: {  	[smem:$0x3FA4] =	sst s10  }
0x32: {  	s10 =	sld [smem:$0x3FA2];
	_ =	sdelay $0x3  }
0x33: {  	p0 =	seq.s32 s10, $0x1;
	s10 =	sld [smem:$0x3FA4];
	_ =	sdelay $0x3  }
0x34: {  	[smem:$0x3FA4] =	sst s10  }
0x35: {  	s10 =	sld [smem:$0x3FA3];
	_ =	sdelay $0x3  }
0x36: {  	p1 =	seq.s32 s10, $0x1;
	s10 =	sld [smem:$0x3FA4];
	_ =	sdelay $0x3  }
0x37: {  	[smem:$0x3FA4] =	sst s10  }
0x38: {  	s10 =	sld [smem:$0x3FA5]  }
0x39: {  	_ = 	snop;
	(pc) =	sbr.ind lr, $3  }
0x3a: {  	_ = 	snop  }
0x3b: {  	_ = 	snop  }
0x3c: {  	p2 =	seq.s32 s10, $0x1;
	s10 =	sld [smem:$0x3FA4]  }
0x3d: {  	_ =	shalt  }
0x3e: {  	_ =	shalt  }
0x3f: {  	_ =	shalt  }
0x40: {  	_ =	shalt  }
0x41: {  	_ =	shalt  }
0x42: {  	_ =	shalt  }
0x43: {  	_ =	shalt  }
0x44: {  	_ =	shalt  }
0x45: {  	_ =	shalt  }
0x46: {  	_ =	shalt  }
0x47: {  	_ =	shalt  }
0x48: {  	_ =	shalt  }
0x49: {  	_ =	shalt  }
0x4a: {  	_ =	shalt  }
0x4b: {  	_ =	shalt  }
0x4c: {  	_ =	shalt  }
0x4d: {  	_ =	shalt  }
0x4e: {  	_ =	shalt  }
0x4f: {  	_ =	shalt  }
0x50: {  	_ =	shalt  }
0x51: {  	_ =	shalt  }
0x52: {  	_ =	shalt  }
0x53: {  	_ =	shalt  }
0x54: {  	_ =	shalt  }
0x55: {  	_ =	shalt  }
0x56: {  	_ =	shalt  }
0x57: {  	_ =	shalt  }
0x58: {  	_ =	shalt  }
0x59: {  	_ =	shalt  }
0x5a: {  	_ =	shalt  }
0x5b: {  	_ =	shalt  }
0x5c: {  	_ =	shalt  }
0x5d: {  	_ =	shalt  }
0x5e: {  	_ =	shalt  }
0x5f: {  	_ =	shalt  }
0x60: {  	_ =	shalt  }
0x61: {  	_ =	shalt  }
0x62: {  	_ =	shalt  }
0x63: {  	_ =	shalt  }
0x64: {  	_ =	shalt  }
0x65: {  	_ =	shalt  }
0x66: {  	_ =	shalt  }
0x67: {  	_ =	shalt  }
0x68: {  	_ =	shalt  }
0x69: {  	_ =	shalt  }
0x6a: {  	_ =	shalt  }
0x6b: {  	_ =	shalt  }
0x6c: {  	_ =	shalt  }
0x6d: {  	_ =	shalt  }
0x6e: {  	_ =	shalt  }
0x6f: {  	_ =	shalt  }
0x70: {  	_ =	shalt  }
0x71: {  	_ =	shalt  }
0x72: {  	_ =	shalt  }
0x73: {  	_ =	shalt  }
0x74: {  	_ =	shalt  }
0x75: {  	_ =	shalt  }
0x76: {  	_ =	shalt  }
0x77: {  	_ =	shalt  }
0x78: {  	_ =	shalt  }
0x79: {  	_ =	shalt  }
0x7a: {  	_ =	shalt  }
0x7b: {  	_ =	shalt  }
0x7c: {  	_ =	shalt  }
0x7d: {  	_ =	shalt  }
0x7e: {  	_ =	shalt  }
0x7f: {  	_ =	shalt  }
0x80: {  	_ =	shalt  }
0x81: {  	_ =	shalt  }
0x82: {  	_ =	shalt  }
0x83: {  	_ =	shalt  }
0x84: {  	_ =	shalt  }
0x85: {  	_ =	shalt  }
0x86: {  	_ =	shalt  }
0x87: {  	_ =	shalt  }
.Lfunc_end0:
.L_simem_size_0:
called_computation_lowered:
.L_overlay_start_0:
0x88: {  	s2 =	sld [smem:$0x3FD9]  }
0x89: {  	s3 =	sld [smem:$0x3FFE];
	_ =	sdelay $0x1  }
0x8a: {  	s1 =	srdreg.scid  }
0x8b: {  	s0 =	sand.u32 $0x1, s1  }
0x8c: {  	s14 =	sshll.u32 s0, $0xA;
	s2 =	sadd.s32 s3, s2  }
0x8d: {  	s2 =	sadd.s32 s2, s14  }
0x8e: {  	[smem:$0x3FB0] =	sst s2  }
0x8f: {  	_ = 	snop  }
0x90: {  	s2 =	sld [smem:$0x3FD0];
	_ =	sdelay $0x2  }
0x91: {  	s15 =	simm.s32 $0xB;
	s4 =	simm.s32 $0x10  }
0x92: {  	[smem:s4], [sflag:s15] =	dma.local [hbm:s2], $0x1  }
0x93: {  	_ =	swait.eq [sflag:s15], $0x1  }
0x94: {  	[sflag:s15] =	ssyncset.done $0x0  }
0x95: {  	[sflag:s15] =	ssyncadd.s32 $0xFFFFFFFF  }
0x96: {  	s16 =	sld [smem:$0x10];
	(tm) =	ssettm $0x1  }
0x97: {  	s17 =	sld [smem:$0x3FFB];
	_ =	sdelay $0x3  }
0x98: {  	_ =	strace s17  }
0x99: {  	s3 =	sld [smem:$0x3FFC];
	_ =	sdelay $0x3  }
0x9a: {  	_ =	strace s3  }
0x9b: {  	s3 =	sld [smem:$0x3FFD];
	_ =	sdelay $0x3  }
0x9c: {  	_ =	strace s3  }
0x9d: {  	_ =	strace $0x8FFFFFFF  }
0x9e: {  	s18 =	sld [smem:$0x3FDB];
	_ =	sdelay $0x1  }
0x9f: {  	s19 =	simm.s32 $_scs_section_size  }
0xa0: {  	s5 =	simm.s32 $_size__tile_overlayer_lowered;
	s6 =	simm.s32 $_tile_overlayer_lowered  }
0xa1: {  	s22 =	simm.s32 $0x1BFF;
	s21 =	sshll.u32 s6, $0x1;
	s3 =	sadd.s32 s19, s18  }
0xa2: {  	s7 =	simm.s32 $0x0;
	s20 =	sshll.u32 s5, $0x1;
	s5 =	sadd.s32 s21, s3  }
0xa3: {  	[timem:s7], [sflag:s22] =	dma.local [hbm:s5], s20  }
0xa4: {  	_ =	swait.ge [sflag:s22], s20  }
0xa5: {  	s4 =	ssub.s32 $0x0, s20;
	[sflag:s22] =	ssyncset.done $0x0  }
0xa6: {  	[sflag:s22] =	ssyncadd.s32 s4;
	_ =	sdelay $0x1  }
0xa7: {  	s23 =	simm.s32 $0x1B8B  }
0xa8: {  	_ =	swait.ge [sflag:s23], $0x1  }
0xa9: {  	[sflag:s23] =	ssyncset.done $0x0  }
0xaa: {  	s25 =	simm.s32 $0x1B8E;
	s24 =	sld [smem:$0x3FFE];
	[sflag:s23] =	ssyncadd.s32 $0xFFFFFFFF  }
0xab: {  	s26 =	simm.s32 $execute0_lowered;
	[smem:$0x3FD2] =	sst s25  }
0xac: {  	s5 =	sshll.u32 s26, $0x1;
	_ =	strace $0x80000046;
	[dreg:$0x1] =	wrdreg $0xFFFFFFFF  }
0xad: {  	s28 =	simm.s32 $_size_execute0_lowered;
	s3 =	sadd.s32 s3, s5;
	[dreg:$0x0] =	wrdreg $0x0  }
0xae: {  	s5 =	sshll.u32 s28, $0x1;
	[dreg:$0x2] =	wrdreg s3  }
0xaf: {  	[dreg:$0x3] =	wrdreg s5  }
0xb0: {  	[dreg:$0x4] =	wrdreg $0xC0  }
0xb1: {  	_ =	task [dreg:s7], $0x5FFFF  }
0xb2: {  	[dreg:$0x1] =	wrdreg $0xFFFFFFFF  }
0xb3: {  	[dreg:$0x0] =	wrdreg $0x60  }
0xb4: {  	[dreg:$0x2] =	wrdreg s24  }
0xb5: {  	[dreg:$0x3] =	wrdreg s16  }
0xb6: {  	[dreg:$0x4] =	wrdreg $0x9  }
0xb7: {  	_ =	task.clear_ibuf [dreg:s7], $0x5FFFF;
	_ =	strace $0x90000046  }
0xb8: {  	s29 =	simm.s32 $0x9;
	_ =	strace $0x80000048  }
0xb9: {  	_ =	swait.ge [sflag:s29], $0x1  }
0xba: {  	[sflag:s29] =	ssyncadd.s32 $0xFFFFFFFF  }
0xbb: {  	_ =	strace $0x90000048  }
0xbc: {  	_ =	sfence  }
0xbd: {  	s30 =	sld [smem:$0x0];
	_ =	sdelay $0x2  }
0xbe: {  	s31 =	sshll.u32 s1, $0xD;
	s1 =	sshrl.u32 s1, $0x2  }
0xbf: {  	s3 =	sand.u32 $0x4000, s31;
	s1 =	sadd.s32 s1, s30  }
0xc0: {  	s0 =	sor.u32 s3, s0;
	s1 =	sshll.u32 s1, $0x11  }
0xc1: {  	s0 =	sor.u32 s1, s0  }
0xc2: {  	s0 =	sadd.s32 $0x8F2B, s0  }
0xc3: {  	[sflag:s0] =	ssyncadd.remote.s32 $0x1  }
0xc4: {  	_ =	sfence.sel $0xFFFF  }
0xc5: {  	[dreg:$0x0] =	wrdreg $0xFFFFFFFF;
	(pc) =	sbr.abs _section_cstart, $3  }
0xc6: {  	[dreg:$0x1] =	wrdreg $0xFFFFFFFF  }
0xc7: {  	_ =	task.clear_ibuf [dreg:s7], $0x2FFFF;
	_ =	strace $0x9FFFFFFF  }
0xc8: {  	(tm) =	ssettm $0x7FFFFFFF  }
0xc9: {  	_ =	shalt  }
tec
execute0_lowered:
.L_overlay_start_1:
0x0: {  	(tag) =	ssettag $0x1  }
0x1: {  	s6 =	rddreg [dreg:$0x0]  }
0x2: {  	s1 =	rddreg [dreg:$0x1]  }
0x3: {  	s0 =	rddreg [dreg:$0x2];
	s3 =	simm.s32 $0x0  }
0x4: {  	s14 =	simm.s32 $0x8900;
	[smem:$0x7FF] =	sst s3  }
0x5: {  	s16 =	simm.s32 $0x9100;
	_ =	strace $0x80000047;
	[dreg:$0x4] =	wrdreg s14  }
0x6: {  	s17 =	simm.s32 $0x9900;
	[dreg:$0x5] =	wrdreg s16  }
0x7: {  	s18 =	simm.s32 $0xA100;
	[dreg:$0x6] =	wrdreg s17  }
0x8: {  	s12 =	simm.s32 $0xA900;
	[dreg:$0x7] =	wrdreg s18  }
0x9: {  	s2 =	srdreg.scid;
	s20 =	simm.s32 $0xB100;
	[dreg:$0x8] =	wrdreg s12  }
0xa: {  	s21 =	simm.s32 $0xB900;
	s23 =	simm.s32 $0xC100;
	[dreg:$0x9] =	wrdreg s20  }
0xb: {  	s24 =	simm.s32 $0xD100;
	s26 =	simm.s32 $0xD900;
	[dreg:$0xa] =	wrdreg s21  }
0xc: {  	s29 =	simm.s32 $0xE100;
	s31 =	simm.s32 $0xE900;
	[dreg:$0xb] =	wrdreg s23  }
0xd: {  	s8 =	sand.u32 $0x1, s2;
	s2 =	stileid.u32;
	[dreg:$0xd] =	wrdreg s24  }
0xe: {  	s4 =	sadd.s32 $0x53C00, s6;
	s5 =	sadd.s32 $0x5800, s6;
	[dreg:$0xe] =	wrdreg s26  }
0xf: {  	s10 =	sadd.s32 $0x7AE00, s6;
	s7 =	smul.u32 $0x5000, s8;
	[dreg:$0xf] =	wrdreg s29  }
0x10: {  	s9 =	smul.u32 $0x500, s2;
	s14 =	simm.s32 $0xC900;
	[dreg:$0x10] =	wrdreg s31  }
0x11: {  	s15 =	ssub.s32 $0x2, s8;
	s16 =	simm.s32 $0xF100;
	[dreg:$0xc] =	wrdreg s14  }
0x12: {  	s19 =	smul.u32 $0x500000, s8;
	s17 =	simm.s32 $0xF900;
	[dreg:$0x11] =	wrdreg s16  }
0x13: {  	s22 =	smul.u32 $0x50000, s2;
	s21 =	simm.s32 $0x11100;
	[dreg:$0x12] =	wrdreg s17  }
0x14: {  	s13 =	smul.u32 $0x280000, s8;
	s23 =	simm.s32 $0x12100;
	[dreg:$0x14] =	wrdreg s21  }
0x15: {  	s28 =	smul.u32 $0x28000, s2;
	s24 =	simm.s32 $0x12900;
	[dreg:$0x16] =	wrdreg s23  }
0x16: {  	s30 =	smul.u32 $0x50, s2;
	s26 =	simm.s32 $0x13900;
	[dreg:$0x17] =	wrdreg s24  }
0x17: {  	s29 =	simm.s32 $0x14900;
	s31 =	simm.s32 $0x16900;
	[dreg:$0x19] =	wrdreg s26  }
0x18: {  	s11 =	sshrl.u32 s15, $0x1;
	[dreg:$0x1b] =	wrdreg s29;
	s14 =	simm.s32 $0x8100  }
0x19: {  	s16 =	simm.s32 $0x15900;
	s17 =	simm.s32 $0x16100;
	[dreg:$0x1f] =	wrdreg s31  }
0x1a: {  	s21 =	simm.s32 $0x0;
	s7 =	sadd.s32 s9, s7;
	s9 =	sadd.s32 $0x57AE00, s6  }
0x1b: {  	s25 =	sadd.s32 s13, s10;
	s13 =	simm.s32 $0x100;
	[dreg:$0x1d] =	wrdreg s16  }
0x1c: {  	s16 =	simm.s32 $0x10100;
	[dreg:$0x1e] =	wrdreg s17;
	s17 =	simm.s32 $0x17100  }
0x1d: {  	[dreg:$0x3] =	wrdreg s7;
	s7 =	ssub.s32 s15, s11;
	s11 =	sadd.s32 s19, s9  }
0x1e: {  	s15 =	smul.u32 $0x500, s8;
	s8 =	sadd.s32 s28, s25;
	s19 =	simm.s32 $0x10900  }
0x1f: {  	s25 =	simm.s32 $0x13100;
	s28 =	simm.s32 $0x14100;
	[dreg:$0x13] =	wrdreg s19  }
0x20: {  	s6 =	smax.u32 s7, $0x1;
	s7 =	sadd.s32 s22, s11;
	[dreg:$0x18] =	wrdreg s25  }
0x21: {  	s22 =	simm.s32 $0x11900;
	s11 =	simm.s32 $0x3;
	[dreg:$0x1a] =	wrdreg s28  }
0x22: {  	s19 =	simm.s32 $0x1;
	s18 =	sadd.s32 s30, s15;
	[dreg:$0x15] =	wrdreg s22  }
0x23: {  	s30 =	simm.s32 $0x15100;
	s15 =	simm.s32 $0x4100;
	s20 =	sshll.u32 s18, $0xC  }
0x24: {  	v2 =	vlaneseq.u32;
	s12 =	sshll.u32 s18, $0xB;
	[dreg:$0x1c] =	wrdreg s30;
	s18 =	simm.s32 $0x17900  }
0x25: {  	vm0 =	vmmov $0xffff;
	v1 =	vshrl.u32 v2, $0x3;
	s9 =	sadd.s32 s20, s9;
	s10 =	sadd.s32 s12, s10;
	s12 =	simm.s32 $0x80  }
0x26: {  	v0 =	vand.u32 $0x7, v2;
	v2 =	vor.u32 $0x8, v2;
	v1 =	vmul.u32 $0x8, v1;
	s20 =	simm.s32 $0x2;
	s9 =	sadd.s32 $0x1000, s9;
	s10 =	sadd.s32 $0x800, s10  }
.LBB2_1:
0x27: {  	s22 =	smov.u32 s10;
	s23 =	smov.u32 s9  }
0x28: {  	s24 =	smov.u32 s8;
	s25 =	smov.u32 s7;
	s26 =	simm.s32 $0x0  }
.LBB2_2:
0x29: {  	s28 =	rddreg [dreg:$0x3]  }
0x2a: {  	s30 =	sand.u32 $0x60, s26;
	s28 =	sadd.s32 s26, s28  }
0x2b: {  	s30 =	sadd.s32 s1, s30;
	s29 =	sand.u32 $0xFFFFF80, s28  }
0x2c: {  	s30 =	sadd.s32 s29, s30  }
0x2d: {  	[tilespmem:s3], [sflag:$0x3] =	stream.linear.gather [hbm4b:s30+s3], $0x80, $0x38;
	[tilespmem:$0x18100] =	vst v63  }
0x2e: {  	_ =	swait.ge [sflag:s11], $0x80  }
0x2f: {  	[sflag:s11] =	ssyncset.done $0x0  }
0x30: {  	[sflag:s11] =	ssyncadd.s32 $0xFFFFFF80  }
0x31: {  	[tilespmem:s13], [sflag:$0x1] =	stream.indirect.gather [hbm4b:s4+s12], $0x80, s3, s12, $0xb8;
	[tilespmem:$0x18100] =	vst v63  }
0x32: {  	v3 =	vld [tilespmem:$0x0];
	_ =	sdelay $0x4  }
0x33: {  	v4 =	vshll.u32 v3, $0x1  }
0x34: {  	v3 =	vand.u32 $0x7, v3;
	v4 =	vand.u32 $0xFFFFFFF0, v4  }
0x35: {  	v3 =	vor.u32 v3, v4  }
0x36: {  	v4 =	vperm.xlane v3, v0;
	_ =	sdelay $0x1  }
0x37: {  	v3 =	vperm.xlane v3, v2;
	v4 =	vadd.s32 v1, v4;
	_ =	sdelay $0x1  }
0x38: {  	v3 =	vadd.s32 v1, v3;
	_ =	sdelay $0x2  }
0x39: {  	[tilespmem:s14], [sflag:$0x1] =	stream.indirect_vreg.gather [hbm4b:s5+s3], $0x80, v4, vm0, $0xb8;
	[tilespmem:$0x18100] =	vst v63  }
0x3a: {  	s31 =	rddreg [dreg:$0x4]  }
0x3b: {  	[tilespmem:s31], [sflag:$0x1] =	stream.indirect_vreg.gather [hbm4b:s5+s3], $0x80, v3, vm0, $0xb8;
	[tilespmem:$0x18100] =	vst v63  }
0x3c: {  	v3 =	vld [tilespmem:$0x10];
	_ =	sdelay $0x4  }
0x3d: {  	v49 =	vshll.u32 v3, $0x1  }
0x3e: {  	v3 =	vand.u32 $0x7, v3;
	v4 =	vand.u32 $0xFFFFFFF0, v49  }
0x3f: {  	v3 =	vor.u32 v3, v4  }
0x40: {  	v4 =	vperm.xlane v3, v0;
	_ =	sdelay $0x1  }
0x41: {  	v3 =	vperm.xlane v3, v2;
	v4 =	vadd.s32 v1, v4;
	_ =	sdelay $0x1  }
0x42: {  	v3 =	vadd.s32 v1, v3;
	_ =	sdelay $0x1  }
0x43: {  	s30 =	rddreg [dreg:$0x5]  }
0x44: {  	[tilespmem:s30], [sflag:$0x1] =	stream.indirect_vreg.gather [hbm4b:s5+s3], $0x80, v4, vm0, $0xb8;
	[tilespmem:$0x18100] =	vst v63  }
0x45: {  	s31 =	rddreg [dreg:$0x6]  }
0x46: {  	[tilespmem:s31], [sflag:$0x1] =	stream.indirect_vreg.gather [hbm4b:s5+s3], $0x80, v3, vm0, $0xb8;
	[tilespmem:$0x18100] =	vst v63  }
0x47: {  	v3 =	vld [tilespmem:$0x20];
	_ =	sdelay $0x4  }
0x48: {  	v50 =	vshll.u32 v3, $0x1  }
0x49: {  	v3 =	vand.u32 $0x7, v3;
	v4 =	vand.u32 $0xFFFFFFF0, v50  }
0x4a: {  	v3 =	vor.u32 v3, v4  }
0x4b: {  	v4 =	vperm.xlane v3, v0;
	_ =	sdelay $0x1  }
0x4c: {  	v3 =	vperm.xlane v3, v2;
	v4 =	vadd.s32 v1, v4;
	_ =	sdelay $0x1  }
0x4d: {  	v3 =	vadd.s32 v1, v3;
	_ =	sdelay $0x1  }
0x4e: {  	s30 =	rddreg [dreg:$0x7]  }
0x4f: {  	[tilespmem:s30], [sflag:$0x1] =	stream.indirect_vreg.gather [hbm4b:s5+s3], $0x80, v4, vm0, $0xb8;
	[tilespmem:$0x18100] =	vst v63  }
0x50: {  	s31 =	rddreg [dreg:$0x8]  }
0x51: {  	[tilespmem:s31], [sflag:$0x1] =	stream.indirect_vreg.gather [hbm4b:s5+s3], $0x80, v3, vm0, $0xb8;
	[tilespmem:$0x18100] =	vst v63  }
0x52: {  	v3 =	vld [tilespmem:$0x30];
	_ =	sdelay $0x4  }
0x53: {  	v51 =	vshll.u32 v3, $0x1  }
0x54: {  	v3 =	vand.u32 $0x7, v3;
	v4 =	vand.u32 $0xFFFFFFF0, v51  }
0x55: {  	v3 =	vor.u32 v3, v4  }
0x56: {  	v4 =	vperm.xlane v3, v0;
	_ =	sdelay $0x1  }
0x57: {  	v3 =	vperm.xlane v3, v2;
	v4 =	vadd.s32 v1, v4;
	_ =	sdelay $0x1  }
0x58: {  	v3 =	vadd.s32 v1, v3;
	_ =	sdelay $0x1  }
0x59: {  	s30 =	rddreg [dreg:$0x9]  }
0x5a: {  	[tilespmem:s30], [sflag:$0x1] =	stream.indirect_vreg.gather [hbm4b:s5+s3], $0x80, v4, vm0, $0xb8;
	[tilespmem:$0x18100] =	vst v63  }
0x5b: {  	s31 =	rddreg [dreg:$0xa]  }
0x5c: {  	[tilespmem:s31], [sflag:$0x1] =	stream.indirect_vreg.gather [hbm4b:s5+s3], $0x80, v3, vm0, $0xb8;
	[tilespmem:$0x18100] =	vst v63  }
0x5d: {  	v3 =	vld [tilespmem:$0x40];
	_ =	sdelay $0x4  }
0x5e: {  	v52 =	vshll.u32 v3, $0x1  }
0x5f: {  	v3 =	vand.u32 $0x7, v3;
	v4 =	vand.u32 $0xFFFFFFF0, v52  }
0x60: {  	v3 =	vor.u32 v3, v4  }
0x61: {  	v4 =	vperm.xlane v3, v0;
	_ =	sdelay $0x1  }
0x62: {  	v3 =	vperm.xlane v3, v2;
	v4 =	vadd.s32 v1, v4;
	_ =	sdelay $0x1  }
0x63: {  	v3 =	vadd.s32 v1, v3;
	_ =	sdelay $0x1  }
0x64: {  	s30 =	rddreg [dreg:$0xb]  }
0x65: {  	[tilespmem:s30], [sflag:$0x1] =	stream.indirect_vreg.gather [hbm4b:s5+s3], $0x80, v4, vm0, $0xb8;
	[tilespmem:$0x18100] =	vst v63  }
0x66: {  	s31 =	rddreg [dreg:$0xc]  }
0x67: {  	[tilespmem:s31], [sflag:$0x1] =	stream.indirect_vreg.gather [hbm4b:s5+s3], $0x80, v3, vm0, $0xb8;
	[tilespmem:$0x18100] =	vst v63  }
0x68: {  	v3 =	vld [tilespmem:$0x50];
	_ =	sdelay $0x4  }
0x69: {  	v53 =	vshll.u32 v3, $0x1  }
0x6a: {  	v3 =	vand.u32 $0x7, v3;
	v4 =	vand.u32 $0xFFFFFFF0, v53  }
0x6b: {  	v3 =	vor.u32 v3, v4  }
0x6c: {  	v4 =	vperm.xlane v3, v0;
	_ =	sdelay $0x1  }
0x6d: {  	v3 =	vperm.xlane v3, v2;
	v4 =	vadd.s32 v1, v4;
	_ =	sdelay $0x1  }
0x6e: {  	v3 =	vadd.s32 v1, v3;
	_ =	sdelay $0x1  }
0x6f: {  	s30 =	rddreg [dreg:$0xd]  }
0x70: {  	[tilespmem:s30], [sflag:$0x1] =	stream.indirect_vreg.gather [hbm4b:s5+s3], $0x80, v4, vm0, $0xb8;
	[tilespmem:$0x18100] =	vst v63  }
0x71: {  	s31 =	rddreg [dreg:$0xe]  }
0x72: {  	[tilespmem:s31], [sflag:$0x1] =	stream.indirect_vreg.gather [hbm4b:s5+s3], $0x80, v3, vm0, $0xb8;
	[tilespmem:$0x18100] =	vst v63  }
0x73: {  	v3 =	vld [tilespmem:$0x60];
	_ =	sdelay $0x4  }
0x74: {  	v54 =	vshll.u32 v3, $0x1  }
0x75: {  	v3 =	vand.u32 $0x7, v3;
	v4 =	vand.u32 $0xFFFFFFF0, v54  }
0x76: {  	v3 =	vor.u32 v3, v4  }
0x77: {  	v4 =	vperm.xlane v3, v0;
	_ =	sdelay $0x1  }
0x78: {  	v3 =	vperm.xlane v3, v2;
	v4 =	vadd.s32 v1, v4;
	_ =	sdelay $0x1  }
0x79: {  	v3 =	vadd.s32 v1, v3;
	_ =	sdelay $0x1  }
0x7a: {  	s30 =	rddreg [dreg:$0xf]  }
0x7b: {  	[tilespmem:s30], [sflag:$0x1] =	stream.indirect_vreg.gather [hbm4b:s5+s3], $0x80, v4, vm0, $0xb8;
	[tilespmem:$0x18100] =	vst v63  }
0x7c: {  	s31 =	rddreg [dreg:$0x10]  }
0x7d: {  	[tilespmem:s31], [sflag:$0x1] =	stream.indirect_vreg.gather [hbm4b:s5+s3], $0x80, v3, vm0, $0xb8;
	[tilespmem:$0x18100] =	vst v63  }
0x7e: {  	v3 =	vld [tilespmem:$0x70];
	_ =	sdelay $0x4  }
0x7f: {  	v55 =	vshll.u32 v3, $0x1  }
0x80: {  	v3 =	vand.u32 $0x7, v3;
	v4 =	vand.u32 $0xFFFFFFF0, v55  }
0x81: {  	v3 =	vor.u32 v3, v4  }
0x82: {  	v4 =	vperm.xlane v3, v0;
	_ =	sdelay $0x1  }
0x83: {  	v3 =	vperm.xlane v3, v2;
	v4 =	vadd.s32 v1, v4;
	_ =	sdelay $0x1  }
0x84: {  	v3 =	vadd.s32 v1, v3;
	_ =	sdelay $0x1  }
0x85: {  	s28 =	sadd.s32 $0x10, s28;
	s30 =	rddreg [dreg:$0x11]  }
0x86: {  	[tilespmem:s30], [sflag:$0x1] =	stream.indirect_vreg.gather [hbm4b:s5+s3], $0x80, v4, vm0, $0xb8;
	[tilespmem:$0x18100] =	vst v63  }
0x87: {  	s28 =	sand.u32 $0x70, s28;
	s29 =	sadd.s32 s1, s29;
	s31 =	rddreg [dreg:$0x12]  }
0x88: {  	[tilespmem:s31], [sflag:$0x1] =	stream.indirect_vreg.gather [hbm4b:s5+s3], $0x80, v3, vm0, $0xb8;
	[tilespmem:$0x18100] =	vst v63  }
0x89: {  	s28 =	sadd.s32 s28, s29  }
0x8a: {  	[tilespmem:s12], [sflag:$0x3] =	stream.linear.gather [hbm4b:s28+s3], $0x80, $0x38;
	[tilespmem:$0x18100] =	vst v63  }
0x8b: {  	_ =	swait.ge [sflag:s11], $0x80  }
0x8c: {  	[sflag:s11] =	ssyncset.done $0x0  }
0x8d: {  	[sflag:s11] =	ssyncadd.s32 $0xFFFFFF80  }
0x8e: {  	[tilespmem:s15], [sflag:$0x2] =	stream.indirect.gather [hbm4b:s4+s12], $0x80, s12, s12, $0xb8;
	[tilespmem:$0x18100] =	vst v63  }
0x8f: {  	v3 =	vld [tilespmem:$0x80];
	_ =	sdelay $0x4  }
0x90: {  	v56 =	vshll.u32 v3, $0x1  }
0x91: {  	v3 =	vand.u32 $0x7, v3;
	v4 =	vand.u32 $0xFFFFFFF0, v56  }
0x92: {  	v3 =	vor.u32 v3, v4  }
0x93: {  	v4 =	vperm.xlane v3, v0;
	_ =	sdelay $0x1  }
0x94: {  	v3 =	vperm.xlane v3, v2;
	v4 =	vadd.s32 v1, v4;
	_ =	sdelay $0x1  }
0x95: {  	v3 =	vadd.s32 v1, v3;
	_ =	sdelay $0x2  }
0x96: {  	[tilespmem:s16], [sflag:$0x2] =	stream.indirect_vreg.gather [hbm4b:s5+s3], $0x80, v4, vm0, $0xb8;
	[tilespmem:$0x18100] =	vst v63  }
0x97: {  	s29 =	rddreg [dreg:$0x13]  }
0x98: {  	[tilespmem:s29], [sflag:$0x2] =	stream.indirect_vreg.gather [hbm4b:s5+s3], $0x80, v3, vm0, $0xb8;
	[tilespmem:$0x18100] =	vst v63  }
0x99: {  	v3 =	vld [tilespmem:$0x90];
	_ =	sdelay $0x4  }
0x9a: {  	v57 =	vshll.u32 v3, $0x1  }
0x9b: {  	v3 =	vand.u32 $0x7, v3;
	v4 =	vand.u32 $0xFFFFFFF0, v57  }
0x9c: {  	v3 =	vor.u32 v3, v4  }
0x9d: {  	v4 =	vperm.xlane v3, v0;
	_ =	sdelay $0x1  }
0x9e: {  	v3 =	vperm.xlane v3, v2;
	v4 =	vadd.s32 v1, v4;
	_ =	sdelay $0x1  }
0x9f: {  	v3 =	vadd.s32 v1, v3;
	_ =	sdelay $0x1  }
0xa0: {  	s30 =	rddreg [dreg:$0x14]  }
0xa1: {  	[tilespmem:s30], [sflag:$0x2] =	stream.indirect_vreg.gather [hbm4b:s5+s3], $0x80, v4, vm0, $0xb8;
	[tilespmem:$0x18100] =	vst v63  }
0xa2: {  	s31 =	rddreg [dreg:$0x15]  }
0xa3: {  	[tilespmem:s31], [sflag:$0x2] =	stream.indirect_vreg.gather [hbm4b:s5+s3], $0x80, v3, vm0, $0xb8;
	[tilespmem:$0x18100] =	vst v63  }
0xa4: {  	v3 =	vld [tilespmem:$0xA0];
	_ =	sdelay $0x4  }
0xa5: {  	v58 =	vshll.u32 v3, $0x1  }
0xa6: {  	v3 =	vand.u32 $0x7, v3;
	v4 =	vand.u32 $0xFFFFFFF0, v58  }
0xa7: {  	v3 =	vor.u32 v3, v4  }
0xa8: {  	v4 =	vperm.xlane v3, v0;
	_ =	sdelay $0x1  }
0xa9: {  	v3 =	vperm.xlane v3, v2;
	v4 =	vadd.s32 v1, v4;
	_ =	sdelay $0x1  }
0xaa: {  	v3 =	vadd.s32 v1, v3;
	_ =	sdelay $0x1  }
0xab: {  	s30 =	rddreg [dreg:$0x16]  }
0xac: {  	[tilespmem:s30], [sflag:$0x2] =	stream.indirect_vreg.gather [hbm4b:s5+s3], $0x80, v4, vm0, $0xb8;
	[tilespmem:$0x18100] =	vst v63  }
0xad: {  	s31 =	rddreg [dreg:$0x17]  }
0xae: {  	[tilespmem:s31], [sflag:$0x2] =	stream.indirect_vreg.gather [hbm4b:s5+s3], $0x80, v3, vm0, $0xb8;
	[tilespmem:$0x18100] =	vst v63  }
0xaf: {  	v3 =	vld [tilespmem:$0xB0];
	_ =	sdelay $0x4  }
0xb0: {  	v59 =	vshll.u32 v3, $0x1  }
0xb1: {  	v3 =	vand.u32 $0x7, v3;
	v4 =	vand.u32 $0xFFFFFFF0, v59  }
0xb2: {  	v3 =	vor.u32 v3, v4  }
0xb3: {  	v4 =	vperm.xlane v3, v0;
	_ =	sdelay $0x1  }
0xb4: {  	v3 =	vperm.xlane v3, v2;
	v4 =	vadd.s32 v1, v4;
	_ =	sdelay $0x1  }
0xb5: {  	v3 =	vadd.s32 v1, v3;
	_ =	sdelay $0x1  }
0xb6: {  	s30 =	rddreg [dreg:$0x18]  }
0xb7: {  	[tilespmem:s30], [sflag:$0x2] =	stream.indirect_vreg.gather [hbm4b:s5+s3], $0x80, v4, vm0, $0xb8;
	[tilespmem:$0x18100] =	vst v63  }
0xb8: {  	s31 =	rddreg [dreg:$0x19]  }
0xb9: {  	[tilespmem:s31], [sflag:$0x2] =	stream.indirect_vreg.gather [hbm4b:s5+s3], $0x80, v3, vm0, $0xb8;
	[tilespmem:$0x18100] =	vst v63  }
0xba: {  	v3 =	vld [tilespmem:$0xC0];
	_ =	sdelay $0x4  }
0xbb: {  	v60 =	vshll.u32 v3, $0x1  }
0xbc: {  	v3 =	vand.u32 $0x7, v3;
	v4 =	vand.u32 $0xFFFFFFF0, v60  }
0xbd: {  	v3 =	vor.u32 v3, v4  }
0xbe: {  	v4 =	vperm.xlane v3, v0;
	_ =	sdelay $0x1  }
0xbf: {  	v3 =	vperm.xlane v3, v2;
	v4 =	vadd.s32 v1, v4;
	_ =	sdelay $0x1  }
0xc0: {  	v3 =	vadd.s32 v1, v3;
	_ =	sdelay $0x1  }
0xc1: {  	s30 =	rddreg [dreg:$0x1a]  }
0xc2: {  	[tilespmem:s30], [sflag:$0x2] =	stream.indirect_vreg.gather [hbm4b:s5+s3], $0x80, v4, vm0, $0xb8;
	[tilespmem:$0x18100] =	vst v63  }
0xc3: {  	s31 =	rddreg [dreg:$0x1b]  }
0xc4: {  	[tilespmem:s31], [sflag:$0x2] =	stream.indirect_vreg.gather [hbm4b:s5+s3], $0x80, v3, vm0, $0xb8;
	[tilespmem:$0x18100] =	vst v63  }
0xc5: {  	v3 =	vld [tilespmem:$0xD0];
	_ =	sdelay $0x4  }
0xc6: {  	v61 =	vshll.u32 v3, $0x1  }
0xc7: {  	v3 =	vand.u32 $0x7, v3;
	v4 =	vand.u32 $0xFFFFFFF0, v61  }
0xc8: {  	v3 =	vor.u32 v3, v4  }
0xc9: {  	v4 =	vperm.xlane v3, v0;
	_ =	sdelay $0x1  }
0xca: {  	v3 =	vperm.xlane v3, v2;
	v4 =	vadd.s32 v1, v4;
	_ =	sdelay $0x1  }
0xcb: {  	v3 =	vadd.s32 v1, v3;
	_ =	sdelay $0x1  }
0xcc: {  	s30 =	rddreg [dreg:$0x1c]  }
0xcd: {  	[tilespmem:s30], [sflag:$0x2] =	stream.indirect_vreg.gather [hbm4b:s5+s3], $0x80, v4, vm0, $0xb8;
	[tilespmem:$0x18100] =	vst v63  }
0xce: {  	s31 =	rddreg [dreg:$0x1d]  }
0xcf: {  	[tilespmem:s31], [sflag:$0x2] =	stream.indirect_vreg.gather [hbm4b:s5+s3], $0x80, v3, vm0, $0xb8;
	[tilespmem:$0x18100] =	vst v63  }
0xd0: {  	v3 =	vld [tilespmem:$0xE0];
	_ =	sdelay $0x4  }
0xd1: {  	v62 =	vshll.u32 v3, $0x1  }
0xd2: {  	v3 =	vand.u32 $0x7, v3;
	v4 =	vand.u32 $0xFFFFFFF0, v62  }
0xd3: {  	v3 =	vor.u32 v3, v4  }
0xd4: {  	v4 =	vperm.xlane v3, v0;
	_ =	sdelay $0x1  }
0xd5: {  	v3 =	vperm.xlane v3, v2;
	v4 =	vadd.s32 v1, v4;
	_ =	sdelay $0x1  }
0xd6: {  	v3 =	vadd.s32 v1, v3;
	_ =	sdelay $0x1  }
0xd7: {  	s30 =	rddreg [dreg:$0x1e]  }
0xd8: {  	[tilespmem:s30], [sflag:$0x2] =	stream.indirect_vreg.gather [hbm4b:s5+s3], $0x80, v4, vm0, $0xb8;
	[tilespmem:$0x18100] =	vst v63  }
0xd9: {  	s31 =	rddreg [dreg:$0x1f]  }
0xda: {  	[tilespmem:s31], [sflag:$0x2] =	stream.indirect_vreg.gather [hbm4b:s5+s3], $0x80, v3, vm0, $0xb8;
	[tilespmem:$0x18100] =	vst v63  }
0xdb: {  	v3 =	vld [tilespmem:$0xF0];
	_ =	sdelay $0x4  }
0xdc: {  	v63 =	vshll.u32 v3, $0x1  }
0xdd: {  	v3 =	vand.u32 $0x7, v3;
	v4 =	vand.u32 $0xFFFFFFF0, v63  }
0xde: {  	v3 =	vor.u32 v3, v4  }
0xdf: {  	v4 =	vperm.xlane v3, v0;
	_ =	sdelay $0x1  }
0xe0: {  	v3 =	vperm.xlane v3, v2;
	v4 =	vadd.s32 v1, v4;
	_ =	sdelay $0x1  }
0xe1: {  	v3 =	vadd.s32 v1, v3;
	_ =	sdelay $0x2  }
0xe2: {  	[tilespmem:s17], [sflag:$0x2] =	stream.indirect_vreg.gather [hbm4b:s5+s3], $0x80, v4, vm0, $0xb8;
	[tilespmem:$0x18100] =	vst v63  }
0xe3: {  	_ = 	snop  }
0xe4: {  	[tilespmem:s18], [sflag:$0x2] =	stream.indirect_vreg.gather [hbm4b:s5+s3], $0x80, v3, vm0, $0xb8;
	[tilespmem:$0x18100] =	vst v63  }
0xe5: {  	_ =	swait.ge [sflag:s19], $0x4000  }
0xe6: {  	[sflag:s19] =	ssyncset.done $0x0  }
0xe7: {  	[sflag:s19] =	ssyncadd.s32 $0xFFFFC000  }
0xe8: {  	_ =	swait.ge [sflag:s19], $0x8000  }
0xe9: {  	[sflag:s19] =	ssyncset.done $0x0  }
0xea: {  	[sflag:s19] =	ssyncadd.s32 $0xFFFF8000  }
0xeb: {  	[hbm4b:s24+s3] =	stream.linear.scatter [tilespmem:s13], [sflag:$0x3], $0x4000, $0x38;
	[tilespmem:$0x18100] =	vst v63  }
0xec: {  	_ =	swait.ge [sflag:s11], $0x4000  }
0xed: {  	[sflag:s11] =	ssyncset.done $0x0  }
0xee: {  	[sflag:s11] =	ssyncadd.s32 $0xFFFFC000  }
0xef: {  	[hbm4b:s25+s3] =	stream.linear.scatter [tilespmem:s14], [sflag:$0x3], $0x8000, $0x38;
	[tilespmem:$0x18100] =	vst v63  }
0xf0: {  	_ =	swait.ge [sflag:s11], $0x8000  }
0xf1: {  	[sflag:s11] =	ssyncset.done $0x0  }
0xf2: {  	[sflag:s11] =	ssyncadd.s32 $0xFFFF8000  }
0xf3: {  	_ =	swait.ge [sflag:s20], $0x4000  }
0xf4: {  	[sflag:s20] =	ssyncset.done $0x0  }
0xf5: {  	[sflag:s20] =	ssyncadd.s32 $0xFFFFC000  }
0xf6: {  	_ =	swait.ge [sflag:s20], $0x8000  }
0xf7: {  	[sflag:s20] =	ssyncset.done $0x0  }
0xf8: {  	[sflag:s20] =	ssyncadd.s32 $0xFFFF8000  }
0xf9: {  	[hbm4b:s22+s3] =	stream.linear.scatter [tilespmem:s15], [sflag:$0x3], $0x4000, $0x38;
	[tilespmem:$0x18100] =	vst v63  }
0xfa: {  	_ =	swait.ge [sflag:s11], $0x4000  }
0xfb: {  	p0 =	sne.s32 s26, $0x4E0;
	[sflag:s11] =	ssyncset.done $0x0  }
.Ltmp0:
0xfc: {  	[sflag:s11] =	ssyncadd.s32 $0xFFFFC000;
	(pc) =	sbr.rel @p0 .LBB2_2-.Ltmp0, $4  }
0xfd: {  	[hbm4b:s23+s3] =	stream.linear.scatter [tilespmem:s16], [sflag:$0x3], $0x8000, $0x38;
	[tilespmem:$0x18100] =	vst v63  }
0xfe: {  	s26 =	sadd.s32 $0x20, s26;
	_ =	swait.ge [sflag:s11], $0x8000  }
0xff: {  	s24 =	sadd.s32 $0x1000, s24;
	s25 =	sadd.s32 $0x2000, s25;
	[sflag:s11] =	ssyncset.done $0x0  }
0x100: {  	s22 =	sadd.s32 $0x1000, s22;
	s23 =	sadd.s32 $0x2000, s23;
	[sflag:s11] =	ssyncadd.s32 $0xFFFF8000  }
0x101: {  	s21 =	sadd.s32 $0x1, s21  }
0x102: {  	p0 =	sne.s32 s21, s6  }
.Ltmp1:
0x103: {  	_ = 	snop;
	(pc) =	sbr.rel @p0 .LBB2_1-.Ltmp1, $1  }
0x104: {  	_ =	sdelay $0x3  }
0x105: {  	_ =	sfence.sel $0x180000  }
0x106: {  	[bflag:$0x0] =	sbarrier.arrive $0xFFFF  }
0x107: {  	p0 =	sne.s32 s2, $0x0;
	_ =	strace $0x90000047  }
0x108: {  	s0 =	sadd.s32 @!p0 $0x100000, s0;
	[bflag:$0x2] =	sbarrier.arrive $0xFFFF  }
0x109: {  	[sflag:s0] =	ssyncadd.tile.s32 @!p0 $0x1;
	_ =	shalt  }
.Lfunc_end2:
_tile_overlayer_lowered:
.L_overlay_start_2:
0x10a: {  	(tag) =	ssettag $0x2  }
0x10b: {  	s0 =	rddreg [dreg:$0x0];
	s2 =	stileid.u32  }
0x10c: {  	s1 =	rddreg [dreg:$0x1];
	p0 =	sne.s32 s2, $0x0  }
0x10d: {  	s3 =	rddreg [dreg:$0x2];
	[bflag:$0x3] =	sbarrier.arrive $0xFFFF;
	s2 =	simm.s32 @!p0 $0x1C03  }
0x10e: {  	[timem:s3], [sflag:s2] =	dma.local @!p0 [hbm:s0], s1  }
0x10f: {  	s0 =	simm.s32 @!p0 $0x3  }
0x110: {  	_ =	swait.ge @!p0 [sflag:s0], s1  }
0x111: {  	s1 =	ssub.s32 @!p0 $0x0, s1;
	[sflag:s0] =	ssyncset.done @!p0 $0x0  }
0x112: {  	[sflag:s0] =	ssyncadd.s32 @!p0 s1  }
0x113: {  	[bflag:$0x3] =	sbarrier.arrive $0xFFFF  }
0x114: {  	_ =	shalt  }

// kernel: kernel.15.cloned.1.call-start
scs
__scs_entry_jumppad:
0x0: {  	(pc) =	sbr.rel $0x88, $3  }
0x1: {  	(tag) =	ssettag $0x0;
	lr =	simm.s32 $0x1  }
0x2: {  	[smem:$0x3F89] =	sst lr;
	_ =	strace $0xD0000000  }
0x3: {  	_ = 	snop  }
0x4: {  	_ = 	snop  }
0x5: {  	_ = 	snop  }
0x6: {  	_ = 	snop  }
0x7: {  	_ = 	snop  }
__scs_overlays_trampoline_lowered:
0x8: {  	[smem:$0x3F98] =	sst s0  }
0x9: {  	[smem:$0x3F99] =	sst s1  }
0xa: {  	[smem:$0x3F9A] =	sst s2  }
0xb: {  	[smem:$0x3F9B] =	sst s3  }
0xc: {  	[smem:$0x3F9C] =	sst s4  }
0xd: {  	[smem:$0x3F9D] =	sst s5  }
0xe: {  	[smem:$0x3F9E] =	sst s6  }
0xf: {  	[smem:$0x3F9F] =	sst s7  }
0x10: {  	[smem:$0x3FA0] =	sst s8  }
0x11: {  	[smem:$0x3FA1] =	sst s9;
	s0 =	simm.s32 @!p0 $0x0  }
0x12: {  	s1 =	sld [smem:$0x3F87];
	s0 =	simm.s32 @p0 $0x1  }
0x13: {  	[smem:$0x3FA2] =	sst s0;
	s0 =	simm.s32 @!p1 $0x0  }
0x14: {  	s2 =	sld [smem:$0x3F86];
	s0 =	simm.s32 @p1 $0x1  }
0x15: {  	[smem:$0x3FA3] =	sst s0;
	s0 =	simm.s32 @!p2 $0x0  }
0x16: {  	s3 =	sld [smem:$0x3FDB];
	s0 =	simm.s32 @p2 $0x1  }
0x17: {  	s4 =	simm.s32 $0x1BF5;
	[smem:$0x3FA5] =	sst s0  }
0x18: {  	s0 =	sld [smem:$0x3F88];
	_ =	swait.ge [sflag:s4], $0x0  }
0x19: {  	s7 =	sld [smem:$0x3F89]  }
0x1a: {  	s8 =	sadd.s32 $0xFFFFE003, lr  }
0x1b: {  	s9 =	sadd.s32 $0xFFFFFEF7, lr;
	s5 =	simm.s32 $0xFFFFFFFF;
	p2 =	slt.u32 s8, $0xFFFFF086  }
0x1c: {  	p1 =	slt.u32 s9, $0xF7A;
	s5 =	simm.s32 @!p2 $0x0  }
0x1d: {  	s5 =	simm.s32 @p1 $0x1;
	p0 =	seq.s32 s7, s2  }
0x1e: {  	s7 =	smul.u32 @!p0 $0xF7A, s2;
	p2 =	seq.s32 @!p0 s5, $0x0  }
0x1f: {  	s9 =	smul.u32 $0xF7A, s1;
	s8 =	simm.s32 @!p0 $0x1BF5;
	p2 =	por !p2, p0  }
0x20: {  	[sflag:s8] =	ssyncset.s32 @!p0 $0xFFFFF086;
	s6 =	sadd.s32 @!p0 s3, s7;
	s7 =	simm.s32 @!p0 $0x108  }
0x21: {  	s3 =	sadd.s32 s3, s9;
	s6 =	sadd.s32 @!p0 $0x88, s6;
	s7 =	simm.s32 @p2 $0x1082  }
0x22: {  	[simem:s7], [sflag:s8] =	dma.local @!p0 [hbm:s6], $0xF7A  }
0x23: {  	s9 =	sor.u32 $0xD0000000, s2;
	s6 =	simm.s32 $0x108;
	_ =	swait.ge @!p0 [sflag:s8], $0x0  }
0x24: {  	s3 =	sadd.s32 $0x88, s3;
	s6 =	simm.s32 @!p1 $0x1082;
	[sflag:s4] =	ssyncset.s32 $0xFFFFF086  }
0x25: {  	[simem:s6], [sflag:s4] =	dma.local [hbm:s3], $0xF7A  }
0x26: {  	[smem:$0x3F89] =	sst s1;
	(tag) =	ssettag s2;
	_ =	strace s9  }
0x27: {  	s1 =	sld [smem:$0x3F99]  }
0x28: {  	s2 =	sld [smem:$0x3F9A]  }
0x29: {  	s4 =	sld [smem:$0x3F9C]  }
0x2a: {  	p0 =	seq.s32 s5, $0x0;
	s5 =	sld [smem:$0x3F9D]  }
0x2b: {  	s6 =	sld [smem:$0x3F9E]  }
0x2c: {  	s7 =	sld [smem:$0x3F9F]  }
0x2d: {  	s3 =	simm.s32 $0x108;
	s8 =	sld [smem:$0x3FA0]  }
0x2e: {  	s3 =	simm.s32 @!p0 $0x1082;
	s9 =	sld [smem:$0x3FA1]  }
0x2f: {  	lr =	sadd.s32 s0, s3;
	s0 =	sld [smem:$0x3F98]  }
0x30: {  	s3 =	sld [smem:$0x3F9B]  }
0x31: {  	[smem:$0x3FA4] =	sst s10  }
0x32: {  	s10 =	sld [smem:$0x3FA2];
	_ =	sdelay $0x3  }
0x33: {  	p0 =	seq.s32 s10, $0x1;
	s10 =	sld [smem:$0x3FA4];
	_ =	sdelay $0x3  }
0x34: {  	[smem:$0x3FA4] =	sst s10  }
0x35: {  	s10 =	sld [smem:$0x3FA3];
	_ =	sdelay $0x3  }
0x36: {  	p1 =	seq.s32 s10, $0x1;
	s10 =	sld [smem:$0x3FA4];
	_ =	sdelay $0x3  }
0x37: {  	[smem:$0x3FA4] =	sst s10  }
0x38: {  	s10 =	sld [smem:$0x3FA5]  }
0x39: {  	_ = 	snop;
	(pc) =	sbr.ind lr, $3  }
0x3a: {  	_ = 	snop  }
0x3b: {  	_ = 	snop  }
0x3c: {  	p2 =	seq.s32 s10, $0x1;
	s10 =	sld [smem:$0x3FA4]  }
0x3d: {  	_ =	shalt  }
0x3e: {  	_ =	shalt  }
0x3f: {  	_ =	shalt  }
0x40: {  	_ =	shalt  }
0x41: {  	_ =	shalt  }
0x42: {  	_ =	shalt  }
0x43: {  	_ =	shalt  }
0x44: {  	_ =	shalt  }
0x45: {  	_ =	shalt  }
0x46: {  	_ =	shalt  }
0x47: {  	_ =	shalt  }
0x48: {  	_ =	shalt  }
0x49: {  	_ =	shalt  }
0x4a: {  	_ =	shalt  }
0x4b: {  	_ =	shalt  }
0x4c: {  	_ =	shalt  }
0x4d: {  	_ =	shalt  }
0x4e: {  	_ =	shalt  }
0x4f: {  	_ =	shalt  }
0x50: {  	_ =	shalt  }
0x51: {  	_ =	shalt  }
0x52: {  	_ =	shalt  }
0x53: {  	_ =	shalt  }
0x54: {  	_ =	shalt  }
0x55: {  	_ =	shalt  }
0x56: {  	_ =	shalt  }
0x57: {  	_ =	shalt  }
0x58: {  	_ =	shalt  }
0x59: {  	_ =	shalt  }
0x5a: {  	_ =	shalt  }
0x5b: {  	_ =	shalt  }
0x5c: {  	_ =	shalt  }
0x5d: {  	_ =	shalt  }
0x5e: {  	_ =	shalt  }
0x5f: {  	_ =	shalt  }
0x60: {  	_ =	shalt  }
0x61: {  	_ =	shalt  }
0x62: {  	_ =	shalt  }
0x63: {  	_ =	shalt  }
0x64: {  	_ =	shalt  }
0x65: {  	_ =	shalt  }
0x66: {  	_ =	shalt  }
0x67: {  	_ =	shalt  }
0x68: {  	_ =	shalt  }
0x69: {  	_ =	shalt  }
0x6a: {  	_ =	shalt  }
0x6b: {  	_ =	shalt  }
0x6c: {  	_ =	shalt  }
0x6d: {  	_ =	shalt  }
0x6e: {  	_ =	shalt  }
0x6f: {  	_ =	shalt  }
0x70: {  	_ =	shalt  }
0x71: {  	_ =	shalt  }
0x72: {  	_ =	shalt  }
0x73: {  	_ =	shalt  }
0x74: {  	_ =	shalt  }
0x75: {  	_ =	shalt  }
0x76: {  	_ =	shalt  }
0x77: {  	_ =	shalt  }
0x78: {  	_ =	shalt  }
0x79: {  	_ =	shalt  }
0x7a: {  	_ =	shalt  }
0x7b: {  	_ =	shalt  }
0x7c: {  	_ =	shalt  }
0x7d: {  	_ =	shalt  }
0x7e: {  	_ =	shalt  }
0x7f: {  	_ =	shalt  }
0x80: {  	_ =	shalt  }
0x81: {  	_ =	shalt  }
0x82: {  	_ =	shalt  }
0x83: {  	_ =	shalt  }
0x84: {  	_ =	shalt  }
0x85: {  	_ =	shalt  }
0x86: {  	_ =	shalt  }
0x87: {  	_ =	shalt  }
.Lfunc_end0:
.L_simem_size_0:
called_computation.1_lowered:
.L_overlay_start_0:
0x88: {  	s2 =	sld [smem:$0x3FD9]  }
0x89: {  	s3 =	sld [smem:$0x3FFE];
	_ =	sdelay $0x1  }
0x8a: {  	s1 =	srdreg.scid  }
0x8b: {  	s0 =	sand.u32 $0x1, s1  }
0x8c: {  	s15 =	sshll.u32 s0, $0xA;
	s2 =	sadd.s32 s3, s2  }
0x8d: {  	s2 =	sadd.s32 s2, s15  }
0x8e: {  	[smem:$0x3FB0] =	sst s2  }
0x8f: {  	_ = 	snop  }
0x90: {  	s2 =	sld [smem:$0x3FD0];
	_ =	sdelay $0x2  }
0x91: {  	s16 =	simm.s32 $0xB;
	s4 =	simm.s32 $0x10  }
0x92: {  	[smem:s4], [sflag:s16] =	dma.local [hbm:s2], $0x1  }
0x93: {  	_ =	swait.eq [sflag:s16], $0x1  }
0x94: {  	[sflag:s16] =	ssyncset.done $0x0  }
0x95: {  	[sflag:s16] =	ssyncadd.s32 $0xFFFFFFFF  }
0x96: {  	s17 =	sld [smem:$0x10];
	(tm) =	ssettm $0x1  }
0x97: {  	s18 =	sld [smem:$0x3FFB];
	_ =	sdelay $0x3  }
0x98: {  	_ =	strace s18  }
0x99: {  	s2 =	sld [smem:$0x3FFC];
	_ =	sdelay $0x3  }
0x9a: {  	_ =	strace s2  }
0x9b: {  	s2 =	sld [smem:$0x3FFD];
	_ =	sdelay $0x3  }
0x9c: {  	_ =	strace s2  }
0x9d: {  	_ =	strace $0x8FFFFFFF  }
0x9e: {  	s19 =	sld [smem:$0x3FDB];
	_ =	sdelay $0x1  }
0x9f: {  	s20 =	simm.s32 $_scs_section_size  }
0xa0: {  	s5 =	simm.s32 $_size__tile_overlayer_lowered;
	s6 =	simm.s32 $_tile_overlayer_lowered  }
0xa1: {  	s7 =	simm.s32 $0x1BFF;
	s21 =	sshll.u32 s6, $0x1;
	s4 =	sadd.s32 s20, s19  }
0xa2: {  	s22 =	simm.s32 $0x0;
	s5 =	sshll.u32 s5, $0x1;
	s6 =	sadd.s32 s21, s4  }
0xa3: {  	[timem:s22], [sflag:s7] =	dma.local [hbm:s6], s5  }
0xa4: {  	_ =	swait.ge [sflag:s7], s5  }
0xa5: {  	s5 =	ssub.s32 $0x0, s5;
	[sflag:s7] =	ssyncset.done $0x0  }
0xa6: {  	[sflag:s7] =	ssyncadd.s32 s5;
	_ =	sdelay $0x1  }
0xa7: {  	s23 =	simm.s32 $0x1B8B  }
0xa8: {  	_ =	swait.ge [sflag:s23], $0x1  }
0xa9: {  	[sflag:s23] =	ssyncset.done $0x0  }
0xaa: {  	[sflag:s23] =	ssyncadd.s32 $0xFFFFFFFF  }
0xab: {  	s5 =	sld [smem:$0x0]  }
0xac: {  	s6 =	sand.u32 $0xFFFFFFFE, s1  }
0xad: {  	p0 =	sne.s32 s1, s6  }
0xae: {  	s6 =	sshll.u32 @p0 s6, $0xE  }
0xaf: {  	s6 =	sadd.s32 @p0 $0x11B8D, s6;
	s7 =	sshll.u32 @p0 s5, $0x11  }
0xb0: {  	s6 =	sor.u32 @p0 s7, s6  }
0xb1: {  	[sflag:s6] =	ssyncadd.remote.s32 @p0 $0x1;
	_ =	sdelay $0x1  }
0xb2: {  	s6 =	simm.s32 @p0 $0x1B8D  }
0xb3: {  	_ =	swait.eq @p0 [sflag:s6], $0x1  }
0xb4: {  	[sflag:s6] =	ssyncadd.s32 @p0 $0xFFFFFFFF  }
0xb5: {  	s7 =	sshll.u32 @!p0 s1, $0xE  }
0xb6: {  	s7 =	sor.u32 @!p0 $0x4000, s7;
	s6 =	simm.s32 @!p0 $0x1B8D  }
0xb7: {  	s5 =	sshll.u32 @!p0 s5, $0x11;
	s7 =	sadd.s32 @!p0 $0x11B8D, s7;
	_ =	swait.eq @!p0 [sflag:s6], $0x1  }
0xb8: {  	s5 =	sor.u32 @!p0 s5, s7;
	[sflag:s6] =	ssyncadd.s32 @!p0 $0xFFFFFFFF  }
0xb9: {  	s25 =	simm.s32 $0x1B8E;
	s24 =	sld [smem:$0x3FFE];
	[sflag:s5] =	ssyncadd.remote.s32 @!p0 $0x1  }
0xba: {  	s26 =	simm.s32 $execute0_lowered;
	[smem:$0x3FD2] =	sst s25  }
0xbb: {  	s6 =	sshll.u32 s26, $0x1;
	_ =	strace $0x8000004F;
	[dreg:$0x1] =	wrdreg $0xFFFFFFFF  }
0xbc: {  	s28 =	simm.s32 $_size_execute0_lowered;
	s4 =	sadd.s32 s4, s6;
	[dreg:$0x0] =	wrdreg $0x0  }
0xbd: {  	s6 =	sshll.u32 s28, $0x1;
	[dreg:$0x2] =	wrdreg s4  }
0xbe: {  	[dreg:$0x3] =	wrdreg s6  }
0xbf: {  	[dreg:$0x4] =	wrdreg $0xC0  }
0xc0: {  	_ =	task [dreg:s22], $0x5FFFF  }
0xc1: {  	[dreg:$0x1] =	wrdreg $0xFFFFFFFF  }
0xc2: {  	[dreg:$0x0] =	wrdreg $0x60  }
0xc3: {  	[dreg:$0x2] =	wrdreg s17  }
0xc4: {  	[dreg:$0x3] =	wrdreg s24  }
0xc5: {  	[dreg:$0x4] =	wrdreg $0x40800  }
0xc6: {  	[dreg:$0x5] =	wrdreg $0x9  }
0xc7: {  	_ =	task.clear_ibuf [dreg:s22], $0x6FFFF;
	_ =	strace $0x9000004F  }
0xc8: {  	s29 =	simm.s32 $0x9;
	_ =	strace $0x80000051  }
0xc9: {  	_ =	swait.ge [sflag:s29], $0x1  }
0xca: {  	[sflag:s29] =	ssyncadd.s32 $0xFFFFFFFF  }
0xcb: {  	_ =	strace $0x90000051  }
0xcc: {  	_ =	sfence  }
0xcd: {  	s30 =	sld [smem:$0x0];
	_ =	sdelay $0x2  }
0xce: {  	s31 =	sshll.u32 s1, $0xD;
	s1 =	sshrl.u32 s1, $0x2  }
0xcf: {  	s4 =	sand.u32 $0x4000, s31;
	s1 =	sadd.s32 s1, s30  }
0xd0: {  	s0 =	sor.u32 s4, s0;
	s1 =	sshll.u32 s1, $0x11  }
0xd1: {  	s0 =	sor.u32 s1, s0  }
0xd2: {  	s0 =	sadd.s32 $0x8F2B, s0  }
0xd3: {  	[sflag:s0] =	ssyncadd.remote.s32 $0x1  }
0xd4: {  	_ =	sfence.sel $0xFFFF  }
0xd5: {  	[dreg:$0x0] =	wrdreg $0xFFFFFFFF;
	(pc) =	sbr.abs _section_cstart, $3  }
0xd6: {  	[dreg:$0x1] =	wrdreg $0xFFFFFFFF  }
0xd7: {  	_ =	task.clear_ibuf [dreg:s22], $0x2FFFF;
	_ =	strace $0x9FFFFFFF  }
0xd8: {  	(tm) =	ssettm $0x7FFFFFFF  }
0xd9: {  	_ =	shalt  }
tec
execute0_lowered:
.L_overlay_start_1:
0x0: {  	(tag) =	ssettag $0x1  }
0x1: {  	s1 =	rddreg [dreg:$0x0]  }
0x2: {  	s7 =	rddreg [dreg:$0x1]  }
0x3: {  	s2 =	rddreg [dreg:$0x2]  }
0x4: {  	s0 =	rddreg [dreg:$0x3]  }
0x5: {  	s4 =	simm.s32 $0x0;
	s6 =	srdreg.scid;
	s3 =	stileid.u32  }
0x6: {  	[smem:$0x7FF] =	sst s4;
	s8 =	smul.u32 $0x50000, s3  }
0x7: {  	s5 =	sadd.s32 $0x5800, s7;
	s14 =	sand.u32 $0x1, s6;
	s11 =	smul.u32 $0x14000, s3  }
0x8: {  	s6 =	sadd.s32 $0x6000, s7;
	s16 =	sadd.s32 $0x6800, s7;
	s30 =	smul.u32 $0x500, s3  }
0x9: {  	_ =	strace $0x80000050;
	s9 =	ssub.s32 $0x2, s14;
	s19 =	smul.u32 $0x140000, s14  }
0xa: {  	s29 =	smul.u32 $0x5000, s14;
	s28 =	sshrl.u32 s9, $0x1;
	s8 =	sshrl.u32 s8, $0x2  }
0xb: {  	s12 =	sadd.s32 $0x4000, s11;
	s15 =	sadd.s32 $0x8000, s11;
	s18 =	sadd.s32 $0xC000, s11  }
0xc: {  	s20 =	sadd.s32 $0x10000, s11;
	s17 =	ssub.s32 s9, s28;
	s7 =	sadd.s32 s8, s2  }
0xd: {  	s8 =	sadd.s32 s12, s2;
	s9 =	sadd.s32 s15, s2;
	s10 =	sadd.s32 s18, s2  }
0xe: {  	s13 =	sadd.s32 s11, s19;
	s12 =	sadd.s32 s19, s12;
	s11 =	sadd.s32 s20, s2  }
0xf: {  	s15 =	sadd.s32 s19, s15;
	s18 =	sadd.s32 s19, s18;
	s19 =	sadd.s32 s19, s20  }
0x10: {  	s20 =	simm.s32 $0x1;
	s13 =	sshrl.u32 s13, $0x3;
	s21 =	sshrl.u32 s12, $0x3  }
0x11: {  	s15 =	sshrl.u32 s15, $0x3;
	s18 =	sshrl.u32 s18, $0x3;
	s31 =	sshrl.u32 s19, $0x3  }
0x12: {  	s17 =	smax.u32 s17, $0x1;
	s19 =	simm.s32 $0x80;
	s12 =	sadd.s32 s16, s13  }
0x13: {  	s13 =	sadd.s32 s16, s21;
	s14 =	sadd.s32 s16, s15;
	s15 =	sadd.s32 s16, s18  }
0x14: {  	s16 =	sadd.s32 s16, s31;
	s18 =	sadd.s32 s30, s29;
	s21 =	simm.s32 $0x0  }
.LBB2_1:
0x15: {  	[tilespmem:s19], [sflag:$0x1] =	stream.linear.gather [hbm4b:s5+s4], $0x4000, $0x38;
	[tilespmem:$0x18080] =	vst v63  }
0x16: {  	_ =	swait.ge [sflag:s20], $0x4000  }
0x17: {  	[sflag:s20] =	ssyncset.done $0x0  }
0x18: {  	[sflag:s20] =	ssyncadd.s32 $0xFFFFC000  }
0x19: {  	[spmem:s7] =	stream.linear.scatter [tilespmem:s19], [sflag:$0x1], $0x4000, $0x38;
	[tilespmem:$0x18080] =	vst v63  }
0x1a: {  	_ =	swait.ge [sflag:s20], $0x4000  }
0x1b: {  	[sflag:s20] =	ssyncset.done $0x0  }
0x1c: {  	[sflag:s20] =	ssyncadd.s32 $0xFFFFC000  }
0x1d: {  	[spmem:s8] =	stream.linear.scatter [tilespmem:s19], [sflag:$0x1], $0x4000, $0x38;
	[tilespmem:$0x18080] =	vst v63  }
0x1e: {  	_ =	swait.ge [sflag:s20], $0x4000  }
0x1f: {  	[sflag:s20] =	ssyncset.done $0x0  }
0x20: {  	[sflag:s20] =	ssyncadd.s32 $0xFFFFC000  }
0x21: {  	[spmem:s9] =	stream.linear.scatter [tilespmem:s19], [sflag:$0x1], $0x4000, $0x38;
	[tilespmem:$0x18080] =	vst v63  }
0x22: {  	_ =	swait.ge [sflag:s20], $0x4000  }
0x23: {  	[sflag:s20] =	ssyncset.done $0x0  }
0x24: {  	[sflag:s20] =	ssyncadd.s32 $0xFFFFC000  }
0x25: {  	[spmem:s10] =	stream.linear.scatter [tilespmem:s19], [sflag:$0x1], $0x4000, $0x38;
	[tilespmem:$0x18080] =	vst v63  }
0x26: {  	_ =	swait.ge [sflag:s20], $0x4000  }
0x27: {  	[sflag:s20] =	ssyncset.done $0x0  }
0x28: {  	[sflag:s20] =	ssyncadd.s32 $0xFFFFC000  }
0x29: {  	[spmem:s11] =	stream.linear.scatter [tilespmem:s19], [sflag:$0x1], $0x4000, $0x38;
	[tilespmem:$0x18080] =	vst v63  }
0x2a: {  	_ =	swait.ge [sflag:s20], $0x4000  }
0x2b: {  	[sflag:s20] =	ssyncset.done $0x0  }
0x2c: {  	[sflag:s20] =	ssyncadd.s32 $0xFFFFC000  }
0x2d: {  	[tilespmem:s19], [sflag:$0x1] =	stream.linear.gather [hbm4b:s6+s4], $0x4000, $0x38;
	[tilespmem:$0x18080] =	vst v63  }
0x2e: {  	_ =	swait.ge [sflag:s20], $0x4000  }
0x2f: {  	s22 =	sadd.s32 $0x0, s18;
	s23 =	sand.u32 $0x70, s4;
	[sflag:s20] =	ssyncset.done $0x0  }
0x30: {  	s22 =	sand.u32 $0x1FF80, s22;
	s23 =	sadd.s32 s1, s23;
	[sflag:s20] =	ssyncadd.s32 $0xFFFFC000  }
0x31: {  	s22 =	sadd.s32 s22, s23;
	[bflag:$0x0] =	sbarrier.arrive $0xFFFF  }
0x32: {  	[tilespmem:s4], [sflag:$0x1] =	stream.linear.gather [hbm4b:s22+s4], $0x80, $0x38;
	[tilespmem:$0x18080] =	vst v63  }
0x33: {  	_ =	swait.ge [sflag:s20], $0x80  }
0x34: {  	[sflag:s20] =	ssyncset.done $0x0  }
0x35: {  	s31 =	simm.s32 $0x10;
	s24 =	sadd.s32 $0x10, s18;
	[sflag:s20] =	ssyncadd.s32 $0xFFFFFF80  }
0x36: {  	[spmem:s2] =	stream.indirect.scatter.add.f32 [tilespmem:s19], [sflag:$0x1], $0x80, s4, s19, $0xb8;
	[tilespmem:$0x18080] =	vst v63  }
0x37: {  	s25 =	sand.u32 $0x70, s31;
	s23 =	sand.u32 $0x1FF80, s24;
	_ =	swait.ge [sflag:s20], $0x4000  }
0x38: {  	s24 =	sadd.s32 s1, s25;
	s22 =	simm.s32 $0x20;
	[sflag:s20] =	ssyncset.done $0x0  }
.LBB2_2:
0x39: {  	s23 =	sadd.s32 s23, s24  }
0x3a: {  	[sflag:s20] =	ssyncadd.s32 $0xFFFFC000;
	s24 =	smov.u32 s22;
	s25 =	sadd.s32 $0x10, s22  }
0x3b: {  	[tilespmem:s4], [sflag:$0x1] =	stream.linear.gather [hbm4b:s23+s4], $0x80, $0x38;
	[tilespmem:$0x18080] =	vst v63  }
0x3c: {  	p0 =	sne.s32 s22, $0x4F0;
	_ =	swait.ge [sflag:s20], $0x80  }
.Ltmp0:
0x3d: {  	[sflag:s20] =	ssyncset.done $0x0;
	(pc) =	sbr.rel @p0 .LBB2_2-.Ltmp0, $4  }
0x3e: {  	s22 =	sadd.s32 s24, s18;
	[sflag:s20] =	ssyncadd.s32 $0xFFFFFF80  }
0x3f: {  	[spmem:s2] =	stream.indirect.scatter.add.f32 [tilespmem:s19], [sflag:$0x1], $0x80, s4, s19, $0xb8;
	[tilespmem:$0x18080] =	vst v63  }
0x40: {  	s24 =	sand.u32 $0x70, s24;
	s23 =	sand.u32 $0x1FF80, s22;
	_ =	swait.ge [sflag:s20], $0x4000  }
0x41: {  	s24 =	sadd.s32 s1, s24;
	s22 =	smov.u32 s25;
	[sflag:s20] =	ssyncset.done $0x0  }
0x42: {  	s22 =	sadd.s32 s23, s24;
	[sflag:s20] =	ssyncadd.s32 $0xFFFFC000  }
0x43: {  	[tilespmem:s4], [sflag:$0x1] =	stream.linear.gather [hbm4b:s22+s4], $0x80, $0x38;
	[tilespmem:$0x18080] =	vst v63  }
0x44: {  	_ =	swait.ge [sflag:s20], $0x80  }
0x45: {  	[sflag:s20] =	ssyncset.done $0x0  }
0x46: {  	[sflag:s20] =	ssyncadd.s32 $0xFFFFFF80  }
0x47: {  	[spmem:s2] =	stream.indirect.scatter.add.f32 [tilespmem:s19], [sflag:$0x1], $0x80, s4, s19, $0xb8;
	[tilespmem:$0x18080] =	vst v63  }
0x48: {  	_ =	swait.ge [sflag:s20], $0x4000  }
0x49: {  	[sflag:s20] =	ssyncset.done $0x0  }
0x4a: {  	[sflag:s20] =	ssyncadd.s32 $0xFFFFC000  }
0x4b: {  	[bflag:$0x0] =	sbarrier.arrive $0xFFFF  }
0x4c: {  	[tilespmem:s19], [sflag:$0x1] =	stream.linear.gather [spmem:s7], $0x4000, $0x38;
	[tilespmem:$0x18080] =	vst v63  }
0x4d: {  	_ =	swait.ge [sflag:s20], $0x4000  }
0x4e: {  	[sflag:s20] =	ssyncset.done $0x0  }
0x4f: {  	[sflag:s20] =	ssyncadd.s32 $0xFFFFC000  }
0x50: {  	[hbm4b:s12+s4] =	stream.linear.scatter [tilespmem:s19], [sflag:$0x1], $0x4000, $0x38;
	[tilespmem:$0x18080] =	vst v63  }
0x51: {  	_ =	swait.ge [sflag:s20], $0x4000  }
0x52: {  	[sflag:s20] =	ssyncset.done $0x0  }
0x53: {  	[sflag:s20] =	ssyncadd.s32 $0xFFFFC000  }
0x54: {  	[tilespmem:s19], [sflag:$0x1] =	stream.linear.gather [spmem:s8], $0x4000, $0x38;
	[tilespmem:$0x18080] =	vst v63  }
0x55: {  	_ =	swait.ge [sflag:s20], $0x4000  }
0x56: {  	[sflag:s20] =	ssyncset.done $0x0  }
0x57: {  	[sflag:s20] =	ssyncadd.s32 $0xFFFFC000  }
0x58: {  	[hbm4b:s13+s4] =	stream.linear.scatter [tilespmem:s19], [sflag:$0x1], $0x4000, $0x38;
	[tilespmem:$0x18080] =	vst v63  }
0x59: {  	_ =	swait.ge [sflag:s20], $0x4000  }
0x5a: {  	[sflag:s20] =	ssyncset.done $0x0  }
0x5b: {  	[sflag:s20] =	ssyncadd.s32 $0xFFFFC000  }
0x5c: {  	[tilespmem:s19], [sflag:$0x1] =	stream.linear.gather [spmem:s9], $0x4000, $0x38;
	[tilespmem:$0x18080] =	vst v63  }
0x5d: {  	_ =	swait.ge [sflag:s20], $0x4000  }
0x5e: {  	[sflag:s20] =	ssyncset.done $0x0  }
0x5f: {  	[sflag:s20] =	ssyncadd.s32 $0xFFFFC000  }
0x60: {  	[hbm4b:s14+s4] =	stream.linear.scatter [tilespmem:s19], [sflag:$0x1], $0x4000, $0x38;
	[tilespmem:$0x18080] =	vst v63  }
0x61: {  	_ =	swait.ge [sflag:s20], $0x4000  }
0x62: {  	[sflag:s20] =	ssyncset.done $0x0  }
0x63: {  	[sflag:s20] =	ssyncadd.s32 $0xFFFFC000  }
0x64: {  	[tilespmem:s19], [sflag:$0x1] =	stream.linear.gather [spmem:s10], $0x4000, $0x38;
	[tilespmem:$0x18080] =	vst v63  }
0x65: {  	_ =	swait.ge [sflag:s20], $0x4000  }
0x66: {  	[sflag:s20] =	ssyncset.done $0x0  }
0x67: {  	[sflag:s20] =	ssyncadd.s32 $0xFFFFC000  }
0x68: {  	[hbm4b:s15+s4] =	stream.linear.scatter [tilespmem:s19], [sflag:$0x1], $0x4000, $0x38;
	[tilespmem:$0x18080] =	vst v63  }
0x69: {  	_ =	swait.ge [sflag:s20], $0x4000  }
0x6a: {  	[sflag:s20] =	ssyncset.done $0x0  }
0x6b: {  	[sflag:s20] =	ssyncadd.s32 $0xFFFFC000  }
0x6c: {  	[tilespmem:s19], [sflag:$0x1] =	stream.linear.gather [spmem:s11], $0x4000, $0x38;
	[tilespmem:$0x18080] =	vst v63  }
0x6d: {  	s21 =	sadd.s32 $0x1, s21;
	_ =	swait.ge [sflag:s20], $0x4000  }
0x6e: {  	p0 =	sne.s32 s21, s17;
	[sflag:s20] =	ssyncset.done $0x0  }
.Ltmp1:
0x6f: {  	[sflag:s20] =	ssyncadd.s32 $0xFFFFC000;
	(pc) =	sbr.rel @p0 .LBB2_1-.Ltmp1, $4  }
0x70: {  	[hbm4b:s16+s4] =	stream.linear.scatter [tilespmem:s19], [sflag:$0x1], $0x4000, $0x38;
	[tilespmem:$0x18080] =	vst v63  }
0x71: {  	_ =	swait.ge [sflag:s20], $0x4000  }
0x72: {  	[sflag:s20] =	ssyncset.done $0x0  }
0x73: {  	[sflag:s20] =	ssyncadd.s32 $0xFFFFC000  }
0x74: {  	_ =	sfence.sel $0x180000  }
0x75: {  	[bflag:$0x0] =	sbarrier.arrive $0xFFFF  }
0x76: {  	p0 =	sne.s32 s3, $0x0;
	_ =	strace $0x90000050  }
0x77: {  	s0 =	sadd.s32 @!p0 $0x100000, s0;
	[bflag:$0x2] =	sbarrier.arrive $0xFFFF  }
0x78: {  	[sflag:s0] =	ssyncadd.tile.s32 @!p0 $0x1;
	_ =	shalt  }
.Lfunc_end2:
_tile_overlayer_lowered:
.L_overlay_start_2:
0x79: {  	(tag) =	ssettag $0x2  }
0x7a: {  	s0 =	rddreg [dreg:$0x0];
	s2 =	stileid.u32  }
0x7b: {  	s1 =	rddreg [dreg:$0x1];
	p0 =	sne.s32 s2, $0x0  }
0x7c: {  	s3 =	rddreg [dreg:$0x2];
	[bflag:$0x3] =	sbarrier.arrive $0xFFFF;
	s2 =	simm.s32 @!p0 $0x1C01  }
0x7d: {  	[timem:s3], [sflag:s2] =	dma.local @!p0 [hbm:s0], s1  }
0x7e: {  	s0 =	simm.s32 @!p0 $0x1  }
0x7f: {  	_ =	swait.ge @!p0 [sflag:s0], s1  }
0x80: {  	s1 =	ssub.s32 @!p0 $0x0, s1;
	[sflag:s0] =	ssyncset.done @!p0 $0x0  }
0x81: {  	[sflag:s0] =	ssyncadd.s32 @!p0 s1  }
0x82: {  	[bflag:$0x3] =	sbarrier.arrive $0xFFFF  }
0x83: {  	_ =	shalt  }

// kernel: kernel.18.cloned.1.call-start
scs
__scs_entry_jumppad:
0x0: {  	(pc) =	sbr.rel $0x88, $3  }
0x1: {  	(tag) =	ssettag $0x0;
	lr =	simm.s32 $0x1  }
0x2: {  	[smem:$0x3F89] =	sst lr;
	_ =	strace $0xD0000000  }
0x3: {  	_ = 	snop  }
0x4: {  	_ = 	snop  }
0x5: {  	_ = 	snop  }
0x6: {  	_ = 	snop  }
0x7: {  	_ = 	snop  }
__scs_overlays_trampoline_lowered:
0x8: {  	[smem:$0x3F98] =	sst s0  }
0x9: {  	[smem:$0x3F99] =	sst s1  }
0xa: {  	[smem:$0x3F9A] =	sst s2  }
0xb: {  	[smem:$0x3F9B] =	sst s3  }
0xc: {  	[smem:$0x3F9C] =	sst s4  }
0xd: {  	[smem:$0x3F9D] =	sst s5  }
0xe: {  	[smem:$0x3F9E] =	sst s6  }
0xf: {  	[smem:$0x3F9F] =	sst s7  }
0x10: {  	[smem:$0x3FA0] =	sst s8  }
0x11: {  	[smem:$0x3FA1] =	sst s9;
	s0 =	simm.s32 @!p0 $0x0  }
0x12: {  	s1 =	sld [smem:$0x3F87];
	s0 =	simm.s32 @p0 $0x1  }
0x13: {  	[smem:$0x3FA2] =	sst s0;
	s0 =	simm.s32 @!p1 $0x0  }
0x14: {  	s2 =	sld [smem:$0x3F86];
	s0 =	simm.s32 @p1 $0x1  }
0x15: {  	[smem:$0x3FA3] =	sst s0;
	s0 =	simm.s32 @!p2 $0x0  }
0x16: {  	s3 =	sld [smem:$0x3FDB];
	s0 =	simm.s32 @p2 $0x1  }
0x17: {  	s4 =	simm.s32 $0x1BF5;
	[smem:$0x3FA5] =	sst s0  }
0x18: {  	s0 =	sld [smem:$0x3F88];
	_ =	swait.ge [sflag:s4], $0x0  }
0x19: {  	s7 =	sld [smem:$0x3F89]  }
0x1a: {  	s8 =	sadd.s32 $0xFFFFE003, lr  }
0x1b: {  	s9 =	sadd.s32 $0xFFFFFEF7, lr;
	s5 =	simm.s32 $0xFFFFFFFF;
	p2 =	slt.u32 s8, $0xFFFFF086  }
0x1c: {  	p1 =	slt.u32 s9, $0xF7A;
	s5 =	simm.s32 @!p2 $0x0  }
0x1d: {  	s5 =	simm.s32 @p1 $0x1;
	p0 =	seq.s32 s7, s2  }
0x1e: {  	s7 =	smul.u32 @!p0 $0xF7A, s2;
	p2 =	seq.s32 @!p0 s5, $0x0  }
0x1f: {  	s9 =	smul.u32 $0xF7A, s1;
	s8 =	simm.s32 @!p0 $0x1BF5;
	p2 =	por !p2, p0  }
0x20: {  	[sflag:s8] =	ssyncset.s32 @!p0 $0xFFFFF086;
	s6 =	sadd.s32 @!p0 s3, s7;
	s7 =	simm.s32 @!p0 $0x108  }
0x21: {  	s3 =	sadd.s32 s3, s9;
	s6 =	sadd.s32 @!p0 $0x88, s6;
	s7 =	simm.s32 @p2 $0x1082  }
0x22: {  	[simem:s7], [sflag:s8] =	dma.local @!p0 [hbm:s6], $0xF7A  }
0x23: {  	s9 =	sor.u32 $0xD0000000, s2;
	s6 =	simm.s32 $0x108;
	_ =	swait.ge @!p0 [sflag:s8], $0x0  }
0x24: {  	s3 =	sadd.s32 $0x88, s3;
	s6 =	simm.s32 @!p1 $0x1082;
	[sflag:s4] =	ssyncset.s32 $0xFFFFF086  }
0x25: {  	[simem:s6], [sflag:s4] =	dma.local [hbm:s3], $0xF7A  }
0x26: {  	[smem:$0x3F89] =	sst s1;
	(tag) =	ssettag s2;
	_ =	strace s9  }
0x27: {  	s1 =	sld [smem:$0x3F99]  }
0x28: {  	s2 =	sld [smem:$0x3F9A]  }
0x29: {  	s4 =	sld [smem:$0x3F9C]  }
0x2a: {  	p0 =	seq.s32 s5, $0x0;
	s5 =	sld [smem:$0x3F9D]  }
0x2b: {  	s6 =	sld [smem:$0x3F9E]  }
0x2c: {  	s7 =	sld [smem:$0x3F9F]  }
0x2d: {  	s3 =	simm.s32 $0x108;
	s8 =	sld [smem:$0x3FA0]  }
0x2e: {  	s3 =	simm.s32 @!p0 $0x1082;
	s9 =	sld [smem:$0x3FA1]  }
0x2f: {  	lr =	sadd.s32 s0, s3;
	s0 =	sld [smem:$0x3F98]  }
0x30: {  	s3 =	sld [smem:$0x3F9B]  }
0x31: {  	[smem:$0x3FA4] =	sst s10  }
0x32: {  	s10 =	sld [smem:$0x3FA2];
	_ =	sdelay $0x3  }
0x33: {  	p0 =	seq.s32 s10, $0x1;
	s10 =	sld [smem:$0x3FA4];
	_ =	sdelay $0x3  }
0x34: {  	[smem:$0x3FA4] =	sst s10  }
0x35: {  	s10 =	sld [smem:$0x3FA3];
	_ =	sdelay $0x3  }
0x36: {  	p1 =	seq.s32 s10, $0x1;
	s10 =	sld [smem:$0x3FA4];
	_ =	sdelay $0x3  }
0x37: {  	[smem:$0x3FA4] =	sst s10  }
0x38: {  	s10 =	sld [smem:$0x3FA5]  }
0x39: {  	_ = 	snop;
	(pc) =	sbr.ind lr, $3  }
0x3a: {  	_ = 	snop  }
0x3b: {  	_ = 	snop  }
0x3c: {  	p2 =	seq.s32 s10, $0x1;
	s10 =	sld [smem:$0x3FA4]  }
0x3d: {  	_ =	shalt  }
0x3e: {  	_ =	shalt  }
0x3f: {  	_ =	shalt  }
0x40: {  	_ =	shalt  }
0x41: {  	_ =	shalt  }
0x42: {  	_ =	shalt  }
0x43: {  	_ =	shalt  }
0x44: {  	_ =	shalt  }
0x45: {  	_ =	shalt  }
0x46: {  	_ =	shalt  }
0x47: {  	_ =	shalt  }
0x48: {  	_ =	shalt  }
0x49: {  	_ =	shalt  }
0x4a: {  	_ =	shalt  }
0x4b: {  	_ =	shalt  }
0x4c: {  	_ =	shalt  }
0x4d: {  	_ =	shalt  }
0x4e: {  	_ =	shalt  }
0x4f: {  	_ =	shalt  }
0x50: {  	_ =	shalt  }
0x51: {  	_ =	shalt  }
0x52: {  	_ =	shalt  }
0x53: {  	_ =	shalt  }
0x54: {  	_ =	shalt  }
0x55: {  	_ =	shalt  }
0x56: {  	_ =	shalt  }
0x57: {  	_ =	shalt  }
0x58: {  	_ =	shalt  }
0x59: {  	_ =	shalt  }
0x5a: {  	_ =	shalt  }
0x5b: {  	_ =	shalt  }
0x5c: {  	_ =	shalt  }
0x5d: {  	_ =	shalt  }
0x5e: {  	_ =	shalt  }
0x5f: {  	_ =	shalt  }
0x60: {  	_ =	shalt  }
0x61: {  	_ =	shalt  }
0x62: {  	_ =	shalt  }
0x63: {  	_ =	shalt  }
0x64: {  	_ =	shalt  }
0x65: {  	_ =	shalt  }
0x66: {  	_ =	shalt  }
0x67: {  	_ =	shalt  }
0x68: {  	_ =	shalt  }
0x69: {  	_ =	shalt  }
0x6a: {  	_ =	shalt  }
0x6b: {  	_ =	shalt  }
0x6c: {  	_ =	shalt  }
0x6d: {  	_ =	shalt  }
0x6e: {  	_ =	shalt  }
0x6f: {  	_ =	shalt  }
0x70: {  	_ =	shalt  }
0x71: {  	_ =	shalt  }
0x72: {  	_ =	shalt  }
0x73: {  	_ =	shalt  }
0x74: {  	_ =	shalt  }
0x75: {  	_ =	shalt  }
0x76: {  	_ =	shalt  }
0x77: {  	_ =	shalt  }
0x78: {  	_ =	shalt  }
0x79: {  	_ =	shalt  }
0x7a: {  	_ =	shalt  }
0x7b: {  	_ =	shalt  }
0x7c: {  	_ =	shalt  }
0x7d: {  	_ =	shalt  }
0x7e: {  	_ =	shalt  }
0x7f: {  	_ =	shalt  }
0x80: {  	_ =	shalt  }
0x81: {  	_ =	shalt  }
0x82: {  	_ =	shalt  }
0x83: {  	_ =	shalt  }
0x84: {  	_ =	shalt  }
0x85: {  	_ =	shalt  }
0x86: {  	_ =	shalt  }
0x87: {  	_ =	shalt  }
.Lfunc_end0:
.L_simem_size_0:
called_computation.2_lowered:
.L_overlay_start_0:
0x88: {  	s2 =	sld [smem:$0x3FD9]  }
0x89: {  	s3 =	sld [smem:$0x3FFE];
	_ =	sdelay $0x1  }
0x8a: {  	s1 =	srdreg.scid  }
0x8b: {  	s0 =	sand.u32 $0x1, s1  }
0x8c: {  	s16 =	sshll.u32 s0, $0xA;
	s2 =	sadd.s32 s3, s2  }
0x8d: {  	s2 =	sadd.s32 s2, s16  }
0x8e: {  	[smem:$0x3FB0] =	sst s2  }
0x8f: {  	_ = 	snop  }
0x90: {  	(tm) =	ssettm $0x1  }
0x91: {  	s17 =	sld [smem:$0x3FFB];
	_ =	sdelay $0x3  }
0x92: {  	_ =	strace s17  }
0x93: {  	s2 =	sld [smem:$0x3FFC];
	_ =	sdelay $0x3  }
0x94: {  	_ =	strace s2  }
0x95: {  	s2 =	sld [smem:$0x3FFD];
	_ =	sdelay $0x3  }
0x96: {  	_ =	strace s2  }
0x97: {  	_ =	strace $0x8FFFFFFF  }
0x98: {  	s18 =	sld [smem:$0x3FDB];
	_ =	sdelay $0x1  }
0x99: {  	s19 =	simm.s32 $_scs_section_size  }
0x9a: {  	s4 =	simm.s32 $_size__tile_overlayer_lowered;
	s5 =	simm.s32 $_tile_overlayer_lowered  }
0x9b: {  	s22 =	simm.s32 $0x1BFF;
	s21 =	sshll.u32 s5, $0x1;
	s2 =	sadd.s32 s19, s18  }
0x9c: {  	s6 =	simm.s32 $0x0;
	s20 =	sshll.u32 s4, $0x1;
	s4 =	sadd.s32 s21, s2  }
0x9d: {  	[timem:s6], [sflag:s22] =	dma.local [hbm:s4], s20  }
0x9e: {  	_ =	swait.ge [sflag:s22], s20  }
0x9f: {  	s3 =	ssub.s32 $0x0, s20;
	[sflag:s22] =	ssyncset.done $0x0  }
0xa0: {  	[sflag:s22] =	ssyncadd.s32 s3;
	_ =	sdelay $0x1  }
0xa1: {  	s23 =	simm.s32 $0x1B8B  }
0xa2: {  	_ =	swait.ge [sflag:s23], $0x1  }
0xa3: {  	[sflag:s23] =	ssyncset.done $0x0  }
0xa4: {  	s25 =	simm.s32 $0x1B8E;
	s24 =	sld [smem:$0x3FFE];
	[sflag:s23] =	ssyncadd.s32 $0xFFFFFFFF  }
0xa5: {  	s26 =	simm.s32 $execute0_lowered;
	[smem:$0x3FD2] =	sst s25  }
0xa6: {  	s4 =	sshll.u32 s26, $0x1;
	_ =	strace $0x80000049;
	[dreg:$0x1] =	wrdreg $0xFFFFFFFF  }
0xa7: {  	s28 =	simm.s32 $_size_execute0_lowered;
	s2 =	sadd.s32 s2, s4;
	[dreg:$0x0] =	wrdreg $0x0  }
0xa8: {  	s4 =	sshll.u32 s28, $0x1;
	[dreg:$0x2] =	wrdreg s2  }
0xa9: {  	[dreg:$0x3] =	wrdreg s4  }
0xaa: {  	[dreg:$0x4] =	wrdreg $0xC0  }
0xab: {  	_ =	task [dreg:s6], $0x5FFFF  }
0xac: {  	[dreg:$0x1] =	wrdreg $0xFFFFFFFF  }
0xad: {  	[dreg:$0x0] =	wrdreg $0x60  }
0xae: {  	[dreg:$0x2] =	wrdreg s24  }
0xaf: {  	[dreg:$0x3] =	wrdreg $0x80800  }
0xb0: {  	[dreg:$0x4] =	wrdreg $0x120800  }
0xb1: {  	[dreg:$0x5] =	wrdreg $0x9  }
0xb2: {  	_ =	task.clear_ibuf [dreg:s6], $0x6FFFF;
	_ =	strace $0x90000049  }
0xb3: {  	s29 =	simm.s32 $0x9;
	_ =	strace $0x8000004B  }
0xb4: {  	_ =	swait.ge [sflag:s29], $0x1  }
0xb5: {  	[sflag:s29] =	ssyncadd.s32 $0xFFFFFFFF  }
0xb6: {  	_ =	strace $0x9000004B  }
0xb7: {  	_ =	sfence  }
0xb8: {  	s30 =	sld [smem:$0x0];
	_ =	sdelay $0x2  }
0xb9: {  	s31 =	sshll.u32 s1, $0xD;
	s1 =	sshrl.u32 s1, $0x2  }
0xba: {  	s3 =	sand.u32 $0x4000, s31;
	s1 =	sadd.s32 s1, s30  }
0xbb: {  	s0 =	sor.u32 s3, s0;
	s1 =	sshll.u32 s1, $0x11  }
0xbc: {  	s0 =	sor.u32 s1, s0  }
0xbd: {  	s0 =	sadd.s32 $0x8F2B, s0  }
0xbe: {  	[sflag:s0] =	ssyncadd.remote.s32 $0x1  }
0xbf: {  	_ =	sfence.sel $0xFFFF  }
0xc0: {  	[dreg:$0x0] =	wrdreg $0xFFFFFFFF;
	(pc) =	sbr.abs _section_cstart, $3  }
0xc1: {  	[dreg:$0x1] =	wrdreg $0xFFFFFFFF  }
0xc2: {  	_ =	task.clear_ibuf [dreg:s6], $0x2FFFF;
	_ =	strace $0x9FFFFFFF  }
0xc3: {  	(tm) =	ssettm $0x7FFFFFFF  }
tec
execute0_lowered:
.L_overlay_start_1:
0x0: {  	(tag) =	ssettag $0x1  }
0x1: {  	s8 =	rddreg [dreg:$0x0]  }
0x2: {  	s1 =	rddreg [dreg:$0x1]  }
0x3: {  	s0 =	srdreg.scid;
	s28 =	stileid.u32  }
0x4: {  	s2 =	rddreg [dreg:$0x2];
	s3 =	simm.s32 $0x0;
	s12 =	smul.u32 $0xA000, s28  }
0x5: {  	s26 =	simm.s32 $0x0;
	s17 =	sand.u32 $0x1, s0;
	s30 =	smul.u32 $0x28000, s28  }
0x6: {  	[smem:$0x7FF] =	sst s3;
	s5 =	sadd.s32 $0xF7AE00, s8;
	s31 =	smul.u32 $0x500, s28  }
0x7: {  	s6 =	sadd.s32 $0x5800, s8;
	s7 =	sadd.s32 $0x6000, s8;
	s4 =	smul.u32 $0x280000, s17  }
0x8: {  	s18 =	sadd.s32 $0x2E800, s8;
	s19 =	sadd.s32 $0x6800, s8;
	s22 =	smul.u32 $0xA0000, s17  }
0x9: {  	_ =	strace $0x8000004A;
	s9 =	ssub.s32 $0x2, s17;
	s25 =	smul.u32 $0x5000, s17  }
0xa: {  	s29 =	sshrl.u32 s9, $0x1;
	s16 =	sadd.s32 $0x4000, s12;
	s23 =	sadd.s32 $0x8000, s12  }
0xb: {  	s21 =	sadd.s32 s4, s8;
	s20 =	ssub.s32 s9, s29;
	s8 =	sadd.s32 s12, s1  }
0xc: {  	s9 =	sadd.s32 s12, s2;
	s10 =	sadd.s32 s16, s1;
	s11 =	sadd.s32 s16, s2  }
0xd: {  	s14 =	sadd.s32 s12, s22;
	s12 =	sadd.s32 s23, s1;
	s13 =	sadd.s32 s23, s2  }
0xe: {  	s16 =	sadd.s32 s22, s16;
	s22 =	sadd.s32 s22, s23;
	s23 =	simm.s32 $0x80  }
0xf: {  	s15 =	sshrl.u32 s14, $0x3;
	s24 =	sshrl.u32 s16, $0x3;
	s22 =	sshrl.u32 s22, $0x3  }
0x10: {  	s20 =	smax.u32 s20, $0x1;
	s21 =	sadd.s32 s30, s21;
	s14 =	sadd.s32 s18, s15  }
0x11: {  	s15 =	sadd.s32 s19, s15;
	s16 =	sadd.s32 s18, s24;
	s17 =	sadd.s32 s19, s24  }
0x12: {  	s18 =	sadd.s32 s18, s22;
	s19 =	sadd.s32 s19, s22;
	s21 =	sadd.s32 $0x195CE00, s21  }
0x13: {  	s22 =	sadd.s32 s31, s25;
	s24 =	simm.s32 $0x1;
	s25 =	simm.s32 $0x4080  }
.LBB2_1:
0x14: {  	[tilespmem:s23], [sflag:$0x1] =	stream.linear.gather [hbm4b:s6+s3], $0x4000, $0x38;
	[tilespmem:$0x1C080] =	vst v63  }
0x15: {  	_ =	swait.ge [sflag:s24], $0x4000  }
0x16: {  	[sflag:s24] =	ssyncset.done $0x0  }
0x17: {  	[sflag:s24] =	ssyncadd.s32 $0xFFFFC000  }
0x18: {  	[spmem:s8] =	stream.linear.scatter [tilespmem:s23], [sflag:$0x1], $0x4000, $0x38;
	[tilespmem:$0x1C080] =	vst v63  }
0x19: {  	_ =	swait.ge [sflag:s24], $0x4000  }
0x1a: {  	[sflag:s24] =	ssyncset.done $0x0  }
0x1b: {  	[sflag:s24] =	ssyncadd.s32 $0xFFFFC000  }
0x1c: {  	[spmem:s9] =	stream.linear.scatter [tilespmem:s23], [sflag:$0x1], $0x4000, $0x38;
	[tilespmem:$0x1C080] =	vst v63  }
0x1d: {  	_ =	swait.ge [sflag:s24], $0x4000  }
0x1e: {  	[sflag:s24] =	ssyncset.done $0x0  }
0x1f: {  	[sflag:s24] =	ssyncadd.s32 $0xFFFFC000  }
0x20: {  	[spmem:s10] =	stream.linear.scatter [tilespmem:s23], [sflag:$0x1], $0x4000, $0x38;
	[tilespmem:$0x1C080] =	vst v63  }
0x21: {  	_ =	swait.ge [sflag:s24], $0x4000  }
0x22: {  	[sflag:s24] =	ssyncset.done $0x0  }
0x23: {  	[sflag:s24] =	ssyncadd.s32 $0xFFFFC000  }
0x24: {  	[spmem:s11] =	stream.linear.scatter [tilespmem:s23], [sflag:$0x1], $0x4000, $0x38;
	[tilespmem:$0x1C080] =	vst v63  }
0x25: {  	_ =	swait.ge [sflag:s24], $0x4000  }
0x26: {  	[sflag:s24] =	ssyncset.done $0x0  }
0x27: {  	[sflag:s24] =	ssyncadd.s32 $0xFFFFC000  }
0x28: {  	[spmem:s12] =	stream.linear.scatter [tilespmem:s23], [sflag:$0x1], $0x2000, $0x38;
	[tilespmem:$0x1C080] =	vst v63  }
0x29: {  	_ =	swait.ge [sflag:s24], $0x2000  }
0x2a: {  	[sflag:s24] =	ssyncset.done $0x0  }
0x2b: {  	[sflag:s24] =	ssyncadd.s32 $0xFFFFE000  }
0x2c: {  	[spmem:s13] =	stream.linear.scatter [tilespmem:s23], [sflag:$0x1], $0x2000, $0x38;
	[tilespmem:$0x1C080] =	vst v63  }
0x2d: {  	_ =	swait.ge [sflag:s24], $0x2000  }
0x2e: {  	[sflag:s24] =	ssyncset.done $0x0  }
0x2f: {  	[sflag:s24] =	ssyncadd.s32 $0xFFFFE000  }
0x30: {  	[tilespmem:s25], [sflag:$0x1] =	stream.linear.gather [hbm4b:s7+s3], $0x4000, $0x38;
	[tilespmem:$0x1C080] =	vst v63  }
0x31: {  	_ =	swait.ge [sflag:s24], $0x4000  }
0x32: {  	s28 =	sadd.s32 $0x0, s22;
	s29 =	sand.u32 $0x70, s3;
	[sflag:s24] =	ssyncset.done $0x0  }
0x33: {  	s28 =	sand.u32 $0x1FF80, s28;
	s29 =	sadd.s32 s5, s29;
	[sflag:s24] =	ssyncadd.s32 $0xFFFFC000  }
0x34: {  	s28 =	sadd.s32 s28, s29;
	[bflag:$0x0] =	sbarrier.arrive $0xFFFF  }
0x35: {  	[tilespmem:s3], [sflag:$0x1] =	stream.linear.gather [hbm4b:s28+s3], $0x80, $0x38;
	[tilespmem:$0x1C080] =	vst v63  }
0x36: {  	_ =	swait.ge [sflag:s24], $0x80  }
0x37: {  	[sflag:s24] =	ssyncset.done $0x0  }
0x38: {  	[sflag:s24] =	ssyncadd.s32 $0xFFFFFF80  }
0x39: {  	[tilespmem:s23], [sflag:$0x1] =	stream.linear.gather [hbm4b:s21+s3], $0x4000, $0x38;
	[tilespmem:$0x1C080] =	vst v63  }
0x3a: {  	_ =	swait.ge [sflag:s24], $0x4000  }
0x3b: {  	[sflag:s24] =	ssyncset.done $0x0  }
0x3c: {  	[sflag:s24] =	ssyncadd.s32 $0xFFFFC000  }
0x3d: {  	[spmem:s1] =	stream.indirect.scatter.add.f32 [tilespmem:s23], [sflag:$0x1], $0x80, s3, s23, $0xb8;
	[tilespmem:$0x1C080] =	vst v63  }
0x3e: {  	_ =	swait.ge [sflag:s24], $0x4000  }
0x3f: {  	s30 =	simm.s32 $0x10;
	[sflag:s24] =	ssyncset.done $0x0  }
0x40: {  	s31 =	sadd.s32 $0x10, s22;
	s0 =	sand.u32 $0x70, s30;
	[sflag:s24] =	ssyncadd.s32 $0xFFFFC000  }
0x41: {  	[spmem:s2] =	stream.indirect.scatter.add.f32 [tilespmem:s25], [sflag:$0x1], $0x80, s3, s23, $0xb8;
	[tilespmem:$0x1C080] =	vst v63  }
0x42: {  	s30 =	sand.u32 $0x1FF80, s31;
	s29 =	simm.s32 $0x20;
	_ =	swait.ge [sflag:s24], $0x4000  }
0x43: {  	s31 =	sadd.s32 s5, s0;
	s28 =	sadd.s32 $0x800, s21;
	[sflag:s24] =	ssyncset.done $0x0  }
.LBB2_2:
0x44: {  	s0 =	sadd.s32 s30, s31  }
0x45: {  	[sflag:s24] =	ssyncadd.s32 $0xFFFFC000;
	s30 =	smov.u32 s29;
	s4 =	sadd.s32 $0x10, s29  }
0x46: {  	[tilespmem:s3], [sflag:$0x1] =	stream.linear.gather [hbm4b:s0+s3], $0x80, $0x38;
	[tilespmem:$0x1C080] =	vst v63  }
0x47: {  	p0 =	sne.s32 s29, $0x4F0;
	_ =	swait.ge [sflag:s24], $0x80  }
0x48: {  	[sflag:s24] =	ssyncset.done $0x0  }
0x49: {  	[sflag:s24] =	ssyncadd.s32 $0xFFFFFF80  }
0x4a: {  	[tilespmem:s23], [sflag:$0x1] =	stream.linear.gather [hbm4b:s28+s3], $0x4000, $0x38;
	[tilespmem:$0x1C080] =	vst v63  }
0x4b: {  	_ =	swait.ge [sflag:s24], $0x4000  }
0x4c: {  	[sflag:s24] =	ssyncset.done $0x0  }
0x4d: {  	[sflag:s24] =	ssyncadd.s32 $0xFFFFC000  }
0x4e: {  	[spmem:s1] =	stream.indirect.scatter.add.f32 [tilespmem:s23], [sflag:$0x1], $0x80, s3, s23, $0xb8;
	[tilespmem:$0x1C080] =	vst v63  }
0x4f: {  	_ =	swait.ge [sflag:s24], $0x4000  }
.Ltmp0:
0x50: {  	[sflag:s24] =	ssyncset.done $0x0;
	(pc) =	sbr.rel @p0 .LBB2_2-.Ltmp0, $4  }
0x51: {  	s0 =	sadd.s32 s30, s22;
	s28 =	sadd.s32 $0x800, s28;
	[sflag:s24] =	ssyncadd.s32 $0xFFFFC000  }
0x52: {  	[spmem:s2] =	stream.indirect.scatter.add.f32 [tilespmem:s25], [sflag:$0x1], $0x80, s3, s23, $0xb8;
	[tilespmem:$0x1C080] =	vst v63  }
0x53: {  	s29 =	sand.u32 $0x70, s30;
	s30 =	sand.u32 $0x1FF80, s0;
	_ =	swait.ge [sflag:s24], $0x4000  }
0x54: {  	s31 =	sadd.s32 s5, s29;
	s29 =	smov.u32 s4;
	[sflag:s24] =	ssyncset.done $0x0  }
0x55: {  	s0 =	sadd.s32 s30, s31;
	[sflag:s24] =	ssyncadd.s32 $0xFFFFC000  }
0x56: {  	[tilespmem:s3], [sflag:$0x1] =	stream.linear.gather [hbm4b:s0+s3], $0x80, $0x38;
	[tilespmem:$0x1C080] =	vst v63  }
0x57: {  	_ =	swait.ge [sflag:s24], $0x80  }
0x58: {  	[sflag:s24] =	ssyncset.done $0x0  }
0x59: {  	[sflag:s24] =	ssyncadd.s32 $0xFFFFFF80  }
0x5a: {  	[tilespmem:s23], [sflag:$0x1] =	stream.linear.gather [hbm4b:s28+s3], $0x4000, $0x38;
	[tilespmem:$0x1C080] =	vst v63  }
0x5b: {  	_ =	swait.ge [sflag:s24], $0x4000  }
0x5c: {  	[sflag:s24] =	ssyncset.done $0x0  }
0x5d: {  	[sflag:s24] =	ssyncadd.s32 $0xFFFFC000  }
0x5e: {  	[spmem:s1] =	stream.indirect.scatter.add.f32 [tilespmem:s23], [sflag:$0x1], $0x80, s3, s23, $0xb8;
	[tilespmem:$0x1C080] =	vst v63  }
0x5f: {  	_ =	swait.ge [sflag:s24], $0x4000  }
0x60: {  	[sflag:s24] =	ssyncset.done $0x0  }
0x61: {  	[sflag:s24] =	ssyncadd.s32 $0xFFFFC000  }
0x62: {  	[spmem:s2] =	stream.indirect.scatter.add.f32 [tilespmem:s25], [sflag:$0x1], $0x80, s3, s23, $0xb8;
	[tilespmem:$0x1C080] =	vst v63  }
0x63: {  	_ =	swait.ge [sflag:s24], $0x4000  }
0x64: {  	[sflag:s24] =	ssyncset.done $0x0  }
0x65: {  	[sflag:s24] =	ssyncadd.s32 $0xFFFFC000  }
0x66: {  	[bflag:$0x0] =	sbarrier.arrive $0xFFFF  }
0x67: {  	[tilespmem:s23], [sflag:$0x1] =	stream.linear.gather [spmem:s8], $0x4000, $0x38;
	[tilespmem:$0x1C080] =	vst v63  }
0x68: {  	_ =	swait.ge [sflag:s24], $0x4000  }
0x69: {  	[sflag:s24] =	ssyncset.done $0x0  }
0x6a: {  	[sflag:s24] =	ssyncadd.s32 $0xFFFFC000  }
0x6b: {  	[hbm4b:s14+s3] =	stream.linear.scatter [tilespmem:s23], [sflag:$0x1], $0x4000, $0x38;
	[tilespmem:$0x1C080] =	vst v63  }
0x6c: {  	_ =	swait.ge [sflag:s24], $0x4000  }
0x6d: {  	[sflag:s24] =	ssyncset.done $0x0  }
0x6e: {  	[sflag:s24] =	ssyncadd.s32 $0xFFFFC000  }
0x6f: {  	[tilespmem:s25], [sflag:$0x1] =	stream.linear.gather [spmem:s9], $0x4000, $0x38;
	[tilespmem:$0x1C080] =	vst v63  }
0x70: {  	_ =	swait.ge [sflag:s24], $0x4000  }
0x71: {  	[sflag:s24] =	ssyncset.done $0x0  }
0x72: {  	[sflag:s24] =	ssyncadd.s32 $0xFFFFC000  }
0x73: {  	[hbm4b:s15+s3] =	stream.linear.scatter [tilespmem:s25], [sflag:$0x1], $0x4000, $0x38;
	[tilespmem:$0x1C080] =	vst v63  }
0x74: {  	_ =	swait.ge [sflag:s24], $0x4000  }
0x75: {  	[sflag:s24] =	ssyncset.done $0x0  }
0x76: {  	[sflag:s24] =	ssyncadd.s32 $0xFFFFC000  }
0x77: {  	[tilespmem:s23], [sflag:$0x1] =	stream.linear.gather [spmem:s10], $0x4000, $0x38;
	[tilespmem:$0x1C080] =	vst v63  }
0x78: {  	_ =	swait.ge [sflag:s24], $0x4000  }
0x79: {  	[sflag:s24] =	ssyncset.done $0x0  }
0x7a: {  	[sflag:s24] =	ssyncadd.s32 $0xFFFFC000  }
0x7b: {  	[hbm4b:s16+s3] =	stream.linear.scatter [tilespmem:s23], [sflag:$0x1], $0x4000, $0x38;
	[tilespmem:$0x1C080] =	vst v63  }
0x7c: {  	_ =	swait.ge [sflag:s24], $0x4000  }
0x7d: {  	[sflag:s24] =	ssyncset.done $0x0  }
0x7e: {  	[sflag:s24] =	ssyncadd.s32 $0xFFFFC000  }
0x7f: {  	[tilespmem:s25], [sflag:$0x1] =	stream.linear.gather [spmem:s11], $0x4000, $0x38;
	[tilespmem:$0x1C080] =	vst v63  }
0x80: {  	_ =	swait.ge [sflag:s24], $0x4000  }
0x81: {  	[sflag:s24] =	ssyncset.done $0x0  }
0x82: {  	[sflag:s24] =	ssyncadd.s32 $0xFFFFC000  }
0x83: {  	[hbm4b:s17+s3] =	stream.linear.scatter [tilespmem:s25], [sflag:$0x1], $0x4000, $0x38;
	[tilespmem:$0x1C080] =	vst v63  }
0x84: {  	_ =	swait.ge [sflag:s24], $0x4000  }
0x85: {  	[sflag:s24] =	ssyncset.done $0x0  }
0x86: {  	[sflag:s24] =	ssyncadd.s32 $0xFFFFC000  }
0x87: {  	[tilespmem:s23], [sflag:$0x1] =	stream.linear.gather [spmem:s12], $0x2000, $0x38;
	[tilespmem:$0x1C080] =	vst v63  }
0x88: {  	_ =	swait.ge [sflag:s24], $0x2000  }
0x89: {  	[sflag:s24] =	ssyncset.done $0x0  }
0x8a: {  	[sflag:s24] =	ssyncadd.s32 $0xFFFFE000  }
0x8b: {  	[hbm4b:s18+s3] =	stream.linear.scatter [tilespmem:s23], [sflag:$0x1], $0x2000, $0x38;
	[tilespmem:$0x1C080] =	vst v63  }
0x8c: {  	_ =	swait.ge [sflag:s24], $0x2000  }
0x8d: {  	[sflag:s24] =	ssyncset.done $0x0  }
0x8e: {  	[sflag:s24] =	ssyncadd.s32 $0xFFFFE000  }
0x8f: {  	[tilespmem:s25], [sflag:$0x1] =	stream.linear.gather [spmem:s13], $0x2000, $0x38;
	[tilespmem:$0x1C080] =	vst v63  }
0x90: {  	s26 =	sadd.s32 $0x1, s26;
	_ =	swait.ge [sflag:s24], $0x2000  }
0x91: {  	p0 =	sne.s32 s26, s20;
	[sflag:s24] =	ssyncset.done $0x0  }
.Ltmp1:
0x92: {  	[sflag:s24] =	ssyncadd.s32 $0xFFFFE000;
	(pc) =	sbr.rel @p0 .LBB2_1-.Ltmp1, $4  }
0x93: {  	[hbm4b:s19+s3] =	stream.linear.scatter [tilespmem:s25], [sflag:$0x1], $0x2000, $0x38;
	[tilespmem:$0x1C080] =	vst v63  }
0x94: {  	_ =	swait.ge [sflag:s24], $0x2000  }
0x95: {  	[sflag:s24] =	ssyncset.done $0x0  }
0x96: {  	[sflag:s24] =	ssyncadd.s32 $0xFFFFE000  }
0x97: {  	_ =	sfence.sel $0x180000  }
0x98: {  	[bflag:$0x0] =	sbarrier.arrive $0xFFFF  }
0x99: {  	_ =	strace $0x9000004A  }
0x9a: {  	s0 =	stileid.u32;
	[bflag:$0x2] =	sbarrier.arrive $0xFFFF  }
0x9b: {  	p0 =	sne.s32 s0, $0x0;
	s0 =	rddreg [dreg:$0x3]  }
0x9c: {  	s0 =	sadd.s32 @!p0 $0x100000, s0  }
0x9d: {  	[sflag:s0] =	ssyncadd.tile.s32 @!p0 $0x1;
	_ =	shalt  }
.Lfunc_end2:
_tile_overlayer_lowered:
.L_overlay_start_2:
0x9e: {  	(tag) =	ssettag $0x2  }
0x9f: {  	s0 =	rddreg [dreg:$0x0];
	s2 =	stileid.u32  }
0xa0: {  	s1 =	rddreg [dreg:$0x1];
	p0 =	sne.s32 s2, $0x0  }
0xa1: {  	s3 =	rddreg [dreg:$0x2];
	[bflag:$0x3] =	sbarrier.arrive $0xFFFF;
	s2 =	simm.s32 @!p0 $0x1C01  }
0xa2: {  	[timem:s3], [sflag:s2] =	dma.local @!p0 [hbm:s0], s1  }
0xa3: {  	s0 =	simm.s32 @!p0 $0x1  }
0xa4: {  	_ =	swait.ge @!p0 [sflag:s0], s1  }
0xa5: {  	s1 =	ssub.s32 @!p0 $0x0, s1;
	[sflag:s0] =	ssyncset.done @!p0 $0x0  }
0xa6: {  	[sflag:s0] =	ssyncadd.s32 @!p0 s1  }
0xa7: {  	[bflag:$0x3] =	sbarrier.arrive $0xFFFF  }
0xa8: {  	_ =	shalt  }

// kernel: kernel.21.cloned.1.call-start
scs
__scs_entry_jumppad:
0x0: {  	(pc) =	sbr.rel $0x88, $3  }
0x1: {  	(tag) =	ssettag $0x0;
	lr =	simm.s32 $0x1  }
0x2: {  	[smem:$0x3F89] =	sst lr;
	_ =	strace $0xD0000000  }
0x3: {  	_ = 	snop  }
0x4: {  	_ = 	snop  }
0x5: {  	_ = 	snop  }
0x6: {  	_ = 	snop  }
0x7: {  	_ = 	snop  }
__scs_overlays_trampoline_lowered:
0x8: {  	[smem:$0x3F98] =	sst s0  }
0x9: {  	[smem:$0x3F99] =	sst s1  }
0xa: {  	[smem:$0x3F9A] =	sst s2  }
0xb: {  	[smem:$0x3F9B] =	sst s3  }
0xc: {  	[smem:$0x3F9C] =	sst s4  }
0xd: {  	[smem:$0x3F9D] =	sst s5  }
0xe: {  	[smem:$0x3F9E] =	sst s6  }
0xf: {  	[smem:$0x3F9F] =	sst s7  }
0x10: {  	[smem:$0x3FA0] =	sst s8  }
0x11: {  	[smem:$0x3FA1] =	sst s9;
	s0 =	simm.s32 @!p0 $0x0  }
0x12: {  	s1 =	sld [smem:$0x3F87];
	s0 =	simm.s32 @p0 $0x1  }
0x13: {  	[smem:$0x3FA2] =	sst s0;
	s0 =	simm.s32 @!p1 $0x0  }
0x14: {  	s2 =	sld [smem:$0x3F86];
	s0 =	simm.s32 @p1 $0x1  }
0x15: {  	[smem:$0x3FA3] =	sst s0;
	s0 =	simm.s32 @!p2 $0x0  }
0x16: {  	s3 =	sld [smem:$0x3FDB];
	s0 =	simm.s32 @p2 $0x1  }
0x17: {  	s4 =	simm.s32 $0x1BF5;
	[smem:$0x3FA5] =	sst s0  }
0x18: {  	s0 =	sld [smem:$0x3F88];
	_ =	swait.ge [sflag:s4], $0x0  }
0x19: {  	s7 =	sld [smem:$0x3F89]  }
0x1a: {  	s8 =	sadd.s32 $0xFFFFE003, lr  }
0x1b: {  	s9 =	sadd.s32 $0xFFFFFEF7, lr;
	s5 =	simm.s32 $0xFFFFFFFF;
	p2 =	slt.u32 s8, $0xFFFFF086  }
0x1c: {  	p1 =	slt.u32 s9, $0xF7A;
	s5 =	simm.s32 @!p2 $0x0  }
0x1d: {  	s5 =	simm.s32 @p1 $0x1;
	p0 =	seq.s32 s7, s2  }
0x1e: {  	s7 =	smul.u32 @!p0 $0xF7A, s2;
	p2 =	seq.s32 @!p0 s5, $0x0  }
0x1f: {  	s9 =	smul.u32 $0xF7A, s1;
	s8 =	simm.s32 @!p0 $0x1BF5;
	p2 =	por !p2, p0  }
0x20: {  	[sflag:s8] =	ssyncset.s32 @!p0 $0xFFFFF086;
	s6 =	sadd.s32 @!p0 s3, s7;
	s7 =	simm.s32 @!p0 $0x108  }
0x21: {  	s3 =	sadd.s32 s3, s9;
	s6 =	sadd.s32 @!p0 $0x88, s6;
	s7 =	simm.s32 @p2 $0x1082  }
0x22: {  	[simem:s7], [sflag:s8] =	dma.local @!p0 [hbm:s6], $0xF7A  }
0x23: {  	s9 =	sor.u32 $0xD0000000, s2;
	s6 =	simm.s32 $0x108;
	_ =	swait.ge @!p0 [sflag:s8], $0x0  }
0x24: {  	s3 =	sadd.s32 $0x88, s3;
	s6 =	simm.s32 @!p1 $0x1082;
	[sflag:s4] =	ssyncset.s32 $0xFFFFF086  }
0x25: {  	[simem:s6], [sflag:s4] =	dma.local [hbm:s3], $0xF7A  }
0x26: {  	[smem:$0x3F89] =	sst s1;
	(tag) =	ssettag s2;
	_ =	strace s9  }
0x27: {  	s1 =	sld [smem:$0x3F99]  }
0x28: {  	s2 =	sld [smem:$0x3F9A]  }
0x29: {  	s4 =	sld [smem:$0x3F9C]  }
0x2a: {  	p0 =	seq.s32 s5, $0x0;
	s5 =	sld [smem:$0x3F9D]  }
0x2b: {  	s6 =	sld [smem:$0x3F9E]  }
0x2c: {  	s7 =	sld [smem:$0x3F9F]  }
0x2d: {  	s3 =	simm.s32 $0x108;
	s8 =	sld [smem:$0x3FA0]  }
0x2e: {  	s3 =	simm.s32 @!p0 $0x1082;
	s9 =	sld [smem:$0x3FA1]  }
0x2f: {  	lr =	sadd.s32 s0, s3;
	s0 =	sld [smem:$0x3F98]  }
0x30: {  	s3 =	sld [smem:$0x3F9B]  }
0x31: {  	[smem:$0x3FA4] =	sst s10  }
0x32: {  	s10 =	sld [smem:$0x3FA2];
	_ =	sdelay $0x3  }
0x33: {  	p0 =	seq.s32 s10, $0x1;
	s10 =	sld [smem:$0x3FA4];
	_ =	sdelay $0x3  }
0x34: {  	[smem:$0x3FA4] =	sst s10  }
0x35: {  	s10 =	sld [smem:$0x3FA3];
	_ =	sdelay $0x3  }
0x36: {  	p1 =	seq.s32 s10, $0x1;
	s10 =	sld [smem:$0x3FA4];
	_ =	sdelay $0x3  }
0x37: {  	[smem:$0x3FA4] =	sst s10  }
0x38: {  	s10 =	sld [smem:$0x3FA5]  }
0x39: {  	_ = 	snop;
	(pc) =	sbr.ind lr, $3  }
0x3a: {  	_ = 	snop  }
0x3b: {  	_ = 	snop  }
0x3c: {  	p2 =	seq.s32 s10, $0x1;
	s10 =	sld [smem:$0x3FA4]  }
0x3d: {  	_ =	shalt  }
0x3e: {  	_ =	shalt  }
0x3f: {  	_ =	shalt  }
0x40: {  	_ =	shalt  }
0x41: {  	_ =	shalt  }
0x42: {  	_ =	shalt  }
0x43: {  	_ =	shalt  }
0x44: {  	_ =	shalt  }
0x45: {  	_ =	shalt  }
0x46: {  	_ =	shalt  }
0x47: {  	_ =	shalt  }
0x48: {  	_ =	shalt  }
0x49: {  	_ =	shalt  }
0x4a: {  	_ =	shalt  }
0x4b: {  	_ =	shalt  }
0x4c: {  	_ =	shalt  }
0x4d: {  	_ =	shalt  }
0x4e: {  	_ =	shalt  }
0x4f: {  	_ =	shalt  }
0x50: {  	_ =	shalt  }
0x51: {  	_ =	shalt  }
0x52: {  	_ =	shalt  }
0x53: {  	_ =	shalt  }
0x54: {  	_ =	shalt  }
0x55: {  	_ =	shalt  }
0x56: {  	_ =	shalt  }
0x57: {  	_ =	shalt  }
0x58: {  	_ =	shalt  }
0x59: {  	_ =	shalt  }
0x5a: {  	_ =	shalt  }
0x5b: {  	_ =	shalt  }
0x5c: {  	_ =	shalt  }
0x5d: {  	_ =	shalt  }
0x5e: {  	_ =	shalt  }
0x5f: {  	_ =	shalt  }
0x60: {  	_ =	shalt  }
0x61: {  	_ =	shalt  }
0x62: {  	_ =	shalt  }
0x63: {  	_ =	shalt  }
0x64: {  	_ =	shalt  }
0x65: {  	_ =	shalt  }
0x66: {  	_ =	shalt  }
0x67: {  	_ =	shalt  }
0x68: {  	_ =	shalt  }
0x69: {  	_ =	shalt  }
0x6a: {  	_ =	shalt  }
0x6b: {  	_ =	shalt  }
0x6c: {  	_ =	shalt  }
0x6d: {  	_ =	shalt  }
0x6e: {  	_ =	shalt  }
0x6f: {  	_ =	shalt  }
0x70: {  	_ =	shalt  }
0x71: {  	_ =	shalt  }
0x72: {  	_ =	shalt  }
0x73: {  	_ =	shalt  }
0x74: {  	_ =	shalt  }
0x75: {  	_ =	shalt  }
0x76: {  	_ =	shalt  }
0x77: {  	_ =	shalt  }
0x78: {  	_ =	shalt  }
0x79: {  	_ =	shalt  }
0x7a: {  	_ =	shalt  }
0x7b: {  	_ =	shalt  }
0x7c: {  	_ =	shalt  }
0x7d: {  	_ =	shalt  }
0x7e: {  	_ =	shalt  }
0x7f: {  	_ =	shalt  }
0x80: {  	_ =	shalt  }
0x81: {  	_ =	shalt  }
0x82: {  	_ =	shalt  }
0x83: {  	_ =	shalt  }
0x84: {  	_ =	shalt  }
0x85: {  	_ =	shalt  }
0x86: {  	_ =	shalt  }
0x87: {  	_ =	shalt  }
.Lfunc_end0:
.L_simem_size_0:
called_computation.3_lowered:
.L_overlay_start_0:
0x88: {  	s2 =	sld [smem:$0x3FD9]  }
0x89: {  	s3 =	sld [smem:$0x3FFE];
	_ =	sdelay $0x1  }
0x8a: {  	s1 =	srdreg.scid  }
0x8b: {  	s0 =	sand.u32 $0x1, s1  }
0x8c: {  	s16 =	sshll.u32 s0, $0xA;
	s2 =	sadd.s32 s3, s2  }
0x8d: {  	s2 =	sadd.s32 s2, s16  }
0x8e: {  	[smem:$0x3FB0] =	sst s2  }
0x8f: {  	_ = 	snop  }
0x90: {  	(tm) =	ssettm $0x1  }
0x91: {  	s17 =	sld [smem:$0x3FFB];
	_ =	sdelay $0x3  }
0x92: {  	_ =	strace s17  }
0x93: {  	s2 =	sld [smem:$0x3FFC];
	_ =	sdelay $0x3  }
0x94: {  	_ =	strace s2  }
0x95: {  	s2 =	sld [smem:$0x3FFD];
	_ =	sdelay $0x3  }
0x96: {  	_ =	strace s2  }
0x97: {  	_ =	strace $0x8FFFFFFF  }
0x98: {  	s18 =	sld [smem:$0x3FDB];
	_ =	sdelay $0x1  }
0x99: {  	s19 =	simm.s32 $_scs_section_size  }
0x9a: {  	s4 =	simm.s32 $_size__tile_overlayer_lowered;
	s5 =	simm.s32 $_tile_overlayer_lowered  }
0x9b: {  	s22 =	simm.s32 $0x1BFF;
	s21 =	sshll.u32 s5, $0x1;
	s2 =	sadd.s32 s19, s18  }
0x9c: {  	s6 =	simm.s32 $0x0;
	s20 =	sshll.u32 s4, $0x1;
	s4 =	sadd.s32 s21, s2  }
0x9d: {  	[timem:s6], [sflag:s22] =	dma.local [hbm:s4], s20  }
0x9e: {  	_ =	swait.ge [sflag:s22], s20  }
0x9f: {  	s3 =	ssub.s32 $0x0, s20;
	[sflag:s22] =	ssyncset.done $0x0  }
0xa0: {  	[sflag:s22] =	ssyncadd.s32 s3;
	_ =	sdelay $0x1  }
0xa1: {  	s23 =	simm.s32 $0x1B8B  }
0xa2: {  	_ =	swait.ge [sflag:s23], $0x1  }
0xa3: {  	[sflag:s23] =	ssyncset.done $0x0  }
0xa4: {  	s25 =	simm.s32 $0x1B8E;
	s24 =	sld [smem:$0x3FFE];
	[sflag:s23] =	ssyncadd.s32 $0xFFFFFFFF  }
0xa5: {  	s26 =	simm.s32 $execute0_lowered;
	[smem:$0x3FD2] =	sst s25  }
0xa6: {  	s4 =	sshll.u32 s26, $0x1;
	_ =	strace $0x8000004C;
	[dreg:$0x1] =	wrdreg $0xFFFFFFFF  }
0xa7: {  	s28 =	simm.s32 $_size_execute0_lowered;
	s2 =	sadd.s32 s2, s4;
	[dreg:$0x0] =	wrdreg $0x0  }
0xa8: {  	s4 =	sshll.u32 s28, $0x1;
	[dreg:$0x2] =	wrdreg s2  }
0xa9: {  	[dreg:$0x3] =	wrdreg s4  }
0xaa: {  	[dreg:$0x4] =	wrdreg $0xC0  }
0xab: {  	_ =	task [dreg:s6], $0x5FFFF  }
0xac: {  	[dreg:$0x1] =	wrdreg $0xFFFFFFFF  }
0xad: {  	[dreg:$0x0] =	wrdreg $0x60  }
0xae: {  	[dreg:$0x2] =	wrdreg s24  }
0xaf: {  	[dreg:$0x3] =	wrdreg $0xA  }
0xb0: {  	_ =	task.clear_ibuf [dreg:s6], $0x4FFFF;
	_ =	strace $0x9000004C  }
0xb1: {  	s29 =	simm.s32 $0xA;
	_ =	strace $0x8000004E  }
0xb2: {  	_ =	swait.ge [sflag:s29], $0x1  }
0xb3: {  	[sflag:s29] =	ssyncadd.s32 $0xFFFFFFFF  }
0xb4: {  	_ =	strace $0x9000004E  }
0xb5: {  	_ =	sfence  }
0xb6: {  	s30 =	sld [smem:$0x0];
	_ =	sdelay $0x2  }
0xb7: {  	s31 =	sshll.u32 s1, $0xD;
	s1 =	sshrl.u32 s1, $0x2  }
0xb8: {  	s3 =	sand.u32 $0x4000, s31;
	s1 =	sadd.s32 s1, s30  }
0xb9: {  	s0 =	sor.u32 s3, s0;
	s1 =	sshll.u32 s1, $0x11  }
0xba: {  	s0 =	sor.u32 s1, s0  }
0xbb: {  	s0 =	sadd.s32 $0x8F2B, s0  }
0xbc: {  	[sflag:s0] =	ssyncadd.remote.s32 $0x1  }
0xbd: {  	_ =	sfence.sel $0xFFFF  }
0xbe: {  	[dreg:$0x0] =	wrdreg $0xFFFFFFFF;
	(pc) =	sbr.abs _section_cstart, $3  }
0xbf: {  	[dreg:$0x1] =	wrdreg $0xFFFFFFFF  }
0xc0: {  	_ =	task.clear_ibuf [dreg:s6], $0x2FFFF;
	_ =	strace $0x9FFFFFFF  }
0xc1: {  	(tm) =	ssettm $0x7FFFFFFF  }
tec
execute0_lowered:
.L_overlay_start_1:
0x0: {  	(tag) =	ssettag $0x1  }
0x1: {  	s0 =	srdreg.scid;
	s5 =	rddreg [dreg:$0x0]  }
0x2: {  	s2 =	simm.s32 $0x0;
	s6 =	sand.u32 $0x1, s0;
	s0 =	rddreg [dreg:$0x1]  }
0x3: {  	s31 =	simm.s32 $0x900;
	[smem:$0x7FF] =	sst s2  }
0x4: {  	s7 =	simm.s32 $0x1500;
	_ =	strace $0x8000004D;
	[dreg:$0x3] =	wrdreg s31  }
0x5: {  	s8 =	simm.s32 $0x1900;
	[dreg:$0x5] =	wrdreg s7  }
0x6: {  	s9 =	simm.s32 $0x2100;
	[dreg:$0x6] =	wrdreg s8  }
0x7: {  	s10 =	simm.s32 $0x2500;
	[dreg:$0x7] =	wrdreg s9  }
0x8: {  	s11 =	simm.s32 $0x2D00;
	[dreg:$0x8] =	wrdreg s10  }
0x9: {  	s12 =	simm.s32 $0x3100;
	[dreg:$0x9] =	wrdreg s11  }
0xa: {  	s13 =	simm.s32 $0x3900;
	[dreg:$0xa] =	wrdreg s12  }
0xb: {  	s14 =	simm.s32 $0x3D00;
	[dreg:$0xb] =	wrdreg s13  }
0xc: {  	s15 =	simm.s32 $0x4500;
	[dreg:$0xc] =	wrdreg s14  }
0xd: {  	s16 =	simm.s32 $0x4900;
	[dreg:$0xd] =	wrdreg s15  }
0xe: {  	s17 =	simm.s32 $0x5100;
	[dreg:$0xe] =	wrdreg s16  }
0xf: {  	s18 =	simm.s32 $0x5500;
	[dreg:$0xf] =	wrdreg s17  }
0x10: {  	s19 =	simm.s32 $0x5D00;
	[dreg:$0x10] =	wrdreg s18  }
0x11: {  	s20 =	simm.s32 $0x6100;
	[dreg:$0x11] =	wrdreg s19  }
0x12: {  	s21 =	simm.s32 $0x6900;
	[dreg:$0x12] =	wrdreg s20  }
0x13: {  	s22 =	simm.s32 $0x6D00;
	[dreg:$0x13] =	wrdreg s21  }
0x14: {  	s23 =	simm.s32 $0x7500;
	[dreg:$0x14] =	wrdreg s22  }
0x15: {  	s24 =	simm.s32 $0x7900;
	[dreg:$0x15] =	wrdreg s23  }
0x16: {  	s25 =	simm.s32 $0x8100;
	[dreg:$0x16] =	wrdreg s24  }
0x17: {  	s26 =	simm.s32 $0x8500;
	[dreg:$0x17] =	wrdreg s25  }
0x18: {  	s28 =	simm.s32 $0x8D00;
	[dreg:$0x18] =	wrdreg s26  }
0x19: {  	s29 =	simm.s32 $0x9100;
	[dreg:$0x19] =	wrdreg s28  }
0x1a: {  	s30 =	simm.s32 $0x9900;
	[dreg:$0x1a] =	wrdreg s29  }
0x1b: {  	[dreg:$0x1b] =	wrdreg s30;
	s31 =	simm.s32 $0x9D00  }
0x1c: {  	s7 =	simm.s32 $0xA900;
	[dreg:$0x1c] =	wrdreg s31  }
0x1d: {  	s8 =	simm.s32 $0xB100;
	[dreg:$0x1e] =	wrdreg s7  }
0x1e: {  	s9 =	simm.s32 $0xB500;
	[dreg:$0x1f] =	wrdreg s8  }
0x1f: {  	s10 =	simm.s32 $0xBD00;
	[smem:$0x7E6] =	sst s9  }
0x20: {  	s11 =	simm.s32 $0x80;
	[smem:$0x7E7] =	sst s10  }
0x21: {  	s12 =	simm.s32 $0xC900;
	[smem:$0x7E8] =	sst s11  }
0x22: {  	s13 =	simm.s32 $0xCD00;
	[smem:$0x7E9] =	sst s12  }
0x23: {  	s14 =	simm.s32 $0xD500;
	[smem:$0x7EA] =	sst s13  }
0x24: {  	s15 =	simm.s32 $0xD900;
	[smem:$0x7EB] =	sst s14  }
0x25: {  	s16 =	simm.s32 $0xE100;
	[smem:$0x7EC] =	sst s15  }
0x26: {  	s17 =	simm.s32 $0xE500;
	[smem:$0x7ED] =	sst s16  }
0x27: {  	s18 =	simm.s32 $0xED00;
	[smem:$0x7EE] =	sst s17  }
0x28: {  	s19 =	simm.s32 $0xF100;
	[smem:$0x7EF] =	sst s18  }
0x29: {  	s20 =	simm.s32 $0xFD00;
	[smem:$0x7F0] =	sst s19  }
0x2a: {  	s21 =	simm.s32 $0x10500;
	[smem:$0x7F2] =	sst s20  }
0x2b: {  	s1 =	stileid.u32;
	s22 =	simm.s32 $0x10900;
	[smem:$0x7F3] =	sst s21  }
0x2c: {  	s4 =	smul.u32 $0x500, s1;
	s23 =	simm.s32 $0x11100;
	[smem:$0x7F4] =	sst s22  }
0x2d: {  	s3 =	smul.u32 $0x5000, s6;
	s24 =	simm.s32 $0x11500;
	[smem:$0x7F5] =	sst s23  }
0x2e: {  	s25 =	simm.s32 $0x11D00;
	s26 =	smul.u32 $0x78000, s1;
	[smem:$0x7F6] =	sst s24  }
0x2f: {  	s28 =	simm.s32 $0x12100;
	s29 =	simm.s32 $0x12900;
	[smem:$0x7F7] =	sst s25  }
0x30: {  	s30 =	simm.s32 $0x12D00;
	s7 =	smul.u32 $0x780000, s6;
	[smem:$0x7F8] =	sst s28  }
0x31: {  	s8 =	simm.s32 $0xF900;
	s6 =	ssub.s32 $0x2, s6;
	[smem:$0x7F9] =	sst s29  }
0x32: {  	[smem:$0x7FA] =	sst s30;
	s31 =	simm.s32 $0x13500;
	s10 =	simm.s32 $0x13900  }
0x33: {  	s11 =	simm.s32 $0x14100;
	s12 =	simm.s32 $0x14D00;
	s13 =	simm.s32 $0x15100  }
0x34: {  	s14 =	simm.s32 $0x15900;
	s15 =	simm.s32 $0x15D00;
	s16 =	simm.s32 $0x16500  }
0x35: {  	s17 =	simm.s32 $0x16900;
	s18 =	simm.s32 $0x17100;
	s19 =	simm.s32 $0x17500  }
0x36: {  	s20 =	simm.s32 $0x17D00;
	s21 =	simm.s32 $0x1;
	[smem:$0x7F1] =	sst s8  }
0x37: {  	s22 =	simm.s32 $0x2;
	s23 =	simm.s32 $0x0;
	[smem:$0x7FB] =	sst s31  }
0x38: {  	s3 =	sadd.s32 s4, s3;
	s4 =	simm.s32 $0xD00;
	[smem:$0x7FC] =	sst s10  }
0x39: {  	s9 =	sshrl.u32 s6, $0x1;
	s8 =	simm.s32 $0x3;
	[smem:$0x7FD] =	sst s11  }
0x3a: {  	s10 =	simm.s32 $0xC100;
	s11 =	simm.s32 $0x14500;
	[dreg:$0x2] =	wrdreg s3  }
0x3b: {  	[dreg:$0x4] =	wrdreg s4;
	s4 =	simm.s32 $0xA500;
	s3 =	sadd.s32 $0x56A00, s5  }
0x3c: {  	v2 =	vlaneseq.u32;
	s7 =	sadd.s32 s7, s5;
	s6 =	ssub.s32 s6, s9;
	s9 =	simm.s32 $0x100  }
0x3d: {  	vm0 =	vmmov $0xffff;
	vm1 =	vmmov $0xff;
	v1 =	vshrl.u32 v2, $0x3;
	[dreg:$0x1d] =	wrdreg s4;
	s4 =	sadd.s32 $0xF7AE00, s5;
	s7 =	sadd.s32 s26, s7  }
0x3e: {  	v0 =	vand.u32 $0x7, v2;
	v2 =	vor.u32 $0x8, v2;
	v1 =	vmul.u32 $0x8, v1;
	s5 =	sadd.s32 $0x56B00, s5;
	s6 =	smax.u32 s6, $0x1;
	s7 =	sadd.s32 $0xF84E00, s7  }
.LBB2_1:
0x3f: {  	s24 =	smov.u32 s7;
	s25 =	simm.s32 $0x0  }
.LBB2_2:
0x40: {  	s26 =	rddreg [dreg:$0x2]  }
0x41: {  	s29 =	sand.u32 $0x60, s25;
	s28 =	sadd.s32 s25, s26  }
0x42: {  	s29 =	sadd.s32 s4, s29;
	s26 =	sand.u32 $0xFFFFF80, s28  }
0x43: {  	s29 =	sadd.s32 s26, s29  }
0x44: {  	[tilespmem:s2], [sflag:$0x3] =	stream.linear.gather [hbm4b:s29+s2], $0x80, $0x38;
	[tilespmem:$0x18100] =	vst v63  }
0x45: {  	_ =	swait.ge [sflag:s8], $0x80  }
0x46: {  	[sflag:s8] =	ssyncset.done $0x0  }
0x47: {  	[sflag:s8] =	ssyncadd.s32 $0xFFFFFF80  }
0x48: {  	v3 =	vld [tilespmem:$0x0];
	_ =	sdelay $0x4  }
0x49: {  	v4 =	vshrl.u32 v3, $0x3  }
0x4a: {  	v4 =	vmul.u32 $0x18, v4  }
0x4b: {  	v3 =	vand.u32 $0x7, v3  }
0x4c: {  	v3 =	vor.u32 v3, v4  }
0x4d: {  	v4 =	vperm.xlane v3, v0;
	_ =	sdelay $0x1  }
0x4e: {  	v4 =	vadd.s32 v1, v4;
	_ =	sdelay $0x1  }
0x4f: {  	v3 =	vperm.xlane v3, v2;
	_ =	sdelay $0x1  }
0x50: {  	v3 =	vadd.s32 v1, v3  }
0x51: {  	[tilespmem:s9], [sflag:$0x1] =	stream.indirect_vreg.gather [hbm4b:s3+s2], $0x80, v4, vm0, $0xb8;
	[tilespmem:$0x18100] =	vst v63  }
0x52: {  	s31 =	rddreg [dreg:$0x3]  }
0x53: {  	[tilespmem:s31], [sflag:$0x1] =	stream.indirect_vreg.gather [hbm4b:s5+s2], $0x80, v4, vm1, $0xb8;
	[tilespmem:$0x18100] =	vst v63  }
0x54: {  	s30 =	rddreg [dreg:$0x4]  }
0x55: {  	[tilespmem:s30], [sflag:$0x1] =	stream.indirect_vreg.gather [hbm4b:s3+s2], $0x80, v3, vm0, $0xb8;
	[tilespmem:$0x18100] =	vst v63  }
0x56: {  	s31 =	rddreg [dreg:$0x5]  }
0x57: {  	[tilespmem:s31], [sflag:$0x1] =	stream.indirect_vreg.gather [hbm4b:s5+s2], $0x80, v3, vm1, $0xb8;
	[tilespmem:$0x18100] =	vst v63  }
0x58: {  	v3 =	vld [tilespmem:$0x10];
	_ =	sdelay $0x4  }
0x59: {  	v49 =	vshrl.u32 v3, $0x3  }
0x5a: {  	v4 =	vmul.u32 $0x18, v49  }
0x5b: {  	v3 =	vand.u32 $0x7, v3  }
0x5c: {  	v3 =	vor.u32 v3, v4  }
0x5d: {  	v4 =	vperm.xlane v3, v0;
	_ =	sdelay $0x1  }
0x5e: {  	v4 =	vadd.s32 v1, v4;
	_ =	sdelay $0x1  }
0x5f: {  	v3 =	vperm.xlane v3, v2;
	_ =	sdelay $0x1  }
0x60: {  	s29 =	rddreg [dreg:$0x6];
	v3 =	vadd.s32 v1, v3  }
0x61: {  	[tilespmem:s29], [sflag:$0x1] =	stream.indirect_vreg.gather [hbm4b:s3+s2], $0x80, v4, vm0, $0xb8;
	[tilespmem:$0x18100] =	vst v63  }
0x62: {  	s31 =	rddreg [dreg:$0x7]  }
0x63: {  	[tilespmem:s31], [sflag:$0x1] =	stream.indirect_vreg.gather [hbm4b:s5+s2], $0x80, v4, vm1, $0xb8;
	[tilespmem:$0x18100] =	vst v63  }
0x64: {  	s29 =	rddreg [dreg:$0x8]  }
0x65: {  	[tilespmem:s29], [sflag:$0x1] =	stream.indirect_vreg.gather [hbm4b:s3+s2], $0x80, v3, vm0, $0xb8;
	[tilespmem:$0x18100] =	vst v63  }
0x66: {  	s31 =	rddreg [dreg:$0x9]  }
0x67: {  	[tilespmem:s31], [sflag:$0x1] =	stream.indirect_vreg.gather [hbm4b:s5+s2], $0x80, v3, vm1, $0xb8;
	[tilespmem:$0x18100] =	vst v63  }
0x68: {  	v3 =	vld [tilespmem:$0x20];
	_ =	sdelay $0x4  }
0x69: {  	v50 =	vshrl.u32 v3, $0x3  }
0x6a: {  	v4 =	vmul.u32 $0x18, v50  }
0x6b: {  	v3 =	vand.u32 $0x7, v3  }
0x6c: {  	v3 =	vor.u32 v3, v4  }
0x6d: {  	v4 =	vperm.xlane v3, v0;
	_ =	sdelay $0x1  }
0x6e: {  	v4 =	vadd.s32 v1, v4;
	_ =	sdelay $0x1  }
0x6f: {  	v3 =	vperm.xlane v3, v2;
	_ =	sdelay $0x1  }
0x70: {  	s29 =	rddreg [dreg:$0xa];
	v3 =	vadd.s32 v1, v3  }
0x71: {  	[tilespmem:s29], [sflag:$0x1] =	stream.indirect_vreg.gather [hbm4b:s3+s2], $0x80, v4, vm0, $0xb8;
	[tilespmem:$0x18100] =	vst v63  }
0x72: {  	s31 =	rddreg [dreg:$0xb]  }
0x73: {  	[tilespmem:s31], [sflag:$0x1] =	stream.indirect_vreg.gather [hbm4b:s5+s2], $0x80, v4, vm1, $0xb8;
	[tilespmem:$0x18100] =	vst v63  }
0x74: {  	s29 =	rddreg [dreg:$0xc]  }
0x75: {  	[tilespmem:s29], [sflag:$0x1] =	stream.indirect_vreg.gather [hbm4b:s3+s2], $0x80, v3, vm0, $0xb8;
	[tilespmem:$0x18100] =	vst v63  }
0x76: {  	s31 =	rddreg [dreg:$0xd]  }
0x77: {  	[tilespmem:s31], [sflag:$0x1] =	stream.indirect_vreg.gather [hbm4b:s5+s2], $0x80, v3, vm1, $0xb8;
	[tilespmem:$0x18100] =	vst v63  }
0x78: {  	v3 =	vld [tilespmem:$0x30];
	_ =	sdelay $0x4  }
0x79: {  	v51 =	vshrl.u32 v3, $0x3  }
0x7a: {  	v4 =	vmul.u32 $0x18, v51  }
0x7b: {  	v3 =	vand.u32 $0x7, v3  }
0x7c: {  	v3 =	vor.u32 v3, v4  }
0x7d: {  	v4 =	vperm.xlane v3, v0;
	_ =	sdelay $0x1  }
0x7e: {  	v4 =	vadd.s32 v1, v4;
	_ =	sdelay $0x1  }
0x7f: {  	v3 =	vperm.xlane v3, v2;
	_ =	sdelay $0x1  }
0x80: {  	s29 =	rddreg [dreg:$0xe];
	v3 =	vadd.s32 v1, v3  }
0x81: {  	[tilespmem:s29], [sflag:$0x1] =	stream.indirect_vreg.gather [hbm4b:s3+s2], $0x80, v4, vm0, $0xb8;
	[tilespmem:$0x18100] =	vst v63  }
0x82: {  	s31 =	rddreg [dreg:$0xf]  }
0x83: {  	[tilespmem:s31], [sflag:$0x1] =	stream.indirect_vreg.gather [hbm4b:s5+s2], $0x80, v4, vm1, $0xb8;
	[tilespmem:$0x18100] =	vst v63  }
0x84: {  	s29 =	rddreg [dreg:$0x10]  }
0x85: {  	[tilespmem:s29], [sflag:$0x1] =	stream.indirect_vreg.gather [hbm4b:s3+s2], $0x80, v3, vm0, $0xb8;
	[tilespmem:$0x18100] =	vst v63  }
0x86: {  	s31 =	rddreg [dreg:$0x11]  }
0x87: {  	[tilespmem:s31], [sflag:$0x1] =	stream.indirect_vreg.gather [hbm4b:s5+s2], $0x80, v3, vm1, $0xb8;
	[tilespmem:$0x18100] =	vst v63  }
0x88: {  	v3 =	vld [tilespmem:$0x40];
	_ =	sdelay $0x4  }
0x89: {  	v52 =	vshrl.u32 v3, $0x3  }
0x8a: {  	v4 =	vmul.u32 $0x18, v52  }
0x8b: {  	v3 =	vand.u32 $0x7, v3  }
0x8c: {  	v3 =	vor.u32 v3, v4  }
0x8d: {  	v4 =	vperm.xlane v3, v0;
	_ =	sdelay $0x1  }
0x8e: {  	v4 =	vadd.s32 v1, v4;
	_ =	sdelay $0x1  }
0x8f: {  	v3 =	vperm.xlane v3, v2;
	_ =	sdelay $0x1  }
0x90: {  	s29 =	rddreg [dreg:$0x12];
	v3 =	vadd.s32 v1, v3  }
0x91: {  	[tilespmem:s29], [sflag:$0x1] =	stream.indirect_vreg.gather [hbm4b:s3+s2], $0x80, v4, vm0, $0xb8;
	[tilespmem:$0x18100] =	vst v63  }
0x92: {  	s31 =	rddreg [dreg:$0x13]  }
0x93: {  	[tilespmem:s31], [sflag:$0x1] =	stream.indirect_vreg.gather [hbm4b:s5+s2], $0x80, v4, vm1, $0xb8;
	[tilespmem:$0x18100] =	vst v63  }
0x94: {  	s29 =	rddreg [dreg:$0x14]  }
0x95: {  	[tilespmem:s29], [sflag:$0x1] =	stream.indirect_vreg.gather [hbm4b:s3+s2], $0x80, v3, vm0, $0xb8;
	[tilespmem:$0x18100] =	vst v63  }
0x96: {  	s31 =	rddreg [dreg:$0x15]  }
0x97: {  	[tilespmem:s31], [sflag:$0x1] =	stream.indirect_vreg.gather [hbm4b:s5+s2], $0x80, v3, vm1, $0xb8;
	[tilespmem:$0x18100] =	vst v63  }
0x98: {  	v3 =	vld [tilespmem:$0x50];
	_ =	sdelay $0x4  }
0x99: {  	v53 =	vshrl.u32 v3, $0x3  }
0x9a: {  	v4 =	vmul.u32 $0x18, v53  }
0x9b: {  	v3 =	vand.u32 $0x7, v3  }
0x9c: {  	v3 =	vor.u32 v3, v4  }
0x9d: {  	v4 =	vperm.xlane v3, v0;
	_ =	sdelay $0x1  }
0x9e: {  	v4 =	vadd.s32 v1, v4;
	_ =	sdelay $0x1  }
0x9f: {  	v3 =	vperm.xlane v3, v2;
	_ =	sdelay $0x1  }
0xa0: {  	s29 =	rddreg [dreg:$0x16];
	v3 =	vadd.s32 v1, v3  }
0xa1: {  	[tilespmem:s29], [sflag:$0x1] =	stream.indirect_vreg.gather [hbm4b:s3+s2], $0x80, v4, vm0, $0xb8;
	[tilespmem:$0x18100] =	vst v63  }
0xa2: {  	s31 =	rddreg [dreg:$0x17]  }
0xa3: {  	[tilespmem:s31], [sflag:$0x1] =	stream.indirect_vreg.gather [hbm4b:s5+s2], $0x80, v4, vm1, $0xb8;
	[tilespmem:$0x18100] =	vst v63  }
0xa4: {  	s29 =	rddreg [dreg:$0x18]  }
0xa5: {  	[tilespmem:s29], [sflag:$0x1] =	stream.indirect_vreg.gather [hbm4b:s3+s2], $0x80, v3, vm0, $0xb8;
	[tilespmem:$0x18100] =	vst v63  }
0xa6: {  	s31 =	rddreg [dreg:$0x19]  }
0xa7: {  	[tilespmem:s31], [sflag:$0x1] =	stream.indirect_vreg.gather [hbm4b:s5+s2], $0x80, v3, vm1, $0xb8;
	[tilespmem:$0x18100] =	vst v63  }
0xa8: {  	v3 =	vld [tilespmem:$0x60];
	_ =	sdelay $0x4  }
0xa9: {  	v54 =	vshrl.u32 v3, $0x3  }
0xaa: {  	v4 =	vmul.u32 $0x18, v54  }
0xab: {  	v3 =	vand.u32 $0x7, v3  }
0xac: {  	v3 =	vor.u32 v3, v4  }
0xad: {  	v4 =	vperm.xlane v3, v0;
	_ =	sdelay $0x1  }
0xae: {  	v4 =	vadd.s32 v1, v4;
	_ =	sdelay $0x1  }
0xaf: {  	v3 =	vperm.xlane v3, v2;
	_ =	sdelay $0x1  }
0xb0: {  	s29 =	rddreg [dreg:$0x1a];
	v3 =	vadd.s32 v1, v3  }
0xb1: {  	[tilespmem:s29], [sflag:$0x1] =	stream.indirect_vreg.gather [hbm4b:s3+s2], $0x80, v4, vm0, $0xb8;
	[tilespmem:$0x18100] =	vst v63  }
0xb2: {  	s31 =	rddreg [dreg:$0x1b]  }
0xb3: {  	[tilespmem:s31], [sflag:$0x1] =	stream.indirect_vreg.gather [hbm4b:s5+s2], $0x80, v4, vm1, $0xb8;
	[tilespmem:$0x18100] =	vst v63  }
0xb4: {  	s29 =	rddreg [dreg:$0x1c]  }
0xb5: {  	[tilespmem:s29], [sflag:$0x1] =	stream.indirect_vreg.gather [hbm4b:s3+s2], $0x80, v3, vm0, $0xb8;
	[tilespmem:$0x18100] =	vst v63  }
0xb6: {  	s31 =	rddreg [dreg:$0x1d]  }
0xb7: {  	[tilespmem:s31], [sflag:$0x1] =	stream.indirect_vreg.gather [hbm4b:s5+s2], $0x80, v3, vm1, $0xb8;
	[tilespmem:$0x18100] =	vst v63  }
0xb8: {  	v3 =	vld [tilespmem:$0x70];
	_ =	sdelay $0x4  }
0xb9: {  	v55 =	vshrl.u32 v3, $0x3  }
0xba: {  	v4 =	vmul.u32 $0x18, v55  }
0xbb: {  	v3 =	vand.u32 $0x7, v3  }
0xbc: {  	v3 =	vor.u32 v3, v4  }
0xbd: {  	v4 =	vperm.xlane v3, v0;
	_ =	sdelay $0x1  }
0xbe: {  	v4 =	vadd.s32 v1, v4;
	_ =	sdelay $0x1  }
0xbf: {  	v3 =	vperm.xlane v3, v2  }
0xc0: {  	s29 =	rddreg [dreg:$0x1e]  }
0xc1: {  	s31 =	rddreg [dreg:$0x1f];
	v3 =	vadd.s32 v1, v3  }
0xc2: {  	[tilespmem:s29], [sflag:$0x1] =	stream.indirect_vreg.gather [hbm4b:s3+s2], $0x80, v4, vm0, $0xb8;
	[tilespmem:$0x18100] =	vst v63  }
0xc3: {  	s29 =	sld [smem:$0x7E6]  }
0xc4: {  	[tilespmem:s31], [sflag:$0x1] =	stream.indirect_vreg.gather [hbm4b:s5+s2], $0x80, v4, vm1, $0xb8;
	[tilespmem:$0x18100] =	vst v63  }
0xc5: {  	s28 =	sadd.s32 $0x10, s28;
	s31 =	sld [smem:$0x7E7]  }
0xc6: {  	[tilespmem:s29], [sflag:$0x1] =	stream.indirect_vreg.gather [hbm4b:s3+s2], $0x80, v3, vm0, $0xb8;
	[tilespmem:$0x18100] =	vst v63  }
0xc7: {  	s28 =	sand.u32 $0x70, s28;
	s26 =	sadd.s32 s4, s26;
	s30 =	sld [smem:$0x7E8]  }
0xc8: {  	[tilespmem:s31], [sflag:$0x1] =	stream.indirect_vreg.gather [hbm4b:s5+s2], $0x80, v3, vm1, $0xb8;
	[tilespmem:$0x18100] =	vst v63  }
0xc9: {  	s26 =	sadd.s32 s28, s26  }
0xca: {  	[tilespmem:s30], [sflag:$0x3] =	stream.linear.gather [hbm4b:s26+s2], $0x80, $0x38;
	[tilespmem:$0x18100] =	vst v63  }
0xcb: {  	_ =	swait.ge [sflag:s8], $0x80  }
0xcc: {  	[sflag:s8] =	ssyncset.done $0x0  }
0xcd: {  	[sflag:s8] =	ssyncadd.s32 $0xFFFFFF80  }
0xce: {  	v3 =	vld [tilespmem:$0x80];
	_ =	sdelay $0x4  }
0xcf: {  	v56 =	vshrl.u32 v3, $0x3  }
0xd0: {  	v4 =	vmul.u32 $0x18, v56  }
0xd1: {  	v3 =	vand.u32 $0x7, v3  }
0xd2: {  	v3 =	vor.u32 v3, v4  }
0xd3: {  	v4 =	vperm.xlane v3, v0;
	_ =	sdelay $0x1  }
0xd4: {  	v4 =	vadd.s32 v1, v4;
	_ =	sdelay $0x1  }
0xd5: {  	v3 =	vperm.xlane v3, v2;
	_ =	sdelay $0x1  }
0xd6: {  	s31 =	sld [smem:$0x7E9];
	v3 =	vadd.s32 v1, v3  }
0xd7: {  	[tilespmem:s10], [sflag:$0x2] =	stream.indirect_vreg.gather [hbm4b:s3+s2], $0x80, v4, vm0, $0xb8;
	[tilespmem:$0x18100] =	vst v63  }
0xd8: {  	s29 =	sld [smem:$0x7EA]  }
0xd9: {  	[tilespmem:s31], [sflag:$0x2] =	stream.indirect_vreg.gather [hbm4b:s5+s2], $0x80, v4, vm1, $0xb8;
	[tilespmem:$0x18100] =	vst v63  }
0xda: {  	s30 =	sld [smem:$0x7EB]  }
0xdb: {  	[tilespmem:s29], [sflag:$0x2] =	stream.indirect_vreg.gather [hbm4b:s3+s2], $0x80, v3, vm0, $0xb8;
	[tilespmem:$0x18100] =	vst v63  }
0xdc: {  	_ = 	snop  }
0xdd: {  	[tilespmem:s30], [sflag:$0x2] =	stream.indirect_vreg.gather [hbm4b:s5+s2], $0x80, v3, vm1, $0xb8;
	[tilespmem:$0x18100] =	vst v63  }
0xde: {  	v3 =	vld [tilespmem:$0x90];
	_ =	sdelay $0x4  }
0xdf: {  	v57 =	vshrl.u32 v3, $0x3  }
0xe0: {  	v4 =	vmul.u32 $0x18, v57  }
0xe1: {  	v3 =	vand.u32 $0x7, v3  }
0xe2: {  	v3 =	vor.u32 v3, v4  }
0xe3: {  	v4 =	vperm.xlane v3, v0;
	_ =	sdelay $0x1  }
0xe4: {  	v4 =	vadd.s32 v1, v4;
	_ =	sdelay $0x1  }
0xe5: {  	s31 =	sld [smem:$0x7EC];
	v3 =	vperm.xlane v3, v2;
	_ =	sdelay $0x1  }
0xe6: {  	s29 =	sld [smem:$0x7ED];
	v3 =	vadd.s32 v1, v3  }
0xe7: {  	[tilespmem:s31], [sflag:$0x2] =	stream.indirect_vreg.gather [hbm4b:s3+s2], $0x80, v4, vm0, $0xb8;
	[tilespmem:$0x18100] =	vst v63  }
0xe8: {  	s30 =	sld [smem:$0x7EE]  }
0xe9: {  	[tilespmem:s29], [sflag:$0x2] =	stream.indirect_vreg.gather [hbm4b:s5+s2], $0x80, v4, vm1, $0xb8;
	[tilespmem:$0x18100] =	vst v63  }
0xea: {  	s31 =	sld [smem:$0x7EF]  }
0xeb: {  	[tilespmem:s30], [sflag:$0x2] =	stream.indirect_vreg.gather [hbm4b:s3+s2], $0x80, v3, vm0, $0xb8;
	[tilespmem:$0x18100] =	vst v63  }
0xec: {  	_ = 	snop  }
0xed: {  	[tilespmem:s31], [sflag:$0x2] =	stream.indirect_vreg.gather [hbm4b:s5+s2], $0x80, v3, vm1, $0xb8;
	[tilespmem:$0x18100] =	vst v63  }
0xee: {  	v3 =	vld [tilespmem:$0xA0];
	_ =	sdelay $0x4  }
0xef: {  	v58 =	vshrl.u32 v3, $0x3  }
0xf0: {  	v4 =	vmul.u32 $0x18, v58  }
0xf1: {  	v3 =	vand.u32 $0x7, v3  }
0xf2: {  	v3 =	vor.u32 v3, v4  }
0xf3: {  	v4 =	vperm.xlane v3, v0;
	_ =	sdelay $0x1  }
0xf4: {  	v4 =	vadd.s32 v1, v4;
	_ =	sdelay $0x1  }
0xf5: {  	s29 =	sld [smem:$0x7F0];
	v3 =	vperm.xlane v3, v2;
	_ =	sdelay $0x1  }
0xf6: {  	s30 =	sld [smem:$0x7F1];
	v3 =	vadd.s32 v1, v3  }
0xf7: {  	[tilespmem:s29], [sflag:$0x2] =	stream.indirect_vreg.gather [hbm4b:s3+s2], $0x80, v4, vm0, $0xb8;
	[tilespmem:$0x18100] =	vst v63  }
0xf8: {  	s31 =	sld [smem:$0x7F2]  }
0xf9: {  	[tilespmem:s30], [sflag:$0x2] =	stream.indirect_vreg.gather [hbm4b:s5+s2], $0x80, v4, vm1, $0xb8;
	[tilespmem:$0x18100] =	vst v63  }
0xfa: {  	s29 =	sld [smem:$0x7F3]  }
0xfb: {  	[tilespmem:s31], [sflag:$0x2] =	stream.indirect_vreg.gather [hbm4b:s3+s2], $0x80, v3, vm0, $0xb8;
	[tilespmem:$0x18100] =	vst v63  }
0xfc: {  	_ = 	snop  }
0xfd: {  	[tilespmem:s29], [sflag:$0x2] =	stream.indirect_vreg.gather [hbm4b:s5+s2], $0x80, v3, vm1, $0xb8;
	[tilespmem:$0x18100] =	vst v63  }
0xfe: {  	v3 =	vld [tilespmem:$0xB0];
	_ =	sdelay $0x4  }
0xff: {  	v59 =	vshrl.u32 v3, $0x3  }
0x100: {  	v4 =	vmul.u32 $0x18, v59  }
0x101: {  	v3 =	vand.u32 $0x7, v3  }
0x102: {  	v3 =	vor.u32 v3, v4  }
0x103: {  	v4 =	vperm.xlane v3, v0;
	_ =	sdelay $0x1  }
0x104: {  	v4 =	vadd.s32 v1, v4;
	_ =	sdelay $0x1  }
0x105: {  	s30 =	sld [smem:$0x7F4];
	v3 =	vperm.xlane v3, v2;
	_ =	sdelay $0x1  }
0x106: {  	s31 =	sld [smem:$0x7F5];
	v3 =	vadd.s32 v1, v3  }
0x107: {  	[tilespmem:s30], [sflag:$0x2] =	stream.indirect_vreg.gather [hbm4b:s3+s2], $0x80, v4, vm0, $0xb8;
	[tilespmem:$0x18100] =	vst v63  }
0x108: {  	s29 =	sld [smem:$0x7F6]  }
0x109: {  	[tilespmem:s31], [sflag:$0x2] =	stream.indirect_vreg.gather [hbm4b:s5+s2], $0x80, v4, vm1, $0xb8;
	[tilespmem:$0x18100] =	vst v63  }
0x10a: {  	s30 =	sld [smem:$0x7F7]  }
0x10b: {  	[tilespmem:s29], [sflag:$0x2] =	stream.indirect_vreg.gather [hbm4b:s3+s2], $0x80, v3, vm0, $0xb8;
	[tilespmem:$0x18100] =	vst v63  }
0x10c: {  	_ = 	snop  }
0x10d: {  	[tilespmem:s30], [sflag:$0x2] =	stream.indirect_vreg.gather [hbm4b:s5+s2], $0x80, v3, vm1, $0xb8;
	[tilespmem:$0x18100] =	vst v63  }
0x10e: {  	v3 =	vld [tilespmem:$0xC0];
	_ =	sdelay $0x4  }
0x10f: {  	v60 =	vshrl.u32 v3, $0x3  }
0x110: {  	v4 =	vmul.u32 $0x18, v60  }
0x111: {  	v3 =	vand.u32 $0x7, v3  }
0x112: {  	v3 =	vor.u32 v3, v4  }
0x113: {  	v4 =	vperm.xlane v3, v0;
	_ =	sdelay $0x1  }
0x114: {  	v4 =	vadd.s32 v1, v4;
	_ =	sdelay $0x1  }
0x115: {  	s31 =	sld [smem:$0x7F8];
	v3 =	vperm.xlane v3, v2;
	_ =	sdelay $0x1  }
0x116: {  	s29 =	sld [smem:$0x7F9];
	v3 =	vadd.s32 v1, v3  }
0x117: {  	[tilespmem:s31], [sflag:$0x2] =	stream.indirect_vreg.gather [hbm4b:s3+s2], $0x80, v4, vm0, $0xb8;
	[tilespmem:$0x18100] =	vst v63  }
0x118: {  	s30 =	sld [smem:$0x7FA]  }
0x119: {  	[tilespmem:s29], [sflag:$0x2] =	stream.indirect_vreg.gather [hbm4b:s5+s2], $0x80, v4, vm1, $0xb8;
	[tilespmem:$0x18100] =	vst v63  }
0x11a: {  	s31 =	sld [smem:$0x7FB]  }
0x11b: {  	[tilespmem:s30], [sflag:$0x2] =	stream.indirect_vreg.gather [hbm4b:s3+s2], $0x80, v3, vm0, $0xb8;
	[tilespmem:$0x18100] =	vst v63  }
0x11c: {  	_ = 	snop  }
0x11d: {  	[tilespmem:s31], [sflag:$0x2] =	stream.indirect_vreg.gather [hbm4b:s5+s2], $0x80, v3, vm1, $0xb8;
	[tilespmem:$0x18100] =	vst v63  }
0x11e: {  	v3 =	vld [tilespmem:$0xD0];
	_ =	sdelay $0x4  }
0x11f: {  	v61 =	vshrl.u32 v3, $0x3  }
0x120: {  	v4 =	vmul.u32 $0x18, v61  }
0x121: {  	v3 =	vand.u32 $0x7, v3  }
0x122: {  	v3 =	vor.u32 v3, v4  }
0x123: {  	v4 =	vperm.xlane v3, v0;
	_ =	sdelay $0x1  }
0x124: {  	v4 =	vadd.s32 v1, v4;
	_ =	sdelay $0x1  }
0x125: {  	s29 =	sld [smem:$0x7FC];
	v3 =	vperm.xlane v3, v2;
	_ =	sdelay $0x1  }
0x126: {  	s30 =	sld [smem:$0x7FD];
	v3 =	vadd.s32 v1, v3  }
0x127: {  	[tilespmem:s29], [sflag:$0x2] =	stream.indirect_vreg.gather [hbm4b:s3+s2], $0x80, v4, vm0, $0xb8;
	[tilespmem:$0x18100] =	vst v63  }
0x128: {  	_ = 	snop  }
0x129: {  	[tilespmem:s30], [sflag:$0x2] =	stream.indirect_vreg.gather [hbm4b:s5+s2], $0x80, v4, vm1, $0xb8;
	[tilespmem:$0x18100] =	vst v63  }
0x12a: {  	_ = 	snop  }
0x12b: {  	[tilespmem:s11], [sflag:$0x2] =	stream.indirect_vreg.gather [hbm4b:s3+s2], $0x80, v3, vm0, $0xb8;
	[tilespmem:$0x18100] =	vst v63  }
0x12c: {  	_ = 	snop  }
0x12d: {  	[tilespmem:s12], [sflag:$0x2] =	stream.indirect_vreg.gather [hbm4b:s5+s2], $0x80, v3, vm1, $0xb8;
	[tilespmem:$0x18100] =	vst v63  }
0x12e: {  	v3 =	vld [tilespmem:$0xE0];
	_ =	sdelay $0x4  }
0x12f: {  	v62 =	vshrl.u32 v3, $0x3  }
0x130: {  	v4 =	vmul.u32 $0x18, v62  }
0x131: {  	v3 =	vand.u32 $0x7, v3  }
0x132: {  	v3 =	vor.u32 v3, v4  }
0x133: {  	v4 =	vperm.xlane v3, v0;
	_ =	sdelay $0x1  }
0x134: {  	v4 =	vadd.s32 v1, v4;
	_ =	sdelay $0x1  }
0x135: {  	v3 =	vperm.xlane v3, v2;
	_ =	sdelay $0x1  }
0x136: {  	v3 =	vadd.s32 v1, v3  }
0x137: {  	[tilespmem:s13], [sflag:$0x2] =	stream.indirect_vreg.gather [hbm4b:s3+s2], $0x80, v4, vm0, $0xb8;
	[tilespmem:$0x18100] =	vst v63  }
0x138: {  	_ = 	snop  }
0x139: {  	[tilespmem:s14], [sflag:$0x2] =	stream.indirect_vreg.gather [hbm4b:s5+s2], $0x80, v4, vm1, $0xb8;
	[tilespmem:$0x18100] =	vst v63  }
0x13a: {  	_ = 	snop  }
0x13b: {  	[tilespmem:s15], [sflag:$0x2] =	stream.indirect_vreg.gather [hbm4b:s3+s2], $0x80, v3, vm0, $0xb8;
	[tilespmem:$0x18100] =	vst v63  }
0x13c: {  	_ = 	snop  }
0x13d: {  	[tilespmem:s16], [sflag:$0x2] =	stream.indirect_vreg.gather [hbm4b:s5+s2], $0x80, v3, vm1, $0xb8;
	[tilespmem:$0x18100] =	vst v63  }
0x13e: {  	v3 =	vld [tilespmem:$0xF0];
	_ =	sdelay $0x4  }
0x13f: {  	v63 =	vshrl.u32 v3, $0x3  }
0x140: {  	v4 =	vmul.u32 $0x18, v63  }
0x141: {  	v3 =	vand.u32 $0x7, v3  }
0x142: {  	v3 =	vor.u32 v3, v4  }
0x143: {  	v4 =	vperm.xlane v3, v0;
	_ =	sdelay $0x1  }
0x144: {  	v4 =	vadd.s32 v1, v4;
	_ =	sdelay $0x1  }
0x145: {  	v3 =	vperm.xlane v3, v2;
	_ =	sdelay $0x1  }
0x146: {  	v3 =	vadd.s32 v1, v3  }
0x147: {  	[tilespmem:s17], [sflag:$0x2] =	stream.indirect_vreg.gather [hbm4b:s3+s2], $0x80, v4, vm0, $0xb8;
	[tilespmem:$0x18100] =	vst v63  }
0x148: {  	_ = 	snop  }
0x149: {  	[tilespmem:s18], [sflag:$0x2] =	stream.indirect_vreg.gather [hbm4b:s5+s2], $0x80, v4, vm1, $0xb8;
	[tilespmem:$0x18100] =	vst v63  }
0x14a: {  	_ = 	snop  }
0x14b: {  	[tilespmem:s19], [sflag:$0x2] =	stream.indirect_vreg.gather [hbm4b:s3+s2], $0x80, v3, vm0, $0xb8;
	[tilespmem:$0x18100] =	vst v63  }
0x14c: {  	_ = 	snop  }
0x14d: {  	[tilespmem:s20], [sflag:$0x2] =	stream.indirect_vreg.gather [hbm4b:s5+s2], $0x80, v3, vm1, $0xb8;
	[tilespmem:$0x18100] =	vst v63  }
0x14e: {  	_ =	swait.ge [sflag:s21], $0xC000  }
0x14f: {  	[sflag:s21] =	ssyncset.done $0x0  }
0x150: {  	[sflag:s21] =	ssyncadd.s32 $0xFFFF4000  }
0x151: {  	[hbm4b:s24+s2] =	stream.linear.scatter [tilespmem:s9], [sflag:$0x3], $0xC000, $0x38;
	[tilespmem:$0x18100] =	vst v63  }
0x152: {  	_ =	swait.ge [sflag:s8], $0xC000  }
0x153: {  	[sflag:s8] =	ssyncset.done $0x0  }
0x154: {  	[sflag:s8] =	ssyncadd.s32 $0xFFFF4000  }
0x155: {  	_ =	swait.ge [sflag:s22], $0xC000  }
0x156: {  	p0 =	sne.s32 s25, $0x4E0;
	[sflag:s22] =	ssyncset.done $0x0  }
.Ltmp0:
0x157: {  	s31 =	sadd.s32 $0x1800, s24;
	[sflag:s22] =	ssyncadd.s32 $0xFFFF4000;
	(pc) =	sbr.rel @p0 .LBB2_2-.Ltmp0, $4  }
0x158: {  	[hbm4b:s31+s2] =	stream.linear.scatter [tilespmem:s10], [sflag:$0x3], $0xC000, $0x38;
	[tilespmem:$0x18100] =	vst v63  }
0x159: {  	_ =	swait.ge [sflag:s8], $0xC000  }
0x15a: {  	[sflag:s8] =	ssyncset.done $0x0  }
0x15b: {  	s25 =	sadd.s32 $0x20, s25;
	s24 =	sadd.s32 $0x3000, s24;
	[sflag:s8] =	ssyncadd.s32 $0xFFFF4000  }
0x15c: {  	s23 =	sadd.s32 $0x1, s23  }
0x15d: {  	p0 =	sne.s32 s23, s6  }
.Ltmp1:
0x15e: {  	_ = 	snop;
	(pc) =	sbr.rel @p0 .LBB2_1-.Ltmp1, $1  }
0x15f: {  	_ =	sdelay $0x3  }
0x160: {  	_ =	sfence.sel $0x180000  }
0x161: {  	[bflag:$0x0] =	sbarrier.arrive $0xFFFF  }
0x162: {  	p0 =	sne.s32 s1, $0x0;
	_ =	strace $0x9000004D  }
0x163: {  	s0 =	sadd.s32 @!p0 $0x100000, s0;
	[bflag:$0x2] =	sbarrier.arrive $0xFFFF  }
0x164: {  	[sflag:s0] =	ssyncadd.tile.s32 @!p0 $0x1;
	_ =	shalt  }
.Lfunc_end2:
_tile_overlayer_lowered:
.L_overlay_start_2:
0x165: {  	(tag) =	ssettag $0x2  }
0x166: {  	s0 =	rddreg [dreg:$0x0];
	s2 =	stileid.u32  }
0x167: {  	s1 =	rddreg [dreg:$0x1];
	p0 =	sne.s32 s2, $0x0  }
0x168: {  	s3 =	rddreg [dreg:$0x2];
	[bflag:$0x3] =	sbarrier.arrive $0xFFFF;
	s2 =	simm.s32 @!p0 $0x1C03  }
0x169: {  	[timem:s3], [sflag:s2] =	dma.local @!p0 [hbm:s0], s1  }
0x16a: {  	s0 =	simm.s32 @!p0 $0x3  }
0x16b: {  	_ =	swait.ge @!p0 [sflag:s0], s1  }
0x16c: {  	s1 =	ssub.s32 @!p0 $0x0, s1;
	[sflag:s0] =	ssyncset.done @!p0 $0x0  }
0x16d: {  	[sflag:s0] =	ssyncadd.s32 @!p0 s1  }
0x16e: {  	[bflag:$0x3] =	sbarrier.arrive $0xFFFF  }
0x16f: {  	_ =	shalt  }

// kernel: kernel.24.cloned.1.call-start
scs
__scs_entry_jumppad:
0x0: {  	(pc) =	sbr.rel $0x88, $3  }
0x1: {  	(tag) =	ssettag $0x0;
	lr =	simm.s32 $0x1  }
0x2: {  	[smem:$0x3F89] =	sst lr;
	_ =	strace $0xD0000000  }
0x3: {  	_ = 	snop  }
0x4: {  	_ = 	snop  }
0x5: {  	_ = 	snop  }
0x6: {  	_ = 	snop  }
0x7: {  	_ = 	snop  }
__scs_overlays_trampoline_lowered:
0x8: {  	[smem:$0x3F98] =	sst s0  }
0x9: {  	[smem:$0x3F99] =	sst s1  }
0xa: {  	[smem:$0x3F9A] =	sst s2  }
0xb: {  	[smem:$0x3F9B] =	sst s3  }
0xc: {  	[smem:$0x3F9C] =	sst s4  }
0xd: {  	[smem:$0x3F9D] =	sst s5  }
0xe: {  	[smem:$0x3F9E] =	sst s6  }
0xf: {  	[smem:$0x3F9F] =	sst s7  }
0x10: {  	[smem:$0x3FA0] =	sst s8  }
0x11: {  	[smem:$0x3FA1] =	sst s9;
	s0 =	simm.s32 @!p0 $0x0  }
0x12: {  	s1 =	sld [smem:$0x3F87];
	s0 =	simm.s32 @p0 $0x1  }
0x13: {  	[smem:$0x3FA2] =	sst s0;
	s0 =	simm.s32 @!p1 $0x0  }
0x14: {  	s2 =	sld [smem:$0x3F86];
	s0 =	simm.s32 @p1 $0x1  }
0x15: {  	[smem:$0x3FA3] =	sst s0;
	s0 =	simm.s32 @!p2 $0x0  }
0x16: {  	s3 =	sld [smem:$0x3FDB];
	s0 =	simm.s32 @p2 $0x1  }
0x17: {  	s4 =	simm.s32 $0x1BF5;
	[smem:$0x3FA5] =	sst s0  }
0x18: {  	s0 =	sld [smem:$0x3F88];
	_ =	swait.ge [sflag:s4], $0x0  }
0x19: {  	s7 =	sld [smem:$0x3F89]  }
0x1a: {  	s8 =	sadd.s32 $0xFFFFE003, lr  }
0x1b: {  	s9 =	sadd.s32 $0xFFFFFEF7, lr;
	s5 =	simm.s32 $0xFFFFFFFF;
	p2 =	slt.u32 s8, $0xFFFFF086  }
0x1c: {  	p1 =	slt.u32 s9, $0xF7A;
	s5 =	simm.s32 @!p2 $0x0  }
0x1d: {  	s5 =	simm.s32 @p1 $0x1;
	p0 =	seq.s32 s7, s2  }
0x1e: {  	s7 =	smul.u32 @!p0 $0xF7A, s2;
	p2 =	seq.s32 @!p0 s5, $0x0  }
0x1f: {  	s9 =	smul.u32 $0xF7A, s1;
	s8 =	simm.s32 @!p0 $0x1BF5;
	p2 =	por !p2, p0  }
0x20: {  	[sflag:s8] =	ssyncset.s32 @!p0 $0xFFFFF086;
	s6 =	sadd.s32 @!p0 s3, s7;
	s7 =	simm.s32 @!p0 $0x108  }
0x21: {  	s3 =	sadd.s32 s3, s9;
	s6 =	sadd.s32 @!p0 $0x88, s6;
	s7 =	simm.s32 @p2 $0x1082  }
0x22: {  	[simem:s7], [sflag:s8] =	dma.local @!p0 [hbm:s6], $0xF7A  }
0x23: {  	s9 =	sor.u32 $0xD0000000, s2;
	s6 =	simm.s32 $0x108;
	_ =	swait.ge @!p0 [sflag:s8], $0x0  }
0x24: {  	s3 =	sadd.s32 $0x88, s3;
	s6 =	simm.s32 @!p1 $0x1082;
	[sflag:s4] =	ssyncset.s32 $0xFFFFF086  }
0x25: {  	[simem:s6], [sflag:s4] =	dma.local [hbm:s3], $0xF7A  }
0x26: {  	[smem:$0x3F89] =	sst s1;
	(tag) =	ssettag s2;
	_ =	strace s9  }
0x27: {  	s1 =	sld [smem:$0x3F99]  }
0x28: {  	s2 =	sld [smem:$0x3F9A]  }
0x29: {  	s4 =	sld [smem:$0x3F9C]  }
0x2a: {  	p0 =	seq.s32 s5, $0x0;
	s5 =	sld [smem:$0x3F9D]  }
0x2b: {  	s6 =	sld [smem:$0x3F9E]  }
0x2c: {  	s7 =	sld [smem:$0x3F9F]  }
0x2d: {  	s3 =	simm.s32 $0x108;
	s8 =	sld [smem:$0x3FA0]  }
0x2e: {  	s3 =	simm.s32 @!p0 $0x1082;
	s9 =	sld [smem:$0x3FA1]  }
0x2f: {  	lr =	sadd.s32 s0, s3;
	s0 =	sld [smem:$0x3F98]  }
0x30: {  	s3 =	sld [smem:$0x3F9B]  }
0x31: {  	[smem:$0x3FA4] =	sst s10  }
0x32: {  	s10 =	sld [smem:$0x3FA2];
	_ =	sdelay $0x3  }
0x33: {  	p0 =	seq.s32 s10, $0x1;
	s10 =	sld [smem:$0x3FA4];
	_ =	sdelay $0x3  }
0x34: {  	[smem:$0x3FA4] =	sst s10  }
0x35: {  	s10 =	sld [smem:$0x3FA3];
	_ =	sdelay $0x3  }
0x36: {  	p1 =	seq.s32 s10, $0x1;
	s10 =	sld [smem:$0x3FA4];
	_ =	sdelay $0x3  }
0x37: {  	[smem:$0x3FA4] =	sst s10  }
0x38: {  	s10 =	sld [smem:$0x3FA5]  }
0x39: {  	_ = 	snop;
	(pc) =	sbr.ind lr, $3  }
0x3a: {  	_ = 	snop  }
0x3b: {  	_ = 	snop  }
0x3c: {  	p2 =	seq.s32 s10, $0x1;
	s10 =	sld [smem:$0x3FA4]  }
0x3d: {  	_ =	shalt  }
0x3e: {  	_ =	shalt  }
0x3f: {  	_ =	shalt  }
0x40: {  	_ =	shalt  }
0x41: {  	_ =	shalt  }
0x42: {  	_ =	shalt  }
0x43: {  	_ =	shalt  }
0x44: {  	_ =	shalt  }
0x45: {  	_ =	shalt  }
0x46: {  	_ =	shalt  }
0x47: {  	_ =	shalt  }
0x48: {  	_ =	shalt  }
0x49: {  	_ =	shalt  }
0x4a: {  	_ =	shalt  }
0x4b: {  	_ =	shalt  }
0x4c: {  	_ =	shalt  }
0x4d: {  	_ =	shalt  }
0x4e: {  	_ =	shalt  }
0x4f: {  	_ =	shalt  }
0x50: {  	_ =	shalt  }
0x51: {  	_ =	shalt  }
0x52: {  	_ =	shalt  }
0x53: {  	_ =	shalt  }
0x54: {  	_ =	shalt  }
0x55: {  	_ =	shalt  }
0x56: {  	_ =	shalt  }
0x57: {  	_ =	shalt  }
0x58: {  	_ =	shalt  }
0x59: {  	_ =	shalt  }
0x5a: {  	_ =	shalt  }
0x5b: {  	_ =	shalt  }
0x5c: {  	_ =	shalt  }
0x5d: {  	_ =	shalt  }
0x5e: {  	_ =	shalt  }
0x5f: {  	_ =	shalt  }
0x60: {  	_ =	shalt  }
0x61: {  	_ =	shalt  }
0x62: {  	_ =	shalt  }
0x63: {  	_ =	shalt  }
0x64: {  	_ =	shalt  }
0x65: {  	_ =	shalt  }
0x66: {  	_ =	shalt  }
0x67: {  	_ =	shalt  }
0x68: {  	_ =	shalt  }
0x69: {  	_ =	shalt  }
0x6a: {  	_ =	shalt  }
0x6b: {  	_ =	shalt  }
0x6c: {  	_ =	shalt  }
0x6d: {  	_ =	shalt  }
0x6e: {  	_ =	shalt  }
0x6f: {  	_ =	shalt  }
0x70: {  	_ =	shalt  }
0x71: {  	_ =	shalt  }
0x72: {  	_ =	shalt  }
0x73: {  	_ =	shalt  }
0x74: {  	_ =	shalt  }
0x75: {  	_ =	shalt  }
0x76: {  	_ =	shalt  }
0x77: {  	_ =	shalt  }
0x78: {  	_ =	shalt  }
0x79: {  	_ =	shalt  }
0x7a: {  	_ =	shalt  }
0x7b: {  	_ =	shalt  }
0x7c: {  	_ =	shalt  }
0x7d: {  	_ =	shalt  }
0x7e: {  	_ =	shalt  }
0x7f: {  	_ =	shalt  }
0x80: {  	_ =	shalt  }
0x81: {  	_ =	shalt  }
0x82: {  	_ =	shalt  }
0x83: {  	_ =	shalt  }
0x84: {  	_ =	shalt  }
0x85: {  	_ =	shalt  }
0x86: {  	_ =	shalt  }
0x87: {  	_ =	shalt  }
.Lfunc_end0:
.L_simem_size_0:
called_computation.4_lowered:
.L_overlay_start_0:
0x88: {  	s2 =	sld [smem:$0x3FD9]  }
0x89: {  	s3 =	sld [smem:$0x3FFE];
	_ =	sdelay $0x1  }
0x8a: {  	s1 =	srdreg.scid  }
0x8b: {  	s0 =	sand.u32 $0x1, s1  }
0x8c: {  	s15 =	sshll.u32 s0, $0xA;
	s2 =	sadd.s32 s3, s2  }
0x8d: {  	s2 =	sadd.s32 s2, s15  }
0x8e: {  	[smem:$0x3FB0] =	sst s2  }
0x8f: {  	_ = 	snop  }
0x90: {  	s2 =	sld [smem:$0x3FD0];
	_ =	sdelay $0x2  }
0x91: {  	s16 =	simm.s32 $0xB;
	s4 =	simm.s32 $0x10  }
0x92: {  	[smem:s4], [sflag:s16] =	dma.local [hbm:s2], $0x1  }
0x93: {  	_ =	swait.eq [sflag:s16], $0x1  }
0x94: {  	[sflag:s16] =	ssyncset.done $0x0  }
0x95: {  	[sflag:s16] =	ssyncadd.s32 $0xFFFFFFFF  }
0x96: {  	s17 =	sld [smem:$0x10];
	(tm) =	ssettm $0x1  }
0x97: {  	s18 =	sld [smem:$0x3FFB];
	_ =	sdelay $0x3  }
0x98: {  	_ =	strace s18  }
0x99: {  	s2 =	sld [smem:$0x3FFC];
	_ =	sdelay $0x3  }
0x9a: {  	_ =	strace s2  }
0x9b: {  	s2 =	sld [smem:$0x3FFD];
	_ =	sdelay $0x3  }
0x9c: {  	_ =	strace s2  }
0x9d: {  	_ =	strace $0x8FFFFFFF  }
0x9e: {  	s19 =	sld [smem:$0x3FDB];
	_ =	sdelay $0x1  }
0x9f: {  	s20 =	simm.s32 $_scs_section_size  }
0xa0: {  	s5 =	simm.s32 $_size__tile_overlayer_lowered;
	s6 =	simm.s32 $_tile_overlayer_lowered  }
0xa1: {  	s7 =	simm.s32 $0x1BFF;
	s21 =	sshll.u32 s6, $0x1;
	s4 =	sadd.s32 s20, s19  }
0xa2: {  	s22 =	simm.s32 $0x0;
	s5 =	sshll.u32 s5, $0x1;
	s6 =	sadd.s32 s21, s4  }
0xa3: {  	[timem:s22], [sflag:s7] =	dma.local [hbm:s6], s5  }
0xa4: {  	_ =	swait.ge [sflag:s7], s5  }
0xa5: {  	s5 =	ssub.s32 $0x0, s5;
	[sflag:s7] =	ssyncset.done $0x0  }
0xa6: {  	[sflag:s7] =	ssyncadd.s32 s5;
	_ =	sdelay $0x1  }
0xa7: {  	s23 =	simm.s32 $0x1B8B  }
0xa8: {  	_ =	swait.ge [sflag:s23], $0x1  }
0xa9: {  	[sflag:s23] =	ssyncset.done $0x0  }
0xaa: {  	[sflag:s23] =	ssyncadd.s32 $0xFFFFFFFF  }
0xab: {  	s5 =	sld [smem:$0x0]  }
0xac: {  	s6 =	sand.u32 $0xFFFFFFFE, s1  }
0xad: {  	p0 =	sne.s32 s1, s6  }
0xae: {  	s6 =	sshll.u32 @p0 s6, $0xE  }
0xaf: {  	s6 =	sadd.s32 @p0 $0x11B8D, s6;
	s7 =	sshll.u32 @p0 s5, $0x11  }
0xb0: {  	s6 =	sor.u32 @p0 s7, s6  }
0xb1: {  	[sflag:s6] =	ssyncadd.remote.s32 @p0 $0x1;
	_ =	sdelay $0x1  }
0xb2: {  	s6 =	simm.s32 @p0 $0x1B8D  }
0xb3: {  	_ =	swait.eq @p0 [sflag:s6], $0x1  }
0xb4: {  	[sflag:s6] =	ssyncadd.s32 @p0 $0xFFFFFFFF  }
0xb5: {  	s7 =	sshll.u32 @!p0 s1, $0xE  }
0xb6: {  	s7 =	sor.u32 @!p0 $0x4000, s7;
	s6 =	simm.s32 @!p0 $0x1B8D  }
0xb7: {  	s5 =	sshll.u32 @!p0 s5, $0x11;
	s7 =	sadd.s32 @!p0 $0x11B8D, s7;
	_ =	swait.eq @!p0 [sflag:s6], $0x1  }
0xb8: {  	s5 =	sor.u32 @!p0 s5, s7;
	[sflag:s6] =	ssyncadd.s32 @!p0 $0xFFFFFFFF  }
0xb9: {  	s25 =	simm.s32 $0x1B8E;
	s24 =	sld [smem:$0x3FFE];
	[sflag:s5] =	ssyncadd.remote.s32 @!p0 $0x1  }
0xba: {  	s26 =	simm.s32 $execute0_lowered;
	[smem:$0x3FD2] =	sst s25  }
0xbb: {  	s6 =	sshll.u32 s26, $0x1;
	_ =	strace $0x80000052;
	[dreg:$0x1] =	wrdreg $0xFFFFFFFF  }
0xbc: {  	s28 =	simm.s32 $_size_execute0_lowered;
	s4 =	sadd.s32 s4, s6;
	[dreg:$0x0] =	wrdreg $0x0  }
0xbd: {  	s6 =	sshll.u32 s28, $0x1;
	[dreg:$0x2] =	wrdreg s4  }
0xbe: {  	[dreg:$0x3] =	wrdreg s6  }
0xbf: {  	[dreg:$0x4] =	wrdreg $0xC0  }
0xc0: {  	_ =	task [dreg:s22], $0x5FFFF  }
0xc1: {  	[dreg:$0x1] =	wrdreg $0xFFFFFFFF  }
0xc2: {  	[dreg:$0x0] =	wrdreg $0x60  }
0xc3: {  	[dreg:$0x2] =	wrdreg s24  }
0xc4: {  	[dreg:$0x3] =	wrdreg s17  }
0xc5: {  	[dreg:$0x4] =	wrdreg $0x81000  }
0xc6: {  	[dreg:$0x5] =	wrdreg $0xA  }
0xc7: {  	_ =	task.clear_ibuf [dreg:s22], $0x6FFFF;
	_ =	strace $0x90000052  }
0xc8: {  	s29 =	simm.s32 $0xA;
	_ =	strace $0x80000054  }
0xc9: {  	_ =	swait.ge [sflag:s29], $0x1  }
0xca: {  	[sflag:s29] =	ssyncadd.s32 $0xFFFFFFFF  }
0xcb: {  	_ =	strace $0x90000054  }
0xcc: {  	_ =	sfence  }
0xcd: {  	s30 =	sld [smem:$0x0];
	_ =	sdelay $0x2  }
0xce: {  	s31 =	sshll.u32 s1, $0xD;
	s1 =	sshrl.u32 s1, $0x2  }
0xcf: {  	s4 =	sand.u32 $0x4000, s31;
	s1 =	sadd.s32 s1, s30  }
0xd0: {  	s0 =	sor.u32 s4, s0;
	s1 =	sshll.u32 s1, $0x11  }
0xd1: {  	s0 =	sor.u32 s1, s0  }
0xd2: {  	s0 =	sadd.s32 $0x8F2B, s0  }
0xd3: {  	[sflag:s0] =	ssyncadd.remote.s32 $0x1  }
0xd4: {  	_ =	sfence.sel $0xFFFF  }
0xd5: {  	[dreg:$0x0] =	wrdreg $0xFFFFFFFF;
	(pc) =	sbr.abs _section_cstart, $3  }
0xd6: {  	[dreg:$0x1] =	wrdreg $0xFFFFFFFF  }
0xd7: {  	_ =	task.clear_ibuf [dreg:s22], $0x2FFFF;
	_ =	strace $0x9FFFFFFF  }
0xd8: {  	(tm) =	ssettm $0x7FFFFFFF  }
0xd9: {  	_ =	shalt  }
tec
execute0_lowered:
.L_overlay_start_1:
0x0: {  	(tag) =	ssettag $0x1  }
0x1: {  	s0 =	rddreg [dreg:$0x0];
	s5 =	stileid.u32  }
0x2: {  	s1 =	rddreg [dreg:$0x1];
	s6 =	smul.u32 $0x50000, s5  }
0x3: {  	s4 =	simm.s32 $0x0;
	s3 =	srdreg.scid;
	s10 =	smul.u32 $0x14000, s5  }
0x4: {  	[smem:$0x7FF] =	sst s4;
	s28 =	smul.u32 $0x28000, s5  }
0x5: {  	s3 =	sand.u32 $0x1, s3;
	s18 =	sadd.s32 $0x56A00, s0;
	s31 =	smul.u32 $0x500, s5  }
0x6: {  	s7 =	sadd.s32 $0x5800, s0;
	s0 =	sadd.s32 $0x556A00, s0;
	s14 =	smul.u32 $0x140000, s3  }
0x7: {  	s2 =	rddreg [dreg:$0x2];
	_ =	strace $0x80000053;
	s25 =	smul.u32 $0x280000, s3  }
0x8: {  	[dreg:$0x4] =	wrdreg s7;
	s20 =	ssub.s32 $0x2, s3;
	s29 =	smul.u32 $0x5000, s3  }
0x9: {  	s8 =	sshrl.u32 s20, $0x1;
	s6 =	sshrl.u32 s6, $0x2;
	s11 =	sadd.s32 $0x4000, s10  }
0xa: {  	s12 =	sadd.s32 $0x8000, s10;
	s15 =	sadd.s32 $0xC000, s10;
	s17 =	sadd.s32 $0x10000, s10  }
0xb: {  	s16 =	ssub.s32 s20, s8;
	s6 =	sadd.s32 s6, s2;
	s7 =	sadd.s32 s11, s2  }
0xc: {  	s8 =	sadd.s32 s12, s2;
	s9 =	sadd.s32 s15, s2;
	s13 =	sadd.s32 s10, s14  }
0xd: {  	s10 =	sadd.s32 s17, s2;
	s19 =	sadd.s32 s14, s11;
	s23 =	sadd.s32 s14, s12  }
0xe: {  	s15 =	sadd.s32 s14, s15;
	s20 =	smul.u32 $0x500, s3;
	s17 =	sadd.s32 s14, s17  }
0xf: {  	s13 =	sshrl.u32 s13, $0x3;
	s22 =	sshrl.u32 s19, $0x3;
	s24 =	sshrl.u32 s23, $0x3  }
0x10: {  	s15 =	sshrl.u32 s15, $0x3;
	s26 =	sshrl.u32 s17, $0x3;
	s19 =	sadd.s32 s25, s18  }
0x11: {  	s16 =	smax.u32 s16, $0x1;
	s23 =	simm.s32 $0x4100;
	s21 =	sadd.s32 s0, s13  }
0x12: {  	s25 =	simm.s32 $0x2;
	[dreg:$0x5] =	wrdreg s21;
	s21 =	smul.u32 $0x50, s5  }
0x13: {  	s12 =	sadd.s32 s0, s22;
	s13 =	sadd.s32 s0, s24;
	s14 =	sadd.s32 s0, s15  }
0x14: {  	s15 =	sadd.s32 s0, s26;
	s17 =	sadd.s32 s28, s19;
	s30 =	sadd.s32 s21, s20  }
0x15: {  	s22 =	simm.s32 $0x80;
	s24 =	simm.s32 $0x1;
	s3 =	sshll.u32 s30, $0xB  }
0x16: {  	s26 =	simm.s32 $0x0;
	s20 =	simm.s32 $0x100;
	s3 =	sadd.s32 s3, s18  }
0x17: {  	s21 =	simm.s32 $0x3;
	s18 =	sadd.s32 s31, s29;
	s19 =	sadd.s32 $0x800, s3  }
.LBB2_1:
0x18: {  	s0 =	rddreg [dreg:$0x4]  }
0x19: {  	[tilespmem:s20], [sflag:$0x3] =	stream.linear.gather [hbm4b:s0+s4], $0x4000, $0x38;
	[tilespmem:$0x1C100] =	vst v63  }
0x1a: {  	_ =	swait.ge [sflag:s21], $0x4000  }
0x1b: {  	[sflag:s21] =	ssyncset.done $0x0  }
0x1c: {  	[sflag:s21] =	ssyncadd.s32 $0xFFFFC000  }
0x1d: {  	[spmem:s6] =	stream.linear.scatter [tilespmem:s20], [sflag:$0x3], $0x4000, $0x38;
	[tilespmem:$0x1C100] =	vst v63  }
0x1e: {  	_ =	swait.ge [sflag:s21], $0x4000  }
0x1f: {  	[sflag:s21] =	ssyncset.done $0x0  }
0x20: {  	[sflag:s21] =	ssyncadd.s32 $0xFFFFC000  }
0x21: {  	[spmem:s7] =	stream.linear.scatter [tilespmem:s20], [sflag:$0x3], $0x4000, $0x38;
	[tilespmem:$0x1C100] =	vst v63  }
0x22: {  	_ =	swait.ge [sflag:s21], $0x4000  }
0x23: {  	[sflag:s21] =	ssyncset.done $0x0  }
0x24: {  	[sflag:s21] =	ssyncadd.s32 $0xFFFFC000  }
0x25: {  	[spmem:s8] =	stream.linear.scatter [tilespmem:s20], [sflag:$0x3], $0x4000, $0x38;
	[tilespmem:$0x1C100] =	vst v63  }
0x26: {  	_ =	swait.ge [sflag:s21], $0x4000  }
0x27: {  	[sflag:s21] =	ssyncset.done $0x0  }
0x28: {  	[sflag:s21] =	ssyncadd.s32 $0xFFFFC000  }
0x29: {  	[spmem:s9] =	stream.linear.scatter [tilespmem:s20], [sflag:$0x3], $0x4000, $0x38;
	[tilespmem:$0x1C100] =	vst v63  }
0x2a: {  	_ =	swait.ge [sflag:s21], $0x4000  }
0x2b: {  	[sflag:s21] =	ssyncset.done $0x0  }
0x2c: {  	[sflag:s21] =	ssyncadd.s32 $0xFFFFC000  }
0x2d: {  	[spmem:s10] =	stream.linear.scatter [tilespmem:s20], [sflag:$0x3], $0x4000, $0x38;
	[tilespmem:$0x1C100] =	vst v63  }
0x2e: {  	_ =	swait.ge [sflag:s21], $0x4000  }
0x2f: {  	s11 =	sadd.s32 $0x0, s18;
	s3 =	sand.u32 $0x60, s4;
	[sflag:s21] =	ssyncset.done $0x0  }
0x30: {  	s28 =	sand.u32 $0x1FF80, s11;
	s3 =	sadd.s32 s1, s3;
	[sflag:s21] =	ssyncadd.s32 $0xFFFFC000  }
0x31: {  	s3 =	sadd.s32 s28, s3;
	[bflag:$0x0] =	sbarrier.arrive $0xFFFF  }
0x32: {  	[tilespmem:s4], [sflag:$0x3] =	stream.linear.gather [hbm4b:s3+s4], $0x80, $0x38;
	[tilespmem:$0x1C100] =	vst v63  }
0x33: {  	_ =	swait.ge [sflag:s21], $0x80  }
0x34: {  	s0 =	sadd.s32 $0x10, s11;
	[sflag:s21] =	ssyncset.done $0x0  }
0x35: {  	s0 =	sand.u32 $0x70, s0;
	s5 =	sadd.s32 s1, s28;
	[sflag:s21] =	ssyncadd.s32 $0xFFFFFF80  }
0x36: {  	[tilespmem:s20], [sflag:$0x1] =	stream.linear.gather [hbm4b:s17+s4], $0x4000, $0x38;
	[tilespmem:$0x1C100] =	vst v63  }
0x37: {  	s0 =	sadd.s32 s0, s5  }
0x38: {  	[tilespmem:s22], [sflag:$0x3] =	stream.linear.gather [hbm4b:s0+s4], $0x80, $0x38;
	[tilespmem:$0x1C100] =	vst v63  }
0x39: {  	_ =	swait.ge [sflag:s21], $0x80  }
0x3a: {  	[sflag:s21] =	ssyncset.done $0x0  }
0x3b: {  	[sflag:s21] =	ssyncadd.s32 $0xFFFFFF80  }
0x3c: {  	[tilespmem:s23], [sflag:$0x2] =	stream.linear.gather [hbm4b:s19+s4], $0x4000, $0x38;
	[tilespmem:$0x1C100] =	vst v63  }
0x3d: {  	_ =	swait.ge [sflag:s24], $0x4000  }
0x3e: {  	[sflag:s24] =	ssyncset.done $0x0  }
0x3f: {  	[sflag:s24] =	ssyncadd.s32 $0xFFFFC000  }
0x40: {  	[spmem:s2] =	stream.indirect.scatter.add.f32 [tilespmem:s20], [sflag:$0x3], $0x80, s4, s22, $0xb8;
	[tilespmem:$0x1C100] =	vst v63  }
0x41: {  	_ =	swait.ge [sflag:s21], $0x4000  }
0x42: {  	[sflag:s21] =	ssyncset.done $0x0  }
0x43: {  	[sflag:s21] =	ssyncadd.s32 $0xFFFFC000  }
0x44: {  	_ =	swait.ge [sflag:s25], $0x4000  }
0x45: {  	s31 =	simm.s32 $0x40;
	s29 =	sadd.s32 $0x1000, s17;
	[sflag:s25] =	ssyncset.done $0x0  }
0x46: {  	s11 =	simm.s32 $0x20;
	s28 =	sadd.s32 $0x1000, s19;
	[sflag:s25] =	ssyncadd.s32 $0xFFFFC000  }
0x47: {  	[spmem:s2] =	stream.indirect.scatter.add.f32 [tilespmem:s23], [sflag:$0x3], $0x80, s22, s22, $0xb8;
	[tilespmem:$0x1C100] =	vst v63  }
0x48: {  	s3 =	sand.u32 $0x60, s11;
	s0 =	sadd.s32 $0x20, s18;
	_ =	swait.ge [sflag:s21], $0x4000  }
0x49: {  	s3 =	sadd.s32 s1, s3;
	s30 =	sand.u32 $0x1FF80, s0;
	[sflag:s21] =	ssyncset.done $0x0  }
.LBB2_2:
0x4a: {  	s3 =	sadd.s32 s30, s3  }
0x4b: {  	s0 =	sadd.s32 $0x10, s0;
	[sflag:s21] =	ssyncadd.s32 $0xFFFFC000;
	s5 =	smov.u32 s31  }
0x4c: {  	[tilespmem:s4], [sflag:$0x3] =	stream.linear.gather [hbm4b:s3+s4], $0x80, $0x38;
	[tilespmem:$0x1C100] =	vst v63  }
0x4d: {  	s11 =	sadd.s32 $0x20, s31;
	s0 =	sand.u32 $0x70, s0;
	_ =	swait.ge [sflag:s21], $0x80  }
0x4e: {  	p0 =	sne.s32 s31, $0x4E0;
	[sflag:s21] =	ssyncset.done $0x0  }
0x4f: {  	s3 =	sadd.s32 s1, s30;
	[sflag:s21] =	ssyncadd.s32 $0xFFFFFF80  }
0x50: {  	[tilespmem:s20], [sflag:$0x1] =	stream.linear.gather [hbm4b:s29+s4], $0x4000, $0x38;
	[tilespmem:$0x1C100] =	vst v63  }
0x51: {  	s0 =	sadd.s32 s0, s3  }
0x52: {  	[tilespmem:s22], [sflag:$0x3] =	stream.linear.gather [hbm4b:s0+s4], $0x80, $0x38;
	[tilespmem:$0x1C100] =	vst v63  }
0x53: {  	_ =	swait.ge [sflag:s21], $0x80  }
0x54: {  	[sflag:s21] =	ssyncset.done $0x0  }
0x55: {  	[sflag:s21] =	ssyncadd.s32 $0xFFFFFF80  }
0x56: {  	[tilespmem:s23], [sflag:$0x2] =	stream.linear.gather [hbm4b:s28+s4], $0x4000, $0x38;
	[tilespmem:$0x1C100] =	vst v63  }
0x57: {  	_ =	swait.ge [sflag:s24], $0x4000  }
0x58: {  	[sflag:s24] =	ssyncset.done $0x0  }
0x59: {  	[sflag:s24] =	ssyncadd.s32 $0xFFFFC000  }
0x5a: {  	[spmem:s2] =	stream.indirect.scatter.add.f32 [tilespmem:s20], [sflag:$0x3], $0x80, s4, s22, $0xb8;
	[tilespmem:$0x1C100] =	vst v63  }
0x5b: {  	_ =	swait.ge [sflag:s21], $0x4000  }
0x5c: {  	[sflag:s21] =	ssyncset.done $0x0  }
0x5d: {  	[sflag:s21] =	ssyncadd.s32 $0xFFFFC000  }
0x5e: {  	_ =	swait.ge [sflag:s25], $0x4000  }
.Ltmp0:
0x5f: {  	s31 =	smov.u32 s11;
	[sflag:s25] =	ssyncset.done $0x0;
	(pc) =	sbr.rel @p0 .LBB2_2-.Ltmp0, $4  }
0x60: {  	s29 =	sadd.s32 $0x1000, s29;
	s28 =	sadd.s32 $0x1000, s28;
	[sflag:s25] =	ssyncadd.s32 $0xFFFFC000  }
0x61: {  	[spmem:s2] =	stream.indirect.scatter.add.f32 [tilespmem:s23], [sflag:$0x3], $0x80, s22, s22, $0xb8;
	[tilespmem:$0x1C100] =	vst v63  }
0x62: {  	s3 =	sand.u32 $0x60, s5;
	s0 =	sadd.s32 s5, s18;
	_ =	swait.ge [sflag:s21], $0x4000  }
0x63: {  	s3 =	sadd.s32 s1, s3;
	s30 =	sand.u32 $0x1FF80, s0;
	[sflag:s21] =	ssyncset.done $0x0  }
0x64: {  	s3 =	sadd.s32 s30, s3;
	[sflag:s21] =	ssyncadd.s32 $0xFFFFC000  }
0x65: {  	[tilespmem:s4], [sflag:$0x3] =	stream.linear.gather [hbm4b:s3+s4], $0x80, $0x38;
	[tilespmem:$0x1C100] =	vst v63  }
0x66: {  	_ =	swait.ge [sflag:s21], $0x80  }
0x67: {  	s0 =	sadd.s32 $0x10, s0;
	[sflag:s21] =	ssyncset.done $0x0  }
0x68: {  	s30 =	sadd.s32 s1, s30;
	s0 =	sand.u32 $0x70, s0;
	[sflag:s21] =	ssyncadd.s32 $0xFFFFFF80  }
0x69: {  	[tilespmem:s20], [sflag:$0x1] =	stream.linear.gather [hbm4b:s29+s4], $0x4000, $0x38;
	[tilespmem:$0x1C100] =	vst v63  }
0x6a: {  	s0 =	sadd.s32 s0, s30  }
0x6b: {  	[tilespmem:s22], [sflag:$0x3] =	stream.linear.gather [hbm4b:s0+s4], $0x80, $0x38;
	[tilespmem:$0x1C100] =	vst v63  }
0x6c: {  	_ =	swait.ge [sflag:s21], $0x80  }
0x6d: {  	[sflag:s21] =	ssyncset.done $0x0  }
0x6e: {  	[sflag:s21] =	ssyncadd.s32 $0xFFFFFF80  }
0x6f: {  	[tilespmem:s23], [sflag:$0x2] =	stream.linear.gather [hbm4b:s28+s4], $0x4000, $0x38;
	[tilespmem:$0x1C100] =	vst v63  }
0x70: {  	_ =	swait.ge [sflag:s24], $0x4000  }
0x71: {  	[sflag:s24] =	ssyncset.done $0x0  }
0x72: {  	[sflag:s24] =	ssyncadd.s32 $0xFFFFC000  }
0x73: {  	[spmem:s2] =	stream.indirect.scatter.add.f32 [tilespmem:s20], [sflag:$0x3], $0x80, s4, s22, $0xb8;
	[tilespmem:$0x1C100] =	vst v63  }
0x74: {  	_ =	swait.ge [sflag:s21], $0x4000  }
0x75: {  	[sflag:s21] =	ssyncset.done $0x0  }
0x76: {  	[sflag:s21] =	ssyncadd.s32 $0xFFFFC000  }
0x77: {  	_ =	swait.ge [sflag:s25], $0x4000  }
0x78: {  	[sflag:s25] =	ssyncset.done $0x0  }
0x79: {  	[sflag:s25] =	ssyncadd.s32 $0xFFFFC000  }
0x7a: {  	[spmem:s2] =	stream.indirect.scatter.add.f32 [tilespmem:s23], [sflag:$0x3], $0x80, s22, s22, $0xb8;
	[tilespmem:$0x1C100] =	vst v63  }
0x7b: {  	_ =	swait.ge [sflag:s21], $0x4000  }
0x7c: {  	[sflag:s21] =	ssyncset.done $0x0  }
0x7d: {  	[sflag:s21] =	ssyncadd.s32 $0xFFFFC000  }
0x7e: {  	[bflag:$0x0] =	sbarrier.arrive $0xFFFF  }
0x7f: {  	[tilespmem:s20], [sflag:$0x3] =	stream.linear.gather [spmem:s6], $0x4000, $0x38;
	[tilespmem:$0x1C100] =	vst v63  }
0x80: {  	_ =	swait.ge [sflag:s21], $0x4000  }
0x81: {  	[sflag:s21] =	ssyncset.done $0x0  }
0x82: {  	s31 =	rddreg [dreg:$0x5];
	[sflag:s21] =	ssyncadd.s32 $0xFFFFC000  }
0x83: {  	[hbm4b:s31+s4] =	stream.linear.scatter [tilespmem:s20], [sflag:$0x3], $0x4000, $0x38;
	[tilespmem:$0x1C100] =	vst v63  }
0x84: {  	_ =	swait.ge [sflag:s21], $0x4000  }
0x85: {  	[sflag:s21] =	ssyncset.done $0x0  }
0x86: {  	[sflag:s21] =	ssyncadd.s32 $0xFFFFC000  }
0x87: {  	[tilespmem:s20], [sflag:$0x3] =	stream.linear.gather [spmem:s7], $0x4000, $0x38;
	[tilespmem:$0x1C100] =	vst v63  }
0x88: {  	_ =	swait.ge [sflag:s21], $0x4000  }
0x89: {  	[sflag:s21] =	ssyncset.done $0x0  }
0x8a: {  	[sflag:s21] =	ssyncadd.s32 $0xFFFFC000  }
0x8b: {  	[hbm4b:s12+s4] =	stream.linear.scatter [tilespmem:s20], [sflag:$0x3], $0x4000, $0x38;
	[tilespmem:$0x1C100] =	vst v63  }
0x8c: {  	_ =	swait.ge [sflag:s21], $0x4000  }
0x8d: {  	[sflag:s21] =	ssyncset.done $0x0  }
0x8e: {  	[sflag:s21] =	ssyncadd.s32 $0xFFFFC000  }
0x8f: {  	[tilespmem:s20], [sflag:$0x3] =	stream.linear.gather [spmem:s8], $0x4000, $0x38;
	[tilespmem:$0x1C100] =	vst v63  }
0x90: {  	_ =	swait.ge [sflag:s21], $0x4000  }
0x91: {  	[sflag:s21] =	ssyncset.done $0x0  }
0x92: {  	[sflag:s21] =	ssyncadd.s32 $0xFFFFC000  }
0x93: {  	[hbm4b:s13+s4] =	stream.linear.scatter [tilespmem:s20], [sflag:$0x3], $0x4000, $0x38;
	[tilespmem:$0x1C100] =	vst v63  }
0x94: {  	_ =	swait.ge [sflag:s21], $0x4000  }
0x95: {  	[sflag:s21] =	ssyncset.done $0x0  }
0x96: {  	[sflag:s21] =	ssyncadd.s32 $0xFFFFC000  }
0x97: {  	[tilespmem:s20], [sflag:$0x3] =	stream.linear.gather [spmem:s9], $0x4000, $0x38;
	[tilespmem:$0x1C100] =	vst v63  }
0x98: {  	_ =	swait.ge [sflag:s21], $0x4000  }
0x99: {  	[sflag:s21] =	ssyncset.done $0x0  }
0x9a: {  	[sflag:s21] =	ssyncadd.s32 $0xFFFFC000  }
0x9b: {  	[hbm4b:s14+s4] =	stream.linear.scatter [tilespmem:s20], [sflag:$0x3], $0x4000, $0x38;
	[tilespmem:$0x1C100] =	vst v63  }
0x9c: {  	_ =	swait.ge [sflag:s21], $0x4000  }
0x9d: {  	[sflag:s21] =	ssyncset.done $0x0  }
0x9e: {  	[sflag:s21] =	ssyncadd.s32 $0xFFFFC000  }
0x9f: {  	[tilespmem:s20], [sflag:$0x3] =	stream.linear.gather [spmem:s10], $0x4000, $0x38;
	[tilespmem:$0x1C100] =	vst v63  }
0xa0: {  	s26 =	sadd.s32 $0x1, s26;
	_ =	swait.ge [sflag:s21], $0x4000  }
0xa1: {  	p0 =	sne.s32 s26, s16;
	[sflag:s21] =	ssyncset.done $0x0  }
.Ltmp1:
0xa2: {  	[sflag:s21] =	ssyncadd.s32 $0xFFFFC000;
	(pc) =	sbr.rel @p0 .LBB2_1-.Ltmp1, $4  }
0xa3: {  	[hbm4b:s15+s4] =	stream.linear.scatter [tilespmem:s20], [sflag:$0x3], $0x4000, $0x38;
	[tilespmem:$0x1C100] =	vst v63  }
0xa4: {  	_ =	swait.ge [sflag:s21], $0x4000  }
0xa5: {  	[sflag:s21] =	ssyncset.done $0x0  }
0xa6: {  	[sflag:s21] =	ssyncadd.s32 $0xFFFFC000  }
0xa7: {  	_ =	sfence.sel $0x180000  }
0xa8: {  	[bflag:$0x0] =	sbarrier.arrive $0xFFFF  }
0xa9: {  	_ =	strace $0x90000053  }
0xaa: {  	s0 =	stileid.u32;
	[bflag:$0x2] =	sbarrier.arrive $0xFFFF  }
0xab: {  	p0 =	sne.s32 s0, $0x0;
	s0 =	rddreg [dreg:$0x3]  }
0xac: {  	s0 =	sadd.s32 @!p0 $0x100000, s0  }
0xad: {  	[sflag:s0] =	ssyncadd.tile.s32 @!p0 $0x1;
	_ =	shalt  }
.Lfunc_end2:
_tile_overlayer_lowered:
.L_overlay_start_2:
0xae: {  	(tag) =	ssettag $0x2  }
0xaf: {  	s0 =	rddreg [dreg:$0x0];
	s2 =	stileid.u32  }
0xb0: {  	s1 =	rddreg [dreg:$0x1];
	p0 =	sne.s32 s2, $0x0  }
0xb1: {  	s3 =	rddreg [dreg:$0x2];
	[bflag:$0x3] =	sbarrier.arrive $0xFFFF;
	s2 =	simm.s32 @!p0 $0x1C03  }
0xb2: {  	[timem:s3], [sflag:s2] =	dma.local @!p0 [hbm:s0], s1  }
0xb3: {  	s0 =	simm.s32 @!p0 $0x3  }
0xb4: {  	_ =	swait.ge @!p0 [sflag:s0], s1  }
0xb5: {  	s1 =	ssub.s32 @!p0 $0x0, s1;
	[sflag:s0] =	ssyncset.done @!p0 $0x0  }
0xb6: {  	[sflag:s0] =	ssyncadd.s32 @!p0 s1  }
0xb7: {  	[bflag:$0x3] =	sbarrier.arrive $0xFFFF  }
0xb8: {  	_ =	shalt  }

</sc_bundles>
